<compile_context>
chip_gen: v7x
topology: tpu7x:2x2x1
jax: 0.10.2.dev20260603
libtpu: 0.0.44.dev20260713+nightly
codegen_flags: <defaults>
</compile_context>

<pallas_src>
import functools

import jax
import jax.numpy as jnp
from jax import lax
from jax.experimental import pallas as pl
from jax.experimental.pallas import tpu as pltpu
from jax.experimental.pallas import tpu_sc as plsc

BATCH = 1024
IN_SIZE = 100000
FREQ = 90000
HID0 = 256
TAIL = 64
TAILP = 128
HID1 = 128
OUT = 1000
NNZ = 131072

NC = 2
NS = 16
NW = NC * NS
NQ = 4
NR = NW // NQ
QROWS = BATCH // NQ
PER_R = NNZ // NR
STAGE = 512
GB = 32
CAP_F = 1536
CAP_R = 512
PAD_IDX_MASK = 8191


def _i16(v):
    return jnp.full((16,), v, jnp.int32)


def _sc_embed_body(xind_hbm, vals_hbm, wf_hbm, wr_hbm,
                   hf_out, hr_out,
                   colb, rowb, valb,
                   klf, vlf, klr, vlr,
                   gcf, gcr,
                   fbuf, rbuf, acc_f, acc_r, semf, semr, sstage):
    cid = lax.axis_index("c")
    sid = lax.axis_index("s")
    wid = cid * NS + sid
    rb = wid // NQ
    q = wid % NQ
    qlo = q * QROWS
    lanes = lax.iota(jnp.int32, 16)

    zf = jnp.zeros((16,), jnp.float32)

    def _zero_body(j, _):
        for k in range(HID0 // 16):
            acc_f[j, pl.ds(16 * k, 16)] = zf
        for k in range(TAIL // 16):
            acc_r[j, pl.ds(16 * k, 16)] = zf
        return _
    lax.fori_loop(0, QROWS, _zero_body, None)

    def _process(klist, vlist, gcol, table, buf, acc, sem, nv, cnt, pad):
        if pad:
            pk = (lanes & PAD_IDX_MASK) * 256
            for k in range(GB // 16):
                sl = pl.ds(cnt + 16 * k, 16)
                klist[sl] = pk + 16 * k * 256
                vlist[sl] = zf
            nb = (cnt + GB - 1) // GB
        else:
            nb = cnt // GB

        def _batch(b, _):
            slot = b & 1

            @pl.when(b < nb)
            def _():
                base = b * GB
                for k in range(GB // 16):
                    sl = pl.ds(base + 16 * k, 16)
                    gcol[slot, pl.ds(16 * k, 16)] = klist[sl] >> 8
                pltpu.async_copy(table.at[gcol.at[slot]], buf.at[slot],
                                 sem.at[slot])

            @pl.when(b > 0)
            def _():
                pslot = (b - 1) & 1
                pbase = (b - 1) * GB
                pltpu.make_async_copy(table.at[gcol.at[pslot]],
                                      buf.at[pslot], sem.at[pslot]).wait()

                @plsc.parallel_loop(0, GB, unroll=4)
                def _acc(j):
                    kk = plsc.load_gather(klist, [_i16(pbase + j)])
                    rl = kk & 255
                    vv = plsc.load_gather(vlist, [_i16(pbase + j)])
                    for k in range(nv):
                        x = buf[pslot, j, pl.ds(16 * k, 16)] * vv
                        plsc.addupdate_scatter(acc, [rl, lanes + 16 * k], x)
            return _

        lax.fori_loop(0, nb + 1, _batch, None)
        return nb * GB

    def _overflow(klist, vlist, gcol, table, buf, acc, sem, nv, cnt):
        done = _process(klist, vlist, gcol, table, buf, acc, sem, nv, cnt,
                        pad=False)
        for k in range(GB // 16):
            sl = pl.ds(16 * k, 16)
            klist[sl] = klist[pl.ds(done + 16 * k, 16)]
            vlist[sl] = vlist[pl.ds(done + 16 * k, 16)]

    def _issue_stage(si):
        slot = si & 1
        base = rb * PER_R + si * STAGE
        pltpu.async_copy(xind_hbm.at[1, pl.ds(base, STAGE)], colb.at[slot],
                         sstage.at[slot])
        pltpu.async_copy(xind_hbm.at[0, pl.ds(base, STAGE)], rowb.at[slot],
                         sstage.at[slot])
        pltpu.async_copy(vals_hbm.at[pl.ds(base, STAGE)], valb.at[slot],
                         sstage.at[slot])

    def _wait_stage(si):
        slot = si & 1
        z = pl.ds(0, STAGE)
        pltpu.make_async_copy(xind_hbm.at[1, z], colb.at[slot],
                              sstage.at[slot]).wait()
        pltpu.make_async_copy(xind_hbm.at[0, z], rowb.at[slot],
                              sstage.at[slot]).wait()
        pltpu.make_async_copy(vals_hbm.at[z], valb.at[slot],
                              sstage.at[slot]).wait()

    _issue_stage(0)

    def _stage_body(si, carry):
        slot = si & 1
        _wait_stage(si)

        @pl.when(si + 1 < PER_R // STAGE)
        def _():
            _issue_stage(si + 1)

        def _scan_body(gi, carry):
            cnt_f, cnt_r = carry
            sl = pl.ds(gi * 16, 16)
            c = colb[slot, sl]
            r = rowb[slot, sl]
            v = valb[slot, sl]
            rl = r - qlo
            inq = (r >= qlo) & (r < qlo + QROWS)
            isf = c < FREQ
            mf = inq & isf
            mr = inq & (~isf)
            key = c * 256 + rl
            plsc.store_compressed(klf.at[pl.ds(cnt_f, 16)], key, mask=mf)
            plsc.store_compressed(vlf.at[pl.ds(cnt_f, 16)], v, mask=mf)
            cnt_f = cnt_f + plsc.all_reduce_population_count(mf)[0]
            plsc.store_compressed(klr.at[pl.ds(cnt_r, 16)],
                                  key - FREQ * 256, mask=mr)
            plsc.store_compressed(vlr.at[pl.ds(cnt_r, 16)], v, mask=mr)
            cnt_r = cnt_r + plsc.all_reduce_population_count(mr)[0]

            ovf_f = cnt_f > CAP_F - 16

            @pl.when(ovf_f)
            def _():
                _overflow(klf, vlf, gcf, wf_hbm, fbuf, acc_f, semf,
                          HID0 // 16, cnt_f)

            cnt_f = jnp.where(ovf_f, cnt_f % GB, cnt_f)

            ovf_r = cnt_r > CAP_R - 16

            @pl.when(ovf_r)
            def _():
                _overflow(klr, vlr, gcr, wr_hbm, rbuf, acc_r, semr,
                          TAIL // 16, cnt_r)

            cnt_r = jnp.where(ovf_r, cnt_r % GB, cnt_r)
            return (cnt_f, cnt_r)

        return lax.fori_loop(0, STAGE // 16, _scan_body, carry)

    cnt_f, cnt_r = lax.fori_loop(0, PER_R // STAGE, _stage_body,
                                 (jnp.int32(0), jnp.int32(0)))

    _process(klf, vlf, gcf, wf_hbm, fbuf, acc_f, semf, HID0 // 16, cnt_f,
             pad=True)
    _process(klr, vlr, gcr, wr_hbm, rbuf, acc_r, semr, TAIL // 16, cnt_r,
             pad=True)

    pos = (q * NR + rb) * QROWS
    pltpu.sync_copy(acc_f, hf_out.at[pl.ds(pos, QROWS)])
    pltpu.sync_copy(acc_r, hr_out.at[pl.ds(pos, QROWS)])


_sc_embed = functools.partial(
    pl.kernel,
    out_type=(
        jax.ShapeDtypeStruct((NW * QROWS, HID0), jnp.float32),
        jax.ShapeDtypeStruct((NW * QROWS, TAIL), jnp.float32),
    ),
    mesh=plsc.VectorSubcoreMesh(core_axis_name="c", subcore_axis_name="s"),
    compiler_params=pltpu.CompilerParams(needs_layout_passes=False),
    scratch_types=(
        pltpu.VMEM((2, STAGE), jnp.int32),
        pltpu.VMEM((2, STAGE), jnp.int32),
        pltpu.VMEM((2, STAGE), jnp.float32),
        pltpu.VMEM((CAP_F + 2 * GB,), jnp.int32),
        pltpu.VMEM((CAP_F + 2 * GB,), jnp.float32),
        pltpu.VMEM((CAP_R + 2 * GB,), jnp.int32),
        pltpu.VMEM((CAP_R + 2 * GB,), jnp.float32),
        pltpu.VMEM((2, GB), jnp.int32),
        pltpu.VMEM((2, GB), jnp.int32),
        pltpu.VMEM((2, GB, HID0), jnp.float32),
        pltpu.VMEM((2, GB, TAILP), jnp.float32),
        pltpu.VMEM((QROWS, HID0), jnp.float32),
        pltpu.VMEM((QROWS, TAIL), jnp.float32),
        pltpu.SemaphoreType.DMA((2,)),
        pltpu.SemaphoreType.DMA((2,)),
        pltpu.SemaphoreType.DMA((2,)),
    ),
)(_sc_embed_body)


def _dense_body(hfp, hrp, bf, br1, wr2, wm, bm, wl, bl, out_ref):
    hf_qs = []
    hr_qs = []
    for q in range(NQ):
        hf_q = hfp[pl.ds(q * NR * QROWS, QROWS), :]
        hr_q = hrp[pl.ds(q * NR * QROWS, QROWS), :]
        for r in range(1, NR):
            hf_q = hf_q + hfp[pl.ds((q * NR + r) * QROWS, QROWS), :]
            hr_q = hr_q + hrp[pl.ds((q * NR + r) * QROWS, QROWS), :]
        hf_qs.append(hf_q)
        hr_qs.append(hr_q)
    hf = jnp.concatenate(hf_qs, axis=0)
    hr = jnp.concatenate(hr_qs, axis=0) + br1[0:1, :]
    h0 = hf + bf[0:1, :] + lax.dot(
        hr, wr2[...], precision=lax.Precision.HIGHEST,
        preferred_element_type=jnp.float32)
    h1 = lax.dot(jnp.maximum(h0, 0.0), wm[...],
                 precision=lax.Precision.HIGHEST,
                 preferred_element_type=jnp.float32) + bm[0:1, :]
    out_ref[...] = lax.dot(jnp.maximum(h1, 0.0), wl[...],
                           precision=lax.Precision.HIGHEST,
                           preferred_element_type=jnp.float32) + bl[0:1, :]


_dense_call = pl.pallas_call(
    _dense_body,
    out_shape=jax.ShapeDtypeStruct((BATCH, OUT), jnp.float32),
)


def kernel(x_indices, x_values, W_freq, b_freq, W_rare1, b_rare1, W_rare2,
           W_mid, b_mid, W_last, b_last):
    W_rare1p = jnp.pad(W_rare1, ((0, 0), (0, TAILP - TAIL)))
    hf2, hr2 = _sc_embed(x_indices, x_values, W_freq, W_rare1p)
    return _dense_call(
        hf2, hr2,
        b_freq.reshape(1, HID0), b_rare1.reshape(1, TAIL), W_rare2,
        W_mid, b_mid.reshape(1, HID1), W_last, b_last.reshape(1, OUT))

# --- scband reference (transcript-rebuilt; emitter-appended) ---
"""Pipeline reference for scband-sparse-ffn-78262894068213 (READ-ONLY COPY).

The authoritative reference and input builder live on the scoring server;
editing this copy changes nothing except your own understanding.
"""

import jax, jax.numpy as jnp
import numpy as np

BATCH = 1024
IN_SIZE = 100000
FREQ = 90000
HID0 = 256
TAIL = 64
HID1 = 128
OUT = 1000
NNZ = 131072


def setup_inputs(seed: int = 0):
    key = jax.random.key(seed)
    ks = jax.random.split(key, 12)
    rows = jax.random.randint(ks[0], (NNZ,), 0, BATCH, dtype=jnp.int32)
    cols = jax.random.randint(ks[1], (NNZ,), 0, IN_SIZE, dtype=jnp.int32)
    x_indices = jnp.stack([rows, cols])
    x_values = jax.random.uniform(ks[2], (NNZ,), dtype=jnp.float32)
    W_freq = jax.random.normal(ks[3], (FREQ, HID0), dtype=jnp.float32) / np.sqrt(HID0)
    b_freq = jnp.full((HID0,), 0.1, dtype=jnp.float32)
    W_rare1 = jax.random.normal(ks[4], (IN_SIZE - FREQ, TAIL), dtype=jnp.float32) / np.sqrt(TAIL)
    b_rare1 = jnp.full((TAIL,), 0.1, dtype=jnp.float32)
    W_rare2 = jax.random.normal(ks[5], (TAIL, HID0), dtype=jnp.float32) / np.sqrt(HID0)
    W_mid = jax.random.normal(ks[6], (HID0, HID1), dtype=jnp.float32) / np.sqrt(HID0)
    b_mid = jnp.full((HID1,), 0.1, dtype=jnp.float32)
    W_last = jax.random.normal(ks[7], (HID1, OUT), dtype=jnp.float32) / np.sqrt(HID1)
    b_last = jnp.full((OUT,), 0.1, dtype=jnp.float32)
    return {
        'x_indices': x_indices, 'x_values': x_values,
        'W_freq': W_freq, 'b_freq': b_freq,
        'W_rare1': W_rare1, 'b_rare1': b_rare1, 'W_rare2': W_rare2,
        'W_mid': W_mid, 'b_mid': b_mid,
        'W_last': W_last, 'b_last': b_last,
    }


def reference(x_indices, x_values, W_freq, b_freq, W_rare1, b_rare1, W_rare2, W_mid, b_mid, W_last, b_last):
    # Sparse COO input X[BATCH, IN_SIZE]; sparse_split2 along dim=1 at FREQ.
    rows = x_indices[0]
    cols = x_indices[1]
    mask = cols < FREQ
    c_f = jnp.where(mask, cols, 0)
    c_r = jnp.where(mask, 0, cols - FREQ)
    v_f = jnp.where(mask, x_values, 0.0)
    v_r = jnp.where(mask, 0.0, x_values)
    # SparseLinear freq branch: sparse mm == gather rows of W by col index, scale, segment-sum by row
    Hf = jax.ops.segment_sum(jnp.take(W_freq, c_f, axis=0) * v_f[:, None], rows, num_segments=BATCH) + b_freq
    # SparseLinear rare branch followed by dense Linear (no bias)
    Hr = jax.ops.segment_sum(jnp.take(W_rare1, c_r, axis=0) * v_r[:, None], rows, num_segments=BATCH) + b_rare1
    H0 = Hf + Hr @ W_rare2
    # MiddleNet (hidden_sizes=[256,128] -> one layer): ReLU, Dropout(0), Linear
    H1 = jax.nn.relu(H0) @ W_mid + b_mid
    # LastNet: ReLU, Dropout(0), Linear
    out = jax.nn.relu(H1) @ W_last + b_last
    return out

if __name__ == "__main__":
    import jax
    _d = setup_inputs()
    print(jax.jit(kernel)(*tuple(_d.values())))

</pallas_src>

<mosaic_0001>
#map = affine_map<(d0, d1) -> (0, 0)>
#map1 = affine_map<(d0, d1) -> (0)>
module attributes {stable_mosaic.version = 14 : i64} {
  func.func @_sc_embed_body(%arg0: i32, %arg1: i32, %arg2: memref<2x131072xi32, #tpu.memory_space<hbm>>, %arg3: memref<131072xf32, #tpu.memory_space<hbm>>, %arg4: memref<90000x256xf32, #tpu.memory_space<hbm>>, %arg5: memref<10000x128xf32, #tpu.memory_space<hbm>>, %arg6: memref<8192x256xf32, #tpu.memory_space<hbm>>, %arg7: memref<8192x64xf32, #tpu.memory_space<hbm>>, %arg8: memref<2x512xi32, #tpu.memory_space<vmem>>, %arg9: memref<2x512xi32, #tpu.memory_space<vmem>>, %arg10: memref<2x512xf32, #tpu.memory_space<vmem>>, %arg11: memref<1600xi32, #tpu.memory_space<vmem>>, %arg12: memref<1600xf32, #tpu.memory_space<vmem>>, %arg13: memref<576xi32, #tpu.memory_space<vmem>>, %arg14: memref<576xf32, #tpu.memory_space<vmem>>, %arg15: memref<2x32xi32, #tpu.memory_space<vmem>>, %arg16: memref<2x32xi32, #tpu.memory_space<vmem>>, %arg17: memref<2x32x256xf32, #tpu.memory_space<vmem>>, %arg18: memref<2x32x128xf32, #tpu.memory_space<vmem>>, %arg19: memref<256x256xf32, #tpu.memory_space<vmem>>, %arg20: memref<256x64xf32, #tpu.memory_space<vmem>>, %arg21: memref<2x!tpu.dma_semaphore, #tpu.memory_space<semaphore_mem>>, %arg22: memref<2x!tpu.dma_semaphore, #tpu.memory_space<semaphore_mem>>, %arg23: memref<2x!tpu.dma_semaphore, #tpu.memory_space<semaphore_mem>>) attributes {dimension_semantics = [#tpu.dimension_semantics<core_parallel>, #tpu.dimension_semantics<subcore_parallel>], iteration_bounds = array<i64: 2, 16>, scalar_prefetch = 0 : i64, scratch_operands = 16 : i64, tpu.core_type = #tpu.core_type<sc_vector_subcore>, window_params = [{transform_indices = #map}, {transform_indices = #map1}, {transform_indices = #map}, {transform_indices = #map}, {transform_indices = #map}, {transform_indices = #map}]} {
    %mul3A = arith.constant 16 : i32
    %mul3A_0 = arith.muli %arg0, %mul3A : i32
    %add3A = arith.addi %mul3A_0, %arg1 : i32
    %jit3A = arith.constant 4 : i32
    %div3A = arith.divsi %add3A, %jit3A : i32
    %sign3A = arith.constant 0 : i32
    %sign3A_1 = arith.cmpi sgt, %add3A, %sign3A : i32
    %sign3A_2 = arith.extui %sign3A_1 : i1 to i32
    %sign3A_3 = arith.constant 0 : i32
    %sign3A_4 = arith.cmpi slt, %add3A, %sign3A_3 : i32
    %sign3A_5 = arith.extui %sign3A_4 : i1 to i32
    %sign3A_6 = arith.subi %sign3A_2, %sign3A_5 : i32
    %sign3A_7 = arith.constant 0 : i32
    %sign3A_8 = arith.cmpi sgt, %jit3A, %sign3A_7 : i32
    %sign3A_9 = arith.extui %sign3A_8 : i1 to i32
    %sign3A_10 = arith.constant 0 : i32
    %sign3A_11 = arith.cmpi slt, %jit3A, %sign3A_10 : i32
    %sign3A_12 = arith.extui %sign3A_11 : i1 to i32
    %sign3A_13 = arith.subi %sign3A_9, %sign3A_12 : i32
    %ne3A = arith.cmpi ne, %sign3A_6, %sign3A_13 : i32
    %rem3A = arith.remsi %add3A, %jit3A : i32
    %ne3A_14 = arith.constant 0 : i32
    %ne3A_15 = arith.cmpi ne, %rem3A, %ne3A_14 : i32
    %and3A = arith.andi %ne3A, %ne3A_15 : i1
    %sub3A = arith.constant 1 : i32
    %sub3A_16 = arith.subi %div3A, %sub3A : i32
    %select_n3A = arith.select %and3A, %sub3A_16, %div3A : i32
    %jit3A_17 = arith.constant 4 : i32
    %eq3A = arith.constant 0 : i32
    %eq3A_18 = arith.cmpi eq, %jit3A_17, %eq3A : i32
    %jit3A_19 = arith.constant 1 : i32
    %select_n3A_20 = arith.select %eq3A_18, %jit3A_19, %jit3A_17 : i32
    %rem3A_21 = arith.remsi %add3A, %select_n3A_20 : i32
    %ne3A_22 = arith.constant 0 : i32
    %ne3A_23 = arith.cmpi ne, %rem3A_21, %ne3A_22 : i32
    %lt3A = arith.constant 0 : i32
    %lt3A_24 = arith.cmpi slt, %rem3A_21, %lt3A : i32
    %lt3A_25 = arith.constant 0 : i32
    %lt3A_26 = arith.cmpi slt, %select_n3A_20, %lt3A_25 : i32
    %ne3A_27 = arith.xori %lt3A_24, %lt3A_26 : i1
    %and3A_28 = arith.andi %ne3A_27, %ne3A_23 : i1
    %add3A_29 = arith.addi %rem3A_21, %select_n3A_20 : i32
    %select_n3A_30 = arith.select %and3A_28, %add3A_29, %rem3A_21 : i32
    %mul3A_31 = arith.constant 256 : i32
    %mul3A_32 = arith.muli %select_n3A_30, %mul3A_31 : i32
    %iota3A = tpu.iota {dimensions = array<i32: 0>} : vector<16xi32>
    %broadcast_in_dim3A = arith.constant 0.000000e+00 : f32
    %broadcast_in_dim3A_33 = vector.broadcast %broadcast_in_dim3A : f32 to vector<16xf32>
    %scan3A = arith.constant 0 : i32
    %scan3A_34 = arith.constant 256 : i32
    %scan3A_35 = arith.addi %scan3A, %scan3A_34 : i32
    %scan3A_36 = arith.constant 1 : i32
    scf.for %scan3A_224 = %scan3A to %scan3A_35 step %scan3A_36  : i32 {
      %swap3A_225 = arith.index_cast %scan3A_224 : i32 to index
      %swap3A_226 = arith.constant 0 : index
      %swap3A_227 = tpu.vector_load %arg19[%swap3A_225, %swap3A_226] {strides = array<i32>} : memref<256x256xf32, #tpu.memory_space<vmem>>, vector<16xf32>,
      tpu.vector_store %arg19[%swap3A_225, %swap3A_226], %broadcast_in_dim3A_33 {strides = array<i32>} : memref<256x256xf32, #tpu.memory_space<vmem>>, vector<16xf32>,
      %swap3A_228 = arith.index_cast %scan3A_224 : i32 to index
      %swap3A_229 = arith.constant 16 : index
      %swap3A_230 = tpu.vector_load %arg19[%swap3A_228, %swap3A_229] {strides = array<i32>} : memref<256x256xf32, #tpu.memory_space<vmem>>, vector<16xf32>,
      tpu.vector_store %arg19[%swap3A_228, %swap3A_229], %broadcast_in_dim3A_33 {strides = array<i32>} : memref<256x256xf32, #tpu.memory_space<vmem>>, vector<16xf32>,
      %swap3A_231 = arith.index_cast %scan3A_224 : i32 to index
      %swap3A_232 = arith.constant 32 : index
      %swap3A_233 = tpu.vector_load %arg19[%swap3A_231, %swap3A_232] {strides = array<i32>} : memref<256x256xf32, #tpu.memory_space<vmem>>, vector<16xf32>,
      tpu.vector_store %arg19[%swap3A_231, %swap3A_232], %broadcast_in_dim3A_33 {strides = array<i32>} : memref<256x256xf32, #tpu.memory_space<vmem>>, vector<16xf32>,
      %swap3A_234 = arith.index_cast %scan3A_224 : i32 to index
      %swap3A_235 = arith.constant 48 : index
      %swap3A_236 = tpu.vector_load %arg19[%swap3A_234, %swap3A_235] {strides = array<i32>} : memref<256x256xf32, #tpu.memory_space<vmem>>, vector<16xf32>,
      tpu.vector_store %arg19[%swap3A_234, %swap3A_235], %broadcast_in_dim3A_33 {strides = array<i32>} : memref<256x256xf32, #tpu.memory_space<vmem>>, vector<16xf32>,
      %swap3A_237 = arith.index_cast %scan3A_224 : i32 to index
      %swap3A_238 = arith.constant 64 : index
      %swap3A_239 = tpu.vector_load %arg19[%swap3A_237, %swap3A_238] {strides = array<i32>} : memref<256x256xf32, #tpu.memory_space<vmem>>, vector<16xf32>,
      tpu.vector_store %arg19[%swap3A_237, %swap3A_238], %broadcast_in_dim3A_33 {strides = array<i32>} : memref<256x256xf32, #tpu.memory_space<vmem>>, vector<16xf32>,
      %swap3A_240 = arith.index_cast %scan3A_224 : i32 to index
      %swap3A_241 = arith.constant 80 : index
      %swap3A_242 = tpu.vector_load %arg19[%swap3A_240, %swap3A_241] {strides = array<i32>} : memref<256x256xf32, #tpu.memory_space<vmem>>, vector<16xf32>,
      tpu.vector_store %arg19[%swap3A_240, %swap3A_241], %broadcast_in_dim3A_33 {strides = array<i32>} : memref<256x256xf32, #tpu.memory_space<vmem>>, vector<16xf32>,
      %swap3A_243 = arith.index_cast %scan3A_224 : i32 to index
      %swap3A_244 = arith.constant 96 : index
      %swap3A_245 = tpu.vector_load %arg19[%swap3A_243, %swap3A_244] {strides = array<i32>} : memref<256x256xf32, #tpu.memory_space<vmem>>, vector<16xf32>,
      tpu.vector_store %arg19[%swap3A_243, %swap3A_244], %broadcast_in_dim3A_33 {strides = array<i32>} : memref<256x256xf32, #tpu.memory_space<vmem>>, vector<16xf32>,
      %swap3A_246 = arith.index_cast %scan3A_224 : i32 to index
      %swap3A_247 = arith.constant 112 : index
      %swap3A_248 = tpu.vector_load %arg19[%swap3A_246, %swap3A_247] {strides = array<i32>} : memref<256x256xf32, #tpu.memory_space<vmem>>, vector<16xf32>,
      tpu.vector_store %arg19[%swap3A_246, %swap3A_247], %broadcast_in_dim3A_33 {strides = array<i32>} : memref<256x256xf32, #tpu.memory_space<vmem>>, vector<16xf32>,
      %swap3A_249 = arith.index_cast %scan3A_224 : i32 to index
      %swap3A_250 = arith.constant 128 : index
      %swap3A_251 = tpu.vector_load %arg19[%swap3A_249, %swap3A_250] {strides = array<i32>} : memref<256x256xf32, #tpu.memory_space<vmem>>, vector<16xf32>,
      tpu.vector_store %arg19[%swap3A_249, %swap3A_250], %broadcast_in_dim3A_33 {strides = array<i32>} : memref<256x256xf32, #tpu.memory_space<vmem>>, vector<16xf32>,
      %swap3A_252 = arith.index_cast %scan3A_224 : i32 to index
      %swap3A_253 = arith.constant 144 : index
      %swap3A_254 = tpu.vector_load %arg19[%swap3A_252, %swap3A_253] {strides = array<i32>} : memref<256x256xf32, #tpu.memory_space<vmem>>, vector<16xf32>,
      tpu.vector_store %arg19[%swap3A_252, %swap3A_253], %broadcast_in_dim3A_33 {strides = array<i32>} : memref<256x256xf32, #tpu.memory_space<vmem>>, vector<16xf32>,
      %swap3A_255 = arith.index_cast %scan3A_224 : i32 to index
      %swap3A_256 = arith.constant 160 : index
      %swap3A_257 = tpu.vector_load %arg19[%swap3A_255, %swap3A_256] {strides = array<i32>} : memref<256x256xf32, #tpu.memory_space<vmem>>, vector<16xf32>,
      tpu.vector_store %arg19[%swap3A_255, %swap3A_256], %broadcast_in_dim3A_33 {strides = array<i32>} : memref<256x256xf32, #tpu.memory_space<vmem>>, vector<16xf32>,
      %swap3A_258 = arith.index_cast %scan3A_224 : i32 to index
      %swap3A_259 = arith.constant 176 : index
      %swap3A_260 = tpu.vector_load %arg19[%swap3A_258, %swap3A_259] {strides = array<i32>} : memref<256x256xf32, #tpu.memory_space<vmem>>, vector<16xf32>,
      tpu.vector_store %arg19[%swap3A_258, %swap3A_259], %broadcast_in_dim3A_33 {strides = array<i32>} : memref<256x256xf32, #tpu.memory_space<vmem>>, vector<16xf32>,
      %swap3A_261 = arith.index_cast %scan3A_224 : i32 to index
      %swap3A_262 = arith.constant 192 : index
      %swap3A_263 = tpu.vector_load %arg19[%swap3A_261, %swap3A_262] {strides = array<i32>} : memref<256x256xf32, #tpu.memory_space<vmem>>, vector<16xf32>,
      tpu.vector_store %arg19[%swap3A_261, %swap3A_262], %broadcast_in_dim3A_33 {strides = array<i32>} : memref<256x256xf32, #tpu.memory_space<vmem>>, vector<16xf32>,
      %swap3A_264 = arith.index_cast %scan3A_224 : i32 to index
      %swap3A_265 = arith.constant 208 : index
      %swap3A_266 = tpu.vector_load %arg19[%swap3A_264, %swap3A_265] {strides = array<i32>} : memref<256x256xf32, #tpu.memory_space<vmem>>, vector<16xf32>,
      tpu.vector_store %arg19[%swap3A_264, %swap3A_265], %broadcast_in_dim3A_33 {strides = array<i32>} : memref<256x256xf32, #tpu.memory_space<vmem>>, vector<16xf32>,
      %swap3A_267 = arith.index_cast %scan3A_224 : i32 to index
      %swap3A_268 = arith.constant 224 : index
      %swap3A_269 = tpu.vector_load %arg19[%swap3A_267, %swap3A_268] {strides = array<i32>} : memref<256x256xf32, #tpu.memory_space<vmem>>, vector<16xf32>,
      tpu.vector_store %arg19[%swap3A_267, %swap3A_268], %broadcast_in_dim3A_33 {strides = array<i32>} : memref<256x256xf32, #tpu.memory_space<vmem>>, vector<16xf32>,
      %swap3A_270 = arith.index_cast %scan3A_224 : i32 to index
      %swap3A_271 = arith.constant 240 : index
      %swap3A_272 = tpu.vector_load %arg19[%swap3A_270, %swap3A_271] {strides = array<i32>} : memref<256x256xf32, #tpu.memory_space<vmem>>, vector<16xf32>,
      tpu.vector_store %arg19[%swap3A_270, %swap3A_271], %broadcast_in_dim3A_33 {strides = array<i32>} : memref<256x256xf32, #tpu.memory_space<vmem>>, vector<16xf32>,
      %swap3A_273 = arith.index_cast %scan3A_224 : i32 to index
      %swap3A_274 = arith.constant 0 : index
      %swap3A_275 = tpu.vector_load %arg20[%swap3A_273, %swap3A_274] {strides = array<i32>} : memref<256x64xf32, #tpu.memory_space<vmem>>, vector<16xf32>,
      tpu.vector_store %arg20[%swap3A_273, %swap3A_274], %broadcast_in_dim3A_33 {strides = array<i32>} : memref<256x64xf32, #tpu.memory_space<vmem>>, vector<16xf32>,
      %swap3A_276 = arith.index_cast %scan3A_224 : i32 to index
      %swap3A_277 = arith.constant 16 : index
      %swap3A_278 = tpu.vector_load %arg20[%swap3A_276, %swap3A_277] {strides = array<i32>} : memref<256x64xf32, #tpu.memory_space<vmem>>, vector<16xf32>,
      tpu.vector_store %arg20[%swap3A_276, %swap3A_277], %broadcast_in_dim3A_33 {strides = array<i32>} : memref<256x64xf32, #tpu.memory_space<vmem>>, vector<16xf32>,
      %swap3A_279 = arith.index_cast %scan3A_224 : i32 to index
      %swap3A_280 = arith.constant 32 : index
      %swap3A_281 = tpu.vector_load %arg20[%swap3A_279, %swap3A_280] {strides = array<i32>} : memref<256x64xf32, #tpu.memory_space<vmem>>, vector<16xf32>,
      tpu.vector_store %arg20[%swap3A_279, %swap3A_280], %broadcast_in_dim3A_33 {strides = array<i32>} : memref<256x64xf32, #tpu.memory_space<vmem>>, vector<16xf32>,
      %swap3A_282 = arith.index_cast %scan3A_224 : i32 to index
      %swap3A_283 = arith.constant 48 : index
      %swap3A_284 = tpu.vector_load %arg20[%swap3A_282, %swap3A_283] {strides = array<i32>} : memref<256x64xf32, #tpu.memory_space<vmem>>, vector<16xf32>,
      tpu.vector_store %arg20[%swap3A_282, %swap3A_283], %broadcast_in_dim3A_33 {strides = array<i32>} : memref<256x64xf32, #tpu.memory_space<vmem>>, vector<16xf32>,
    }
    %scan3A_37 = arith.constant 256 : i32
    %mul3A_38 = arith.constant 16384 : i32
    %mul3A_39 = arith.muli %select_n3A, %mul3A_38 : i32
    %add3A_40 = arith.constant 0 : i32
    %add3A_41 = arith.addi %mul3A_39, %add3A_40 : i32
    %dma_start3A = arith.constant 1 : i32
    %dma_start3A_42 = arith.constant 0 : i32
    %dma_start3A_43 = arith.constant 0 : i32
    %dma_start3A_44 = arith.constant 0 : i32
    %dma_start3A_45 = tpu.memref_slice %arg8[%dma_start3A_42, %dma_start3A_44] : memref<2x512xi32, #tpu.memory_space<vmem>> -> memref<1x512xi32, #tpu.memory_space<vmem>>
    %dma_start3A_46 = tpu.memref_squeeze %dma_start3A_45 : memref<1x512xi32, #tpu.memory_space<vmem>> -> memref<512xi32, #tpu.memory_space<vmem>>
    %dma_start3A_47 = tpu.memref_slice %arg2[%dma_start3A, %add3A_41] : memref<2x131072xi32, #tpu.memory_space<hbm>> -> memref<1x512xi32, #tpu.memory_space<hbm>>
    %dma_start3A_48 = tpu.memref_squeeze %dma_start3A_47 : memref<1x512xi32, #tpu.memory_space<hbm>> -> memref<512xi32, #tpu.memory_space<hbm>>
    %dma_start3A_49 = tpu.memref_slice %arg23[%dma_start3A_43] : memref<2x!tpu.dma_semaphore, #tpu.memory_space<semaphore_mem>> -> memref<1x!tpu.dma_semaphore, #tpu.memory_space<semaphore_mem>>
    %dma_start3A_50 = tpu.memref_squeeze %dma_start3A_49 : memref<1x!tpu.dma_semaphore, #tpu.memory_space<semaphore_mem>> -> memref<!tpu.dma_semaphore, #tpu.memory_space<semaphore_mem>>
    %dma_start3A_51 = arith.constant 0 : i32
    %dma_start3A_52 = tpu.memref_slice %arg8[%dma_start3A_42, %dma_start3A_51] : memref<2x512xi32, #tpu.memory_space<vmem>> -> memref<1x512xi32, #tpu.memory_space<vmem>>
    %dma_start3A_53 = tpu.memref_squeeze %dma_start3A_52 : memref<1x512xi32, #tpu.memory_space<vmem>> -> memref<512xi32, #tpu.memory_space<vmem>>
    %dma_start3A_54 = tpu.memref_slice %arg2[%dma_start3A, %add3A_41] : memref<2x131072xi32, #tpu.memory_space<hbm>> -> memref<1x512xi32, #tpu.memory_space<hbm>>
    %dma_start3A_55 = tpu.memref_squeeze %dma_start3A_54 : memref<1x512xi32, #tpu.memory_space<hbm>> -> memref<512xi32, #tpu.memory_space<hbm>>
    tpu.enqueue_dma source(%dma_start3A_55 : memref<512xi32, #tpu.memory_space<hbm>>) target(%dma_start3A_53 : memref<512xi32, #tpu.memory_space<vmem>>) target_semaphore(%dma_start3A_50 : memref<!tpu.dma_semaphore, #tpu.memory_space<semaphore_mem>>)
    %dma_start3A_56 = arith.constant 0 : i32
    %dma_start3A_57 = arith.constant 0 : i32
    %dma_start3A_58 = arith.constant 0 : i32
    %dma_start3A_59 = arith.constant 0 : i32
    %dma_start3A_60 = tpu.memref_slice %arg9[%dma_start3A_57, %dma_start3A_59] : memref<2x512xi32, #tpu.memory_space<vmem>> -> memref<1x512xi32, #tpu.memory_space<vmem>>
    %dma_start3A_61 = tpu.memref_squeeze %dma_start3A_60 : memref<1x512xi32, #tpu.memory_space<vmem>> -> memref<512xi32, #tpu.memory_space<vmem>>
    %dma_start3A_62 = tpu.memref_slice %arg2[%dma_start3A_56, %add3A_41] : memref<2x131072xi32, #tpu.memory_space<hbm>> -> memref<1x512xi32, #tpu.memory_space<hbm>>
    %dma_start3A_63 = tpu.memref_squeeze %dma_start3A_62 : memref<1x512xi32, #tpu.memory_space<hbm>> -> memref<512xi32, #tpu.memory_space<hbm>>
    %dma_start3A_64 = tpu.memref_slice %arg23[%dma_start3A_58] : memref<2x!tpu.dma_semaphore, #tpu.memory_space<semaphore_mem>> -> memref<1x!tpu.dma_semaphore, #tpu.memory_space<semaphore_mem>>
    %dma_start3A_65 = tpu.memref_squeeze %dma_start3A_64 : memref<1x!tpu.dma_semaphore, #tpu.memory_space<semaphore_mem>> -> memref<!tpu.dma_semaphore, #tpu.memory_space<semaphore_mem>>
    %dma_start3A_66 = arith.constant 0 : i32
    %dma_start3A_67 = tpu.memref_slice %arg9[%dma_start3A_57, %dma_start3A_66] : memref<2x512xi32, #tpu.memory_space<vmem>> -> memref<1x512xi32, #tpu.memory_space<vmem>>
    %dma_start3A_68 = tpu.memref_squeeze %dma_start3A_67 : memref<1x512xi32, #tpu.memory_space<vmem>> -> memref<512xi32, #tpu.memory_space<vmem>>
    %dma_start3A_69 = tpu.memref_slice %arg2[%dma_start3A_56, %add3A_41] : memref<2x131072xi32, #tpu.memory_space<hbm>> -> memref<1x512xi32, #tpu.memory_space<hbm>>
    %dma_start3A_70 = tpu.memref_squeeze %dma_start3A_69 : memref<1x512xi32, #tpu.memory_space<hbm>> -> memref<512xi32, #tpu.memory_space<hbm>>
    tpu.enqueue_dma source(%dma_start3A_70 : memref<512xi32, #tpu.memory_space<hbm>>) target(%dma_start3A_68 : memref<512xi32, #tpu.memory_space<vmem>>) target_semaphore(%dma_start3A_65 : memref<!tpu.dma_semaphore, #tpu.memory_space<semaphore_mem>>)
    %dma_start3A_71 = arith.constant 0 : i32
    %dma_start3A_72 = arith.constant 0 : i32
    %dma_start3A_73 = arith.constant 0 : i32
    %dma_start3A_74 = tpu.memref_slice %arg10[%dma_start3A_71, %dma_start3A_73] : memref<2x512xf32, #tpu.memory_space<vmem>> -> memref<1x512xf32, #tpu.memory_space<vmem>>
    %dma_start3A_75 = tpu.memref_squeeze %dma_start3A_74 : memref<1x512xf32, #tpu.memory_space<vmem>> -> memref<512xf32, #tpu.memory_space<vmem>>
    %dma_start3A_76 = tpu.memref_slice %arg3[%add3A_41] : memref<131072xf32, #tpu.memory_space<hbm>> -> memref<512xf32, #tpu.memory_space<hbm>>
    %dma_start3A_77 = tpu.memref_slice %arg23[%dma_start3A_72] : memref<2x!tpu.dma_semaphore, #tpu.memory_space<semaphore_mem>> -> memref<1x!tpu.dma_semaphore, #tpu.memory_space<semaphore_mem>>
    %dma_start3A_78 = tpu.memref_squeeze %dma_start3A_77 : memref<1x!tpu.dma_semaphore, #tpu.memory_space<semaphore_mem>> -> memref<!tpu.dma_semaphore, #tpu.memory_space<semaphore_mem>>
    %dma_start3A_79 = arith.constant 0 : i32
    %dma_start3A_80 = tpu.memref_slice %arg10[%dma_start3A_71, %dma_start3A_79] : memref<2x512xf32, #tpu.memory_space<vmem>> -> memref<1x512xf32, #tpu.memory_space<vmem>>
    %dma_start3A_81 = tpu.memref_squeeze %dma_start3A_80 : memref<1x512xf32, #tpu.memory_space<vmem>> -> memref<512xf32, #tpu.memory_space<vmem>>
    %dma_start3A_82 = tpu.memref_slice %arg3[%add3A_41] : memref<131072xf32, #tpu.memory_space<hbm>> -> memref<512xf32, #tpu.memory_space<hbm>>
    tpu.enqueue_dma source(%dma_start3A_82 : memref<512xf32, #tpu.memory_space<hbm>>) target(%dma_start3A_81 : memref<512xf32, #tpu.memory_space<vmem>>) target_semaphore(%dma_start3A_78 : memref<!tpu.dma_semaphore, #tpu.memory_space<semaphore_mem>>)
    %scan3A_83 = arith.constant 0 : i32
    %scan3A_84 = arith.constant 0 : i32
    %scan3A_85 = arith.constant 0 : i32
    %scan3A_86 = arith.constant 32 : i32
    %scan3A_87 = arith.addi %scan3A_85, %scan3A_86 : i32
    %scan3A_88 = arith.constant 1 : i32
    %scan3A_89:2 = scf.for %scan3A_224 = %scan3A_85 to %scan3A_87 step %scan3A_88 iter_args(%scan3A_225 = %scan3A_83, %scan3A_226 = %scan3A_84) -> (i32, i32)  : i32 {
      %and3A_227 = arith.constant 1 : i32
      %and3A_228 = arith.andi %scan3A_224, %and3A_227 : i32
      %and3A_229 = arith.constant 1 : i32
      %and3A_230 = arith.andi %scan3A_224, %and3A_229 : i32
      %dma_wait3A = arith.constant 1 : i32
      %dma_wait3A_231 = arith.constant 0 : i32
      %dma_wait3A_232 = tpu.memref_slice %arg8[%and3A_230, %dma_wait3A_231] : memref<2x512xi32, #tpu.memory_space<vmem>> -> memref<1x512xi32, #tpu.memory_space<vmem>>
      %dma_wait3A_233 = tpu.memref_squeeze %dma_wait3A_232 : memref<1x512xi32, #tpu.memory_space<vmem>> -> memref<512xi32, #tpu.memory_space<vmem>>
      %dma_wait3A_234 = arith.constant 0 : i32
      %dma_wait3A_235 = tpu.memref_slice %arg2[%dma_wait3A, %dma_wait3A_234] : memref<2x131072xi32, #tpu.memory_space<hbm>> -> memref<1x512xi32, #tpu.memory_space<hbm>>
      %dma_wait3A_236 = tpu.memref_squeeze %dma_wait3A_235 : memref<1x512xi32, #tpu.memory_space<hbm>> -> memref<512xi32, #tpu.memory_space<hbm>>
      %dma_wait3A_237 = tpu.memref_slice %arg23[%and3A_230] : memref<2x!tpu.dma_semaphore, #tpu.memory_space<semaphore_mem>> -> memref<1x!tpu.dma_semaphore, #tpu.memory_space<semaphore_mem>>
      %dma_wait3A_238 = tpu.memref_squeeze %dma_wait3A_237 : memref<1x!tpu.dma_semaphore, #tpu.memory_space<semaphore_mem>> -> memref<!tpu.dma_semaphore, #tpu.memory_space<semaphore_mem>>
      %dma_wait3A_239 = arith.constant 0 : i32
      %dma_wait3A_240 = tpu.memref_slice %arg8[%and3A_230, %dma_wait3A_239] : memref<2x512xi32, #tpu.memory_space<vmem>> -> memref<1x512xi32, #tpu.memory_space<vmem>>
      %dma_wait3A_241 = tpu.memref_squeeze %dma_wait3A_240 : memref<1x512xi32, #tpu.memory_space<vmem>> -> memref<512xi32, #tpu.memory_space<vmem>>
      %dma_wait3A_242 = arith.constant 0 : i32
      %dma_wait3A_243 = tpu.memref_slice %arg2[%dma_wait3A, %dma_wait3A_242] : memref<2x131072xi32, #tpu.memory_space<hbm>> -> memref<1x512xi32, #tpu.memory_space<hbm>>
      %dma_wait3A_244 = tpu.memref_squeeze %dma_wait3A_243 : memref<1x512xi32, #tpu.memory_space<hbm>> -> memref<512xi32, #tpu.memory_space<hbm>>
      tpu.wait_dma2 semaphore(%dma_wait3A_238 : memref<!tpu.dma_semaphore, #tpu.memory_space<semaphore_mem>>) src(%dma_wait3A_244 : memref<512xi32, #tpu.memory_space<hbm>>) dst(%dma_wait3A_241 : memref<512xi32, #tpu.memory_space<vmem>>)
      %dma_wait3A_245 = arith.constant 0 : i32
      %dma_wait3A_246 = arith.constant 0 : i32
      %dma_wait3A_247 = tpu.memref_slice %arg9[%and3A_230, %dma_wait3A_246] : memref<2x512xi32, #tpu.memory_space<vmem>> -> memref<1x512xi32, #tpu.memory_space<vmem>>
      %dma_wait3A_248 = tpu.memref_squeeze %dma_wait3A_247 : memref<1x512xi32, #tpu.memory_space<vmem>> -> memref<512xi32, #tpu.memory_space<vmem>>
      %dma_wait3A_249 = arith.constant 0 : i32
      %dma_wait3A_250 = tpu.memref_slice %arg2[%dma_wait3A_245, %dma_wait3A_249] : memref<2x131072xi32, #tpu.memory_space<hbm>> -> memref<1x512xi32, #tpu.memory_space<hbm>>
      %dma_wait3A_251 = tpu.memref_squeeze %dma_wait3A_250 : memref<1x512xi32, #tpu.memory_space<hbm>> -> memref<512xi32, #tpu.memory_space<hbm>>
      %dma_wait3A_252 = tpu.memref_slice %arg23[%and3A_230] : memref<2x!tpu.dma_semaphore, #tpu.memory_space<semaphore_mem>> -> memref<1x!tpu.dma_semaphore, #tpu.memory_space<semaphore_mem>>
      %dma_wait3A_253 = tpu.memref_squeeze %dma_wait3A_252 : memref<1x!tpu.dma_semaphore, #tpu.memory_space<semaphore_mem>> -> memref<!tpu.dma_semaphore, #tpu.memory_space<semaphore_mem>>
      %dma_wait3A_254 = arith.constant 0 : i32
      %dma_wait3A_255 = tpu.memref_slice %arg9[%and3A_230, %dma_wait3A_254] : memref<2x512xi32, #tpu.memory_space<vmem>> -> memref<1x512xi32, #tpu.memory_space<vmem>>
      %dma_wait3A_256 = tpu.memref_squeeze %dma_wait3A_255 : memref<1x512xi32, #tpu.memory_space<vmem>> -> memref<512xi32, #tpu.memory_space<vmem>>
      %dma_wait3A_257 = arith.constant 0 : i32
      %dma_wait3A_258 = tpu.memref_slice %arg2[%dma_wait3A_245, %dma_wait3A_257] : memref<2x131072xi32, #tpu.memory_space<hbm>> -> memref<1x512xi32, #tpu.memory_space<hbm>>
      %dma_wait3A_259 = tpu.memref_squeeze %dma_wait3A_258 : memref<1x512xi32, #tpu.memory_space<hbm>> -> memref<512xi32, #tpu.memory_space<hbm>>
      tpu.wait_dma2 semaphore(%dma_wait3A_253 : memref<!tpu.dma_semaphore, #tpu.memory_space<semaphore_mem>>) src(%dma_wait3A_259 : memref<512xi32, #tpu.memory_space<hbm>>) dst(%dma_wait3A_256 : memref<512xi32, #tpu.memory_space<vmem>>)
      %dma_wait3A_260 = arith.constant 0 : i32
      %dma_wait3A_261 = tpu.memref_slice %arg10[%and3A_230, %dma_wait3A_260] : memref<2x512xf32, #tpu.memory_space<vmem>> -> memref<1x512xf32, #tpu.memory_space<vmem>>
      %dma_wait3A_262 = tpu.memref_squeeze %dma_wait3A_261 : memref<1x512xf32, #tpu.memory_space<vmem>> -> memref<512xf32, #tpu.memory_space<vmem>>
      %dma_wait3A_263 = arith.constant 0 : i32
      %dma_wait3A_264 = tpu.memref_slice %arg3[%dma_wait3A_263] : memref<131072xf32, #tpu.memory_space<hbm>> -> memref<512xf32, #tpu.memory_space<hbm>>
      %dma_wait3A_265 = tpu.memref_slice %arg23[%and3A_230] : memref<2x!tpu.dma_semaphore, #tpu.memory_space<semaphore_mem>> -> memref<1x!tpu.dma_semaphore, #tpu.memory_space<semaphore_mem>>
      %dma_wait3A_266 = tpu.memref_squeeze %dma_wait3A_265 : memref<1x!tpu.dma_semaphore, #tpu.memory_space<semaphore_mem>> -> memref<!tpu.dma_semaphore, #tpu.memory_space<semaphore_mem>>
      %dma_wait3A_267 = arith.constant 0 : i32
      %dma_wait3A_268 = tpu.memref_slice %arg10[%and3A_230, %dma_wait3A_267] : memref<2x512xf32, #tpu.memory_space<vmem>> -> memref<1x512xf32, #tpu.memory_space<vmem>>
      %dma_wait3A_269 = tpu.memref_squeeze %dma_wait3A_268 : memref<1x512xf32, #tpu.memory_space<vmem>> -> memref<512xf32, #tpu.memory_space<vmem>>
      %dma_wait3A_270 = arith.constant 0 : i32
      %dma_wait3A_271 = tpu.memref_slice %arg3[%dma_wait3A_270] : memref<131072xf32, #tpu.memory_space<hbm>> -> memref<512xf32, #tpu.memory_space<hbm>>
      tpu.wait_dma2 semaphore(%dma_wait3A_266 : memref<!tpu.dma_semaphore, #tpu.memory_space<semaphore_mem>>) src(%dma_wait3A_271 : memref<512xf32, #tpu.memory_space<hbm>>) dst(%dma_wait3A_269 : memref<512xf32, #tpu.memory_space<vmem>>)
      %add3A_272 = arith.constant 1 : i32
      %add3A_273 = arith.addi %scan3A_224, %add3A_272 : i32
      %lt3A_274 = arith.constant 32 : i32
      %lt3A_275 = arith.cmpi slt, %add3A_273, %lt3A_274 : i32
      %convert_element_type3A = arith.extui %lt3A_275 : i1 to i32
      %cond3A = arith.constant 0 : i32
      %cond3A_276 = arith.cmpi ne, %convert_element_type3A, %cond3A : i32
      scf.if %cond3A_276 {
        %add3A_283 = arith.constant 1 : i32
        %add3A_284 = arith.addi %scan3A_224, %add3A_283 : i32
        %and3A_285 = arith.constant 1 : i32
        %and3A_286 = arith.andi %add3A_284, %and3A_285 : i32
        %mul3A_287 = arith.constant 16384 : i32
        %mul3A_288 = arith.muli %select_n3A, %mul3A_287 : i32
        %mul3A_289 = arith.constant 512 : i32
        %mul3A_290 = arith.muli %add3A_284, %mul3A_289 : i32
        %add3A_291 = arith.addi %mul3A_288, %mul3A_290 : i32
        %dma_start3A_292 = arith.constant 1 : i32
        %dma_start3A_293 = arith.constant 0 : i32
        %dma_start3A_294 = tpu.memref_slice %arg8[%and3A_286, %dma_start3A_293] : memref<2x512xi32, #tpu.memory_space<vmem>> -> memref<1x512xi32, #tpu.memory_space<vmem>>
        %dma_start3A_295 = tpu.memref_squeeze %dma_start3A_294 : memref<1x512xi32, #tpu.memory_space<vmem>> -> memref<512xi32, #tpu.memory_space<vmem>>
        %dma_start3A_296 = tpu.memref_slice %arg2[%dma_start3A_292, %add3A_291] : memref<2x131072xi32, #tpu.memory_space<hbm>> -> memref<1x512xi32, #tpu.memory_space<hbm>>
        %dma_start3A_297 = tpu.memref_squeeze %dma_start3A_296 : memref<1x512xi32, #tpu.memory_space<hbm>> -> memref<512xi32, #tpu.memory_space<hbm>>
        %dma_start3A_298 = tpu.memref_slice %arg23[%and3A_286] : memref<2x!tpu.dma_semaphore, #tpu.memory_space<semaphore_mem>> -> memref<1x!tpu.dma_semaphore, #tpu.memory_space<semaphore_mem>>
        %dma_start3A_299 = tpu.memref_squeeze %dma_start3A_298 : memref<1x!tpu.dma_semaphore, #tpu.memory_space<semaphore_mem>> -> memref<!tpu.dma_semaphore, #tpu.memory_space<semaphore_mem>>
        %dma_start3A_300 = arith.constant 0 : i32
        %dma_start3A_301 = tpu.memref_slice %arg8[%and3A_286, %dma_start3A_300] : memref<2x512xi32, #tpu.memory_space<vmem>> -> memref<1x512xi32, #tpu.memory_space<vmem>>
        %dma_start3A_302 = tpu.memref_squeeze %dma_start3A_301 : memref<1x512xi32, #tpu.memory_space<vmem>> -> memref<512xi32, #tpu.memory_space<vmem>>
        %dma_start3A_303 = tpu.memref_slice %arg2[%dma_start3A_292, %add3A_291] : memref<2x131072xi32, #tpu.memory_space<hbm>> -> memref<1x512xi32, #tpu.memory_space<hbm>>
        %dma_start3A_304 = tpu.memref_squeeze %dma_start3A_303 : memref<1x512xi32, #tpu.memory_space<hbm>> -> memref<512xi32, #tpu.memory_space<hbm>>
        tpu.enqueue_dma source(%dma_start3A_304 : memref<512xi32, #tpu.memory_space<hbm>>) target(%dma_start3A_302 : memref<512xi32, #tpu.memory_space<vmem>>) target_semaphore(%dma_start3A_299 : memref<!tpu.dma_semaphore, #tpu.memory_space<semaphore_mem>>)
        %dma_start3A_305 = arith.constant 0 : i32
        %dma_start3A_306 = arith.constant 0 : i32
        %dma_start3A_307 = tpu.memref_slice %arg9[%and3A_286, %dma_start3A_306] : memref<2x512xi32, #tpu.memory_space<vmem>> -> memref<1x512xi32, #tpu.memory_space<vmem>>
        %dma_start3A_308 = tpu.memref_squeeze %dma_start3A_307 : memref<1x512xi32, #tpu.memory_space<vmem>> -> memref<512xi32, #tpu.memory_space<vmem>>
        %dma_start3A_309 = tpu.memref_slice %arg2[%dma_start3A_305, %add3A_291] : memref<2x131072xi32, #tpu.memory_space<hbm>> -> memref<1x512xi32, #tpu.memory_space<hbm>>
        %dma_start3A_310 = tpu.memref_squeeze %dma_start3A_309 : memref<1x512xi32, #tpu.memory_space<hbm>> -> memref<512xi32, #tpu.memory_space<hbm>>
        %dma_start3A_311 = tpu.memref_slice %arg23[%and3A_286] : memref<2x!tpu.dma_semaphore, #tpu.memory_space<semaphore_mem>> -> memref<1x!tpu.dma_semaphore, #tpu.memory_space<semaphore_mem>>
        %dma_start3A_312 = tpu.memref_squeeze %dma_start3A_311 : memref<1x!tpu.dma_semaphore, #tpu.memory_space<semaphore_mem>> -> memref<!tpu.dma_semaphore, #tpu.memory_space<semaphore_mem>>
        %dma_start3A_313 = arith.constant 0 : i32
        %dma_start3A_314 = tpu.memref_slice %arg9[%and3A_286, %dma_start3A_313] : memref<2x512xi32, #tpu.memory_space<vmem>> -> memref<1x512xi32, #tpu.memory_space<vmem>>
        %dma_start3A_315 = tpu.memref_squeeze %dma_start3A_314 : memref<1x512xi32, #tpu.memory_space<vmem>> -> memref<512xi32, #tpu.memory_space<vmem>>
        %dma_start3A_316 = tpu.memref_slice %arg2[%dma_start3A_305, %add3A_291] : memref<2x131072xi32, #tpu.memory_space<hbm>> -> memref<1x512xi32, #tpu.memory_space<hbm>>
        %dma_start3A_317 = tpu.memref_squeeze %dma_start3A_316 : memref<1x512xi32, #tpu.memory_space<hbm>> -> memref<512xi32, #tpu.memory_space<hbm>>
        tpu.enqueue_dma source(%dma_start3A_317 : memref<512xi32, #tpu.memory_space<hbm>>) target(%dma_start3A_315 : memref<512xi32, #tpu.memory_space<vmem>>) target_semaphore(%dma_start3A_312 : memref<!tpu.dma_semaphore, #tpu.memory_space<semaphore_mem>>)
        %dma_start3A_318 = arith.constant 0 : i32
        %dma_start3A_319 = tpu.memref_slice %arg10[%and3A_286, %dma_start3A_318] : memref<2x512xf32, #tpu.memory_space<vmem>> -> memref<1x512xf32, #tpu.memory_space<vmem>>
        %dma_start3A_320 = tpu.memref_squeeze %dma_start3A_319 : memref<1x512xf32, #tpu.memory_space<vmem>> -> memref<512xf32, #tpu.memory_space<vmem>>
        %dma_start3A_321 = tpu.memref_slice %arg3[%add3A_291] : memref<131072xf32, #tpu.memory_space<hbm>> -> memref<512xf32, #tpu.memory_space<hbm>>
        %dma_start3A_322 = tpu.memref_slice %arg23[%and3A_286] : memref<2x!tpu.dma_semaphore, #tpu.memory_space<semaphore_mem>> -> memref<1x!tpu.dma_semaphore, #tpu.memory_space<semaphore_mem>>
        %dma_start3A_323 = tpu.memref_squeeze %dma_start3A_322 : memref<1x!tpu.dma_semaphore, #tpu.memory_space<semaphore_mem>> -> memref<!tpu.dma_semaphore, #tpu.memory_space<semaphore_mem>>
        %dma_start3A_324 = arith.constant 0 : i32
        %dma_start3A_325 = tpu.memref_slice %arg10[%and3A_286, %dma_start3A_324] : memref<2x512xf32, #tpu.memory_space<vmem>> -> memref<1x512xf32, #tpu.memory_space<vmem>>
        %dma_start3A_326 = tpu.memref_squeeze %dma_start3A_325 : memref<1x512xf32, #tpu.memory_space<vmem>> -> memref<512xf32, #tpu.memory_space<vmem>>
        %dma_start3A_327 = tpu.memref_slice %arg3[%add3A_291] : memref<131072xf32, #tpu.memory_space<hbm>> -> memref<512xf32, #tpu.memory_space<hbm>>
        tpu.enqueue_dma source(%dma_start3A_327 : memref<512xf32, #tpu.memory_space<hbm>>) target(%dma_start3A_326 : memref<512xf32, #tpu.memory_space<vmem>>) target_semaphore(%dma_start3A_323 : memref<!tpu.dma_semaphore, #tpu.memory_space<semaphore_mem>>)
      } else {
      }
      %scan3A_277 = arith.constant 0 : i32
      %scan3A_278 = arith.constant 32 : i32
      %scan3A_279 = arith.addi %scan3A_277, %scan3A_278 : i32
      %scan3A_280 = arith.constant 1 : i32
      %scan3A_281:2 = scf.for %scan3A_283 = %scan3A_277 to %scan3A_279 step %scan3A_280 iter_args(%scan3A_284 = %scan3A_225, %scan3A_285 = %scan3A_226) -> (i32, i32)  : i32 {
        %mul3A_286 = arith.constant 16 : i32
        %mul3A_287 = arith.muli %scan3A_283, %mul3A_286 : i32
        %get3A = arith.index_cast %and3A_228 : i32 to index
        %get3A_288 = arith.index_cast %mul3A_287 : i32 to index
        %get3A_289 = tpu.vector_load %arg8[%get3A, %get3A_288] {strides = array<i32>} : memref<2x512xi32, #tpu.memory_space<vmem>>, vector<16xi32>,
        %get3A_290 = arith.index_cast %and3A_228 : i32 to index
        %get3A_291 = arith.index_cast %mul3A_287 : i32 to index
        %get3A_292 = tpu.vector_load %arg9[%get3A_290, %get3A_291] {strides = array<i32>} : memref<2x512xi32, #tpu.memory_space<vmem>>, vector<16xi32>,
        %get3A_293 = arith.index_cast %and3A_228 : i32 to index
        %get3A_294 = arith.index_cast %mul3A_287 : i32 to index
        %get3A_295 = tpu.vector_load %arg10[%get3A_293, %get3A_294] {strides = array<i32>} : memref<2x512xf32, #tpu.memory_space<vmem>>, vector<16xf32>,
        %sub3A_296 = vector.broadcast %mul3A_32 : i32 to vector<16xi32>
        %sub3A_297 = arith.subi %get3A_292, %sub3A_296 : vector<16xi32>
        %ge3A = vector.broadcast %mul3A_32 : i32 to vector<16xi32>
        %ge3A_298 = arith.cmpi sge, %get3A_292, %ge3A : vector<16xi32>
        %add3A_299 = arith.constant 256 : i32
        %add3A_300 = arith.addi %mul3A_32, %add3A_299 : i32
        %lt3A_301 = vector.broadcast %add3A_300 : i32 to vector<16xi32>
        %lt3A_302 = arith.cmpi slt, %get3A_292, %lt3A_301 : vector<16xi32>
        %and3A_303 = arith.andi %ge3A_298, %lt3A_302 : vector<16xi1>
        %lt3A_304 = arith.constant 90000 : i32
        %lt3A_305 = vector.broadcast %lt3A_304 : i32 to vector<16xi32>
        %lt3A_306 = arith.cmpi slt, %get3A_289, %lt3A_305 : vector<16xi32>
        %and3A_307 = arith.andi %and3A_303, %lt3A_306 : vector<16xi1>
        %not3A = arith.constant dense<true> : vector<16xi1>
        %not3A_308 = arith.xori %lt3A_306, %not3A : vector<16xi1>
        %and3A_309 = arith.andi %and3A_303, %not3A_308 : vector<16xi1>
        %mul3A_310 = arith.constant 256 : i32
        %mul3A_311 = vector.broadcast %mul3A_310 : i32 to vector<16xi32>
        %mul3A_312 = arith.muli %get3A_289, %mul3A_311 : vector<16xi32>
        %add3A_313 = arith.addi %mul3A_312, %sub3A_297 : vector<16xi32>
        %swap3A_314 = arith.index_cast %scan3A_284 : i32 to index
        %swap3A_315 = tpu.vector_load %arg11[%swap3A_314] masked %and3A_307 {strides = array<i32>} : memref<1600xi32, #tpu.memory_space<vmem>>, vector<16xi32>, vector<16xi1>
        tpu.vector_store %arg11[%swap3A_314], %add3A_313 masked %and3A_307 {strides = array<i32>} : memref<1600xi32, #tpu.memory_space<vmem>>, vector<16xi32>, vector<16xi1>
        %swap3A_316 = arith.index_cast %scan3A_284 : i32 to index
        %swap3A_317 = tpu.vector_load %arg12[%swap3A_316] masked %and3A_307 {strides = array<i32>} : memref<1600xf32, #tpu.memory_space<vmem>>, vector<16xf32>, vector<16xi1>
        tpu.vector_store %arg12[%swap3A_316], %get3A_295 masked %and3A_307 {strides = array<i32>} : memref<1600xf32, #tpu.memory_space<vmem>>, vector<16xf32>, vector<16xi1>
        %all_reduce_population_count3A = tpu.all_reduce %and3A_307 {dim = 0 : i64, kind = #tpu.reduction_kind<sum>} : vector<16xi1> -> vector<16xi32>
        %slice3A = vector.extract_strided_slice %all_reduce_population_count3A {offsets = [0], sizes = [1], strides = [1]} : vector<16xi32> to vector<1xi32>
        %squeeze3A = vector.extract %slice3A[0] : i32 from vector<1xi32>
        %add3A_318 = arith.addi %scan3A_284, %squeeze3A : i32
        %sub3A_319 = arith.constant 23040000 : i32
        %sub3A_320 = vector.broadcast %sub3A_319 : i32 to vector<16xi32>
        %sub3A_321 = arith.subi %add3A_313, %sub3A_320 : vector<16xi32>
        %swap3A_322 = arith.index_cast %scan3A_285 : i32 to index
        %swap3A_323 = tpu.vector_load %arg13[%swap3A_322] masked %and3A_309 {strides = array<i32>} : memref<576xi32, #tpu.memory_space<vmem>>, vector<16xi32>, vector<16xi1>
        tpu.vector_store %arg13[%swap3A_322], %sub3A_321 masked %and3A_309 {strides = array<i32>} : memref<576xi32, #tpu.memory_space<vmem>>, vector<16xi32>, vector<16xi1>
        %swap3A_324 = arith.index_cast %scan3A_285 : i32 to index
        %swap3A_325 = tpu.vector_load %arg14[%swap3A_324] masked %and3A_309 {strides = array<i32>} : memref<576xf32, #tpu.memory_space<vmem>>, vector<16xf32>, vector<16xi1>
        tpu.vector_store %arg14[%swap3A_324], %get3A_295 masked %and3A_309 {strides = array<i32>} : memref<576xf32, #tpu.memory_space<vmem>>, vector<16xf32>, vector<16xi1>
        %all_reduce_population_count3A_326 = tpu.all_reduce %and3A_309 {dim = 0 : i64, kind = #tpu.reduction_kind<sum>} : vector<16xi1> -> vector<16xi32>
        %slice3A_327 = vector.extract_strided_slice %all_reduce_population_count3A_326 {offsets = [0], sizes = [1], strides = [1]} : vector<16xi32> to vector<1xi32>
        %squeeze3A_328 = vector.extract %slice3A_327[0] : i32 from vector<1xi32>
        %add3A_329 = arith.addi %scan3A_285, %squeeze3A_328 : i32
        %gt3A = arith.constant 1520 : i32
        %gt3A_330 = arith.cmpi sgt, %add3A_318, %gt3A : i32
        %convert_element_type3A_331 = arith.extui %gt3A_330 : i1 to i32
        %cond3A_332 = arith.constant 0 : i32
        %cond3A_333 = arith.cmpi ne, %convert_element_type3A_331, %cond3A_332 : i32
        scf.if %cond3A_333 {
          %jit3A_373 = arith.constant 32 : i32
          %div3A_374 = arith.divsi %add3A_318, %jit3A_373 : i32
          %sign3A_375 = arith.constant 0 : i32
          %sign3A_376 = arith.cmpi sgt, %add3A_318, %sign3A_375 : i32
          %sign3A_377 = arith.extui %sign3A_376 : i1 to i32
          %sign3A_378 = arith.constant 0 : i32
          %sign3A_379 = arith.cmpi slt, %add3A_318, %sign3A_378 : i32
          %sign3A_380 = arith.extui %sign3A_379 : i1 to i32
          %sign3A_381 = arith.subi %sign3A_377, %sign3A_380 : i32
          %sign3A_382 = arith.constant 0 : i32
          %sign3A_383 = arith.cmpi sgt, %jit3A_373, %sign3A_382 : i32
          %sign3A_384 = arith.extui %sign3A_383 : i1 to i32
          %sign3A_385 = arith.constant 0 : i32
          %sign3A_386 = arith.cmpi slt, %jit3A_373, %sign3A_385 : i32
          %sign3A_387 = arith.extui %sign3A_386 : i1 to i32
          %sign3A_388 = arith.subi %sign3A_384, %sign3A_387 : i32
          %ne3A_389 = arith.cmpi ne, %sign3A_381, %sign3A_388 : i32
          %rem3A_390 = arith.remsi %add3A_318, %jit3A_373 : i32
          %ne3A_391 = arith.constant 0 : i32
          %ne3A_392 = arith.cmpi ne, %rem3A_390, %ne3A_391 : i32
          %and3A_393 = arith.andi %ne3A_389, %ne3A_392 : i1
          %sub3A_394 = arith.constant 1 : i32
          %sub3A_395 = arith.subi %div3A_374, %sub3A_394 : i32
          %select_n3A_396 = arith.select %and3A_393, %sub3A_395, %div3A_374 : i32
          %add3A_397 = arith.constant 1 : i32
          %add3A_398 = arith.addi %select_n3A_396, %add3A_397 : i32
          %while3A_399 = arith.constant 0 : i32
          %while3A_400 = arith.subi %add3A_398, %while3A_399 : i32
          %while3A_401 = arith.addi %while3A_399, %while3A_400 : i32
          %while3A_402 = arith.constant 1 : i32
          %while3A_403 = arith.divsi %while3A_400, %while3A_402 : i32
          %while3A_404 = arith.muli %while3A_403, %while3A_402 : i32
          %while3A_405 = arith.addi %while3A_399, %while3A_404 : i32
          %while3A_406 = arith.constant 1 : i32
          scf.for %while3A_434 = %while3A_399 to %while3A_405 step %while3A_406  : i32 {
            %and3A_435 = arith.constant 1 : i32
            %and3A_436 = arith.andi %while3A_434, %and3A_435 : i32
            %lt3A_437 = arith.cmpi slt, %while3A_434, %select_n3A_396 : i32
            %convert_element_type3A_438 = arith.extui %lt3A_437 : i1 to i32
            %cond3A_439 = arith.constant 0 : i32
            %cond3A_440 = arith.cmpi ne, %convert_element_type3A_438, %cond3A_439 : i32
            scf.if %cond3A_440 {
              %mul3A_446 = arith.constant 32 : i32
              %mul3A_447 = arith.muli %while3A_434, %mul3A_446 : i32
              %add3A_448 = arith.constant 0 : i32
              %add3A_449 = arith.addi %mul3A_447, %add3A_448 : i32
              %get3A_450 = arith.index_cast %add3A_449 : i32 to index
              %get3A_451 = tpu.vector_load %arg11[%get3A_450] {strides = array<i32>} : memref<1600xi32, #tpu.memory_space<vmem>>, vector<16xi32>,
              %shift_right_arithmetic3A = arith.constant 8 : i32
              %shift_right_arithmetic3A_452 = vector.broadcast %shift_right_arithmetic3A : i32 to vector<16xi32>
              %shift_right_arithmetic3A_453 = arith.shrsi %get3A_451, %shift_right_arithmetic3A_452 : vector<16xi32>
              %swap3A_454 = arith.index_cast %and3A_436 : i32 to index
              %swap3A_455 = arith.constant 0 : index
              %swap3A_456 = tpu.vector_load %arg15[%swap3A_454, %swap3A_455] {strides = array<i32>} : memref<2x32xi32, #tpu.memory_space<vmem>>, vector<16xi32>,
              tpu.vector_store %arg15[%swap3A_454, %swap3A_455], %shift_right_arithmetic3A_453 {strides = array<i32>} : memref<2x32xi32, #tpu.memory_space<vmem>>, vector<16xi32>,
              %add3A_457 = arith.constant 16 : i32
              %add3A_458 = arith.addi %mul3A_447, %add3A_457 : i32
              %get3A_459 = arith.index_cast %add3A_458 : i32 to index
              %get3A_460 = tpu.vector_load %arg11[%get3A_459] {strides = array<i32>} : memref<1600xi32, #tpu.memory_space<vmem>>, vector<16xi32>,
              %shift_right_arithmetic3A_461 = arith.constant 8 : i32
              %shift_right_arithmetic3A_462 = vector.broadcast %shift_right_arithmetic3A_461 : i32 to vector<16xi32>
              %shift_right_arithmetic3A_463 = arith.shrsi %get3A_460, %shift_right_arithmetic3A_462 : vector<16xi32>
              %swap3A_464 = arith.index_cast %and3A_436 : i32 to index
              %swap3A_465 = arith.constant 16 : index
              %swap3A_466 = tpu.vector_load %arg15[%swap3A_464, %swap3A_465] {strides = array<i32>} : memref<2x32xi32, #tpu.memory_space<vmem>>, vector<16xi32>,
              tpu.vector_store %arg15[%swap3A_464, %swap3A_465], %shift_right_arithmetic3A_463 {strides = array<i32>} : memref<2x32xi32, #tpu.memory_space<vmem>>, vector<16xi32>,
              %dma_start3A_467 = arith.constant 0 : i32
              %dma_start3A_468 = arith.constant 0 : i32
              %dma_start3A_469 = tpu.memref_slice %arg17[%and3A_436, %dma_start3A_467, %dma_start3A_468] : memref<2x32x256xf32, #tpu.memory_space<vmem>> -> memref<1x32x256xf32, #tpu.memory_space<vmem>>
              %dma_start3A_470 = tpu.memref_squeeze %dma_start3A_469 : memref<1x32x256xf32, #tpu.memory_space<vmem>> -> memref<32x256xf32, #tpu.memory_space<vmem>>
              %dma_start3A_471 = arith.constant 0 : i32
              %dma_start3A_472 = tpu.memref_slice %arg15[%and3A_436, %dma_start3A_471] : memref<2x32xi32, #tpu.memory_space<vmem>> -> memref<1x32xi32, #tpu.memory_space<vmem>>
              %dma_start3A_473 = tpu.memref_squeeze %dma_start3A_472 : memref<1x32xi32, #tpu.memory_space<vmem>> -> memref<32xi32, #tpu.memory_space<vmem>>
              %dma_start3A_474 = arith.constant 0 : i32
              %dma_start3A_475 = arith.constant 0 : i32
              %dma_start3A_476 = tpu.memref_slice %arg4[%dma_start3A_474, %dma_start3A_475] : memref<90000x256xf32, #tpu.memory_space<hbm>> -> memref<90000x256xf32, #tpu.memory_space<hbm>>
              %dma_start3A_477 = tpu.memref_slice %arg21[%and3A_436] : memref<2x!tpu.dma_semaphore, #tpu.memory_space<semaphore_mem>> -> memref<1x!tpu.dma_semaphore, #tpu.memory_space<semaphore_mem>>
              %dma_start3A_478 = tpu.memref_squeeze %dma_start3A_477 : memref<1x!tpu.dma_semaphore, #tpu.memory_space<semaphore_mem>> -> memref<!tpu.dma_semaphore, #tpu.memory_space<semaphore_mem>>
              tpu.enqueue_indirect_dma source(%dma_start3A_476 : memref<90000x256xf32, #tpu.memory_space<hbm>>) target(%dma_start3A_470 : memref<32x256xf32, #tpu.memory_space<vmem>>) offsets(%dma_start3A_473 : memref<32xi32, #tpu.memory_space<vmem>>) semaphore(%dma_start3A_478 : memref<!tpu.dma_semaphore, #tpu.memory_space<semaphore_mem>>)
            } else {
            }
            %gt3A_441 = arith.constant 0 : i32
            %gt3A_442 = arith.cmpi sgt, %while3A_434, %gt3A_441 : i32
            %convert_element_type3A_443 = arith.extui %gt3A_442 : i1 to i32
            %cond3A_444 = arith.constant 0 : i32
            %cond3A_445 = arith.cmpi ne, %convert_element_type3A_443, %cond3A_444 : i32
            scf.if %cond3A_445 {
              %sub3A_446 = arith.constant 1 : i32
              %sub3A_447 = arith.subi %while3A_434, %sub3A_446 : i32
              %and3A_448 = arith.constant 1 : i32
              %and3A_449 = arith.andi %sub3A_447, %and3A_448 : i32
              %sub3A_450 = arith.constant 1 : i32
              %sub3A_451 = arith.subi %while3A_434, %sub3A_450 : i32
              %mul3A_452 = arith.constant 32 : i32
              %mul3A_453 = arith.muli %sub3A_451, %mul3A_452 : i32
              %dma_wait3A_454 = arith.constant 0 : i32
              %dma_wait3A_455 = arith.constant 0 : i32
              %dma_wait3A_456 = tpu.memref_slice %arg17[%and3A_449, %dma_wait3A_454, %dma_wait3A_455] : memref<2x32x256xf32, #tpu.memory_space<vmem>> -> memref<1x32x256xf32, #tpu.memory_space<vmem>>
              %dma_wait3A_457 = tpu.memref_squeeze %dma_wait3A_456 : memref<1x32x256xf32, #tpu.memory_space<vmem>> -> memref<32x256xf32, #tpu.memory_space<vmem>>
              %dma_wait3A_458 = arith.constant 0 : i32
              %dma_wait3A_459 = tpu.memref_slice %arg15[%and3A_449, %dma_wait3A_458] : memref<2x32xi32, #tpu.memory_space<vmem>> -> memref<1x32xi32, #tpu.memory_space<vmem>>
              %dma_wait3A_460 = tpu.memref_squeeze %dma_wait3A_459 : memref<1x32xi32, #tpu.memory_space<vmem>> -> memref<32xi32, #tpu.memory_space<vmem>>
              %dma_wait3A_461 = arith.constant 0 : i32
              %dma_wait3A_462 = arith.constant 0 : i32
              %dma_wait3A_463 = tpu.memref_slice %arg4[%dma_wait3A_461, %dma_wait3A_462] : memref<90000x256xf32, #tpu.memory_space<hbm>> -> memref<90000x256xf32, #tpu.memory_space<hbm>>
              %dma_wait3A_464 = tpu.memref_slice %arg21[%and3A_449] : memref<2x!tpu.dma_semaphore, #tpu.memory_space<semaphore_mem>> -> memref<1x!tpu.dma_semaphore, #tpu.memory_space<semaphore_mem>>
              %dma_wait3A_465 = tpu.memref_squeeze %dma_wait3A_464 : memref<1x!tpu.dma_semaphore, #tpu.memory_space<semaphore_mem>> -> memref<!tpu.dma_semaphore, #tpu.memory_space<semaphore_mem>>
              tpu.wait_indirect_dma semaphore(%dma_wait3A_465 : memref<!tpu.dma_semaphore, #tpu.memory_space<semaphore_mem>>) src(%dma_wait3A_463 : memref<90000x256xf32, #tpu.memory_space<hbm>>) dst(%dma_wait3A_457 : memref<32x256xf32, #tpu.memory_space<vmem>>)
              %parallel_loop3A = arith.constant 0 : i32
              %parallel_loop3A_466 = arith.constant 32 : i32
              %parallel_loop3A_467 = arith.constant 1 : i32
              scf.for %parallel_loop3A_468 = %parallel_loop3A to %parallel_loop3A_466 step %parallel_loop3A_467  : i32 {
                %parallel_loop3A_469 = arith.addi %mul3A_453, %parallel_loop3A_468 : i32
                %parallel_loop3A_470 = vector.broadcast %parallel_loop3A_469 : i32 to vector<16xi32>
                %parallel_loop3A_471 = tpu.vector_load_idx %arg11[%parallel_loop3A_470] : memref<1600xi32, #tpu.memory_space<vmem>>[vector<16xi32>], vector<16xi32>,
                %parallel_loop3A_472 = arith.constant 255 : i32
                %parallel_loop3A_473 = vector.broadcast %parallel_loop3A_472 : i32 to vector<16xi32>
                %parallel_loop3A_474 = arith.andi %parallel_loop3A_471, %parallel_loop3A_473 : vector<16xi32>
                %parallel_loop3A_475 = arith.addi %mul3A_453, %parallel_loop3A_468 : i32
                %parallel_loop3A_476 = vector.broadcast %parallel_loop3A_475 : i32 to vector<16xi32>
                %parallel_loop3A_477 = tpu.vector_load_idx %arg12[%parallel_loop3A_476] : memref<1600xf32, #tpu.memory_space<vmem>>[vector<16xi32>], vector<16xf32>,
                %parallel_loop3A_478 = arith.index_cast %and3A_449 : i32 to index
                %parallel_loop3A_479 = arith.index_cast %parallel_loop3A_468 : i32 to index
                %parallel_loop3A_480 = arith.constant 0 : index
                %parallel_loop3A_481 = tpu.vector_load %arg17[%parallel_loop3A_478, %parallel_loop3A_479, %parallel_loop3A_480] {strides = array<i32>} : memref<2x32x256xf32, #tpu.memory_space<vmem>>, vector<16xf32>,
                %parallel_loop3A_482 = arith.mulf %parallel_loop3A_481, %parallel_loop3A_477 : vector<16xf32>
                %parallel_loop3A_483 = arith.constant 0 : i32
                %parallel_loop3A_484 = vector.broadcast %parallel_loop3A_483 : i32 to vector<16xi32>
                %parallel_loop3A_485 = arith.addi %iota3A, %parallel_loop3A_484 : vector<16xi32>
                tpu.vector_store_idx %arg19[%parallel_loop3A_474, %parallel_loop3A_485], %parallel_loop3A_482 {add = true} : memref<256x256xf32, #tpu.memory_space<vmem>>[vector<16xi32>, vector<16xi32>], vector<16xf32>,
                %parallel_loop3A_486 = arith.index_cast %and3A_449 : i32 to index
                %parallel_loop3A_487 = arith.index_cast %parallel_loop3A_468 : i32 to index
                %parallel_loop3A_488 = arith.constant 16 : index
                %parallel_loop3A_489 = tpu.vector_load %arg17[%parallel_loop3A_486, %parallel_loop3A_487, %parallel_loop3A_488] {strides = array<i32>} : memref<2x32x256xf32, #tpu.memory_space<vmem>>, vector<16xf32>,
                %parallel_loop3A_490 = arith.mulf %parallel_loop3A_489, %parallel_loop3A_477 : vector<16xf32>
                %parallel_loop3A_491 = arith.constant 16 : i32
                %parallel_loop3A_492 = vector.broadcast %parallel_loop3A_491 : i32 to vector<16xi32>
                %parallel_loop3A_493 = arith.addi %iota3A, %parallel_loop3A_492 : vector<16xi32>
                tpu.vector_store_idx %arg19[%parallel_loop3A_474, %parallel_loop3A_493], %parallel_loop3A_490 {add = true} : memref<256x256xf32, #tpu.memory_space<vmem>>[vector<16xi32>, vector<16xi32>], vector<16xf32>,
                %parallel_loop3A_494 = arith.index_cast %and3A_449 : i32 to index
                %parallel_loop3A_495 = arith.index_cast %parallel_loop3A_468 : i32 to index
                %parallel_loop3A_496 = arith.constant 32 : index
                %parallel_loop3A_497 = tpu.vector_load %arg17[%parallel_loop3A_494, %parallel_loop3A_495, %parallel_loop3A_496] {strides = array<i32>} : memref<2x32x256xf32, #tpu.memory_space<vmem>>, vector<16xf32>,
                %parallel_loop3A_498 = arith.mulf %parallel_loop3A_497, %parallel_loop3A_477 : vector<16xf32>
                %parallel_loop3A_499 = arith.constant 32 : i32
                %parallel_loop3A_500 = vector.broadcast %parallel_loop3A_499 : i32 to vector<16xi32>
                %parallel_loop3A_501 = arith.addi %iota3A, %parallel_loop3A_500 : vector<16xi32>
                tpu.vector_store_idx %arg19[%parallel_loop3A_474, %parallel_loop3A_501], %parallel_loop3A_498 {add = true} : memref<256x256xf32, #tpu.memory_space<vmem>>[vector<16xi32>, vector<16xi32>], vector<16xf32>,
                %parallel_loop3A_502 = arith.index_cast %and3A_449 : i32 to index
                %parallel_loop3A_503 = arith.index_cast %parallel_loop3A_468 : i32 to index
                %parallel_loop3A_504 = arith.constant 48 : index
                %parallel_loop3A_505 = tpu.vector_load %arg17[%parallel_loop3A_502, %parallel_loop3A_503, %parallel_loop3A_504] {strides = array<i32>} : memref<2x32x256xf32, #tpu.memory_space<vmem>>, vector<16xf32>,
                %parallel_loop3A_506 = arith.mulf %parallel_loop3A_505, %parallel_loop3A_477 : vector<16xf32>
                %parallel_loop3A_507 = arith.constant 48 : i32
                %parallel_loop3A_508 = vector.broadcast %parallel_loop3A_507 : i32 to vector<16xi32>
                %parallel_loop3A_509 = arith.addi %iota3A, %parallel_loop3A_508 : vector<16xi32>
                tpu.vector_store_idx %arg19[%parallel_loop3A_474, %parallel_loop3A_509], %parallel_loop3A_506 {add = true} : memref<256x256xf32, #tpu.memory_space<vmem>>[vector<16xi32>, vector<16xi32>], vector<16xf32>,
                %parallel_loop3A_510 = arith.index_cast %and3A_449 : i32 to index
                %parallel_loop3A_511 = arith.index_cast %parallel_loop3A_468 : i32 to index
                %parallel_loop3A_512 = arith.constant 64 : index
                %parallel_loop3A_513 = tpu.vector_load %arg17[%parallel_loop3A_510, %parallel_loop3A_511, %parallel_loop3A_512] {strides = array<i32>} : memref<2x32x256xf32, #tpu.memory_space<vmem>>, vector<16xf32>,
                %parallel_loop3A_514 = arith.mulf %parallel_loop3A_513, %parallel_loop3A_477 : vector<16xf32>
                %parallel_loop3A_515 = arith.constant 64 : i32
                %parallel_loop3A_516 = vector.broadcast %parallel_loop3A_515 : i32 to vector<16xi32>
                %parallel_loop3A_517 = arith.addi %iota3A, %parallel_loop3A_516 : vector<16xi32>
                tpu.vector_store_idx %arg19[%parallel_loop3A_474, %parallel_loop3A_517], %parallel_loop3A_514 {add = true} : memref<256x256xf32, #tpu.memory_space<vmem>>[vector<16xi32>, vector<16xi32>], vector<16xf32>,
                %parallel_loop3A_518 = arith.index_cast %and3A_449 : i32 to index
                %parallel_loop3A_519 = arith.index_cast %parallel_loop3A_468 : i32 to index
                %parallel_loop3A_520 = arith.constant 80 : index
                %parallel_loop3A_521 = tpu.vector_load %arg17[%parallel_loop3A_518, %parallel_loop3A_519, %parallel_loop3A_520] {strides = array<i32>} : memref<2x32x256xf32, #tpu.memory_space<vmem>>, vector<16xf32>,
                %parallel_loop3A_522 = arith.mulf %parallel_loop3A_521, %parallel_loop3A_477 : vector<16xf32>
                %parallel_loop3A_523 = arith.constant 80 : i32
                %parallel_loop3A_524 = vector.broadcast %parallel_loop3A_523 : i32 to vector<16xi32>
                %parallel_loop3A_525 = arith.addi %iota3A, %parallel_loop3A_524 : vector<16xi32>
                tpu.vector_store_idx %arg19[%parallel_loop3A_474, %parallel_loop3A_525], %parallel_loop3A_522 {add = true} : memref<256x256xf32, #tpu.memory_space<vmem>>[vector<16xi32>, vector<16xi32>], vector<16xf32>,
                %parallel_loop3A_526 = arith.index_cast %and3A_449 : i32 to index
                %parallel_loop3A_527 = arith.index_cast %parallel_loop3A_468 : i32 to index
                %parallel_loop3A_528 = arith.constant 96 : index
                %parallel_loop3A_529 = tpu.vector_load %arg17[%parallel_loop3A_526, %parallel_loop3A_527, %parallel_loop3A_528] {strides = array<i32>} : memref<2x32x256xf32, #tpu.memory_space<vmem>>, vector<16xf32>,
                %parallel_loop3A_530 = arith.mulf %parallel_loop3A_529, %parallel_loop3A_477 : vector<16xf32>
                %parallel_loop3A_531 = arith.constant 96 : i32
                %parallel_loop3A_532 = vector.broadcast %parallel_loop3A_531 : i32 to vector<16xi32>
                %parallel_loop3A_533 = arith.addi %iota3A, %parallel_loop3A_532 : vector<16xi32>
                tpu.vector_store_idx %arg19[%parallel_loop3A_474, %parallel_loop3A_533], %parallel_loop3A_530 {add = true} : memref<256x256xf32, #tpu.memory_space<vmem>>[vector<16xi32>, vector<16xi32>], vector<16xf32>,
                %parallel_loop3A_534 = arith.index_cast %and3A_449 : i32 to index
                %parallel_loop3A_535 = arith.index_cast %parallel_loop3A_468 : i32 to index
                %parallel_loop3A_536 = arith.constant 112 : index
                %parallel_loop3A_537 = tpu.vector_load %arg17[%parallel_loop3A_534, %parallel_loop3A_535, %parallel_loop3A_536] {strides = array<i32>} : memref<2x32x256xf32, #tpu.memory_space<vmem>>, vector<16xf32>,
                %parallel_loop3A_538 = arith.mulf %parallel_loop3A_537, %parallel_loop3A_477 : vector<16xf32>
                %parallel_loop3A_539 = arith.constant 112 : i32
                %parallel_loop3A_540 = vector.broadcast %parallel_loop3A_539 : i32 to vector<16xi32>
                %parallel_loop3A_541 = arith.addi %iota3A, %parallel_loop3A_540 : vector<16xi32>
                tpu.vector_store_idx %arg19[%parallel_loop3A_474, %parallel_loop3A_541], %parallel_loop3A_538 {add = true} : memref<256x256xf32, #tpu.memory_space<vmem>>[vector<16xi32>, vector<16xi32>], vector<16xf32>,
                %parallel_loop3A_542 = arith.index_cast %and3A_449 : i32 to index
                %parallel_loop3A_543 = arith.index_cast %parallel_loop3A_468 : i32 to index
                %parallel_loop3A_544 = arith.constant 128 : index
                %parallel_loop3A_545 = tpu.vector_load %arg17[%parallel_loop3A_542, %parallel_loop3A_543, %parallel_loop3A_544] {strides = array<i32>} : memref<2x32x256xf32, #tpu.memory_space<vmem>>, vector<16xf32>,
                %parallel_loop3A_546 = arith.mulf %parallel_loop3A_545, %parallel_loop3A_477 : vector<16xf32>
                %parallel_loop3A_547 = arith.constant 128 : i32
                %parallel_loop3A_548 = vector.broadcast %parallel_loop3A_547 : i32 to vector<16xi32>
                %parallel_loop3A_549 = arith.addi %iota3A, %parallel_loop3A_548 : vector<16xi32>
                tpu.vector_store_idx %arg19[%parallel_loop3A_474, %parallel_loop3A_549], %parallel_loop3A_546 {add = true} : memref<256x256xf32, #tpu.memory_space<vmem>>[vector<16xi32>, vector<16xi32>], vector<16xf32>,
                %parallel_loop3A_550 = arith.index_cast %and3A_449 : i32 to index
                %parallel_loop3A_551 = arith.index_cast %parallel_loop3A_468 : i32 to index
                %parallel_loop3A_552 = arith.constant 144 : index
                %parallel_loop3A_553 = tpu.vector_load %arg17[%parallel_loop3A_550, %parallel_loop3A_551, %parallel_loop3A_552] {strides = array<i32>} : memref<2x32x256xf32, #tpu.memory_space<vmem>>, vector<16xf32>,
                %parallel_loop3A_554 = arith.mulf %parallel_loop3A_553, %parallel_loop3A_477 : vector<16xf32>
                %parallel_loop3A_555 = arith.constant 144 : i32
                %parallel_loop3A_556 = vector.broadcast %parallel_loop3A_555 : i32 to vector<16xi32>
                %parallel_loop3A_557 = arith.addi %iota3A, %parallel_loop3A_556 : vector<16xi32>
                tpu.vector_store_idx %arg19[%parallel_loop3A_474, %parallel_loop3A_557], %parallel_loop3A_554 {add = true} : memref<256x256xf32, #tpu.memory_space<vmem>>[vector<16xi32>, vector<16xi32>], vector<16xf32>,
                %parallel_loop3A_558 = arith.index_cast %and3A_449 : i32 to index
                %parallel_loop3A_559 = arith.index_cast %parallel_loop3A_468 : i32 to index
                %parallel_loop3A_560 = arith.constant 160 : index
                %parallel_loop3A_561 = tpu.vector_load %arg17[%parallel_loop3A_558, %parallel_loop3A_559, %parallel_loop3A_560] {strides = array<i32>} : memref<2x32x256xf32, #tpu.memory_space<vmem>>, vector<16xf32>,
                %parallel_loop3A_562 = arith.mulf %parallel_loop3A_561, %parallel_loop3A_477 : vector<16xf32>
                %parallel_loop3A_563 = arith.constant 160 : i32
                %parallel_loop3A_564 = vector.broadcast %parallel_loop3A_563 : i32 to vector<16xi32>
                %parallel_loop3A_565 = arith.addi %iota3A, %parallel_loop3A_564 : vector<16xi32>
                tpu.vector_store_idx %arg19[%parallel_loop3A_474, %parallel_loop3A_565], %parallel_loop3A_562 {add = true} : memref<256x256xf32, #tpu.memory_space<vmem>>[vector<16xi32>, vector<16xi32>], vector<16xf32>,
                %parallel_loop3A_566 = arith.index_cast %and3A_449 : i32 to index
                %parallel_loop3A_567 = arith.index_cast %parallel_loop3A_468 : i32 to index
                %parallel_loop3A_568 = arith.constant 176 : index
                %parallel_loop3A_569 = tpu.vector_load %arg17[%parallel_loop3A_566, %parallel_loop3A_567, %parallel_loop3A_568] {strides = array<i32>} : memref<2x32x256xf32, #tpu.memory_space<vmem>>, vector<16xf32>,
                %parallel_loop3A_570 = arith.mulf %parallel_loop3A_569, %parallel_loop3A_477 : vector<16xf32>
                %parallel_loop3A_571 = arith.constant 176 : i32
                %parallel_loop3A_572 = vector.broadcast %parallel_loop3A_571 : i32 to vector<16xi32>
                %parallel_loop3A_573 = arith.addi %iota3A, %parallel_loop3A_572 : vector<16xi32>
                tpu.vector_store_idx %arg19[%parallel_loop3A_474, %parallel_loop3A_573], %parallel_loop3A_570 {add = true} : memref<256x256xf32, #tpu.memory_space<vmem>>[vector<16xi32>, vector<16xi32>], vector<16xf32>,
                %parallel_loop3A_574 = arith.index_cast %and3A_449 : i32 to index
                %parallel_loop3A_575 = arith.index_cast %parallel_loop3A_468 : i32 to index
                %parallel_loop3A_576 = arith.constant 192 : index
                %parallel_loop3A_577 = tpu.vector_load %arg17[%parallel_loop3A_574, %parallel_loop3A_575, %parallel_loop3A_576] {strides = array<i32>} : memref<2x32x256xf32, #tpu.memory_space<vmem>>, vector<16xf32>,
                %parallel_loop3A_578 = arith.mulf %parallel_loop3A_577, %parallel_loop3A_477 : vector<16xf32>
                %parallel_loop3A_579 = arith.constant 192 : i32
                %parallel_loop3A_580 = vector.broadcast %parallel_loop3A_579 : i32 to vector<16xi32>
                %parallel_loop3A_581 = arith.addi %iota3A, %parallel_loop3A_580 : vector<16xi32>
                tpu.vector_store_idx %arg19[%parallel_loop3A_474, %parallel_loop3A_581], %parallel_loop3A_578 {add = true} : memref<256x256xf32, #tpu.memory_space<vmem>>[vector<16xi32>, vector<16xi32>], vector<16xf32>,
                %parallel_loop3A_582 = arith.index_cast %and3A_449 : i32 to index
                %parallel_loop3A_583 = arith.index_cast %parallel_loop3A_468 : i32 to index
                %parallel_loop3A_584 = arith.constant 208 : index
                %parallel_loop3A_585 = tpu.vector_load %arg17[%parallel_loop3A_582, %parallel_loop3A_583, %parallel_loop3A_584] {strides = array<i32>} : memref<2x32x256xf32, #tpu.memory_space<vmem>>, vector<16xf32>,
                %parallel_loop3A_586 = arith.mulf %parallel_loop3A_585, %parallel_loop3A_477 : vector<16xf32>
                %parallel_loop3A_587 = arith.constant 208 : i32
                %parallel_loop3A_588 = vector.broadcast %parallel_loop3A_587 : i32 to vector<16xi32>
                %parallel_loop3A_589 = arith.addi %iota3A, %parallel_loop3A_588 : vector<16xi32>
                tpu.vector_store_idx %arg19[%parallel_loop3A_474, %parallel_loop3A_589], %parallel_loop3A_586 {add = true} : memref<256x256xf32, #tpu.memory_space<vmem>>[vector<16xi32>, vector<16xi32>], vector<16xf32>,
                %parallel_loop3A_590 = arith.index_cast %and3A_449 : i32 to index
                %parallel_loop3A_591 = arith.index_cast %parallel_loop3A_468 : i32 to index
                %parallel_loop3A_592 = arith.constant 224 : index
                %parallel_loop3A_593 = tpu.vector_load %arg17[%parallel_loop3A_590, %parallel_loop3A_591, %parallel_loop3A_592] {strides = array<i32>} : memref<2x32x256xf32, #tpu.memory_space<vmem>>, vector<16xf32>,
                %parallel_loop3A_594 = arith.mulf %parallel_loop3A_593, %parallel_loop3A_477 : vector<16xf32>
                %parallel_loop3A_595 = arith.constant 224 : i32
                %parallel_loop3A_596 = vector.broadcast %parallel_loop3A_595 : i32 to vector<16xi32>
                %parallel_loop3A_597 = arith.addi %iota3A, %parallel_loop3A_596 : vector<16xi32>
                tpu.vector_store_idx %arg19[%parallel_loop3A_474, %parallel_loop3A_597], %parallel_loop3A_594 {add = true} : memref<256x256xf32, #tpu.memory_space<vmem>>[vector<16xi32>, vector<16xi32>], vector<16xf32>,
                %parallel_loop3A_598 = arith.index_cast %and3A_449 : i32 to index
                %parallel_loop3A_599 = arith.index_cast %parallel_loop3A_468 : i32 to index
                %parallel_loop3A_600 = arith.constant 240 : index
                %parallel_loop3A_601 = tpu.vector_load %arg17[%parallel_loop3A_598, %parallel_loop3A_599, %parallel_loop3A_600] {strides = array<i32>} : memref<2x32x256xf32, #tpu.memory_space<vmem>>, vector<16xf32>,
                %parallel_loop3A_602 = arith.mulf %parallel_loop3A_601, %parallel_loop3A_477 : vector<16xf32>
                %parallel_loop3A_603 = arith.constant 240 : i32
                %parallel_loop3A_604 = vector.broadcast %parallel_loop3A_603 : i32 to vector<16xi32>
                %parallel_loop3A_605 = arith.addi %iota3A, %parallel_loop3A_604 : vector<16xi32>
                tpu.vector_store_idx %arg19[%parallel_loop3A_474, %parallel_loop3A_605], %parallel_loop3A_602 {add = true} : memref<256x256xf32, #tpu.memory_space<vmem>>[vector<16xi32>, vector<16xi32>], vector<16xf32>,
              } {sc.loop_unroll_factor = 4 : i64, sc.parallel_access}
            } else {
            }
          }
          %while3A_407 = arith.constant 1 : i32
          scf.for %while3A_434 = %while3A_405 to %while3A_401 step %while3A_407  : i32 {
            %and3A_435 = arith.constant 1 : i32
            %and3A_436 = arith.andi %while3A_434, %and3A_435 : i32
            %lt3A_437 = arith.cmpi slt, %while3A_434, %select_n3A_396 : i32
            %convert_element_type3A_438 = arith.extui %lt3A_437 : i1 to i32
            %cond3A_439 = arith.constant 0 : i32
            %cond3A_440 = arith.cmpi ne, %convert_element_type3A_438, %cond3A_439 : i32
            scf.if %cond3A_440 {
              %mul3A_446 = arith.constant 32 : i32
              %mul3A_447 = arith.muli %while3A_434, %mul3A_446 : i32
              %add3A_448 = arith.constant 0 : i32
              %add3A_449 = arith.addi %mul3A_447, %add3A_448 : i32
              %get3A_450 = arith.index_cast %add3A_449 : i32 to index
              %get3A_451 = tpu.vector_load %arg11[%get3A_450] {strides = array<i32>} : memref<1600xi32, #tpu.memory_space<vmem>>, vector<16xi32>,
              %shift_right_arithmetic3A = arith.constant 8 : i32
              %shift_right_arithmetic3A_452 = vector.broadcast %shift_right_arithmetic3A : i32 to vector<16xi32>
              %shift_right_arithmetic3A_453 = arith.shrsi %get3A_451, %shift_right_arithmetic3A_452 : vector<16xi32>
              %swap3A_454 = arith.index_cast %and3A_436 : i32 to index
              %swap3A_455 = arith.constant 0 : index
              %swap3A_456 = tpu.vector_load %arg15[%swap3A_454, %swap3A_455] {strides = array<i32>} : memref<2x32xi32, #tpu.memory_space<vmem>>, vector<16xi32>,
              tpu.vector_store %arg15[%swap3A_454, %swap3A_455], %shift_right_arithmetic3A_453 {strides = array<i32>} : memref<2x32xi32, #tpu.memory_space<vmem>>, vector<16xi32>,
              %add3A_457 = arith.constant 16 : i32
              %add3A_458 = arith.addi %mul3A_447, %add3A_457 : i32
              %get3A_459 = arith.index_cast %add3A_458 : i32 to index
              %get3A_460 = tpu.vector_load %arg11[%get3A_459] {strides = array<i32>} : memref<1600xi32, #tpu.memory_space<vmem>>, vector<16xi32>,
              %shift_right_arithmetic3A_461 = arith.constant 8 : i32
              %shift_right_arithmetic3A_462 = vector.broadcast %shift_right_arithmetic3A_461 : i32 to vector<16xi32>
              %shift_right_arithmetic3A_463 = arith.shrsi %get3A_460, %shift_right_arithmetic3A_462 : vector<16xi32>
              %swap3A_464 = arith.index_cast %and3A_436 : i32 to index
              %swap3A_465 = arith.constant 16 : index
              %swap3A_466 = tpu.vector_load %arg15[%swap3A_464, %swap3A_465] {strides = array<i32>} : memref<2x32xi32, #tpu.memory_space<vmem>>, vector<16xi32>,
              tpu.vector_store %arg15[%swap3A_464, %swap3A_465], %shift_right_arithmetic3A_463 {strides = array<i32>} : memref<2x32xi32, #tpu.memory_space<vmem>>, vector<16xi32>,
              %dma_start3A_467 = arith.constant 0 : i32
              %dma_start3A_468 = arith.constant 0 : i32
              %dma_start3A_469 = tpu.memref_slice %arg17[%and3A_436, %dma_start3A_467, %dma_start3A_468] : memref<2x32x256xf32, #tpu.memory_space<vmem>> -> memref<1x32x256xf32, #tpu.memory_space<vmem>>
              %dma_start3A_470 = tpu.memref_squeeze %dma_start3A_469 : memref<1x32x256xf32, #tpu.memory_space<vmem>> -> memref<32x256xf32, #tpu.memory_space<vmem>>
              %dma_start3A_471 = arith.constant 0 : i32
              %dma_start3A_472 = tpu.memref_slice %arg15[%and3A_436, %dma_start3A_471] : memref<2x32xi32, #tpu.memory_space<vmem>> -> memref<1x32xi32, #tpu.memory_space<vmem>>
              %dma_start3A_473 = tpu.memref_squeeze %dma_start3A_472 : memref<1x32xi32, #tpu.memory_space<vmem>> -> memref<32xi32, #tpu.memory_space<vmem>>
              %dma_start3A_474 = arith.constant 0 : i32
              %dma_start3A_475 = arith.constant 0 : i32
              %dma_start3A_476 = tpu.memref_slice %arg4[%dma_start3A_474, %dma_start3A_475] : memref<90000x256xf32, #tpu.memory_space<hbm>> -> memref<90000x256xf32, #tpu.memory_space<hbm>>
              %dma_start3A_477 = tpu.memref_slice %arg21[%and3A_436] : memref<2x!tpu.dma_semaphore, #tpu.memory_space<semaphore_mem>> -> memref<1x!tpu.dma_semaphore, #tpu.memory_space<semaphore_mem>>
              %dma_start3A_478 = tpu.memref_squeeze %dma_start3A_477 : memref<1x!tpu.dma_semaphore, #tpu.memory_space<semaphore_mem>> -> memref<!tpu.dma_semaphore, #tpu.memory_space<semaphore_mem>>
              tpu.enqueue_indirect_dma source(%dma_start3A_476 : memref<90000x256xf32, #tpu.memory_space<hbm>>) target(%dma_start3A_470 : memref<32x256xf32, #tpu.memory_space<vmem>>) offsets(%dma_start3A_473 : memref<32xi32, #tpu.memory_space<vmem>>) semaphore(%dma_start3A_478 : memref<!tpu.dma_semaphore, #tpu.memory_space<semaphore_mem>>)
            } else {
            }
            %gt3A_441 = arith.constant 0 : i32
            %gt3A_442 = arith.cmpi sgt, %while3A_434, %gt3A_441 : i32
            %convert_element_type3A_443 = arith.extui %gt3A_442 : i1 to i32
            %cond3A_444 = arith.constant 0 : i32
            %cond3A_445 = arith.cmpi ne, %convert_element_type3A_443, %cond3A_444 : i32
            scf.if %cond3A_445 {
              %sub3A_446 = arith.constant 1 : i32
              %sub3A_447 = arith.subi %while3A_434, %sub3A_446 : i32
              %and3A_448 = arith.constant 1 : i32
              %and3A_449 = arith.andi %sub3A_447, %and3A_448 : i32
              %sub3A_450 = arith.constant 1 : i32
              %sub3A_451 = arith.subi %while3A_434, %sub3A_450 : i32
              %mul3A_452 = arith.constant 32 : i32
              %mul3A_453 = arith.muli %sub3A_451, %mul3A_452 : i32
              %dma_wait3A_454 = arith.constant 0 : i32
              %dma_wait3A_455 = arith.constant 0 : i32
              %dma_wait3A_456 = tpu.memref_slice %arg17[%and3A_449, %dma_wait3A_454, %dma_wait3A_455] : memref<2x32x256xf32, #tpu.memory_space<vmem>> -> memref<1x32x256xf32, #tpu.memory_space<vmem>>
              %dma_wait3A_457 = tpu.memref_squeeze %dma_wait3A_456 : memref<1x32x256xf32, #tpu.memory_space<vmem>> -> memref<32x256xf32, #tpu.memory_space<vmem>>
              %dma_wait3A_458 = arith.constant 0 : i32
              %dma_wait3A_459 = tpu.memref_slice %arg15[%and3A_449, %dma_wait3A_458] : memref<2x32xi32, #tpu.memory_space<vmem>> -> memref<1x32xi32, #tpu.memory_space<vmem>>
              %dma_wait3A_460 = tpu.memref_squeeze %dma_wait3A_459 : memref<1x32xi32, #tpu.memory_space<vmem>> -> memref<32xi32, #tpu.memory_space<vmem>>
              %dma_wait3A_461 = arith.constant 0 : i32
              %dma_wait3A_462 = arith.constant 0 : i32
              %dma_wait3A_463 = tpu.memref_slice %arg4[%dma_wait3A_461, %dma_wait3A_462] : memref<90000x256xf32, #tpu.memory_space<hbm>> -> memref<90000x256xf32, #tpu.memory_space<hbm>>
              %dma_wait3A_464 = tpu.memref_slice %arg21[%and3A_449] : memref<2x!tpu.dma_semaphore, #tpu.memory_space<semaphore_mem>> -> memref<1x!tpu.dma_semaphore, #tpu.memory_space<semaphore_mem>>
              %dma_wait3A_465 = tpu.memref_squeeze %dma_wait3A_464 : memref<1x!tpu.dma_semaphore, #tpu.memory_space<semaphore_mem>> -> memref<!tpu.dma_semaphore, #tpu.memory_space<semaphore_mem>>
              tpu.wait_indirect_dma semaphore(%dma_wait3A_465 : memref<!tpu.dma_semaphore, #tpu.memory_space<semaphore_mem>>) src(%dma_wait3A_463 : memref<90000x256xf32, #tpu.memory_space<hbm>>) dst(%dma_wait3A_457 : memref<32x256xf32, #tpu.memory_space<vmem>>)
              %parallel_loop3A = arith.constant 0 : i32
              %parallel_loop3A_466 = arith.constant 32 : i32
              %parallel_loop3A_467 = arith.constant 1 : i32
              scf.for %parallel_loop3A_468 = %parallel_loop3A to %parallel_loop3A_466 step %parallel_loop3A_467  : i32 {
                %parallel_loop3A_469 = arith.addi %mul3A_453, %parallel_loop3A_468 : i32
                %parallel_loop3A_470 = vector.broadcast %parallel_loop3A_469 : i32 to vector<16xi32>
                %parallel_loop3A_471 = tpu.vector_load_idx %arg11[%parallel_loop3A_470] : memref<1600xi32, #tpu.memory_space<vmem>>[vector<16xi32>], vector<16xi32>,
                %parallel_loop3A_472 = arith.constant 255 : i32
                %parallel_loop3A_473 = vector.broadcast %parallel_loop3A_472 : i32 to vector<16xi32>
                %parallel_loop3A_474 = arith.andi %parallel_loop3A_471, %parallel_loop3A_473 : vector<16xi32>
                %parallel_loop3A_475 = arith.addi %mul3A_453, %parallel_loop3A_468 : i32
                %parallel_loop3A_476 = vector.broadcast %parallel_loop3A_475 : i32 to vector<16xi32>
                %parallel_loop3A_477 = tpu.vector_load_idx %arg12[%parallel_loop3A_476] : memref<1600xf32, #tpu.memory_space<vmem>>[vector<16xi32>], vector<16xf32>,
                %parallel_loop3A_478 = arith.index_cast %and3A_449 : i32 to index
                %parallel_loop3A_479 = arith.index_cast %parallel_loop3A_468 : i32 to index
                %parallel_loop3A_480 = arith.constant 0 : index
                %parallel_loop3A_481 = tpu.vector_load %arg17[%parallel_loop3A_478, %parallel_loop3A_479, %parallel_loop3A_480] {strides = array<i32>} : memref<2x32x256xf32, #tpu.memory_space<vmem>>, vector<16xf32>,
                %parallel_loop3A_482 = arith.mulf %parallel_loop3A_481, %parallel_loop3A_477 : vector<16xf32>
                %parallel_loop3A_483 = arith.constant 0 : i32
                %parallel_loop3A_484 = vector.broadcast %parallel_loop3A_483 : i32 to vector<16xi32>
                %parallel_loop3A_485 = arith.addi %iota3A, %parallel_loop3A_484 : vector<16xi32>
                tpu.vector_store_idx %arg19[%parallel_loop3A_474, %parallel_loop3A_485], %parallel_loop3A_482 {add = true} : memref<256x256xf32, #tpu.memory_space<vmem>>[vector<16xi32>, vector<16xi32>], vector<16xf32>,
                %parallel_loop3A_486 = arith.index_cast %and3A_449 : i32 to index
                %parallel_loop3A_487 = arith.index_cast %parallel_loop3A_468 : i32 to index
                %parallel_loop3A_488 = arith.constant 16 : index
                %parallel_loop3A_489 = tpu.vector_load %arg17[%parallel_loop3A_486, %parallel_loop3A_487, %parallel_loop3A_488] {strides = array<i32>} : memref<2x32x256xf32, #tpu.memory_space<vmem>>, vector<16xf32>,
                %parallel_loop3A_490 = arith.mulf %parallel_loop3A_489, %parallel_loop3A_477 : vector<16xf32>
                %parallel_loop3A_491 = arith.constant 16 : i32
                %parallel_loop3A_492 = vector.broadcast %parallel_loop3A_491 : i32 to vector<16xi32>
                %parallel_loop3A_493 = arith.addi %iota3A, %parallel_loop3A_492 : vector<16xi32>
                tpu.vector_store_idx %arg19[%parallel_loop3A_474, %parallel_loop3A_493], %parallel_loop3A_490 {add = true} : memref<256x256xf32, #tpu.memory_space<vmem>>[vector<16xi32>, vector<16xi32>], vector<16xf32>,
                %parallel_loop3A_494 = arith.index_cast %and3A_449 : i32 to index
                %parallel_loop3A_495 = arith.index_cast %parallel_loop3A_468 : i32 to index
                %parallel_loop3A_496 = arith.constant 32 : index
                %parallel_loop3A_497 = tpu.vector_load %arg17[%parallel_loop3A_494, %parallel_loop3A_495, %parallel_loop3A_496] {strides = array<i32>} : memref<2x32x256xf32, #tpu.memory_space<vmem>>, vector<16xf32>,
                %parallel_loop3A_498 = arith.mulf %parallel_loop3A_497, %parallel_loop3A_477 : vector<16xf32>
                %parallel_loop3A_499 = arith.constant 32 : i32
                %parallel_loop3A_500 = vector.broadcast %parallel_loop3A_499 : i32 to vector<16xi32>
                %parallel_loop3A_501 = arith.addi %iota3A, %parallel_loop3A_500 : vector<16xi32>
                tpu.vector_store_idx %arg19[%parallel_loop3A_474, %parallel_loop3A_501], %parallel_loop3A_498 {add = true} : memref<256x256xf32, #tpu.memory_space<vmem>>[vector<16xi32>, vector<16xi32>], vector<16xf32>,
                %parallel_loop3A_502 = arith.index_cast %and3A_449 : i32 to index
                %parallel_loop3A_503 = arith.index_cast %parallel_loop3A_468 : i32 to index
                %parallel_loop3A_504 = arith.constant 48 : index
                %parallel_loop3A_505 = tpu.vector_load %arg17[%parallel_loop3A_502, %parallel_loop3A_503, %parallel_loop3A_504] {strides = array<i32>} : memref<2x32x256xf32, #tpu.memory_space<vmem>>, vector<16xf32>,
                %parallel_loop3A_506 = arith.mulf %parallel_loop3A_505, %parallel_loop3A_477 : vector<16xf32>
                %parallel_loop3A_507 = arith.constant 48 : i32
                %parallel_loop3A_508 = vector.broadcast %parallel_loop3A_507 : i32 to vector<16xi32>
                %parallel_loop3A_509 = arith.addi %iota3A, %parallel_loop3A_508 : vector<16xi32>
                tpu.vector_store_idx %arg19[%parallel_loop3A_474, %parallel_loop3A_509], %parallel_loop3A_506 {add = true} : memref<256x256xf32, #tpu.memory_space<vmem>>[vector<16xi32>, vector<16xi32>], vector<16xf32>,
                %parallel_loop3A_510 = arith.index_cast %and3A_449 : i32 to index
                %parallel_loop3A_511 = arith.index_cast %parallel_loop3A_468 : i32 to index
                %parallel_loop3A_512 = arith.constant 64 : index
                %parallel_loop3A_513 = tpu.vector_load %arg17[%parallel_loop3A_510, %parallel_loop3A_511, %parallel_loop3A_512] {strides = array<i32>} : memref<2x32x256xf32, #tpu.memory_space<vmem>>, vector<16xf32>,
                %parallel_loop3A_514 = arith.mulf %parallel_loop3A_513, %parallel_loop3A_477 : vector<16xf32>
                %parallel_loop3A_515 = arith.constant 64 : i32
                %parallel_loop3A_516 = vector.broadcast %parallel_loop3A_515 : i32 to vector<16xi32>
                %parallel_loop3A_517 = arith.addi %iota3A, %parallel_loop3A_516 : vector<16xi32>
                tpu.vector_store_idx %arg19[%parallel_loop3A_474, %parallel_loop3A_517], %parallel_loop3A_514 {add = true} : memref<256x256xf32, #tpu.memory_space<vmem>>[vector<16xi32>, vector<16xi32>], vector<16xf32>,
                %parallel_loop3A_518 = arith.index_cast %and3A_449 : i32 to index
                %parallel_loop3A_519 = arith.index_cast %parallel_loop3A_468 : i32 to index
                %parallel_loop3A_520 = arith.constant 80 : index
                %parallel_loop3A_521 = tpu.vector_load %arg17[%parallel_loop3A_518, %parallel_loop3A_519, %parallel_loop3A_520] {strides = array<i32>} : memref<2x32x256xf32, #tpu.memory_space<vmem>>, vector<16xf32>,
                %parallel_loop3A_522 = arith.mulf %parallel_loop3A_521, %parallel_loop3A_477 : vector<16xf32>
                %parallel_loop3A_523 = arith.constant 80 : i32
                %parallel_loop3A_524 = vector.broadcast %parallel_loop3A_523 : i32 to vector<16xi32>
                %parallel_loop3A_525 = arith.addi %iota3A, %parallel_loop3A_524 : vector<16xi32>
                tpu.vector_store_idx %arg19[%parallel_loop3A_474, %parallel_loop3A_525], %parallel_loop3A_522 {add = true} : memref<256x256xf32, #tpu.memory_space<vmem>>[vector<16xi32>, vector<16xi32>], vector<16xf32>,
                %parallel_loop3A_526 = arith.index_cast %and3A_449 : i32 to index
                %parallel_loop3A_527 = arith.index_cast %parallel_loop3A_468 : i32 to index
                %parallel_loop3A_528 = arith.constant 96 : index
                %parallel_loop3A_529 = tpu.vector_load %arg17[%parallel_loop3A_526, %parallel_loop3A_527, %parallel_loop3A_528] {strides = array<i32>} : memref<2x32x256xf32, #tpu.memory_space<vmem>>, vector<16xf32>,
                %parallel_loop3A_530 = arith.mulf %parallel_loop3A_529, %parallel_loop3A_477 : vector<16xf32>
                %parallel_loop3A_531 = arith.constant 96 : i32
                %parallel_loop3A_532 = vector.broadcast %parallel_loop3A_531 : i32 to vector<16xi32>
                %parallel_loop3A_533 = arith.addi %iota3A, %parallel_loop3A_532 : vector<16xi32>
                tpu.vector_store_idx %arg19[%parallel_loop3A_474, %parallel_loop3A_533], %parallel_loop3A_530 {add = true} : memref<256x256xf32, #tpu.memory_space<vmem>>[vector<16xi32>, vector<16xi32>], vector<16xf32>,
                %parallel_loop3A_534 = arith.index_cast %and3A_449 : i32 to index
                %parallel_loop3A_535 = arith.index_cast %parallel_loop3A_468 : i32 to index
                %parallel_loop3A_536 = arith.constant 112 : index
                %parallel_loop3A_537 = tpu.vector_load %arg17[%parallel_loop3A_534, %parallel_loop3A_535, %parallel_loop3A_536] {strides = array<i32>} : memref<2x32x256xf32, #tpu.memory_space<vmem>>, vector<16xf32>,
                %parallel_loop3A_538 = arith.mulf %parallel_loop3A_537, %parallel_loop3A_477 : vector<16xf32>
                %parallel_loop3A_539 = arith.constant 112 : i32
                %parallel_loop3A_540 = vector.broadcast %parallel_loop3A_539 : i32 to vector<16xi32>
                %parallel_loop3A_541 = arith.addi %iota3A, %parallel_loop3A_540 : vector<16xi32>
                tpu.vector_store_idx %arg19[%parallel_loop3A_474, %parallel_loop3A_541], %parallel_loop3A_538 {add = true} : memref<256x256xf32, #tpu.memory_space<vmem>>[vector<16xi32>, vector<16xi32>], vector<16xf32>,
                %parallel_loop3A_542 = arith.index_cast %and3A_449 : i32 to index
                %parallel_loop3A_543 = arith.index_cast %parallel_loop3A_468 : i32 to index
                %parallel_loop3A_544 = arith.constant 128 : index
                %parallel_loop3A_545 = tpu.vector_load %arg17[%parallel_loop3A_542, %parallel_loop3A_543, %parallel_loop3A_544] {strides = array<i32>} : memref<2x32x256xf32, #tpu.memory_space<vmem>>, vector<16xf32>,
                %parallel_loop3A_546 = arith.mulf %parallel_loop3A_545, %parallel_loop3A_477 : vector<16xf32>
                %parallel_loop3A_547 = arith.constant 128 : i32
                %parallel_loop3A_548 = vector.broadcast %parallel_loop3A_547 : i32 to vector<16xi32>
                %parallel_loop3A_549 = arith.addi %iota3A, %parallel_loop3A_548 : vector<16xi32>
                tpu.vector_store_idx %arg19[%parallel_loop3A_474, %parallel_loop3A_549], %parallel_loop3A_546 {add = true} : memref<256x256xf32, #tpu.memory_space<vmem>>[vector<16xi32>, vector<16xi32>], vector<16xf32>,
                %parallel_loop3A_550 = arith.index_cast %and3A_449 : i32 to index
                %parallel_loop3A_551 = arith.index_cast %parallel_loop3A_468 : i32 to index
                %parallel_loop3A_552 = arith.constant 144 : index
                %parallel_loop3A_553 = tpu.vector_load %arg17[%parallel_loop3A_550, %parallel_loop3A_551, %parallel_loop3A_552] {strides = array<i32>} : memref<2x32x256xf32, #tpu.memory_space<vmem>>, vector<16xf32>,
                %parallel_loop3A_554 = arith.mulf %parallel_loop3A_553, %parallel_loop3A_477 : vector<16xf32>
                %parallel_loop3A_555 = arith.constant 144 : i32
                %parallel_loop3A_556 = vector.broadcast %parallel_loop3A_555 : i32 to vector<16xi32>
                %parallel_loop3A_557 = arith.addi %iota3A, %parallel_loop3A_556 : vector<16xi32>
                tpu.vector_store_idx %arg19[%parallel_loop3A_474, %parallel_loop3A_557], %parallel_loop3A_554 {add = true} : memref<256x256xf32, #tpu.memory_space<vmem>>[vector<16xi32>, vector<16xi32>], vector<16xf32>,
                %parallel_loop3A_558 = arith.index_cast %and3A_449 : i32 to index
                %parallel_loop3A_559 = arith.index_cast %parallel_loop3A_468 : i32 to index
                %parallel_loop3A_560 = arith.constant 160 : index
                %parallel_loop3A_561 = tpu.vector_load %arg17[%parallel_loop3A_558, %parallel_loop3A_559, %parallel_loop3A_560] {strides = array<i32>} : memref<2x32x256xf32, #tpu.memory_space<vmem>>, vector<16xf32>,
                %parallel_loop3A_562 = arith.mulf %parallel_loop3A_561, %parallel_loop3A_477 : vector<16xf32>
                %parallel_loop3A_563 = arith.constant 160 : i32
                %parallel_loop3A_564 = vector.broadcast %parallel_loop3A_563 : i32 to vector<16xi32>
                %parallel_loop3A_565 = arith.addi %iota3A, %parallel_loop3A_564 : vector<16xi32>
                tpu.vector_store_idx %arg19[%parallel_loop3A_474, %parallel_loop3A_565], %parallel_loop3A_562 {add = true} : memref<256x256xf32, #tpu.memory_space<vmem>>[vector<16xi32>, vector<16xi32>], vector<16xf32>,
                %parallel_loop3A_566 = arith.index_cast %and3A_449 : i32 to index
                %parallel_loop3A_567 = arith.index_cast %parallel_loop3A_468 : i32 to index
                %parallel_loop3A_568 = arith.constant 176 : index
                %parallel_loop3A_569 = tpu.vector_load %arg17[%parallel_loop3A_566, %parallel_loop3A_567, %parallel_loop3A_568] {strides = array<i32>} : memref<2x32x256xf32, #tpu.memory_space<vmem>>, vector<16xf32>,
                %parallel_loop3A_570 = arith.mulf %parallel_loop3A_569, %parallel_loop3A_477 : vector<16xf32>
                %parallel_loop3A_571 = arith.constant 176 : i32
                %parallel_loop3A_572 = vector.broadcast %parallel_loop3A_571 : i32 to vector<16xi32>
                %parallel_loop3A_573 = arith.addi %iota3A, %parallel_loop3A_572 : vector<16xi32>
                tpu.vector_store_idx %arg19[%parallel_loop3A_474, %parallel_loop3A_573], %parallel_loop3A_570 {add = true} : memref<256x256xf32, #tpu.memory_space<vmem>>[vector<16xi32>, vector<16xi32>], vector<16xf32>,
                %parallel_loop3A_574 = arith.index_cast %and3A_449 : i32 to index
                %parallel_loop3A_575 = arith.index_cast %parallel_loop3A_468 : i32 to index
                %parallel_loop3A_576 = arith.constant 192 : index
                %parallel_loop3A_577 = tpu.vector_load %arg17[%parallel_loop3A_574, %parallel_loop3A_575, %parallel_loop3A_576] {strides = array<i32>} : memref<2x32x256xf32, #tpu.memory_space<vmem>>, vector<16xf32>,
                %parallel_loop3A_578 = arith.mulf %parallel_loop3A_577, %parallel_loop3A_477 : vector<16xf32>
                %parallel_loop3A_579 = arith.constant 192 : i32
                %parallel_loop3A_580 = vector.broadcast %parallel_loop3A_579 : i32 to vector<16xi32>
                %parallel_loop3A_581 = arith.addi %iota3A, %parallel_loop3A_580 : vector<16xi32>
                tpu.vector_store_idx %arg19[%parallel_loop3A_474, %parallel_loop3A_581], %parallel_loop3A_578 {add = true} : memref<256x256xf32, #tpu.memory_space<vmem>>[vector<16xi32>, vector<16xi32>], vector<16xf32>,
                %parallel_loop3A_582 = arith.index_cast %and3A_449 : i32 to index
                %parallel_loop3A_583 = arith.index_cast %parallel_loop3A_468 : i32 to index
                %parallel_loop3A_584 = arith.constant 208 : index
                %parallel_loop3A_585 = tpu.vector_load %arg17[%parallel_loop3A_582, %parallel_loop3A_583, %parallel_loop3A_584] {strides = array<i32>} : memref<2x32x256xf32, #tpu.memory_space<vmem>>, vector<16xf32>,
                %parallel_loop3A_586 = arith.mulf %parallel_loop3A_585, %parallel_loop3A_477 : vector<16xf32>
                %parallel_loop3A_587 = arith.constant 208 : i32
                %parallel_loop3A_588 = vector.broadcast %parallel_loop3A_587 : i32 to vector<16xi32>
                %parallel_loop3A_589 = arith.addi %iota3A, %parallel_loop3A_588 : vector<16xi32>
                tpu.vector_store_idx %arg19[%parallel_loop3A_474, %parallel_loop3A_589], %parallel_loop3A_586 {add = true} : memref<256x256xf32, #tpu.memory_space<vmem>>[vector<16xi32>, vector<16xi32>], vector<16xf32>,
                %parallel_loop3A_590 = arith.index_cast %and3A_449 : i32 to index
                %parallel_loop3A_591 = arith.index_cast %parallel_loop3A_468 : i32 to index
                %parallel_loop3A_592 = arith.constant 224 : index
                %parallel_loop3A_593 = tpu.vector_load %arg17[%parallel_loop3A_590, %parallel_loop3A_591, %parallel_loop3A_592] {strides = array<i32>} : memref<2x32x256xf32, #tpu.memory_space<vmem>>, vector<16xf32>,
                %parallel_loop3A_594 = arith.mulf %parallel_loop3A_593, %parallel_loop3A_477 : vector<16xf32>
                %parallel_loop3A_595 = arith.constant 224 : i32
                %parallel_loop3A_596 = vector.broadcast %parallel_loop3A_595 : i32 to vector<16xi32>
                %parallel_loop3A_597 = arith.addi %iota3A, %parallel_loop3A_596 : vector<16xi32>
                tpu.vector_store_idx %arg19[%parallel_loop3A_474, %parallel_loop3A_597], %parallel_loop3A_594 {add = true} : memref<256x256xf32, #tpu.memory_space<vmem>>[vector<16xi32>, vector<16xi32>], vector<16xf32>,
                %parallel_loop3A_598 = arith.index_cast %and3A_449 : i32 to index
                %parallel_loop3A_599 = arith.index_cast %parallel_loop3A_468 : i32 to index
                %parallel_loop3A_600 = arith.constant 240 : index
                %parallel_loop3A_601 = tpu.vector_load %arg17[%parallel_loop3A_598, %parallel_loop3A_599, %parallel_loop3A_600] {strides = array<i32>} : memref<2x32x256xf32, #tpu.memory_space<vmem>>, vector<16xf32>,
                %parallel_loop3A_602 = arith.mulf %parallel_loop3A_601, %parallel_loop3A_477 : vector<16xf32>
                %parallel_loop3A_603 = arith.constant 240 : i32
                %parallel_loop3A_604 = vector.broadcast %parallel_loop3A_603 : i32 to vector<16xi32>
                %parallel_loop3A_605 = arith.addi %iota3A, %parallel_loop3A_604 : vector<16xi32>
                tpu.vector_store_idx %arg19[%parallel_loop3A_474, %parallel_loop3A_605], %parallel_loop3A_602 {add = true} : memref<256x256xf32, #tpu.memory_space<vmem>>[vector<16xi32>, vector<16xi32>], vector<16xf32>,
              } {sc.loop_unroll_factor = 4 : i64, sc.parallel_access}
            } else {
            }
          }
          %mul3A_408 = arith.constant 32 : i32
          %mul3A_409 = arith.muli %select_n3A_396, %mul3A_408 : i32
          %add3A_410 = arith.constant 0 : i32
          %add3A_411 = arith.addi %mul3A_409, %add3A_410 : i32
          %get3A_412 = arith.index_cast %add3A_411 : i32 to index
          %get3A_413 = tpu.vector_load %arg11[%get3A_412] {strides = array<i32>} : memref<1600xi32, #tpu.memory_space<vmem>>, vector<16xi32>,
          %swap3A_414 = arith.constant 0 : index
          %swap3A_415 = tpu.vector_load %arg11[%swap3A_414] {strides = array<i32>} : memref<1600xi32, #tpu.memory_space<vmem>>, vector<16xi32>,
          tpu.vector_store %arg11[%swap3A_414], %get3A_413 {strides = array<i32>} : memref<1600xi32, #tpu.memory_space<vmem>>, vector<16xi32>,
          %add3A_416 = arith.constant 0 : i32
          %add3A_417 = arith.addi %mul3A_409, %add3A_416 : i32
          %get3A_418 = arith.index_cast %add3A_417 : i32 to index
          %get3A_419 = tpu.vector_load %arg12[%get3A_418] {strides = array<i32>} : memref<1600xf32, #tpu.memory_space<vmem>>, vector<16xf32>,
          %swap3A_420 = arith.constant 0 : index
          %swap3A_421 = tpu.vector_load %arg12[%swap3A_420] {strides = array<i32>} : memref<1600xf32, #tpu.memory_space<vmem>>, vector<16xf32>,
          tpu.vector_store %arg12[%swap3A_420], %get3A_419 {strides = array<i32>} : memref<1600xf32, #tpu.memory_space<vmem>>, vector<16xf32>,
          %add3A_422 = arith.constant 16 : i32
          %add3A_423 = arith.addi %mul3A_409, %add3A_422 : i32
          %get3A_424 = arith.index_cast %add3A_423 : i32 to index
          %get3A_425 = tpu.vector_load %arg11[%get3A_424] {strides = array<i32>} : memref<1600xi32, #tpu.memory_space<vmem>>, vector<16xi32>,
          %swap3A_426 = arith.constant 16 : index
          %swap3A_427 = tpu.vector_load %arg11[%swap3A_426] {strides = array<i32>} : memref<1600xi32, #tpu.memory_space<vmem>>, vector<16xi32>,
          tpu.vector_store %arg11[%swap3A_426], %get3A_425 {strides = array<i32>} : memref<1600xi32, #tpu.memory_space<vmem>>, vector<16xi32>,
          %add3A_428 = arith.constant 16 : i32
          %add3A_429 = arith.addi %mul3A_409, %add3A_428 : i32
          %get3A_430 = arith.index_cast %add3A_429 : i32 to index
          %get3A_431 = tpu.vector_load %arg12[%get3A_430] {strides = array<i32>} : memref<1600xf32, #tpu.memory_space<vmem>>, vector<16xf32>,
          %swap3A_432 = arith.constant 16 : index
          %swap3A_433 = tpu.vector_load %arg12[%swap3A_432] {strides = array<i32>} : memref<1600xf32, #tpu.memory_space<vmem>>, vector<16xf32>,
          tpu.vector_store %arg12[%swap3A_432], %get3A_431 {strides = array<i32>} : memref<1600xf32, #tpu.memory_space<vmem>>, vector<16xf32>,
        } else {
        }
        %jit3A_334 = arith.constant 32 : i32
        %eq3A_335 = arith.constant 0 : i32
        %eq3A_336 = arith.cmpi eq, %jit3A_334, %eq3A_335 : i32
        %jit3A_337 = arith.constant 1 : i32
        %select_n3A_338 = arith.select %eq3A_336, %jit3A_337, %jit3A_334 : i32
        %rem3A_339 = arith.remsi %add3A_318, %select_n3A_338 : i32
        %ne3A_340 = arith.constant 0 : i32
        %ne3A_341 = arith.cmpi ne, %rem3A_339, %ne3A_340 : i32
        %lt3A_342 = arith.constant 0 : i32
        %lt3A_343 = arith.cmpi slt, %rem3A_339, %lt3A_342 : i32
        %lt3A_344 = arith.constant 0 : i32
        %lt3A_345 = arith.cmpi slt, %select_n3A_338, %lt3A_344 : i32
        %ne3A_346 = arith.xori %lt3A_343, %lt3A_345 : i1
        %and3A_347 = arith.andi %ne3A_346, %ne3A_341 : i1
        %add3A_348 = arith.addi %rem3A_339, %select_n3A_338 : i32
        %select_n3A_349 = arith.select %and3A_347, %add3A_348, %rem3A_339 : i32
        %select_n3A_350 = arith.select %gt3A_330, %select_n3A_349, %add3A_318 : i32
        %gt3A_351 = arith.constant 496 : i32
        %gt3A_352 = arith.cmpi sgt, %add3A_329, %gt3A_351 : i32
        %convert_element_type3A_353 = arith.extui %gt3A_352 : i1 to i32
        %cond3A_354 = arith.constant 0 : i32
        %cond3A_355 = arith.cmpi ne, %convert_element_type3A_353, %cond3A_354 : i32
        scf.if %cond3A_355 {
          %jit3A_373 = arith.constant 32 : i32
          %div3A_374 = arith.divsi %add3A_329, %jit3A_373 : i32
          %sign3A_375 = arith.constant 0 : i32
          %sign3A_376 = arith.cmpi sgt, %add3A_329, %sign3A_375 : i32
          %sign3A_377 = arith.extui %sign3A_376 : i1 to i32
          %sign3A_378 = arith.constant 0 : i32
          %sign3A_379 = arith.cmpi slt, %add3A_329, %sign3A_378 : i32
          %sign3A_380 = arith.extui %sign3A_379 : i1 to i32
          %sign3A_381 = arith.subi %sign3A_377, %sign3A_380 : i32
          %sign3A_382 = arith.constant 0 : i32
          %sign3A_383 = arith.cmpi sgt, %jit3A_373, %sign3A_382 : i32
          %sign3A_384 = arith.extui %sign3A_383 : i1 to i32
          %sign3A_385 = arith.constant 0 : i32
          %sign3A_386 = arith.cmpi slt, %jit3A_373, %sign3A_385 : i32
          %sign3A_387 = arith.extui %sign3A_386 : i1 to i32
          %sign3A_388 = arith.subi %sign3A_384, %sign3A_387 : i32
          %ne3A_389 = arith.cmpi ne, %sign3A_381, %sign3A_388 : i32
          %rem3A_390 = arith.remsi %add3A_329, %jit3A_373 : i32
          %ne3A_391 = arith.constant 0 : i32
          %ne3A_392 = arith.cmpi ne, %rem3A_390, %ne3A_391 : i32
          %and3A_393 = arith.andi %ne3A_389, %ne3A_392 : i1
          %sub3A_394 = arith.constant 1 : i32
          %sub3A_395 = arith.subi %div3A_374, %sub3A_394 : i32
          %select_n3A_396 = arith.select %and3A_393, %sub3A_395, %div3A_374 : i32
          %add3A_397 = arith.constant 1 : i32
          %add3A_398 = arith.addi %select_n3A_396, %add3A_397 : i32
          %while3A_399 = arith.constant 0 : i32
          %while3A_400 = arith.subi %add3A_398, %while3A_399 : i32
          %while3A_401 = arith.addi %while3A_399, %while3A_400 : i32
          %while3A_402 = arith.constant 1 : i32
          %while3A_403 = arith.divsi %while3A_400, %while3A_402 : i32
          %while3A_404 = arith.muli %while3A_403, %while3A_402 : i32
          %while3A_405 = arith.addi %while3A_399, %while3A_404 : i32
          %while3A_406 = arith.constant 1 : i32
          scf.for %while3A_434 = %while3A_399 to %while3A_405 step %while3A_406  : i32 {
            %and3A_435 = arith.constant 1 : i32
            %and3A_436 = arith.andi %while3A_434, %and3A_435 : i32
            %lt3A_437 = arith.cmpi slt, %while3A_434, %select_n3A_396 : i32
            %convert_element_type3A_438 = arith.extui %lt3A_437 : i1 to i32
            %cond3A_439 = arith.constant 0 : i32
            %cond3A_440 = arith.cmpi ne, %convert_element_type3A_438, %cond3A_439 : i32
            scf.if %cond3A_440 {
              %mul3A_446 = arith.constant 32 : i32
              %mul3A_447 = arith.muli %while3A_434, %mul3A_446 : i32
              %add3A_448 = arith.constant 0 : i32
              %add3A_449 = arith.addi %mul3A_447, %add3A_448 : i32
              %get3A_450 = arith.index_cast %add3A_449 : i32 to index
              %get3A_451 = tpu.vector_load %arg13[%get3A_450] {strides = array<i32>} : memref<576xi32, #tpu.memory_space<vmem>>, vector<16xi32>,
              %shift_right_arithmetic3A = arith.constant 8 : i32
              %shift_right_arithmetic3A_452 = vector.broadcast %shift_right_arithmetic3A : i32 to vector<16xi32>
              %shift_right_arithmetic3A_453 = arith.shrsi %get3A_451, %shift_right_arithmetic3A_452 : vector<16xi32>
              %swap3A_454 = arith.index_cast %and3A_436 : i32 to index
              %swap3A_455 = arith.constant 0 : index
              %swap3A_456 = tpu.vector_load %arg16[%swap3A_454, %swap3A_455] {strides = array<i32>} : memref<2x32xi32, #tpu.memory_space<vmem>>, vector<16xi32>,
              tpu.vector_store %arg16[%swap3A_454, %swap3A_455], %shift_right_arithmetic3A_453 {strides = array<i32>} : memref<2x32xi32, #tpu.memory_space<vmem>>, vector<16xi32>,
              %add3A_457 = arith.constant 16 : i32
              %add3A_458 = arith.addi %mul3A_447, %add3A_457 : i32
              %get3A_459 = arith.index_cast %add3A_458 : i32 to index
              %get3A_460 = tpu.vector_load %arg13[%get3A_459] {strides = array<i32>} : memref<576xi32, #tpu.memory_space<vmem>>, vector<16xi32>,
              %shift_right_arithmetic3A_461 = arith.constant 8 : i32
              %shift_right_arithmetic3A_462 = vector.broadcast %shift_right_arithmetic3A_461 : i32 to vector<16xi32>
              %shift_right_arithmetic3A_463 = arith.shrsi %get3A_460, %shift_right_arithmetic3A_462 : vector<16xi32>
              %swap3A_464 = arith.index_cast %and3A_436 : i32 to index
              %swap3A_465 = arith.constant 16 : index
              %swap3A_466 = tpu.vector_load %arg16[%swap3A_464, %swap3A_465] {strides = array<i32>} : memref<2x32xi32, #tpu.memory_space<vmem>>, vector<16xi32>,
              tpu.vector_store %arg16[%swap3A_464, %swap3A_465], %shift_right_arithmetic3A_463 {strides = array<i32>} : memref<2x32xi32, #tpu.memory_space<vmem>>, vector<16xi32>,
              %dma_start3A_467 = arith.constant 0 : i32
              %dma_start3A_468 = arith.constant 0 : i32
              %dma_start3A_469 = tpu.memref_slice %arg18[%and3A_436, %dma_start3A_467, %dma_start3A_468] : memref<2x32x128xf32, #tpu.memory_space<vmem>> -> memref<1x32x128xf32, #tpu.memory_space<vmem>>
              %dma_start3A_470 = tpu.memref_squeeze %dma_start3A_469 : memref<1x32x128xf32, #tpu.memory_space<vmem>> -> memref<32x128xf32, #tpu.memory_space<vmem>>
              %dma_start3A_471 = arith.constant 0 : i32
              %dma_start3A_472 = tpu.memref_slice %arg16[%and3A_436, %dma_start3A_471] : memref<2x32xi32, #tpu.memory_space<vmem>> -> memref<1x32xi32, #tpu.memory_space<vmem>>
              %dma_start3A_473 = tpu.memref_squeeze %dma_start3A_472 : memref<1x32xi32, #tpu.memory_space<vmem>> -> memref<32xi32, #tpu.memory_space<vmem>>
              %dma_start3A_474 = arith.constant 0 : i32
              %dma_start3A_475 = arith.constant 0 : i32
              %dma_start3A_476 = tpu.memref_slice %arg5[%dma_start3A_474, %dma_start3A_475] : memref<10000x128xf32, #tpu.memory_space<hbm>> -> memref<10000x128xf32, #tpu.memory_space<hbm>>
              %dma_start3A_477 = tpu.memref_slice %arg22[%and3A_436] : memref<2x!tpu.dma_semaphore, #tpu.memory_space<semaphore_mem>> -> memref<1x!tpu.dma_semaphore, #tpu.memory_space<semaphore_mem>>
              %dma_start3A_478 = tpu.memref_squeeze %dma_start3A_477 : memref<1x!tpu.dma_semaphore, #tpu.memory_space<semaphore_mem>> -> memref<!tpu.dma_semaphore, #tpu.memory_space<semaphore_mem>>
              tpu.enqueue_indirect_dma source(%dma_start3A_476 : memref<10000x128xf32, #tpu.memory_space<hbm>>) target(%dma_start3A_470 : memref<32x128xf32, #tpu.memory_space<vmem>>) offsets(%dma_start3A_473 : memref<32xi32, #tpu.memory_space<vmem>>) semaphore(%dma_start3A_478 : memref<!tpu.dma_semaphore, #tpu.memory_space<semaphore_mem>>)
            } else {
            }
            %gt3A_441 = arith.constant 0 : i32
            %gt3A_442 = arith.cmpi sgt, %while3A_434, %gt3A_441 : i32
            %convert_element_type3A_443 = arith.extui %gt3A_442 : i1 to i32
            %cond3A_444 = arith.constant 0 : i32
            %cond3A_445 = arith.cmpi ne, %convert_element_type3A_443, %cond3A_444 : i32
            scf.if %cond3A_445 {
              %sub3A_446 = arith.constant 1 : i32
              %sub3A_447 = arith.subi %while3A_434, %sub3A_446 : i32
              %and3A_448 = arith.constant 1 : i32
              %and3A_449 = arith.andi %sub3A_447, %and3A_448 : i32
              %sub3A_450 = arith.constant 1 : i32
              %sub3A_451 = arith.subi %while3A_434, %sub3A_450 : i32
              %mul3A_452 = arith.constant 32 : i32
              %mul3A_453 = arith.muli %sub3A_451, %mul3A_452 : i32
              %dma_wait3A_454 = arith.constant 0 : i32
              %dma_wait3A_455 = arith.constant 0 : i32
              %dma_wait3A_456 = tpu.memref_slice %arg18[%and3A_449, %dma_wait3A_454, %dma_wait3A_455] : memref<2x32x128xf32, #tpu.memory_space<vmem>> -> memref<1x32x128xf32, #tpu.memory_space<vmem>>
              %dma_wait3A_457 = tpu.memref_squeeze %dma_wait3A_456 : memref<1x32x128xf32, #tpu.memory_space<vmem>> -> memref<32x128xf32, #tpu.memory_space<vmem>>
              %dma_wait3A_458 = arith.constant 0 : i32
              %dma_wait3A_459 = tpu.memref_slice %arg16[%and3A_449, %dma_wait3A_458] : memref<2x32xi32, #tpu.memory_space<vmem>> -> memref<1x32xi32, #tpu.memory_space<vmem>>
              %dma_wait3A_460 = tpu.memref_squeeze %dma_wait3A_459 : memref<1x32xi32, #tpu.memory_space<vmem>> -> memref<32xi32, #tpu.memory_space<vmem>>
              %dma_wait3A_461 = arith.constant 0 : i32
              %dma_wait3A_462 = arith.constant 0 : i32
              %dma_wait3A_463 = tpu.memref_slice %arg5[%dma_wait3A_461, %dma_wait3A_462] : memref<10000x128xf32, #tpu.memory_space<hbm>> -> memref<10000x128xf32, #tpu.memory_space<hbm>>
              %dma_wait3A_464 = tpu.memref_slice %arg22[%and3A_449] : memref<2x!tpu.dma_semaphore, #tpu.memory_space<semaphore_mem>> -> memref<1x!tpu.dma_semaphore, #tpu.memory_space<semaphore_mem>>
              %dma_wait3A_465 = tpu.memref_squeeze %dma_wait3A_464 : memref<1x!tpu.dma_semaphore, #tpu.memory_space<semaphore_mem>> -> memref<!tpu.dma_semaphore, #tpu.memory_space<semaphore_mem>>
              tpu.wait_indirect_dma semaphore(%dma_wait3A_465 : memref<!tpu.dma_semaphore, #tpu.memory_space<semaphore_mem>>) src(%dma_wait3A_463 : memref<10000x128xf32, #tpu.memory_space<hbm>>) dst(%dma_wait3A_457 : memref<32x128xf32, #tpu.memory_space<vmem>>)
              %parallel_loop3A = arith.constant 0 : i32
              %parallel_loop3A_466 = arith.constant 32 : i32
              %parallel_loop3A_467 = arith.constant 1 : i32
              scf.for %parallel_loop3A_468 = %parallel_loop3A to %parallel_loop3A_466 step %parallel_loop3A_467  : i32 {
                %parallel_loop3A_469 = arith.addi %mul3A_453, %parallel_loop3A_468 : i32
                %parallel_loop3A_470 = vector.broadcast %parallel_loop3A_469 : i32 to vector<16xi32>
                %parallel_loop3A_471 = tpu.vector_load_idx %arg13[%parallel_loop3A_470] : memref<576xi32, #tpu.memory_space<vmem>>[vector<16xi32>], vector<16xi32>,
                %parallel_loop3A_472 = arith.constant 255 : i32
                %parallel_loop3A_473 = vector.broadcast %parallel_loop3A_472 : i32 to vector<16xi32>
                %parallel_loop3A_474 = arith.andi %parallel_loop3A_471, %parallel_loop3A_473 : vector<16xi32>
                %parallel_loop3A_475 = arith.addi %mul3A_453, %parallel_loop3A_468 : i32
                %parallel_loop3A_476 = vector.broadcast %parallel_loop3A_475 : i32 to vector<16xi32>
                %parallel_loop3A_477 = tpu.vector_load_idx %arg14[%parallel_loop3A_476] : memref<576xf32, #tpu.memory_space<vmem>>[vector<16xi32>], vector<16xf32>,
                %parallel_loop3A_478 = arith.index_cast %and3A_449 : i32 to index
                %parallel_loop3A_479 = arith.index_cast %parallel_loop3A_468 : i32 to index
                %parallel_loop3A_480 = arith.constant 0 : index
                %parallel_loop3A_481 = tpu.vector_load %arg18[%parallel_loop3A_478, %parallel_loop3A_479, %parallel_loop3A_480] {strides = array<i32>} : memref<2x32x128xf32, #tpu.memory_space<vmem>>, vector<16xf32>,
                %parallel_loop3A_482 = arith.mulf %parallel_loop3A_481, %parallel_loop3A_477 : vector<16xf32>
                %parallel_loop3A_483 = arith.constant 0 : i32
                %parallel_loop3A_484 = vector.broadcast %parallel_loop3A_483 : i32 to vector<16xi32>
                %parallel_loop3A_485 = arith.addi %iota3A, %parallel_loop3A_484 : vector<16xi32>
                tpu.vector_store_idx %arg20[%parallel_loop3A_474, %parallel_loop3A_485], %parallel_loop3A_482 {add = true} : memref<256x64xf32, #tpu.memory_space<vmem>>[vector<16xi32>, vector<16xi32>], vector<16xf32>,
                %parallel_loop3A_486 = arith.index_cast %and3A_449 : i32 to index
                %parallel_loop3A_487 = arith.index_cast %parallel_loop3A_468 : i32 to index
                %parallel_loop3A_488 = arith.constant 16 : index
                %parallel_loop3A_489 = tpu.vector_load %arg18[%parallel_loop3A_486, %parallel_loop3A_487, %parallel_loop3A_488] {strides = array<i32>} : memref<2x32x128xf32, #tpu.memory_space<vmem>>, vector<16xf32>,
                %parallel_loop3A_490 = arith.mulf %parallel_loop3A_489, %parallel_loop3A_477 : vector<16xf32>
                %parallel_loop3A_491 = arith.constant 16 : i32
                %parallel_loop3A_492 = vector.broadcast %parallel_loop3A_491 : i32 to vector<16xi32>
                %parallel_loop3A_493 = arith.addi %iota3A, %parallel_loop3A_492 : vector<16xi32>
                tpu.vector_store_idx %arg20[%parallel_loop3A_474, %parallel_loop3A_493], %parallel_loop3A_490 {add = true} : memref<256x64xf32, #tpu.memory_space<vmem>>[vector<16xi32>, vector<16xi32>], vector<16xf32>,
                %parallel_loop3A_494 = arith.index_cast %and3A_449 : i32 to index
                %parallel_loop3A_495 = arith.index_cast %parallel_loop3A_468 : i32 to index
                %parallel_loop3A_496 = arith.constant 32 : index
                %parallel_loop3A_497 = tpu.vector_load %arg18[%parallel_loop3A_494, %parallel_loop3A_495, %parallel_loop3A_496] {strides = array<i32>} : memref<2x32x128xf32, #tpu.memory_space<vmem>>, vector<16xf32>,
                %parallel_loop3A_498 = arith.mulf %parallel_loop3A_497, %parallel_loop3A_477 : vector<16xf32>
                %parallel_loop3A_499 = arith.constant 32 : i32
                %parallel_loop3A_500 = vector.broadcast %parallel_loop3A_499 : i32 to vector<16xi32>
                %parallel_loop3A_501 = arith.addi %iota3A, %parallel_loop3A_500 : vector<16xi32>
                tpu.vector_store_idx %arg20[%parallel_loop3A_474, %parallel_loop3A_501], %parallel_loop3A_498 {add = true} : memref<256x64xf32, #tpu.memory_space<vmem>>[vector<16xi32>, vector<16xi32>], vector<16xf32>,
                %parallel_loop3A_502 = arith.index_cast %and3A_449 : i32 to index
                %parallel_loop3A_503 = arith.index_cast %parallel_loop3A_468 : i32 to index
                %parallel_loop3A_504 = arith.constant 48 : index
                %parallel_loop3A_505 = tpu.vector_load %arg18[%parallel_loop3A_502, %parallel_loop3A_503, %parallel_loop3A_504] {strides = array<i32>} : memref<2x32x128xf32, #tpu.memory_space<vmem>>, vector<16xf32>,
                %parallel_loop3A_506 = arith.mulf %parallel_loop3A_505, %parallel_loop3A_477 : vector<16xf32>
                %parallel_loop3A_507 = arith.constant 48 : i32
                %parallel_loop3A_508 = vector.broadcast %parallel_loop3A_507 : i32 to vector<16xi32>
                %parallel_loop3A_509 = arith.addi %iota3A, %parallel_loop3A_508 : vector<16xi32>
                tpu.vector_store_idx %arg20[%parallel_loop3A_474, %parallel_loop3A_509], %parallel_loop3A_506 {add = true} : memref<256x64xf32, #tpu.memory_space<vmem>>[vector<16xi32>, vector<16xi32>], vector<16xf32>,
              } {sc.loop_unroll_factor = 4 : i64, sc.parallel_access}
            } else {
            }
          }
          %while3A_407 = arith.constant 1 : i32
          scf.for %while3A_434 = %while3A_405 to %while3A_401 step %while3A_407  : i32 {
            %and3A_435 = arith.constant 1 : i32
            %and3A_436 = arith.andi %while3A_434, %and3A_435 : i32
            %lt3A_437 = arith.cmpi slt, %while3A_434, %select_n3A_396 : i32
            %convert_element_type3A_438 = arith.extui %lt3A_437 : i1 to i32
            %cond3A_439 = arith.constant 0 : i32
            %cond3A_440 = arith.cmpi ne, %convert_element_type3A_438, %cond3A_439 : i32
            scf.if %cond3A_440 {
              %mul3A_446 = arith.constant 32 : i32
              %mul3A_447 = arith.muli %while3A_434, %mul3A_446 : i32
              %add3A_448 = arith.constant 0 : i32
              %add3A_449 = arith.addi %mul3A_447, %add3A_448 : i32
              %get3A_450 = arith.index_cast %add3A_449 : i32 to index
              %get3A_451 = tpu.vector_load %arg13[%get3A_450] {strides = array<i32>} : memref<576xi32, #tpu.memory_space<vmem>>, vector<16xi32>,
              %shift_right_arithmetic3A = arith.constant 8 : i32
              %shift_right_arithmetic3A_452 = vector.broadcast %shift_right_arithmetic3A : i32 to vector<16xi32>
              %shift_right_arithmetic3A_453 = arith.shrsi %get3A_451, %shift_right_arithmetic3A_452 : vector<16xi32>
              %swap3A_454 = arith.index_cast %and3A_436 : i32 to index
              %swap3A_455 = arith.constant 0 : index
              %swap3A_456 = tpu.vector_load %arg16[%swap3A_454, %swap3A_455] {strides = array<i32>} : memref<2x32xi32, #tpu.memory_space<vmem>>, vector<16xi32>,
              tpu.vector_store %arg16[%swap3A_454, %swap3A_455], %shift_right_arithmetic3A_453 {strides = array<i32>} : memref<2x32xi32, #tpu.memory_space<vmem>>, vector<16xi32>,
              %add3A_457 = arith.constant 16 : i32
              %add3A_458 = arith.addi %mul3A_447, %add3A_457 : i32
              %get3A_459 = arith.index_cast %add3A_458 : i32 to index
              %get3A_460 = tpu.vector_load %arg13[%get3A_459] {strides = array<i32>} : memref<576xi32, #tpu.memory_space<vmem>>, vector<16xi32>,
              %shift_right_arithmetic3A_461 = arith.constant 8 : i32
              %shift_right_arithmetic3A_462 = vector.broadcast %shift_right_arithmetic3A_461 : i32 to vector<16xi32>
              %shift_right_arithmetic3A_463 = arith.shrsi %get3A_460, %shift_right_arithmetic3A_462 : vector<16xi32>
              %swap3A_464 = arith.index_cast %and3A_436 : i32 to index
              %swap3A_465 = arith.constant 16 : index
              %swap3A_466 = tpu.vector_load %arg16[%swap3A_464, %swap3A_465] {strides = array<i32>} : memref<2x32xi32, #tpu.memory_space<vmem>>, vector<16xi32>,
              tpu.vector_store %arg16[%swap3A_464, %swap3A_465], %shift_right_arithmetic3A_463 {strides = array<i32>} : memref<2x32xi32, #tpu.memory_space<vmem>>, vector<16xi32>,
              %dma_start3A_467 = arith.constant 0 : i32
              %dma_start3A_468 = arith.constant 0 : i32
              %dma_start3A_469 = tpu.memref_slice %arg18[%and3A_436, %dma_start3A_467, %dma_start3A_468] : memref<2x32x128xf32, #tpu.memory_space<vmem>> -> memref<1x32x128xf32, #tpu.memory_space<vmem>>
              %dma_start3A_470 = tpu.memref_squeeze %dma_start3A_469 : memref<1x32x128xf32, #tpu.memory_space<vmem>> -> memref<32x128xf32, #tpu.memory_space<vmem>>
              %dma_start3A_471 = arith.constant 0 : i32
              %dma_start3A_472 = tpu.memref_slice %arg16[%and3A_436, %dma_start3A_471] : memref<2x32xi32, #tpu.memory_space<vmem>> -> memref<1x32xi32, #tpu.memory_space<vmem>>
              %dma_start3A_473 = tpu.memref_squeeze %dma_start3A_472 : memref<1x32xi32, #tpu.memory_space<vmem>> -> memref<32xi32, #tpu.memory_space<vmem>>
              %dma_start3A_474 = arith.constant 0 : i32
              %dma_start3A_475 = arith.constant 0 : i32
              %dma_start3A_476 = tpu.memref_slice %arg5[%dma_start3A_474, %dma_start3A_475] : memref<10000x128xf32, #tpu.memory_space<hbm>> -> memref<10000x128xf32, #tpu.memory_space<hbm>>
              %dma_start3A_477 = tpu.memref_slice %arg22[%and3A_436] : memref<2x!tpu.dma_semaphore, #tpu.memory_space<semaphore_mem>> -> memref<1x!tpu.dma_semaphore, #tpu.memory_space<semaphore_mem>>
              %dma_start3A_478 = tpu.memref_squeeze %dma_start3A_477 : memref<1x!tpu.dma_semaphore, #tpu.memory_space<semaphore_mem>> -> memref<!tpu.dma_semaphore, #tpu.memory_space<semaphore_mem>>
              tpu.enqueue_indirect_dma source(%dma_start3A_476 : memref<10000x128xf32, #tpu.memory_space<hbm>>) target(%dma_start3A_470 : memref<32x128xf32, #tpu.memory_space<vmem>>) offsets(%dma_start3A_473 : memref<32xi32, #tpu.memory_space<vmem>>) semaphore(%dma_start3A_478 : memref<!tpu.dma_semaphore, #tpu.memory_space<semaphore_mem>>)
            } else {
            }
            %gt3A_441 = arith.constant 0 : i32
            %gt3A_442 = arith.cmpi sgt, %while3A_434, %gt3A_441 : i32
            %convert_element_type3A_443 = arith.extui %gt3A_442 : i1 to i32
            %cond3A_444 = arith.constant 0 : i32
            %cond3A_445 = arith.cmpi ne, %convert_element_type3A_443, %cond3A_444 : i32
            scf.if %cond3A_445 {
              %sub3A_446 = arith.constant 1 : i32
              %sub3A_447 = arith.subi %while3A_434, %sub3A_446 : i32
              %and3A_448 = arith.constant 1 : i32
              %and3A_449 = arith.andi %sub3A_447, %and3A_448 : i32
              %sub3A_450 = arith.constant 1 : i32
              %sub3A_451 = arith.subi %while3A_434, %sub3A_450 : i32
              %mul3A_452 = arith.constant 32 : i32
              %mul3A_453 = arith.muli %sub3A_451, %mul3A_452 : i32
              %dma_wait3A_454 = arith.constant 0 : i32
              %dma_wait3A_455 = arith.constant 0 : i32
              %dma_wait3A_456 = tpu.memref_slice %arg18[%and3A_449, %dma_wait3A_454, %dma_wait3A_455] : memref<2x32x128xf32, #tpu.memory_space<vmem>> -> memref<1x32x128xf32, #tpu.memory_space<vmem>>
              %dma_wait3A_457 = tpu.memref_squeeze %dma_wait3A_456 : memref<1x32x128xf32, #tpu.memory_space<vmem>> -> memref<32x128xf32, #tpu.memory_space<vmem>>
              %dma_wait3A_458 = arith.constant 0 : i32
              %dma_wait3A_459 = tpu.memref_slice %arg16[%and3A_449, %dma_wait3A_458] : memref<2x32xi32, #tpu.memory_space<vmem>> -> memref<1x32xi32, #tpu.memory_space<vmem>>
              %dma_wait3A_460 = tpu.memref_squeeze %dma_wait3A_459 : memref<1x32xi32, #tpu.memory_space<vmem>> -> memref<32xi32, #tpu.memory_space<vmem>>
              %dma_wait3A_461 = arith.constant 0 : i32
              %dma_wait3A_462 = arith.constant 0 : i32
              %dma_wait3A_463 = tpu.memref_slice %arg5[%dma_wait3A_461, %dma_wait3A_462] : memref<10000x128xf32, #tpu.memory_space<hbm>> -> memref<10000x128xf32, #tpu.memory_space<hbm>>
              %dma_wait3A_464 = tpu.memref_slice %arg22[%and3A_449] : memref<2x!tpu.dma_semaphore, #tpu.memory_space<semaphore_mem>> -> memref<1x!tpu.dma_semaphore, #tpu.memory_space<semaphore_mem>>
              %dma_wait3A_465 = tpu.memref_squeeze %dma_wait3A_464 : memref<1x!tpu.dma_semaphore, #tpu.memory_space<semaphore_mem>> -> memref<!tpu.dma_semaphore, #tpu.memory_space<semaphore_mem>>
              tpu.wait_indirect_dma semaphore(%dma_wait3A_465 : memref<!tpu.dma_semaphore, #tpu.memory_space<semaphore_mem>>) src(%dma_wait3A_463 : memref<10000x128xf32, #tpu.memory_space<hbm>>) dst(%dma_wait3A_457 : memref<32x128xf32, #tpu.memory_space<vmem>>)
              %parallel_loop3A = arith.constant 0 : i32
              %parallel_loop3A_466 = arith.constant 32 : i32
              %parallel_loop3A_467 = arith.constant 1 : i32
              scf.for %parallel_loop3A_468 = %parallel_loop3A to %parallel_loop3A_466 step %parallel_loop3A_467  : i32 {
                %parallel_loop3A_469 = arith.addi %mul3A_453, %parallel_loop3A_468 : i32
                %parallel_loop3A_470 = vector.broadcast %parallel_loop3A_469 : i32 to vector<16xi32>
                %parallel_loop3A_471 = tpu.vector_load_idx %arg13[%parallel_loop3A_470] : memref<576xi32, #tpu.memory_space<vmem>>[vector<16xi32>], vector<16xi32>,
                %parallel_loop3A_472 = arith.constant 255 : i32
                %parallel_loop3A_473 = vector.broadcast %parallel_loop3A_472 : i32 to vector<16xi32>
                %parallel_loop3A_474 = arith.andi %parallel_loop3A_471, %parallel_loop3A_473 : vector<16xi32>
                %parallel_loop3A_475 = arith.addi %mul3A_453, %parallel_loop3A_468 : i32
                %parallel_loop3A_476 = vector.broadcast %parallel_loop3A_475 : i32 to vector<16xi32>
                %parallel_loop3A_477 = tpu.vector_load_idx %arg14[%parallel_loop3A_476] : memref<576xf32, #tpu.memory_space<vmem>>[vector<16xi32>], vector<16xf32>,
                %parallel_loop3A_478 = arith.index_cast %and3A_449 : i32 to index
                %parallel_loop3A_479 = arith.index_cast %parallel_loop3A_468 : i32 to index
                %parallel_loop3A_480 = arith.constant 0 : index
                %parallel_loop3A_481 = tpu.vector_load %arg18[%parallel_loop3A_478, %parallel_loop3A_479, %parallel_loop3A_480] {strides = array<i32>} : memref<2x32x128xf32, #tpu.memory_space<vmem>>, vector<16xf32>,
                %parallel_loop3A_482 = arith.mulf %parallel_loop3A_481, %parallel_loop3A_477 : vector<16xf32>
                %parallel_loop3A_483 = arith.constant 0 : i32
                %parallel_loop3A_484 = vector.broadcast %parallel_loop3A_483 : i32 to vector<16xi32>
                %parallel_loop3A_485 = arith.addi %iota3A, %parallel_loop3A_484 : vector<16xi32>
                tpu.vector_store_idx %arg20[%parallel_loop3A_474, %parallel_loop3A_485], %parallel_loop3A_482 {add = true} : memref<256x64xf32, #tpu.memory_space<vmem>>[vector<16xi32>, vector<16xi32>], vector<16xf32>,
                %parallel_loop3A_486 = arith.index_cast %and3A_449 : i32 to index
                %parallel_loop3A_487 = arith.index_cast %parallel_loop3A_468 : i32 to index
                %parallel_loop3A_488 = arith.constant 16 : index
                %parallel_loop3A_489 = tpu.vector_load %arg18[%parallel_loop3A_486, %parallel_loop3A_487, %parallel_loop3A_488] {strides = array<i32>} : memref<2x32x128xf32, #tpu.memory_space<vmem>>, vector<16xf32>,
                %parallel_loop3A_490 = arith.mulf %parallel_loop3A_489, %parallel_loop3A_477 : vector<16xf32>
                %parallel_loop3A_491 = arith.constant 16 : i32
                %parallel_loop3A_492 = vector.broadcast %parallel_loop3A_491 : i32 to vector<16xi32>
                %parallel_loop3A_493 = arith.addi %iota3A, %parallel_loop3A_492 : vector<16xi32>
                tpu.vector_store_idx %arg20[%parallel_loop3A_474, %parallel_loop3A_493], %parallel_loop3A_490 {add = true} : memref<256x64xf32, #tpu.memory_space<vmem>>[vector<16xi32>, vector<16xi32>], vector<16xf32>,
                %parallel_loop3A_494 = arith.index_cast %and3A_449 : i32 to index
                %parallel_loop3A_495 = arith.index_cast %parallel_loop3A_468 : i32 to index
                %parallel_loop3A_496 = arith.constant 32 : index
                %parallel_loop3A_497 = tpu.vector_load %arg18[%parallel_loop3A_494, %parallel_loop3A_495, %parallel_loop3A_496] {strides = array<i32>} : memref<2x32x128xf32, #tpu.memory_space<vmem>>, vector<16xf32>,
                %parallel_loop3A_498 = arith.mulf %parallel_loop3A_497, %parallel_loop3A_477 : vector<16xf32>
                %parallel_loop3A_499 = arith.constant 32 : i32
                %parallel_loop3A_500 = vector.broadcast %parallel_loop3A_499 : i32 to vector<16xi32>
                %parallel_loop3A_501 = arith.addi %iota3A, %parallel_loop3A_500 : vector<16xi32>
                tpu.vector_store_idx %arg20[%parallel_loop3A_474, %parallel_loop3A_501], %parallel_loop3A_498 {add = true} : memref<256x64xf32, #tpu.memory_space<vmem>>[vector<16xi32>, vector<16xi32>], vector<16xf32>,
                %parallel_loop3A_502 = arith.index_cast %and3A_449 : i32 to index
                %parallel_loop3A_503 = arith.index_cast %parallel_loop3A_468 : i32 to index
                %parallel_loop3A_504 = arith.constant 48 : index
                %parallel_loop3A_505 = tpu.vector_load %arg18[%parallel_loop3A_502, %parallel_loop3A_503, %parallel_loop3A_504] {strides = array<i32>} : memref<2x32x128xf32, #tpu.memory_space<vmem>>, vector<16xf32>,
                %parallel_loop3A_506 = arith.mulf %parallel_loop3A_505, %parallel_loop3A_477 : vector<16xf32>
                %parallel_loop3A_507 = arith.constant 48 : i32
                %parallel_loop3A_508 = vector.broadcast %parallel_loop3A_507 : i32 to vector<16xi32>
                %parallel_loop3A_509 = arith.addi %iota3A, %parallel_loop3A_508 : vector<16xi32>
                tpu.vector_store_idx %arg20[%parallel_loop3A_474, %parallel_loop3A_509], %parallel_loop3A_506 {add = true} : memref<256x64xf32, #tpu.memory_space<vmem>>[vector<16xi32>, vector<16xi32>], vector<16xf32>,
              } {sc.loop_unroll_factor = 4 : i64, sc.parallel_access}
            } else {
            }
          }
          %mul3A_408 = arith.constant 32 : i32
          %mul3A_409 = arith.muli %select_n3A_396, %mul3A_408 : i32
          %add3A_410 = arith.constant 0 : i32
          %add3A_411 = arith.addi %mul3A_409, %add3A_410 : i32
          %get3A_412 = arith.index_cast %add3A_411 : i32 to index
          %get3A_413 = tpu.vector_load %arg13[%get3A_412] {strides = array<i32>} : memref<576xi32, #tpu.memory_space<vmem>>, vector<16xi32>,
          %swap3A_414 = arith.constant 0 : index
          %swap3A_415 = tpu.vector_load %arg13[%swap3A_414] {strides = array<i32>} : memref<576xi32, #tpu.memory_space<vmem>>, vector<16xi32>,
          tpu.vector_store %arg13[%swap3A_414], %get3A_413 {strides = array<i32>} : memref<576xi32, #tpu.memory_space<vmem>>, vector<16xi32>,
          %add3A_416 = arith.constant 0 : i32
          %add3A_417 = arith.addi %mul3A_409, %add3A_416 : i32
          %get3A_418 = arith.index_cast %add3A_417 : i32 to index
          %get3A_419 = tpu.vector_load %arg14[%get3A_418] {strides = array<i32>} : memref<576xf32, #tpu.memory_space<vmem>>, vector<16xf32>,
          %swap3A_420 = arith.constant 0 : index
          %swap3A_421 = tpu.vector_load %arg14[%swap3A_420] {strides = array<i32>} : memref<576xf32, #tpu.memory_space<vmem>>, vector<16xf32>,
          tpu.vector_store %arg14[%swap3A_420], %get3A_419 {strides = array<i32>} : memref<576xf32, #tpu.memory_space<vmem>>, vector<16xf32>,
          %add3A_422 = arith.constant 16 : i32
          %add3A_423 = arith.addi %mul3A_409, %add3A_422 : i32
          %get3A_424 = arith.index_cast %add3A_423 : i32 to index
          %get3A_425 = tpu.vector_load %arg13[%get3A_424] {strides = array<i32>} : memref<576xi32, #tpu.memory_space<vmem>>, vector<16xi32>,
          %swap3A_426 = arith.constant 16 : index
          %swap3A_427 = tpu.vector_load %arg13[%swap3A_426] {strides = array<i32>} : memref<576xi32, #tpu.memory_space<vmem>>, vector<16xi32>,
          tpu.vector_store %arg13[%swap3A_426], %get3A_425 {strides = array<i32>} : memref<576xi32, #tpu.memory_space<vmem>>, vector<16xi32>,
          %add3A_428 = arith.constant 16 : i32
          %add3A_429 = arith.addi %mul3A_409, %add3A_428 : i32
          %get3A_430 = arith.index_cast %add3A_429 : i32 to index
          %get3A_431 = tpu.vector_load %arg14[%get3A_430] {strides = array<i32>} : memref<576xf32, #tpu.memory_space<vmem>>, vector<16xf32>,
          %swap3A_432 = arith.constant 16 : index
          %swap3A_433 = tpu.vector_load %arg14[%swap3A_432] {strides = array<i32>} : memref<576xf32, #tpu.memory_space<vmem>>, vector<16xf32>,
          tpu.vector_store %arg14[%swap3A_432], %get3A_431 {strides = array<i32>} : memref<576xf32, #tpu.memory_space<vmem>>, vector<16xf32>,
        } else {
        }
        %jit3A_356 = arith.constant 32 : i32
        %eq3A_357 = arith.constant 0 : i32
        %eq3A_358 = arith.cmpi eq, %jit3A_356, %eq3A_357 : i32
        %jit3A_359 = arith.constant 1 : i32
        %select_n3A_360 = arith.select %eq3A_358, %jit3A_359, %jit3A_356 : i32
        %rem3A_361 = arith.remsi %add3A_329, %select_n3A_360 : i32
        %ne3A_362 = arith.constant 0 : i32
        %ne3A_363 = arith.cmpi ne, %rem3A_361, %ne3A_362 : i32
        %lt3A_364 = arith.constant 0 : i32
        %lt3A_365 = arith.cmpi slt, %rem3A_361, %lt3A_364 : i32
        %lt3A_366 = arith.constant 0 : i32
        %lt3A_367 = arith.cmpi slt, %select_n3A_360, %lt3A_366 : i32
        %ne3A_368 = arith.xori %lt3A_365, %lt3A_367 : i1
        %and3A_369 = arith.andi %ne3A_368, %ne3A_363 : i1
        %add3A_370 = arith.addi %rem3A_361, %select_n3A_360 : i32
        %select_n3A_371 = arith.select %and3A_369, %add3A_370, %rem3A_361 : i32
        %select_n3A_372 = arith.select %gt3A_352, %select_n3A_371, %add3A_329 : i32
        scf.yield %select_n3A_350, %select_n3A_372 : i32, i32
      }
      %scan3A_282 = arith.constant 32 : i32
      scf.yield %scan3A_281#0, %scan3A_281#1 : i32, i32
    }
    %scan3A_90 = arith.constant 32 : i32
    %and3A_91 = arith.constant 8191 : i32
    %and3A_92 = vector.broadcast %and3A_91 : i32 to vector<16xi32>
    %and3A_93 = arith.andi %iota3A, %and3A_92 : vector<16xi32>
    %mul3A_94 = arith.constant 256 : i32
    %mul3A_95 = vector.broadcast %mul3A_94 : i32 to vector<16xi32>
    %mul3A_96 = arith.muli %and3A_93, %mul3A_95 : vector<16xi32>
    %add3A_97 = arith.constant 0 : i32
    %add3A_98 = arith.addi %scan3A_89#0, %add3A_97 : i32
    %add3A_99 = arith.constant 0 : i32
    %add3A_100 = vector.broadcast %add3A_99 : i32 to vector<16xi32>
    %add3A_101 = arith.addi %mul3A_96, %add3A_100 : vector<16xi32>
    %swap3A = arith.index_cast %add3A_98 : i32 to index
    %swap3A_102 = tpu.vector_load %arg11[%swap3A] {strides = array<i32>} : memref<1600xi32, #tpu.memory_space<vmem>>, vector<16xi32>,
    tpu.vector_store %arg11[%swap3A], %add3A_101 {strides = array<i32>} : memref<1600xi32, #tpu.memory_space<vmem>>, vector<16xi32>,
    %swap3A_103 = arith.index_cast %add3A_98 : i32 to index
    %swap3A_104 = tpu.vector_load %arg12[%swap3A_103] {strides = array<i32>} : memref<1600xf32, #tpu.memory_space<vmem>>, vector<16xf32>,
    tpu.vector_store %arg12[%swap3A_103], %broadcast_in_dim3A_33 {strides = array<i32>} : memref<1600xf32, #tpu.memory_space<vmem>>, vector<16xf32>,
    %add3A_105 = arith.constant 16 : i32
    %add3A_106 = arith.addi %scan3A_89#0, %add3A_105 : i32
    %add3A_107 = arith.constant 4096 : i32
    %add3A_108 = vector.broadcast %add3A_107 : i32 to vector<16xi32>
    %add3A_109 = arith.addi %mul3A_96, %add3A_108 : vector<16xi32>
    %swap3A_110 = arith.index_cast %add3A_106 : i32 to index
    %swap3A_111 = tpu.vector_load %arg11[%swap3A_110] {strides = array<i32>} : memref<1600xi32, #tpu.memory_space<vmem>>, vector<16xi32>,
    tpu.vector_store %arg11[%swap3A_110], %add3A_109 {strides = array<i32>} : memref<1600xi32, #tpu.memory_space<vmem>>, vector<16xi32>,
    %swap3A_112 = arith.index_cast %add3A_106 : i32 to index
    %swap3A_113 = tpu.vector_load %arg12[%swap3A_112] {strides = array<i32>} : memref<1600xf32, #tpu.memory_space<vmem>>, vector<16xf32>,
    tpu.vector_store %arg12[%swap3A_112], %broadcast_in_dim3A_33 {strides = array<i32>} : memref<1600xf32, #tpu.memory_space<vmem>>, vector<16xf32>,
    %add3A_114 = arith.constant 32 : i32
    %add3A_115 = arith.addi %scan3A_89#0, %add3A_114 : i32
    %sub3A_116 = arith.constant 1 : i32
    %sub3A_117 = arith.subi %add3A_115, %sub3A_116 : i32
    %jit3A_118 = arith.constant 32 : i32
    %div3A_119 = arith.divsi %sub3A_117, %jit3A_118 : i32
    %sign3A_120 = arith.constant 0 : i32
    %sign3A_121 = arith.cmpi sgt, %sub3A_117, %sign3A_120 : i32
    %sign3A_122 = arith.extui %sign3A_121 : i1 to i32
    %sign3A_123 = arith.constant 0 : i32
    %sign3A_124 = arith.cmpi slt, %sub3A_117, %sign3A_123 : i32
    %sign3A_125 = arith.extui %sign3A_124 : i1 to i32
    %sign3A_126 = arith.subi %sign3A_122, %sign3A_125 : i32
    %sign3A_127 = arith.constant 0 : i32
    %sign3A_128 = arith.cmpi sgt, %jit3A_118, %sign3A_127 : i32
    %sign3A_129 = arith.extui %sign3A_128 : i1 to i32
    %sign3A_130 = arith.constant 0 : i32
    %sign3A_131 = arith.cmpi slt, %jit3A_118, %sign3A_130 : i32
    %sign3A_132 = arith.extui %sign3A_131 : i1 to i32
    %sign3A_133 = arith.subi %sign3A_129, %sign3A_132 : i32
    %ne3A_134 = arith.cmpi ne, %sign3A_126, %sign3A_133 : i32
    %rem3A_135 = arith.remsi %sub3A_117, %jit3A_118 : i32
    %ne3A_136 = arith.constant 0 : i32
    %ne3A_137 = arith.cmpi ne, %rem3A_135, %ne3A_136 : i32
    %and3A_138 = arith.andi %ne3A_134, %ne3A_137 : i1
    %sub3A_139 = arith.constant 1 : i32
    %sub3A_140 = arith.subi %div3A_119, %sub3A_139 : i32
    %select_n3A_141 = arith.select %and3A_138, %sub3A_140, %div3A_119 : i32
    %add3A_142 = arith.constant 1 : i32
    %add3A_143 = arith.addi %select_n3A_141, %add3A_142 : i32
    %while3A = arith.constant 0 : i32
    %while3A_144 = arith.subi %add3A_143, %while3A : i32
    %while3A_145 = arith.addi %while3A, %while3A_144 : i32
    %while3A_146 = arith.constant 1 : i32
    %while3A_147 = arith.divsi %while3A_144, %while3A_146 : i32
    %while3A_148 = arith.muli %while3A_147, %while3A_146 : i32
    %while3A_149 = arith.addi %while3A, %while3A_148 : i32
    %while3A_150 = arith.constant 1 : i32
    scf.for %while3A_224 = %while3A to %while3A_149 step %while3A_150  : i32 {
      %and3A_225 = arith.constant 1 : i32
      %and3A_226 = arith.andi %while3A_224, %and3A_225 : i32
      %lt3A_227 = arith.cmpi slt, %while3A_224, %select_n3A_141 : i32
      %convert_element_type3A = arith.extui %lt3A_227 : i1 to i32
      %cond3A = arith.constant 0 : i32
      %cond3A_228 = arith.cmpi ne, %convert_element_type3A, %cond3A : i32
      scf.if %cond3A_228 {
        %mul3A_233 = arith.constant 32 : i32
        %mul3A_234 = arith.muli %while3A_224, %mul3A_233 : i32
        %add3A_235 = arith.constant 0 : i32
        %add3A_236 = arith.addi %mul3A_234, %add3A_235 : i32
        %get3A = arith.index_cast %add3A_236 : i32 to index
        %get3A_237 = tpu.vector_load %arg11[%get3A] {strides = array<i32>} : memref<1600xi32, #tpu.memory_space<vmem>>, vector<16xi32>,
        %shift_right_arithmetic3A = arith.constant 8 : i32
        %shift_right_arithmetic3A_238 = vector.broadcast %shift_right_arithmetic3A : i32 to vector<16xi32>
        %shift_right_arithmetic3A_239 = arith.shrsi %get3A_237, %shift_right_arithmetic3A_238 : vector<16xi32>
        %swap3A_240 = arith.index_cast %and3A_226 : i32 to index
        %swap3A_241 = arith.constant 0 : index
        %swap3A_242 = tpu.vector_load %arg15[%swap3A_240, %swap3A_241] {strides = array<i32>} : memref<2x32xi32, #tpu.memory_space<vmem>>, vector<16xi32>,
        tpu.vector_store %arg15[%swap3A_240, %swap3A_241], %shift_right_arithmetic3A_239 {strides = array<i32>} : memref<2x32xi32, #tpu.memory_space<vmem>>, vector<16xi32>,
        %add3A_243 = arith.constant 16 : i32
        %add3A_244 = arith.addi %mul3A_234, %add3A_243 : i32
        %get3A_245 = arith.index_cast %add3A_244 : i32 to index
        %get3A_246 = tpu.vector_load %arg11[%get3A_245] {strides = array<i32>} : memref<1600xi32, #tpu.memory_space<vmem>>, vector<16xi32>,
        %shift_right_arithmetic3A_247 = arith.constant 8 : i32
        %shift_right_arithmetic3A_248 = vector.broadcast %shift_right_arithmetic3A_247 : i32 to vector<16xi32>
        %shift_right_arithmetic3A_249 = arith.shrsi %get3A_246, %shift_right_arithmetic3A_248 : vector<16xi32>
        %swap3A_250 = arith.index_cast %and3A_226 : i32 to index
        %swap3A_251 = arith.constant 16 : index
        %swap3A_252 = tpu.vector_load %arg15[%swap3A_250, %swap3A_251] {strides = array<i32>} : memref<2x32xi32, #tpu.memory_space<vmem>>, vector<16xi32>,
        tpu.vector_store %arg15[%swap3A_250, %swap3A_251], %shift_right_arithmetic3A_249 {strides = array<i32>} : memref<2x32xi32, #tpu.memory_space<vmem>>, vector<16xi32>,
        %dma_start3A_253 = arith.constant 0 : i32
        %dma_start3A_254 = arith.constant 0 : i32
        %dma_start3A_255 = tpu.memref_slice %arg17[%and3A_226, %dma_start3A_253, %dma_start3A_254] : memref<2x32x256xf32, #tpu.memory_space<vmem>> -> memref<1x32x256xf32, #tpu.memory_space<vmem>>
        %dma_start3A_256 = tpu.memref_squeeze %dma_start3A_255 : memref<1x32x256xf32, #tpu.memory_space<vmem>> -> memref<32x256xf32, #tpu.memory_space<vmem>>
        %dma_start3A_257 = arith.constant 0 : i32
        %dma_start3A_258 = tpu.memref_slice %arg15[%and3A_226, %dma_start3A_257] : memref<2x32xi32, #tpu.memory_space<vmem>> -> memref<1x32xi32, #tpu.memory_space<vmem>>
        %dma_start3A_259 = tpu.memref_squeeze %dma_start3A_258 : memref<1x32xi32, #tpu.memory_space<vmem>> -> memref<32xi32, #tpu.memory_space<vmem>>
        %dma_start3A_260 = arith.constant 0 : i32
        %dma_start3A_261 = arith.constant 0 : i32
        %dma_start3A_262 = tpu.memref_slice %arg4[%dma_start3A_260, %dma_start3A_261] : memref<90000x256xf32, #tpu.memory_space<hbm>> -> memref<90000x256xf32, #tpu.memory_space<hbm>>
        %dma_start3A_263 = tpu.memref_slice %arg21[%and3A_226] : memref<2x!tpu.dma_semaphore, #tpu.memory_space<semaphore_mem>> -> memref<1x!tpu.dma_semaphore, #tpu.memory_space<semaphore_mem>>
        %dma_start3A_264 = tpu.memref_squeeze %dma_start3A_263 : memref<1x!tpu.dma_semaphore, #tpu.memory_space<semaphore_mem>> -> memref<!tpu.dma_semaphore, #tpu.memory_space<semaphore_mem>>
        tpu.enqueue_indirect_dma source(%dma_start3A_262 : memref<90000x256xf32, #tpu.memory_space<hbm>>) target(%dma_start3A_256 : memref<32x256xf32, #tpu.memory_space<vmem>>) offsets(%dma_start3A_259 : memref<32xi32, #tpu.memory_space<vmem>>) semaphore(%dma_start3A_264 : memref<!tpu.dma_semaphore, #tpu.memory_space<semaphore_mem>>)
      } else {
      }
      %gt3A = arith.constant 0 : i32
      %gt3A_229 = arith.cmpi sgt, %while3A_224, %gt3A : i32
      %convert_element_type3A_230 = arith.extui %gt3A_229 : i1 to i32
      %cond3A_231 = arith.constant 0 : i32
      %cond3A_232 = arith.cmpi ne, %convert_element_type3A_230, %cond3A_231 : i32
      scf.if %cond3A_232 {
        %sub3A_233 = arith.constant 1 : i32
        %sub3A_234 = arith.subi %while3A_224, %sub3A_233 : i32
        %and3A_235 = arith.constant 1 : i32
        %and3A_236 = arith.andi %sub3A_234, %and3A_235 : i32
        %sub3A_237 = arith.constant 1 : i32
        %sub3A_238 = arith.subi %while3A_224, %sub3A_237 : i32
        %mul3A_239 = arith.constant 32 : i32
        %mul3A_240 = arith.muli %sub3A_238, %mul3A_239 : i32
        %dma_wait3A = arith.constant 0 : i32
        %dma_wait3A_241 = arith.constant 0 : i32
        %dma_wait3A_242 = tpu.memref_slice %arg17[%and3A_236, %dma_wait3A, %dma_wait3A_241] : memref<2x32x256xf32, #tpu.memory_space<vmem>> -> memref<1x32x256xf32, #tpu.memory_space<vmem>>
        %dma_wait3A_243 = tpu.memref_squeeze %dma_wait3A_242 : memref<1x32x256xf32, #tpu.memory_space<vmem>> -> memref<32x256xf32, #tpu.memory_space<vmem>>
        %dma_wait3A_244 = arith.constant 0 : i32
        %dma_wait3A_245 = tpu.memref_slice %arg15[%and3A_236, %dma_wait3A_244] : memref<2x32xi32, #tpu.memory_space<vmem>> -> memref<1x32xi32, #tpu.memory_space<vmem>>
        %dma_wait3A_246 = tpu.memref_squeeze %dma_wait3A_245 : memref<1x32xi32, #tpu.memory_space<vmem>> -> memref<32xi32, #tpu.memory_space<vmem>>
        %dma_wait3A_247 = arith.constant 0 : i32
        %dma_wait3A_248 = arith.constant 0 : i32
        %dma_wait3A_249 = tpu.memref_slice %arg4[%dma_wait3A_247, %dma_wait3A_248] : memref<90000x256xf32, #tpu.memory_space<hbm>> -> memref<90000x256xf32, #tpu.memory_space<hbm>>
        %dma_wait3A_250 = tpu.memref_slice %arg21[%and3A_236] : memref<2x!tpu.dma_semaphore, #tpu.memory_space<semaphore_mem>> -> memref<1x!tpu.dma_semaphore, #tpu.memory_space<semaphore_mem>>
        %dma_wait3A_251 = tpu.memref_squeeze %dma_wait3A_250 : memref<1x!tpu.dma_semaphore, #tpu.memory_space<semaphore_mem>> -> memref<!tpu.dma_semaphore, #tpu.memory_space<semaphore_mem>>
        tpu.wait_indirect_dma semaphore(%dma_wait3A_251 : memref<!tpu.dma_semaphore, #tpu.memory_space<semaphore_mem>>) src(%dma_wait3A_249 : memref<90000x256xf32, #tpu.memory_space<hbm>>) dst(%dma_wait3A_243 : memref<32x256xf32, #tpu.memory_space<vmem>>)
        %parallel_loop3A = arith.constant 0 : i32
        %parallel_loop3A_252 = arith.constant 32 : i32
        %parallel_loop3A_253 = arith.constant 1 : i32
        scf.for %parallel_loop3A_254 = %parallel_loop3A to %parallel_loop3A_252 step %parallel_loop3A_253  : i32 {
          %parallel_loop3A_255 = arith.addi %mul3A_240, %parallel_loop3A_254 : i32
          %parallel_loop3A_256 = vector.broadcast %parallel_loop3A_255 : i32 to vector<16xi32>
          %parallel_loop3A_257 = tpu.vector_load_idx %arg11[%parallel_loop3A_256] : memref<1600xi32, #tpu.memory_space<vmem>>[vector<16xi32>], vector<16xi32>,
          %parallel_loop3A_258 = arith.constant 255 : i32
          %parallel_loop3A_259 = vector.broadcast %parallel_loop3A_258 : i32 to vector<16xi32>
          %parallel_loop3A_260 = arith.andi %parallel_loop3A_257, %parallel_loop3A_259 : vector<16xi32>
          %parallel_loop3A_261 = arith.addi %mul3A_240, %parallel_loop3A_254 : i32
          %parallel_loop3A_262 = vector.broadcast %parallel_loop3A_261 : i32 to vector<16xi32>
          %parallel_loop3A_263 = tpu.vector_load_idx %arg12[%parallel_loop3A_262] : memref<1600xf32, #tpu.memory_space<vmem>>[vector<16xi32>], vector<16xf32>,
          %parallel_loop3A_264 = arith.index_cast %and3A_236 : i32 to index
          %parallel_loop3A_265 = arith.index_cast %parallel_loop3A_254 : i32 to index
          %parallel_loop3A_266 = arith.constant 0 : index
          %parallel_loop3A_267 = tpu.vector_load %arg17[%parallel_loop3A_264, %parallel_loop3A_265, %parallel_loop3A_266] {strides = array<i32>} : memref<2x32x256xf32, #tpu.memory_space<vmem>>, vector<16xf32>,
          %parallel_loop3A_268 = arith.mulf %parallel_loop3A_267, %parallel_loop3A_263 : vector<16xf32>
          %parallel_loop3A_269 = arith.constant 0 : i32
          %parallel_loop3A_270 = vector.broadcast %parallel_loop3A_269 : i32 to vector<16xi32>
          %parallel_loop3A_271 = arith.addi %iota3A, %parallel_loop3A_270 : vector<16xi32>
          tpu.vector_store_idx %arg19[%parallel_loop3A_260, %parallel_loop3A_271], %parallel_loop3A_268 {add = true} : memref<256x256xf32, #tpu.memory_space<vmem>>[vector<16xi32>, vector<16xi32>], vector<16xf32>,
          %parallel_loop3A_272 = arith.index_cast %and3A_236 : i32 to index
          %parallel_loop3A_273 = arith.index_cast %parallel_loop3A_254 : i32 to index
          %parallel_loop3A_274 = arith.constant 16 : index
          %parallel_loop3A_275 = tpu.vector_load %arg17[%parallel_loop3A_272, %parallel_loop3A_273, %parallel_loop3A_274] {strides = array<i32>} : memref<2x32x256xf32, #tpu.memory_space<vmem>>, vector<16xf32>,
          %parallel_loop3A_276 = arith.mulf %parallel_loop3A_275, %parallel_loop3A_263 : vector<16xf32>
          %parallel_loop3A_277 = arith.constant 16 : i32
          %parallel_loop3A_278 = vector.broadcast %parallel_loop3A_277 : i32 to vector<16xi32>
          %parallel_loop3A_279 = arith.addi %iota3A, %parallel_loop3A_278 : vector<16xi32>
          tpu.vector_store_idx %arg19[%parallel_loop3A_260, %parallel_loop3A_279], %parallel_loop3A_276 {add = true} : memref<256x256xf32, #tpu.memory_space<vmem>>[vector<16xi32>, vector<16xi32>], vector<16xf32>,
          %parallel_loop3A_280 = arith.index_cast %and3A_236 : i32 to index
          %parallel_loop3A_281 = arith.index_cast %parallel_loop3A_254 : i32 to index
          %parallel_loop3A_282 = arith.constant 32 : index
          %parallel_loop3A_283 = tpu.vector_load %arg17[%parallel_loop3A_280, %parallel_loop3A_281, %parallel_loop3A_282] {strides = array<i32>} : memref<2x32x256xf32, #tpu.memory_space<vmem>>, vector<16xf32>,
          %parallel_loop3A_284 = arith.mulf %parallel_loop3A_283, %parallel_loop3A_263 : vector<16xf32>
          %parallel_loop3A_285 = arith.constant 32 : i32
          %parallel_loop3A_286 = vector.broadcast %parallel_loop3A_285 : i32 to vector<16xi32>
          %parallel_loop3A_287 = arith.addi %iota3A, %parallel_loop3A_286 : vector<16xi32>
          tpu.vector_store_idx %arg19[%parallel_loop3A_260, %parallel_loop3A_287], %parallel_loop3A_284 {add = true} : memref<256x256xf32, #tpu.memory_space<vmem>>[vector<16xi32>, vector<16xi32>], vector<16xf32>,
          %parallel_loop3A_288 = arith.index_cast %and3A_236 : i32 to index
          %parallel_loop3A_289 = arith.index_cast %parallel_loop3A_254 : i32 to index
          %parallel_loop3A_290 = arith.constant 48 : index
          %parallel_loop3A_291 = tpu.vector_load %arg17[%parallel_loop3A_288, %parallel_loop3A_289, %parallel_loop3A_290] {strides = array<i32>} : memref<2x32x256xf32, #tpu.memory_space<vmem>>, vector<16xf32>,
          %parallel_loop3A_292 = arith.mulf %parallel_loop3A_291, %parallel_loop3A_263 : vector<16xf32>
          %parallel_loop3A_293 = arith.constant 48 : i32
          %parallel_loop3A_294 = vector.broadcast %parallel_loop3A_293 : i32 to vector<16xi32>
          %parallel_loop3A_295 = arith.addi %iota3A, %parallel_loop3A_294 : vector<16xi32>
          tpu.vector_store_idx %arg19[%parallel_loop3A_260, %parallel_loop3A_295], %parallel_loop3A_292 {add = true} : memref<256x256xf32, #tpu.memory_space<vmem>>[vector<16xi32>, vector<16xi32>], vector<16xf32>,
          %parallel_loop3A_296 = arith.index_cast %and3A_236 : i32 to index
          %parallel_loop3A_297 = arith.index_cast %parallel_loop3A_254 : i32 to index
          %parallel_loop3A_298 = arith.constant 64 : index
          %parallel_loop3A_299 = tpu.vector_load %arg17[%parallel_loop3A_296, %parallel_loop3A_297, %parallel_loop3A_298] {strides = array<i32>} : memref<2x32x256xf32, #tpu.memory_space<vmem>>, vector<16xf32>,
          %parallel_loop3A_300 = arith.mulf %parallel_loop3A_299, %parallel_loop3A_263 : vector<16xf32>
          %parallel_loop3A_301 = arith.constant 64 : i32
          %parallel_loop3A_302 = vector.broadcast %parallel_loop3A_301 : i32 to vector<16xi32>
          %parallel_loop3A_303 = arith.addi %iota3A, %parallel_loop3A_302 : vector<16xi32>
          tpu.vector_store_idx %arg19[%parallel_loop3A_260, %parallel_loop3A_303], %parallel_loop3A_300 {add = true} : memref<256x256xf32, #tpu.memory_space<vmem>>[vector<16xi32>, vector<16xi32>], vector<16xf32>,
          %parallel_loop3A_304 = arith.index_cast %and3A_236 : i32 to index
          %parallel_loop3A_305 = arith.index_cast %parallel_loop3A_254 : i32 to index
          %parallel_loop3A_306 = arith.constant 80 : index
          %parallel_loop3A_307 = tpu.vector_load %arg17[%parallel_loop3A_304, %parallel_loop3A_305, %parallel_loop3A_306] {strides = array<i32>} : memref<2x32x256xf32, #tpu.memory_space<vmem>>, vector<16xf32>,
          %parallel_loop3A_308 = arith.mulf %parallel_loop3A_307, %parallel_loop3A_263 : vector<16xf32>
          %parallel_loop3A_309 = arith.constant 80 : i32
          %parallel_loop3A_310 = vector.broadcast %parallel_loop3A_309 : i32 to vector<16xi32>
          %parallel_loop3A_311 = arith.addi %iota3A, %parallel_loop3A_310 : vector<16xi32>
          tpu.vector_store_idx %arg19[%parallel_loop3A_260, %parallel_loop3A_311], %parallel_loop3A_308 {add = true} : memref<256x256xf32, #tpu.memory_space<vmem>>[vector<16xi32>, vector<16xi32>], vector<16xf32>,
          %parallel_loop3A_312 = arith.index_cast %and3A_236 : i32 to index
          %parallel_loop3A_313 = arith.index_cast %parallel_loop3A_254 : i32 to index
          %parallel_loop3A_314 = arith.constant 96 : index
          %parallel_loop3A_315 = tpu.vector_load %arg17[%parallel_loop3A_312, %parallel_loop3A_313, %parallel_loop3A_314] {strides = array<i32>} : memref<2x32x256xf32, #tpu.memory_space<vmem>>, vector<16xf32>,
          %parallel_loop3A_316 = arith.mulf %parallel_loop3A_315, %parallel_loop3A_263 : vector<16xf32>
          %parallel_loop3A_317 = arith.constant 96 : i32
          %parallel_loop3A_318 = vector.broadcast %parallel_loop3A_317 : i32 to vector<16xi32>
          %parallel_loop3A_319 = arith.addi %iota3A, %parallel_loop3A_318 : vector<16xi32>
          tpu.vector_store_idx %arg19[%parallel_loop3A_260, %parallel_loop3A_319], %parallel_loop3A_316 {add = true} : memref<256x256xf32, #tpu.memory_space<vmem>>[vector<16xi32>, vector<16xi32>], vector<16xf32>,
          %parallel_loop3A_320 = arith.index_cast %and3A_236 : i32 to index
          %parallel_loop3A_321 = arith.index_cast %parallel_loop3A_254 : i32 to index
          %parallel_loop3A_322 = arith.constant 112 : index
          %parallel_loop3A_323 = tpu.vector_load %arg17[%parallel_loop3A_320, %parallel_loop3A_321, %parallel_loop3A_322] {strides = array<i32>} : memref<2x32x256xf32, #tpu.memory_space<vmem>>, vector<16xf32>,
          %parallel_loop3A_324 = arith.mulf %parallel_loop3A_323, %parallel_loop3A_263 : vector<16xf32>
          %parallel_loop3A_325 = arith.constant 112 : i32
          %parallel_loop3A_326 = vector.broadcast %parallel_loop3A_325 : i32 to vector<16xi32>
          %parallel_loop3A_327 = arith.addi %iota3A, %parallel_loop3A_326 : vector<16xi32>
          tpu.vector_store_idx %arg19[%parallel_loop3A_260, %parallel_loop3A_327], %parallel_loop3A_324 {add = true} : memref<256x256xf32, #tpu.memory_space<vmem>>[vector<16xi32>, vector<16xi32>], vector<16xf32>,
          %parallel_loop3A_328 = arith.index_cast %and3A_236 : i32 to index
          %parallel_loop3A_329 = arith.index_cast %parallel_loop3A_254 : i32 to index
          %parallel_loop3A_330 = arith.constant 128 : index
          %parallel_loop3A_331 = tpu.vector_load %arg17[%parallel_loop3A_328, %parallel_loop3A_329, %parallel_loop3A_330] {strides = array<i32>} : memref<2x32x256xf32, #tpu.memory_space<vmem>>, vector<16xf32>,
          %parallel_loop3A_332 = arith.mulf %parallel_loop3A_331, %parallel_loop3A_263 : vector<16xf32>
          %parallel_loop3A_333 = arith.constant 128 : i32
          %parallel_loop3A_334 = vector.broadcast %parallel_loop3A_333 : i32 to vector<16xi32>
          %parallel_loop3A_335 = arith.addi %iota3A, %parallel_loop3A_334 : vector<16xi32>
          tpu.vector_store_idx %arg19[%parallel_loop3A_260, %parallel_loop3A_335], %parallel_loop3A_332 {add = true} : memref<256x256xf32, #tpu.memory_space<vmem>>[vector<16xi32>, vector<16xi32>], vector<16xf32>,
          %parallel_loop3A_336 = arith.index_cast %and3A_236 : i32 to index
          %parallel_loop3A_337 = arith.index_cast %parallel_loop3A_254 : i32 to index
          %parallel_loop3A_338 = arith.constant 144 : index
          %parallel_loop3A_339 = tpu.vector_load %arg17[%parallel_loop3A_336, %parallel_loop3A_337, %parallel_loop3A_338] {strides = array<i32>} : memref<2x32x256xf32, #tpu.memory_space<vmem>>, vector<16xf32>,
          %parallel_loop3A_340 = arith.mulf %parallel_loop3A_339, %parallel_loop3A_263 : vector<16xf32>
          %parallel_loop3A_341 = arith.constant 144 : i32
          %parallel_loop3A_342 = vector.broadcast %parallel_loop3A_341 : i32 to vector<16xi32>
          %parallel_loop3A_343 = arith.addi %iota3A, %parallel_loop3A_342 : vector<16xi32>
          tpu.vector_store_idx %arg19[%parallel_loop3A_260, %parallel_loop3A_343], %parallel_loop3A_340 {add = true} : memref<256x256xf32, #tpu.memory_space<vmem>>[vector<16xi32>, vector<16xi32>], vector<16xf32>,
          %parallel_loop3A_344 = arith.index_cast %and3A_236 : i32 to index
          %parallel_loop3A_345 = arith.index_cast %parallel_loop3A_254 : i32 to index
          %parallel_loop3A_346 = arith.constant 160 : index
          %parallel_loop3A_347 = tpu.vector_load %arg17[%parallel_loop3A_344, %parallel_loop3A_345, %parallel_loop3A_346] {strides = array<i32>} : memref<2x32x256xf32, #tpu.memory_space<vmem>>, vector<16xf32>,
          %parallel_loop3A_348 = arith.mulf %parallel_loop3A_347, %parallel_loop3A_263 : vector<16xf32>
          %parallel_loop3A_349 = arith.constant 160 : i32
          %parallel_loop3A_350 = vector.broadcast %parallel_loop3A_349 : i32 to vector<16xi32>
          %parallel_loop3A_351 = arith.addi %iota3A, %parallel_loop3A_350 : vector<16xi32>
          tpu.vector_store_idx %arg19[%parallel_loop3A_260, %parallel_loop3A_351], %parallel_loop3A_348 {add = true} : memref<256x256xf32, #tpu.memory_space<vmem>>[vector<16xi32>, vector<16xi32>], vector<16xf32>,
          %parallel_loop3A_352 = arith.index_cast %and3A_236 : i32 to index
          %parallel_loop3A_353 = arith.index_cast %parallel_loop3A_254 : i32 to index
          %parallel_loop3A_354 = arith.constant 176 : index
          %parallel_loop3A_355 = tpu.vector_load %arg17[%parallel_loop3A_352, %parallel_loop3A_353, %parallel_loop3A_354] {strides = array<i32>} : memref<2x32x256xf32, #tpu.memory_space<vmem>>, vector<16xf32>,
          %parallel_loop3A_356 = arith.mulf %parallel_loop3A_355, %parallel_loop3A_263 : vector<16xf32>
          %parallel_loop3A_357 = arith.constant 176 : i32
          %parallel_loop3A_358 = vector.broadcast %parallel_loop3A_357 : i32 to vector<16xi32>
          %parallel_loop3A_359 = arith.addi %iota3A, %parallel_loop3A_358 : vector<16xi32>
          tpu.vector_store_idx %arg19[%parallel_loop3A_260, %parallel_loop3A_359], %parallel_loop3A_356 {add = true} : memref<256x256xf32, #tpu.memory_space<vmem>>[vector<16xi32>, vector<16xi32>], vector<16xf32>,
          %parallel_loop3A_360 = arith.index_cast %and3A_236 : i32 to index
          %parallel_loop3A_361 = arith.index_cast %parallel_loop3A_254 : i32 to index
          %parallel_loop3A_362 = arith.constant 192 : index
          %parallel_loop3A_363 = tpu.vector_load %arg17[%parallel_loop3A_360, %parallel_loop3A_361, %parallel_loop3A_362] {strides = array<i32>} : memref<2x32x256xf32, #tpu.memory_space<vmem>>, vector<16xf32>,
          %parallel_loop3A_364 = arith.mulf %parallel_loop3A_363, %parallel_loop3A_263 : vector<16xf32>
          %parallel_loop3A_365 = arith.constant 192 : i32
          %parallel_loop3A_366 = vector.broadcast %parallel_loop3A_365 : i32 to vector<16xi32>
          %parallel_loop3A_367 = arith.addi %iota3A, %parallel_loop3A_366 : vector<16xi32>
          tpu.vector_store_idx %arg19[%parallel_loop3A_260, %parallel_loop3A_367], %parallel_loop3A_364 {add = true} : memref<256x256xf32, #tpu.memory_space<vmem>>[vector<16xi32>, vector<16xi32>], vector<16xf32>,
          %parallel_loop3A_368 = arith.index_cast %and3A_236 : i32 to index
          %parallel_loop3A_369 = arith.index_cast %parallel_loop3A_254 : i32 to index
          %parallel_loop3A_370 = arith.constant 208 : index
          %parallel_loop3A_371 = tpu.vector_load %arg17[%parallel_loop3A_368, %parallel_loop3A_369, %parallel_loop3A_370] {strides = array<i32>} : memref<2x32x256xf32, #tpu.memory_space<vmem>>, vector<16xf32>,
          %parallel_loop3A_372 = arith.mulf %parallel_loop3A_371, %parallel_loop3A_263 : vector<16xf32>
          %parallel_loop3A_373 = arith.constant 208 : i32
          %parallel_loop3A_374 = vector.broadcast %parallel_loop3A_373 : i32 to vector<16xi32>
          %parallel_loop3A_375 = arith.addi %iota3A, %parallel_loop3A_374 : vector<16xi32>
          tpu.vector_store_idx %arg19[%parallel_loop3A_260, %parallel_loop3A_375], %parallel_loop3A_372 {add = true} : memref<256x256xf32, #tpu.memory_space<vmem>>[vector<16xi32>, vector<16xi32>], vector<16xf32>,
          %parallel_loop3A_376 = arith.index_cast %and3A_236 : i32 to index
          %parallel_loop3A_377 = arith.index_cast %parallel_loop3A_254 : i32 to index
          %parallel_loop3A_378 = arith.constant 224 : index
          %parallel_loop3A_379 = tpu.vector_load %arg17[%parallel_loop3A_376, %parallel_loop3A_377, %parallel_loop3A_378] {strides = array<i32>} : memref<2x32x256xf32, #tpu.memory_space<vmem>>, vector<16xf32>,
          %parallel_loop3A_380 = arith.mulf %parallel_loop3A_379, %parallel_loop3A_263 : vector<16xf32>
          %parallel_loop3A_381 = arith.constant 224 : i32
          %parallel_loop3A_382 = vector.broadcast %parallel_loop3A_381 : i32 to vector<16xi32>
          %parallel_loop3A_383 = arith.addi %iota3A, %parallel_loop3A_382 : vector<16xi32>
          tpu.vector_store_idx %arg19[%parallel_loop3A_260, %parallel_loop3A_383], %parallel_loop3A_380 {add = true} : memref<256x256xf32, #tpu.memory_space<vmem>>[vector<16xi32>, vector<16xi32>], vector<16xf32>,
          %parallel_loop3A_384 = arith.index_cast %and3A_236 : i32 to index
          %parallel_loop3A_385 = arith.index_cast %parallel_loop3A_254 : i32 to index
          %parallel_loop3A_386 = arith.constant 240 : index
          %parallel_loop3A_387 = tpu.vector_load %arg17[%parallel_loop3A_384, %parallel_loop3A_385, %parallel_loop3A_386] {strides = array<i32>} : memref<2x32x256xf32, #tpu.memory_space<vmem>>, vector<16xf32>,
          %parallel_loop3A_388 = arith.mulf %parallel_loop3A_387, %parallel_loop3A_263 : vector<16xf32>
          %parallel_loop3A_389 = arith.constant 240 : i32
          %parallel_loop3A_390 = vector.broadcast %parallel_loop3A_389 : i32 to vector<16xi32>
          %parallel_loop3A_391 = arith.addi %iota3A, %parallel_loop3A_390 : vector<16xi32>
          tpu.vector_store_idx %arg19[%parallel_loop3A_260, %parallel_loop3A_391], %parallel_loop3A_388 {add = true} : memref<256x256xf32, #tpu.memory_space<vmem>>[vector<16xi32>, vector<16xi32>], vector<16xf32>,
        } {sc.loop_unroll_factor = 4 : i64, sc.parallel_access}
      } else {
      }
    }
    %while3A_151 = arith.constant 1 : i32
    scf.for %while3A_224 = %while3A_149 to %while3A_145 step %while3A_151  : i32 {
      %and3A_225 = arith.constant 1 : i32
      %and3A_226 = arith.andi %while3A_224, %and3A_225 : i32
      %lt3A_227 = arith.cmpi slt, %while3A_224, %select_n3A_141 : i32
      %convert_element_type3A = arith.extui %lt3A_227 : i1 to i32
      %cond3A = arith.constant 0 : i32
      %cond3A_228 = arith.cmpi ne, %convert_element_type3A, %cond3A : i32
      scf.if %cond3A_228 {
        %mul3A_233 = arith.constant 32 : i32
        %mul3A_234 = arith.muli %while3A_224, %mul3A_233 : i32
        %add3A_235 = arith.constant 0 : i32
        %add3A_236 = arith.addi %mul3A_234, %add3A_235 : i32
        %get3A = arith.index_cast %add3A_236 : i32 to index
        %get3A_237 = tpu.vector_load %arg11[%get3A] {strides = array<i32>} : memref<1600xi32, #tpu.memory_space<vmem>>, vector<16xi32>,
        %shift_right_arithmetic3A = arith.constant 8 : i32
        %shift_right_arithmetic3A_238 = vector.broadcast %shift_right_arithmetic3A : i32 to vector<16xi32>
        %shift_right_arithmetic3A_239 = arith.shrsi %get3A_237, %shift_right_arithmetic3A_238 : vector<16xi32>
        %swap3A_240 = arith.index_cast %and3A_226 : i32 to index
        %swap3A_241 = arith.constant 0 : index
        %swap3A_242 = tpu.vector_load %arg15[%swap3A_240, %swap3A_241] {strides = array<i32>} : memref<2x32xi32, #tpu.memory_space<vmem>>, vector<16xi32>,
        tpu.vector_store %arg15[%swap3A_240, %swap3A_241], %shift_right_arithmetic3A_239 {strides = array<i32>} : memref<2x32xi32, #tpu.memory_space<vmem>>, vector<16xi32>,
        %add3A_243 = arith.constant 16 : i32
        %add3A_244 = arith.addi %mul3A_234, %add3A_243 : i32
        %get3A_245 = arith.index_cast %add3A_244 : i32 to index
        %get3A_246 = tpu.vector_load %arg11[%get3A_245] {strides = array<i32>} : memref<1600xi32, #tpu.memory_space<vmem>>, vector<16xi32>,
        %shift_right_arithmetic3A_247 = arith.constant 8 : i32
        %shift_right_arithmetic3A_248 = vector.broadcast %shift_right_arithmetic3A_247 : i32 to vector<16xi32>
        %shift_right_arithmetic3A_249 = arith.shrsi %get3A_246, %shift_right_arithmetic3A_248 : vector<16xi32>
        %swap3A_250 = arith.index_cast %and3A_226 : i32 to index
        %swap3A_251 = arith.constant 16 : index
        %swap3A_252 = tpu.vector_load %arg15[%swap3A_250, %swap3A_251] {strides = array<i32>} : memref<2x32xi32, #tpu.memory_space<vmem>>, vector<16xi32>,
        tpu.vector_store %arg15[%swap3A_250, %swap3A_251], %shift_right_arithmetic3A_249 {strides = array<i32>} : memref<2x32xi32, #tpu.memory_space<vmem>>, vector<16xi32>,
        %dma_start3A_253 = arith.constant 0 : i32
        %dma_start3A_254 = arith.constant 0 : i32
        %dma_start3A_255 = tpu.memref_slice %arg17[%and3A_226, %dma_start3A_253, %dma_start3A_254] : memref<2x32x256xf32, #tpu.memory_space<vmem>> -> memref<1x32x256xf32, #tpu.memory_space<vmem>>
        %dma_start3A_256 = tpu.memref_squeeze %dma_start3A_255 : memref<1x32x256xf32, #tpu.memory_space<vmem>> -> memref<32x256xf32, #tpu.memory_space<vmem>>
        %dma_start3A_257 = arith.constant 0 : i32
        %dma_start3A_258 = tpu.memref_slice %arg15[%and3A_226, %dma_start3A_257] : memref<2x32xi32, #tpu.memory_space<vmem>> -> memref<1x32xi32, #tpu.memory_space<vmem>>
        %dma_start3A_259 = tpu.memref_squeeze %dma_start3A_258 : memref<1x32xi32, #tpu.memory_space<vmem>> -> memref<32xi32, #tpu.memory_space<vmem>>
        %dma_start3A_260 = arith.constant 0 : i32
        %dma_start3A_261 = arith.constant 0 : i32
        %dma_start3A_262 = tpu.memref_slice %arg4[%dma_start3A_260, %dma_start3A_261] : memref<90000x256xf32, #tpu.memory_space<hbm>> -> memref<90000x256xf32, #tpu.memory_space<hbm>>
        %dma_start3A_263 = tpu.memref_slice %arg21[%and3A_226] : memref<2x!tpu.dma_semaphore, #tpu.memory_space<semaphore_mem>> -> memref<1x!tpu.dma_semaphore, #tpu.memory_space<semaphore_mem>>
        %dma_start3A_264 = tpu.memref_squeeze %dma_start3A_263 : memref<1x!tpu.dma_semaphore, #tpu.memory_space<semaphore_mem>> -> memref<!tpu.dma_semaphore, #tpu.memory_space<semaphore_mem>>
        tpu.enqueue_indirect_dma source(%dma_start3A_262 : memref<90000x256xf32, #tpu.memory_space<hbm>>) target(%dma_start3A_256 : memref<32x256xf32, #tpu.memory_space<vmem>>) offsets(%dma_start3A_259 : memref<32xi32, #tpu.memory_space<vmem>>) semaphore(%dma_start3A_264 : memref<!tpu.dma_semaphore, #tpu.memory_space<semaphore_mem>>)
      } else {
      }
      %gt3A = arith.constant 0 : i32
      %gt3A_229 = arith.cmpi sgt, %while3A_224, %gt3A : i32
      %convert_element_type3A_230 = arith.extui %gt3A_229 : i1 to i32
      %cond3A_231 = arith.constant 0 : i32
      %cond3A_232 = arith.cmpi ne, %convert_element_type3A_230, %cond3A_231 : i32
      scf.if %cond3A_232 {
        %sub3A_233 = arith.constant 1 : i32
        %sub3A_234 = arith.subi %while3A_224, %sub3A_233 : i32
        %and3A_235 = arith.constant 1 : i32
        %and3A_236 = arith.andi %sub3A_234, %and3A_235 : i32
        %sub3A_237 = arith.constant 1 : i32
        %sub3A_238 = arith.subi %while3A_224, %sub3A_237 : i32
        %mul3A_239 = arith.constant 32 : i32
        %mul3A_240 = arith.muli %sub3A_238, %mul3A_239 : i32
        %dma_wait3A = arith.constant 0 : i32
        %dma_wait3A_241 = arith.constant 0 : i32
        %dma_wait3A_242 = tpu.memref_slice %arg17[%and3A_236, %dma_wait3A, %dma_wait3A_241] : memref<2x32x256xf32, #tpu.memory_space<vmem>> -> memref<1x32x256xf32, #tpu.memory_space<vmem>>
        %dma_wait3A_243 = tpu.memref_squeeze %dma_wait3A_242 : memref<1x32x256xf32, #tpu.memory_space<vmem>> -> memref<32x256xf32, #tpu.memory_space<vmem>>
        %dma_wait3A_244 = arith.constant 0 : i32
        %dma_wait3A_245 = tpu.memref_slice %arg15[%and3A_236, %dma_wait3A_244] : memref<2x32xi32, #tpu.memory_space<vmem>> -> memref<1x32xi32, #tpu.memory_space<vmem>>
        %dma_wait3A_246 = tpu.memref_squeeze %dma_wait3A_245 : memref<1x32xi32, #tpu.memory_space<vmem>> -> memref<32xi32, #tpu.memory_space<vmem>>
        %dma_wait3A_247 = arith.constant 0 : i32
        %dma_wait3A_248 = arith.constant 0 : i32
        %dma_wait3A_249 = tpu.memref_slice %arg4[%dma_wait3A_247, %dma_wait3A_248] : memref<90000x256xf32, #tpu.memory_space<hbm>> -> memref<90000x256xf32, #tpu.memory_space<hbm>>
        %dma_wait3A_250 = tpu.memref_slice %arg21[%and3A_236] : memref<2x!tpu.dma_semaphore, #tpu.memory_space<semaphore_mem>> -> memref<1x!tpu.dma_semaphore, #tpu.memory_space<semaphore_mem>>
        %dma_wait3A_251 = tpu.memref_squeeze %dma_wait3A_250 : memref<1x!tpu.dma_semaphore, #tpu.memory_space<semaphore_mem>> -> memref<!tpu.dma_semaphore, #tpu.memory_space<semaphore_mem>>
        tpu.wait_indirect_dma semaphore(%dma_wait3A_251 : memref<!tpu.dma_semaphore, #tpu.memory_space<semaphore_mem>>) src(%dma_wait3A_249 : memref<90000x256xf32, #tpu.memory_space<hbm>>) dst(%dma_wait3A_243 : memref<32x256xf32, #tpu.memory_space<vmem>>)
        %parallel_loop3A = arith.constant 0 : i32
        %parallel_loop3A_252 = arith.constant 32 : i32
        %parallel_loop3A_253 = arith.constant 1 : i32
        scf.for %parallel_loop3A_254 = %parallel_loop3A to %parallel_loop3A_252 step %parallel_loop3A_253  : i32 {
          %parallel_loop3A_255 = arith.addi %mul3A_240, %parallel_loop3A_254 : i32
          %parallel_loop3A_256 = vector.broadcast %parallel_loop3A_255 : i32 to vector<16xi32>
          %parallel_loop3A_257 = tpu.vector_load_idx %arg11[%parallel_loop3A_256] : memref<1600xi32, #tpu.memory_space<vmem>>[vector<16xi32>], vector<16xi32>,
          %parallel_loop3A_258 = arith.constant 255 : i32
          %parallel_loop3A_259 = vector.broadcast %parallel_loop3A_258 : i32 to vector<16xi32>
          %parallel_loop3A_260 = arith.andi %parallel_loop3A_257, %parallel_loop3A_259 : vector<16xi32>
          %parallel_loop3A_261 = arith.addi %mul3A_240, %parallel_loop3A_254 : i32
          %parallel_loop3A_262 = vector.broadcast %parallel_loop3A_261 : i32 to vector<16xi32>
          %parallel_loop3A_263 = tpu.vector_load_idx %arg12[%parallel_loop3A_262] : memref<1600xf32, #tpu.memory_space<vmem>>[vector<16xi32>], vector<16xf32>,
          %parallel_loop3A_264 = arith.index_cast %and3A_236 : i32 to index
          %parallel_loop3A_265 = arith.index_cast %parallel_loop3A_254 : i32 to index
          %parallel_loop3A_266 = arith.constant 0 : index
          %parallel_loop3A_267 = tpu.vector_load %arg17[%parallel_loop3A_264, %parallel_loop3A_265, %parallel_loop3A_266] {strides = array<i32>} : memref<2x32x256xf32, #tpu.memory_space<vmem>>, vector<16xf32>,
          %parallel_loop3A_268 = arith.mulf %parallel_loop3A_267, %parallel_loop3A_263 : vector<16xf32>
          %parallel_loop3A_269 = arith.constant 0 : i32
          %parallel_loop3A_270 = vector.broadcast %parallel_loop3A_269 : i32 to vector<16xi32>
          %parallel_loop3A_271 = arith.addi %iota3A, %parallel_loop3A_270 : vector<16xi32>
          tpu.vector_store_idx %arg19[%parallel_loop3A_260, %parallel_loop3A_271], %parallel_loop3A_268 {add = true} : memref<256x256xf32, #tpu.memory_space<vmem>>[vector<16xi32>, vector<16xi32>], vector<16xf32>,
          %parallel_loop3A_272 = arith.index_cast %and3A_236 : i32 to index
          %parallel_loop3A_273 = arith.index_cast %parallel_loop3A_254 : i32 to index
          %parallel_loop3A_274 = arith.constant 16 : index
          %parallel_loop3A_275 = tpu.vector_load %arg17[%parallel_loop3A_272, %parallel_loop3A_273, %parallel_loop3A_274] {strides = array<i32>} : memref<2x32x256xf32, #tpu.memory_space<vmem>>, vector<16xf32>,
          %parallel_loop3A_276 = arith.mulf %parallel_loop3A_275, %parallel_loop3A_263 : vector<16xf32>
          %parallel_loop3A_277 = arith.constant 16 : i32
          %parallel_loop3A_278 = vector.broadcast %parallel_loop3A_277 : i32 to vector<16xi32>
          %parallel_loop3A_279 = arith.addi %iota3A, %parallel_loop3A_278 : vector<16xi32>
          tpu.vector_store_idx %arg19[%parallel_loop3A_260, %parallel_loop3A_279], %parallel_loop3A_276 {add = true} : memref<256x256xf32, #tpu.memory_space<vmem>>[vector<16xi32>, vector<16xi32>], vector<16xf32>,
          %parallel_loop3A_280 = arith.index_cast %and3A_236 : i32 to index
          %parallel_loop3A_281 = arith.index_cast %parallel_loop3A_254 : i32 to index
          %parallel_loop3A_282 = arith.constant 32 : index
          %parallel_loop3A_283 = tpu.vector_load %arg17[%parallel_loop3A_280, %parallel_loop3A_281, %parallel_loop3A_282] {strides = array<i32>} : memref<2x32x256xf32, #tpu.memory_space<vmem>>, vector<16xf32>,
          %parallel_loop3A_284 = arith.mulf %parallel_loop3A_283, %parallel_loop3A_263 : vector<16xf32>
          %parallel_loop3A_285 = arith.constant 32 : i32
          %parallel_loop3A_286 = vector.broadcast %parallel_loop3A_285 : i32 to vector<16xi32>
          %parallel_loop3A_287 = arith.addi %iota3A, %parallel_loop3A_286 : vector<16xi32>
          tpu.vector_store_idx %arg19[%parallel_loop3A_260, %parallel_loop3A_287], %parallel_loop3A_284 {add = true} : memref<256x256xf32, #tpu.memory_space<vmem>>[vector<16xi32>, vector<16xi32>], vector<16xf32>,
          %parallel_loop3A_288 = arith.index_cast %and3A_236 : i32 to index
          %parallel_loop3A_289 = arith.index_cast %parallel_loop3A_254 : i32 to index
          %parallel_loop3A_290 = arith.constant 48 : index
          %parallel_loop3A_291 = tpu.vector_load %arg17[%parallel_loop3A_288, %parallel_loop3A_289, %parallel_loop3A_290] {strides = array<i32>} : memref<2x32x256xf32, #tpu.memory_space<vmem>>, vector<16xf32>,
          %parallel_loop3A_292 = arith.mulf %parallel_loop3A_291, %parallel_loop3A_263 : vector<16xf32>
          %parallel_loop3A_293 = arith.constant 48 : i32
          %parallel_loop3A_294 = vector.broadcast %parallel_loop3A_293 : i32 to vector<16xi32>
          %parallel_loop3A_295 = arith.addi %iota3A, %parallel_loop3A_294 : vector<16xi32>
          tpu.vector_store_idx %arg19[%parallel_loop3A_260, %parallel_loop3A_295], %parallel_loop3A_292 {add = true} : memref<256x256xf32, #tpu.memory_space<vmem>>[vector<16xi32>, vector<16xi32>], vector<16xf32>,
          %parallel_loop3A_296 = arith.index_cast %and3A_236 : i32 to index
          %parallel_loop3A_297 = arith.index_cast %parallel_loop3A_254 : i32 to index
          %parallel_loop3A_298 = arith.constant 64 : index
          %parallel_loop3A_299 = tpu.vector_load %arg17[%parallel_loop3A_296, %parallel_loop3A_297, %parallel_loop3A_298] {strides = array<i32>} : memref<2x32x256xf32, #tpu.memory_space<vmem>>, vector<16xf32>,
          %parallel_loop3A_300 = arith.mulf %parallel_loop3A_299, %parallel_loop3A_263 : vector<16xf32>
          %parallel_loop3A_301 = arith.constant 64 : i32
          %parallel_loop3A_302 = vector.broadcast %parallel_loop3A_301 : i32 to vector<16xi32>
          %parallel_loop3A_303 = arith.addi %iota3A, %parallel_loop3A_302 : vector<16xi32>
          tpu.vector_store_idx %arg19[%parallel_loop3A_260, %parallel_loop3A_303], %parallel_loop3A_300 {add = true} : memref<256x256xf32, #tpu.memory_space<vmem>>[vector<16xi32>, vector<16xi32>], vector<16xf32>,
          %parallel_loop3A_304 = arith.index_cast %and3A_236 : i32 to index
          %parallel_loop3A_305 = arith.index_cast %parallel_loop3A_254 : i32 to index
          %parallel_loop3A_306 = arith.constant 80 : index
          %parallel_loop3A_307 = tpu.vector_load %arg17[%parallel_loop3A_304, %parallel_loop3A_305, %parallel_loop3A_306] {strides = array<i32>} : memref<2x32x256xf32, #tpu.memory_space<vmem>>, vector<16xf32>,
          %parallel_loop3A_308 = arith.mulf %parallel_loop3A_307, %parallel_loop3A_263 : vector<16xf32>
          %parallel_loop3A_309 = arith.constant 80 : i32
          %parallel_loop3A_310 = vector.broadcast %parallel_loop3A_309 : i32 to vector<16xi32>
          %parallel_loop3A_311 = arith.addi %iota3A, %parallel_loop3A_310 : vector<16xi32>
          tpu.vector_store_idx %arg19[%parallel_loop3A_260, %parallel_loop3A_311], %parallel_loop3A_308 {add = true} : memref<256x256xf32, #tpu.memory_space<vmem>>[vector<16xi32>, vector<16xi32>], vector<16xf32>,
          %parallel_loop3A_312 = arith.index_cast %and3A_236 : i32 to index
          %parallel_loop3A_313 = arith.index_cast %parallel_loop3A_254 : i32 to index
          %parallel_loop3A_314 = arith.constant 96 : index
          %parallel_loop3A_315 = tpu.vector_load %arg17[%parallel_loop3A_312, %parallel_loop3A_313, %parallel_loop3A_314] {strides = array<i32>} : memref<2x32x256xf32, #tpu.memory_space<vmem>>, vector<16xf32>,
          %parallel_loop3A_316 = arith.mulf %parallel_loop3A_315, %parallel_loop3A_263 : vector<16xf32>
          %parallel_loop3A_317 = arith.constant 96 : i32
          %parallel_loop3A_318 = vector.broadcast %parallel_loop3A_317 : i32 to vector<16xi32>
          %parallel_loop3A_319 = arith.addi %iota3A, %parallel_loop3A_318 : vector<16xi32>
          tpu.vector_store_idx %arg19[%parallel_loop3A_260, %parallel_loop3A_319], %parallel_loop3A_316 {add = true} : memref<256x256xf32, #tpu.memory_space<vmem>>[vector<16xi32>, vector<16xi32>], vector<16xf32>,
          %parallel_loop3A_320 = arith.index_cast %and3A_236 : i32 to index
          %parallel_loop3A_321 = arith.index_cast %parallel_loop3A_254 : i32 to index
          %parallel_loop3A_322 = arith.constant 112 : index
          %parallel_loop3A_323 = tpu.vector_load %arg17[%parallel_loop3A_320, %parallel_loop3A_321, %parallel_loop3A_322] {strides = array<i32>} : memref<2x32x256xf32, #tpu.memory_space<vmem>>, vector<16xf32>,
          %parallel_loop3A_324 = arith.mulf %parallel_loop3A_323, %parallel_loop3A_263 : vector<16xf32>
          %parallel_loop3A_325 = arith.constant 112 : i32
          %parallel_loop3A_326 = vector.broadcast %parallel_loop3A_325 : i32 to vector<16xi32>
          %parallel_loop3A_327 = arith.addi %iota3A, %parallel_loop3A_326 : vector<16xi32>
          tpu.vector_store_idx %arg19[%parallel_loop3A_260, %parallel_loop3A_327], %parallel_loop3A_324 {add = true} : memref<256x256xf32, #tpu.memory_space<vmem>>[vector<16xi32>, vector<16xi32>], vector<16xf32>,
          %parallel_loop3A_328 = arith.index_cast %and3A_236 : i32 to index
          %parallel_loop3A_329 = arith.index_cast %parallel_loop3A_254 : i32 to index
          %parallel_loop3A_330 = arith.constant 128 : index
          %parallel_loop3A_331 = tpu.vector_load %arg17[%parallel_loop3A_328, %parallel_loop3A_329, %parallel_loop3A_330] {strides = array<i32>} : memref<2x32x256xf32, #tpu.memory_space<vmem>>, vector<16xf32>,
          %parallel_loop3A_332 = arith.mulf %parallel_loop3A_331, %parallel_loop3A_263 : vector<16xf32>
          %parallel_loop3A_333 = arith.constant 128 : i32
          %parallel_loop3A_334 = vector.broadcast %parallel_loop3A_333 : i32 to vector<16xi32>
          %parallel_loop3A_335 = arith.addi %iota3A, %parallel_loop3A_334 : vector<16xi32>
          tpu.vector_store_idx %arg19[%parallel_loop3A_260, %parallel_loop3A_335], %parallel_loop3A_332 {add = true} : memref<256x256xf32, #tpu.memory_space<vmem>>[vector<16xi32>, vector<16xi32>], vector<16xf32>,
          %parallel_loop3A_336 = arith.index_cast %and3A_236 : i32 to index
          %parallel_loop3A_337 = arith.index_cast %parallel_loop3A_254 : i32 to index
          %parallel_loop3A_338 = arith.constant 144 : index
          %parallel_loop3A_339 = tpu.vector_load %arg17[%parallel_loop3A_336, %parallel_loop3A_337, %parallel_loop3A_338] {strides = array<i32>} : memref<2x32x256xf32, #tpu.memory_space<vmem>>, vector<16xf32>,
          %parallel_loop3A_340 = arith.mulf %parallel_loop3A_339, %parallel_loop3A_263 : vector<16xf32>
          %parallel_loop3A_341 = arith.constant 144 : i32
          %parallel_loop3A_342 = vector.broadcast %parallel_loop3A_341 : i32 to vector<16xi32>
          %parallel_loop3A_343 = arith.addi %iota3A, %parallel_loop3A_342 : vector<16xi32>
          tpu.vector_store_idx %arg19[%parallel_loop3A_260, %parallel_loop3A_343], %parallel_loop3A_340 {add = true} : memref<256x256xf32, #tpu.memory_space<vmem>>[vector<16xi32>, vector<16xi32>], vector<16xf32>,
          %parallel_loop3A_344 = arith.index_cast %and3A_236 : i32 to index
          %parallel_loop3A_345 = arith.index_cast %parallel_loop3A_254 : i32 to index
          %parallel_loop3A_346 = arith.constant 160 : index
          %parallel_loop3A_347 = tpu.vector_load %arg17[%parallel_loop3A_344, %parallel_loop3A_345, %parallel_loop3A_346] {strides = array<i32>} : memref<2x32x256xf32, #tpu.memory_space<vmem>>, vector<16xf32>,
          %parallel_loop3A_348 = arith.mulf %parallel_loop3A_347, %parallel_loop3A_263 : vector<16xf32>
          %parallel_loop3A_349 = arith.constant 160 : i32
          %parallel_loop3A_350 = vector.broadcast %parallel_loop3A_349 : i32 to vector<16xi32>
          %parallel_loop3A_351 = arith.addi %iota3A, %parallel_loop3A_350 : vector<16xi32>
          tpu.vector_store_idx %arg19[%parallel_loop3A_260, %parallel_loop3A_351], %parallel_loop3A_348 {add = true} : memref<256x256xf32, #tpu.memory_space<vmem>>[vector<16xi32>, vector<16xi32>], vector<16xf32>,
          %parallel_loop3A_352 = arith.index_cast %and3A_236 : i32 to index
          %parallel_loop3A_353 = arith.index_cast %parallel_loop3A_254 : i32 to index
          %parallel_loop3A_354 = arith.constant 176 : index
          %parallel_loop3A_355 = tpu.vector_load %arg17[%parallel_loop3A_352, %parallel_loop3A_353, %parallel_loop3A_354] {strides = array<i32>} : memref<2x32x256xf32, #tpu.memory_space<vmem>>, vector<16xf32>,
          %parallel_loop3A_356 = arith.mulf %parallel_loop3A_355, %parallel_loop3A_263 : vector<16xf32>
          %parallel_loop3A_357 = arith.constant 176 : i32
          %parallel_loop3A_358 = vector.broadcast %parallel_loop3A_357 : i32 to vector<16xi32>
          %parallel_loop3A_359 = arith.addi %iota3A, %parallel_loop3A_358 : vector<16xi32>
          tpu.vector_store_idx %arg19[%parallel_loop3A_260, %parallel_loop3A_359], %parallel_loop3A_356 {add = true} : memref<256x256xf32, #tpu.memory_space<vmem>>[vector<16xi32>, vector<16xi32>], vector<16xf32>,
          %parallel_loop3A_360 = arith.index_cast %and3A_236 : i32 to index
          %parallel_loop3A_361 = arith.index_cast %parallel_loop3A_254 : i32 to index
          %parallel_loop3A_362 = arith.constant 192 : index
          %parallel_loop3A_363 = tpu.vector_load %arg17[%parallel_loop3A_360, %parallel_loop3A_361, %parallel_loop3A_362] {strides = array<i32>} : memref<2x32x256xf32, #tpu.memory_space<vmem>>, vector<16xf32>,
          %parallel_loop3A_364 = arith.mulf %parallel_loop3A_363, %parallel_loop3A_263 : vector<16xf32>
          %parallel_loop3A_365 = arith.constant 192 : i32
          %parallel_loop3A_366 = vector.broadcast %parallel_loop3A_365 : i32 to vector<16xi32>
          %parallel_loop3A_367 = arith.addi %iota3A, %parallel_loop3A_366 : vector<16xi32>
          tpu.vector_store_idx %arg19[%parallel_loop3A_260, %parallel_loop3A_367], %parallel_loop3A_364 {add = true} : memref<256x256xf32, #tpu.memory_space<vmem>>[vector<16xi32>, vector<16xi32>], vector<16xf32>,
          %parallel_loop3A_368 = arith.index_cast %and3A_236 : i32 to index
          %parallel_loop3A_369 = arith.index_cast %parallel_loop3A_254 : i32 to index
          %parallel_loop3A_370 = arith.constant 208 : index
          %parallel_loop3A_371 = tpu.vector_load %arg17[%parallel_loop3A_368, %parallel_loop3A_369, %parallel_loop3A_370] {strides = array<i32>} : memref<2x32x256xf32, #tpu.memory_space<vmem>>, vector<16xf32>,
          %parallel_loop3A_372 = arith.mulf %parallel_loop3A_371, %parallel_loop3A_263 : vector<16xf32>
          %parallel_loop3A_373 = arith.constant 208 : i32
          %parallel_loop3A_374 = vector.broadcast %parallel_loop3A_373 : i32 to vector<16xi32>
          %parallel_loop3A_375 = arith.addi %iota3A, %parallel_loop3A_374 : vector<16xi32>
          tpu.vector_store_idx %arg19[%parallel_loop3A_260, %parallel_loop3A_375], %parallel_loop3A_372 {add = true} : memref<256x256xf32, #tpu.memory_space<vmem>>[vector<16xi32>, vector<16xi32>], vector<16xf32>,
          %parallel_loop3A_376 = arith.index_cast %and3A_236 : i32 to index
          %parallel_loop3A_377 = arith.index_cast %parallel_loop3A_254 : i32 to index
          %parallel_loop3A_378 = arith.constant 224 : index
          %parallel_loop3A_379 = tpu.vector_load %arg17[%parallel_loop3A_376, %parallel_loop3A_377, %parallel_loop3A_378] {strides = array<i32>} : memref<2x32x256xf32, #tpu.memory_space<vmem>>, vector<16xf32>,
          %parallel_loop3A_380 = arith.mulf %parallel_loop3A_379, %parallel_loop3A_263 : vector<16xf32>
          %parallel_loop3A_381 = arith.constant 224 : i32
          %parallel_loop3A_382 = vector.broadcast %parallel_loop3A_381 : i32 to vector<16xi32>
          %parallel_loop3A_383 = arith.addi %iota3A, %parallel_loop3A_382 : vector<16xi32>
          tpu.vector_store_idx %arg19[%parallel_loop3A_260, %parallel_loop3A_383], %parallel_loop3A_380 {add = true} : memref<256x256xf32, #tpu.memory_space<vmem>>[vector<16xi32>, vector<16xi32>], vector<16xf32>,
          %parallel_loop3A_384 = arith.index_cast %and3A_236 : i32 to index
          %parallel_loop3A_385 = arith.index_cast %parallel_loop3A_254 : i32 to index
          %parallel_loop3A_386 = arith.constant 240 : index
          %parallel_loop3A_387 = tpu.vector_load %arg17[%parallel_loop3A_384, %parallel_loop3A_385, %parallel_loop3A_386] {strides = array<i32>} : memref<2x32x256xf32, #tpu.memory_space<vmem>>, vector<16xf32>,
          %parallel_loop3A_388 = arith.mulf %parallel_loop3A_387, %parallel_loop3A_263 : vector<16xf32>
          %parallel_loop3A_389 = arith.constant 240 : i32
          %parallel_loop3A_390 = vector.broadcast %parallel_loop3A_389 : i32 to vector<16xi32>
          %parallel_loop3A_391 = arith.addi %iota3A, %parallel_loop3A_390 : vector<16xi32>
          tpu.vector_store_idx %arg19[%parallel_loop3A_260, %parallel_loop3A_391], %parallel_loop3A_388 {add = true} : memref<256x256xf32, #tpu.memory_space<vmem>>[vector<16xi32>, vector<16xi32>], vector<16xf32>,
        } {sc.loop_unroll_factor = 4 : i64, sc.parallel_access}
      } else {
      }
    }
    %mul3A_152 = arith.constant 32 : i32
    %mul3A_153 = arith.muli %select_n3A_141, %mul3A_152 : i32
    %and3A_154 = arith.constant 8191 : i32
    %and3A_155 = vector.broadcast %and3A_154 : i32 to vector<16xi32>
    %and3A_156 = arith.andi %iota3A, %and3A_155 : vector<16xi32>
    %mul3A_157 = arith.constant 256 : i32
    %mul3A_158 = vector.broadcast %mul3A_157 : i32 to vector<16xi32>
    %mul3A_159 = arith.muli %and3A_156, %mul3A_158 : vector<16xi32>
    %add3A_160 = arith.constant 0 : i32
    %add3A_161 = arith.addi %scan3A_89#1, %add3A_160 : i32
    %add3A_162 = arith.constant 0 : i32
    %add3A_163 = vector.broadcast %add3A_162 : i32 to vector<16xi32>
    %add3A_164 = arith.addi %mul3A_159, %add3A_163 : vector<16xi32>
    %swap3A_165 = arith.index_cast %add3A_161 : i32 to index
    %swap3A_166 = tpu.vector_load %arg13[%swap3A_165] {strides = array<i32>} : memref<576xi32, #tpu.memory_space<vmem>>, vector<16xi32>,
    tpu.vector_store %arg13[%swap3A_165], %add3A_164 {strides = array<i32>} : memref<576xi32, #tpu.memory_space<vmem>>, vector<16xi32>,
    %swap3A_167 = arith.index_cast %add3A_161 : i32 to index
    %swap3A_168 = tpu.vector_load %arg14[%swap3A_167] {strides = array<i32>} : memref<576xf32, #tpu.memory_space<vmem>>, vector<16xf32>,
    tpu.vector_store %arg14[%swap3A_167], %broadcast_in_dim3A_33 {strides = array<i32>} : memref<576xf32, #tpu.memory_space<vmem>>, vector<16xf32>,
    %add3A_169 = arith.constant 16 : i32
    %add3A_170 = arith.addi %scan3A_89#1, %add3A_169 : i32
    %add3A_171 = arith.constant 4096 : i32
    %add3A_172 = vector.broadcast %add3A_171 : i32 to vector<16xi32>
    %add3A_173 = arith.addi %mul3A_159, %add3A_172 : vector<16xi32>
    %swap3A_174 = arith.index_cast %add3A_170 : i32 to index
    %swap3A_175 = tpu.vector_load %arg13[%swap3A_174] {strides = array<i32>} : memref<576xi32, #tpu.memory_space<vmem>>, vector<16xi32>,
    tpu.vector_store %arg13[%swap3A_174], %add3A_173 {strides = array<i32>} : memref<576xi32, #tpu.memory_space<vmem>>, vector<16xi32>,
    %swap3A_176 = arith.index_cast %add3A_170 : i32 to index
    %swap3A_177 = tpu.vector_load %arg14[%swap3A_176] {strides = array<i32>} : memref<576xf32, #tpu.memory_space<vmem>>, vector<16xf32>,
    tpu.vector_store %arg14[%swap3A_176], %broadcast_in_dim3A_33 {strides = array<i32>} : memref<576xf32, #tpu.memory_space<vmem>>, vector<16xf32>,
    %add3A_178 = arith.constant 32 : i32
    %add3A_179 = arith.addi %scan3A_89#1, %add3A_178 : i32
    %sub3A_180 = arith.constant 1 : i32
    %sub3A_181 = arith.subi %add3A_179, %sub3A_180 : i32
    %jit3A_182 = arith.constant 32 : i32
    %div3A_183 = arith.divsi %sub3A_181, %jit3A_182 : i32
    %sign3A_184 = arith.constant 0 : i32
    %sign3A_185 = arith.cmpi sgt, %sub3A_181, %sign3A_184 : i32
    %sign3A_186 = arith.extui %sign3A_185 : i1 to i32
    %sign3A_187 = arith.constant 0 : i32
    %sign3A_188 = arith.cmpi slt, %sub3A_181, %sign3A_187 : i32
    %sign3A_189 = arith.extui %sign3A_188 : i1 to i32
    %sign3A_190 = arith.subi %sign3A_186, %sign3A_189 : i32
    %sign3A_191 = arith.constant 0 : i32
    %sign3A_192 = arith.cmpi sgt, %jit3A_182, %sign3A_191 : i32
    %sign3A_193 = arith.extui %sign3A_192 : i1 to i32
    %sign3A_194 = arith.constant 0 : i32
    %sign3A_195 = arith.cmpi slt, %jit3A_182, %sign3A_194 : i32
    %sign3A_196 = arith.extui %sign3A_195 : i1 to i32
    %sign3A_197 = arith.subi %sign3A_193, %sign3A_196 : i32
    %ne3A_198 = arith.cmpi ne, %sign3A_190, %sign3A_197 : i32
    %rem3A_199 = arith.remsi %sub3A_181, %jit3A_182 : i32
    %ne3A_200 = arith.constant 0 : i32
    %ne3A_201 = arith.cmpi ne, %rem3A_199, %ne3A_200 : i32
    %and3A_202 = arith.andi %ne3A_198, %ne3A_201 : i1
    %sub3A_203 = arith.constant 1 : i32
    %sub3A_204 = arith.subi %div3A_183, %sub3A_203 : i32
    %select_n3A_205 = arith.select %and3A_202, %sub3A_204, %div3A_183 : i32
    %add3A_206 = arith.constant 1 : i32
    %add3A_207 = arith.addi %select_n3A_205, %add3A_206 : i32
    %while3A_208 = arith.constant 0 : i32
    %while3A_209 = arith.subi %add3A_207, %while3A_208 : i32
    %while3A_210 = arith.addi %while3A_208, %while3A_209 : i32
    %while3A_211 = arith.constant 1 : i32
    %while3A_212 = arith.divsi %while3A_209, %while3A_211 : i32
    %while3A_213 = arith.muli %while3A_212, %while3A_211 : i32
    %while3A_214 = arith.addi %while3A_208, %while3A_213 : i32
    %while3A_215 = arith.constant 1 : i32
    scf.for %while3A_224 = %while3A_208 to %while3A_214 step %while3A_215  : i32 {
      %and3A_225 = arith.constant 1 : i32
      %and3A_226 = arith.andi %while3A_224, %and3A_225 : i32
      %lt3A_227 = arith.cmpi slt, %while3A_224, %select_n3A_205 : i32
      %convert_element_type3A = arith.extui %lt3A_227 : i1 to i32
      %cond3A = arith.constant 0 : i32
      %cond3A_228 = arith.cmpi ne, %convert_element_type3A, %cond3A : i32
      scf.if %cond3A_228 {
        %mul3A_233 = arith.constant 32 : i32
        %mul3A_234 = arith.muli %while3A_224, %mul3A_233 : i32
        %add3A_235 = arith.constant 0 : i32
        %add3A_236 = arith.addi %mul3A_234, %add3A_235 : i32
        %get3A = arith.index_cast %add3A_236 : i32 to index
        %get3A_237 = tpu.vector_load %arg13[%get3A] {strides = array<i32>} : memref<576xi32, #tpu.memory_space<vmem>>, vector<16xi32>,
        %shift_right_arithmetic3A = arith.constant 8 : i32
        %shift_right_arithmetic3A_238 = vector.broadcast %shift_right_arithmetic3A : i32 to vector<16xi32>
        %shift_right_arithmetic3A_239 = arith.shrsi %get3A_237, %shift_right_arithmetic3A_238 : vector<16xi32>
        %swap3A_240 = arith.index_cast %and3A_226 : i32 to index
        %swap3A_241 = arith.constant 0 : index
        %swap3A_242 = tpu.vector_load %arg16[%swap3A_240, %swap3A_241] {strides = array<i32>} : memref<2x32xi32, #tpu.memory_space<vmem>>, vector<16xi32>,
        tpu.vector_store %arg16[%swap3A_240, %swap3A_241], %shift_right_arithmetic3A_239 {strides = array<i32>} : memref<2x32xi32, #tpu.memory_space<vmem>>, vector<16xi32>,
        %add3A_243 = arith.constant 16 : i32
        %add3A_244 = arith.addi %mul3A_234, %add3A_243 : i32
        %get3A_245 = arith.index_cast %add3A_244 : i32 to index
        %get3A_246 = tpu.vector_load %arg13[%get3A_245] {strides = array<i32>} : memref<576xi32, #tpu.memory_space<vmem>>, vector<16xi32>,
        %shift_right_arithmetic3A_247 = arith.constant 8 : i32
        %shift_right_arithmetic3A_248 = vector.broadcast %shift_right_arithmetic3A_247 : i32 to vector<16xi32>
        %shift_right_arithmetic3A_249 = arith.shrsi %get3A_246, %shift_right_arithmetic3A_248 : vector<16xi32>
        %swap3A_250 = arith.index_cast %and3A_226 : i32 to index
        %swap3A_251 = arith.constant 16 : index
        %swap3A_252 = tpu.vector_load %arg16[%swap3A_250, %swap3A_251] {strides = array<i32>} : memref<2x32xi32, #tpu.memory_space<vmem>>, vector<16xi32>,
        tpu.vector_store %arg16[%swap3A_250, %swap3A_251], %shift_right_arithmetic3A_249 {strides = array<i32>} : memref<2x32xi32, #tpu.memory_space<vmem>>, vector<16xi32>,
        %dma_start3A_253 = arith.constant 0 : i32
        %dma_start3A_254 = arith.constant 0 : i32
        %dma_start3A_255 = tpu.memref_slice %arg18[%and3A_226, %dma_start3A_253, %dma_start3A_254] : memref<2x32x128xf32, #tpu.memory_space<vmem>> -> memref<1x32x128xf32, #tpu.memory_space<vmem>>
        %dma_start3A_256 = tpu.memref_squeeze %dma_start3A_255 : memref<1x32x128xf32, #tpu.memory_space<vmem>> -> memref<32x128xf32, #tpu.memory_space<vmem>>
        %dma_start3A_257 = arith.constant 0 : i32
        %dma_start3A_258 = tpu.memref_slice %arg16[%and3A_226, %dma_start3A_257] : memref<2x32xi32, #tpu.memory_space<vmem>> -> memref<1x32xi32, #tpu.memory_space<vmem>>
        %dma_start3A_259 = tpu.memref_squeeze %dma_start3A_258 : memref<1x32xi32, #tpu.memory_space<vmem>> -> memref<32xi32, #tpu.memory_space<vmem>>
        %dma_start3A_260 = arith.constant 0 : i32
        %dma_start3A_261 = arith.constant 0 : i32
        %dma_start3A_262 = tpu.memref_slice %arg5[%dma_start3A_260, %dma_start3A_261] : memref<10000x128xf32, #tpu.memory_space<hbm>> -> memref<10000x128xf32, #tpu.memory_space<hbm>>
        %dma_start3A_263 = tpu.memref_slice %arg22[%and3A_226] : memref<2x!tpu.dma_semaphore, #tpu.memory_space<semaphore_mem>> -> memref<1x!tpu.dma_semaphore, #tpu.memory_space<semaphore_mem>>
        %dma_start3A_264 = tpu.memref_squeeze %dma_start3A_263 : memref<1x!tpu.dma_semaphore, #tpu.memory_space<semaphore_mem>> -> memref<!tpu.dma_semaphore, #tpu.memory_space<semaphore_mem>>
        tpu.enqueue_indirect_dma source(%dma_start3A_262 : memref<10000x128xf32, #tpu.memory_space<hbm>>) target(%dma_start3A_256 : memref<32x128xf32, #tpu.memory_space<vmem>>) offsets(%dma_start3A_259 : memref<32xi32, #tpu.memory_space<vmem>>) semaphore(%dma_start3A_264 : memref<!tpu.dma_semaphore, #tpu.memory_space<semaphore_mem>>)
      } else {
      }
      %gt3A = arith.constant 0 : i32
      %gt3A_229 = arith.cmpi sgt, %while3A_224, %gt3A : i32
      %convert_element_type3A_230 = arith.extui %gt3A_229 : i1 to i32
      %cond3A_231 = arith.constant 0 : i32
      %cond3A_232 = arith.cmpi ne, %convert_element_type3A_230, %cond3A_231 : i32
      scf.if %cond3A_232 {
        %sub3A_233 = arith.constant 1 : i32
        %sub3A_234 = arith.subi %while3A_224, %sub3A_233 : i32
        %and3A_235 = arith.constant 1 : i32
        %and3A_236 = arith.andi %sub3A_234, %and3A_235 : i32
        %sub3A_237 = arith.constant 1 : i32
        %sub3A_238 = arith.subi %while3A_224, %sub3A_237 : i32
        %mul3A_239 = arith.constant 32 : i32
        %mul3A_240 = arith.muli %sub3A_238, %mul3A_239 : i32
        %dma_wait3A = arith.constant 0 : i32
        %dma_wait3A_241 = arith.constant 0 : i32
        %dma_wait3A_242 = tpu.memref_slice %arg18[%and3A_236, %dma_wait3A, %dma_wait3A_241] : memref<2x32x128xf32, #tpu.memory_space<vmem>> -> memref<1x32x128xf32, #tpu.memory_space<vmem>>
        %dma_wait3A_243 = tpu.memref_squeeze %dma_wait3A_242 : memref<1x32x128xf32, #tpu.memory_space<vmem>> -> memref<32x128xf32, #tpu.memory_space<vmem>>
        %dma_wait3A_244 = arith.constant 0 : i32
        %dma_wait3A_245 = tpu.memref_slice %arg16[%and3A_236, %dma_wait3A_244] : memref<2x32xi32, #tpu.memory_space<vmem>> -> memref<1x32xi32, #tpu.memory_space<vmem>>
        %dma_wait3A_246 = tpu.memref_squeeze %dma_wait3A_245 : memref<1x32xi32, #tpu.memory_space<vmem>> -> memref<32xi32, #tpu.memory_space<vmem>>
        %dma_wait3A_247 = arith.constant 0 : i32
        %dma_wait3A_248 = arith.constant 0 : i32
        %dma_wait3A_249 = tpu.memref_slice %arg5[%dma_wait3A_247, %dma_wait3A_248] : memref<10000x128xf32, #tpu.memory_space<hbm>> -> memref<10000x128xf32, #tpu.memory_space<hbm>>
        %dma_wait3A_250 = tpu.memref_slice %arg22[%and3A_236] : memref<2x!tpu.dma_semaphore, #tpu.memory_space<semaphore_mem>> -> memref<1x!tpu.dma_semaphore, #tpu.memory_space<semaphore_mem>>
        %dma_wait3A_251 = tpu.memref_squeeze %dma_wait3A_250 : memref<1x!tpu.dma_semaphore, #tpu.memory_space<semaphore_mem>> -> memref<!tpu.dma_semaphore, #tpu.memory_space<semaphore_mem>>
        tpu.wait_indirect_dma semaphore(%dma_wait3A_251 : memref<!tpu.dma_semaphore, #tpu.memory_space<semaphore_mem>>) src(%dma_wait3A_249 : memref<10000x128xf32, #tpu.memory_space<hbm>>) dst(%dma_wait3A_243 : memref<32x128xf32, #tpu.memory_space<vmem>>)
        %parallel_loop3A = arith.constant 0 : i32
        %parallel_loop3A_252 = arith.constant 32 : i32
        %parallel_loop3A_253 = arith.constant 1 : i32
        scf.for %parallel_loop3A_254 = %parallel_loop3A to %parallel_loop3A_252 step %parallel_loop3A_253  : i32 {
          %parallel_loop3A_255 = arith.addi %mul3A_240, %parallel_loop3A_254 : i32
          %parallel_loop3A_256 = vector.broadcast %parallel_loop3A_255 : i32 to vector<16xi32>
          %parallel_loop3A_257 = tpu.vector_load_idx %arg13[%parallel_loop3A_256] : memref<576xi32, #tpu.memory_space<vmem>>[vector<16xi32>], vector<16xi32>,
          %parallel_loop3A_258 = arith.constant 255 : i32
          %parallel_loop3A_259 = vector.broadcast %parallel_loop3A_258 : i32 to vector<16xi32>
          %parallel_loop3A_260 = arith.andi %parallel_loop3A_257, %parallel_loop3A_259 : vector<16xi32>
          %parallel_loop3A_261 = arith.addi %mul3A_240, %parallel_loop3A_254 : i32
          %parallel_loop3A_262 = vector.broadcast %parallel_loop3A_261 : i32 to vector<16xi32>
          %parallel_loop3A_263 = tpu.vector_load_idx %arg14[%parallel_loop3A_262] : memref<576xf32, #tpu.memory_space<vmem>>[vector<16xi32>], vector<16xf32>,
          %parallel_loop3A_264 = arith.index_cast %and3A_236 : i32 to index
          %parallel_loop3A_265 = arith.index_cast %parallel_loop3A_254 : i32 to index
          %parallel_loop3A_266 = arith.constant 0 : index
          %parallel_loop3A_267 = tpu.vector_load %arg18[%parallel_loop3A_264, %parallel_loop3A_265, %parallel_loop3A_266] {strides = array<i32>} : memref<2x32x128xf32, #tpu.memory_space<vmem>>, vector<16xf32>,
          %parallel_loop3A_268 = arith.mulf %parallel_loop3A_267, %parallel_loop3A_263 : vector<16xf32>
          %parallel_loop3A_269 = arith.constant 0 : i32
          %parallel_loop3A_270 = vector.broadcast %parallel_loop3A_269 : i32 to vector<16xi32>
          %parallel_loop3A_271 = arith.addi %iota3A, %parallel_loop3A_270 : vector<16xi32>
          tpu.vector_store_idx %arg20[%parallel_loop3A_260, %parallel_loop3A_271], %parallel_loop3A_268 {add = true} : memref<256x64xf32, #tpu.memory_space<vmem>>[vector<16xi32>, vector<16xi32>], vector<16xf32>,
          %parallel_loop3A_272 = arith.index_cast %and3A_236 : i32 to index
          %parallel_loop3A_273 = arith.index_cast %parallel_loop3A_254 : i32 to index
          %parallel_loop3A_274 = arith.constant 16 : index
          %parallel_loop3A_275 = tpu.vector_load %arg18[%parallel_loop3A_272, %parallel_loop3A_273, %parallel_loop3A_274] {strides = array<i32>} : memref<2x32x128xf32, #tpu.memory_space<vmem>>, vector<16xf32>,
          %parallel_loop3A_276 = arith.mulf %parallel_loop3A_275, %parallel_loop3A_263 : vector<16xf32>
          %parallel_loop3A_277 = arith.constant 16 : i32
          %parallel_loop3A_278 = vector.broadcast %parallel_loop3A_277 : i32 to vector<16xi32>
          %parallel_loop3A_279 = arith.addi %iota3A, %parallel_loop3A_278 : vector<16xi32>
          tpu.vector_store_idx %arg20[%parallel_loop3A_260, %parallel_loop3A_279], %parallel_loop3A_276 {add = true} : memref<256x64xf32, #tpu.memory_space<vmem>>[vector<16xi32>, vector<16xi32>], vector<16xf32>,
          %parallel_loop3A_280 = arith.index_cast %and3A_236 : i32 to index
          %parallel_loop3A_281 = arith.index_cast %parallel_loop3A_254 : i32 to index
          %parallel_loop3A_282 = arith.constant 32 : index
          %parallel_loop3A_283 = tpu.vector_load %arg18[%parallel_loop3A_280, %parallel_loop3A_281, %parallel_loop3A_282] {strides = array<i32>} : memref<2x32x128xf32, #tpu.memory_space<vmem>>, vector<16xf32>,
          %parallel_loop3A_284 = arith.mulf %parallel_loop3A_283, %parallel_loop3A_263 : vector<16xf32>
          %parallel_loop3A_285 = arith.constant 32 : i32
          %parallel_loop3A_286 = vector.broadcast %parallel_loop3A_285 : i32 to vector<16xi32>
          %parallel_loop3A_287 = arith.addi %iota3A, %parallel_loop3A_286 : vector<16xi32>
          tpu.vector_store_idx %arg20[%parallel_loop3A_260, %parallel_loop3A_287], %parallel_loop3A_284 {add = true} : memref<256x64xf32, #tpu.memory_space<vmem>>[vector<16xi32>, vector<16xi32>], vector<16xf32>,
          %parallel_loop3A_288 = arith.index_cast %and3A_236 : i32 to index
          %parallel_loop3A_289 = arith.index_cast %parallel_loop3A_254 : i32 to index
          %parallel_loop3A_290 = arith.constant 48 : index
          %parallel_loop3A_291 = tpu.vector_load %arg18[%parallel_loop3A_288, %parallel_loop3A_289, %parallel_loop3A_290] {strides = array<i32>} : memref<2x32x128xf32, #tpu.memory_space<vmem>>, vector<16xf32>,
          %parallel_loop3A_292 = arith.mulf %parallel_loop3A_291, %parallel_loop3A_263 : vector<16xf32>
          %parallel_loop3A_293 = arith.constant 48 : i32
          %parallel_loop3A_294 = vector.broadcast %parallel_loop3A_293 : i32 to vector<16xi32>
          %parallel_loop3A_295 = arith.addi %iota3A, %parallel_loop3A_294 : vector<16xi32>
          tpu.vector_store_idx %arg20[%parallel_loop3A_260, %parallel_loop3A_295], %parallel_loop3A_292 {add = true} : memref<256x64xf32, #tpu.memory_space<vmem>>[vector<16xi32>, vector<16xi32>], vector<16xf32>,
        } {sc.loop_unroll_factor = 4 : i64, sc.parallel_access}
      } else {
      }
    }
    %while3A_216 = arith.constant 1 : i32
    scf.for %while3A_224 = %while3A_214 to %while3A_210 step %while3A_216  : i32 {
      %and3A_225 = arith.constant 1 : i32
      %and3A_226 = arith.andi %while3A_224, %and3A_225 : i32
      %lt3A_227 = arith.cmpi slt, %while3A_224, %select_n3A_205 : i32
      %convert_element_type3A = arith.extui %lt3A_227 : i1 to i32
      %cond3A = arith.constant 0 : i32
      %cond3A_228 = arith.cmpi ne, %convert_element_type3A, %cond3A : i32
      scf.if %cond3A_228 {
        %mul3A_233 = arith.constant 32 : i32
        %mul3A_234 = arith.muli %while3A_224, %mul3A_233 : i32
        %add3A_235 = arith.constant 0 : i32
        %add3A_236 = arith.addi %mul3A_234, %add3A_235 : i32
        %get3A = arith.index_cast %add3A_236 : i32 to index
        %get3A_237 = tpu.vector_load %arg13[%get3A] {strides = array<i32>} : memref<576xi32, #tpu.memory_space<vmem>>, vector<16xi32>,
        %shift_right_arithmetic3A = arith.constant 8 : i32
        %shift_right_arithmetic3A_238 = vector.broadcast %shift_right_arithmetic3A : i32 to vector<16xi32>
        %shift_right_arithmetic3A_239 = arith.shrsi %get3A_237, %shift_right_arithmetic3A_238 : vector<16xi32>
        %swap3A_240 = arith.index_cast %and3A_226 : i32 to index
        %swap3A_241 = arith.constant 0 : index
        %swap3A_242 = tpu.vector_load %arg16[%swap3A_240, %swap3A_241] {strides = array<i32>} : memref<2x32xi32, #tpu.memory_space<vmem>>, vector<16xi32>,
        tpu.vector_store %arg16[%swap3A_240, %swap3A_241], %shift_right_arithmetic3A_239 {strides = array<i32>} : memref<2x32xi32, #tpu.memory_space<vmem>>, vector<16xi32>,
        %add3A_243 = arith.constant 16 : i32
        %add3A_244 = arith.addi %mul3A_234, %add3A_243 : i32
        %get3A_245 = arith.index_cast %add3A_244 : i32 to index
        %get3A_246 = tpu.vector_load %arg13[%get3A_245] {strides = array<i32>} : memref<576xi32, #tpu.memory_space<vmem>>, vector<16xi32>,
        %shift_right_arithmetic3A_247 = arith.constant 8 : i32
        %shift_right_arithmetic3A_248 = vector.broadcast %shift_right_arithmetic3A_247 : i32 to vector<16xi32>
        %shift_right_arithmetic3A_249 = arith.shrsi %get3A_246, %shift_right_arithmetic3A_248 : vector<16xi32>
        %swap3A_250 = arith.index_cast %and3A_226 : i32 to index
        %swap3A_251 = arith.constant 16 : index
        %swap3A_252 = tpu.vector_load %arg16[%swap3A_250, %swap3A_251] {strides = array<i32>} : memref<2x32xi32, #tpu.memory_space<vmem>>, vector<16xi32>,
        tpu.vector_store %arg16[%swap3A_250, %swap3A_251], %shift_right_arithmetic3A_249 {strides = array<i32>} : memref<2x32xi32, #tpu.memory_space<vmem>>, vector<16xi32>,
        %dma_start3A_253 = arith.constant 0 : i32
        %dma_start3A_254 = arith.constant 0 : i32
        %dma_start3A_255 = tpu.memref_slice %arg18[%and3A_226, %dma_start3A_253, %dma_start3A_254] : memref<2x32x128xf32, #tpu.memory_space<vmem>> -> memref<1x32x128xf32, #tpu.memory_space<vmem>>
        %dma_start3A_256 = tpu.memref_squeeze %dma_start3A_255 : memref<1x32x128xf32, #tpu.memory_space<vmem>> -> memref<32x128xf32, #tpu.memory_space<vmem>>
        %dma_start3A_257 = arith.constant 0 : i32
        %dma_start3A_258 = tpu.memref_slice %arg16[%and3A_226, %dma_start3A_257] : memref<2x32xi32, #tpu.memory_space<vmem>> -> memref<1x32xi32, #tpu.memory_space<vmem>>
        %dma_start3A_259 = tpu.memref_squeeze %dma_start3A_258 : memref<1x32xi32, #tpu.memory_space<vmem>> -> memref<32xi32, #tpu.memory_space<vmem>>
        %dma_start3A_260 = arith.constant 0 : i32
        %dma_start3A_261 = arith.constant 0 : i32
        %dma_start3A_262 = tpu.memref_slice %arg5[%dma_start3A_260, %dma_start3A_261] : memref<10000x128xf32, #tpu.memory_space<hbm>> -> memref<10000x128xf32, #tpu.memory_space<hbm>>
        %dma_start3A_263 = tpu.memref_slice %arg22[%and3A_226] : memref<2x!tpu.dma_semaphore, #tpu.memory_space<semaphore_mem>> -> memref<1x!tpu.dma_semaphore, #tpu.memory_space<semaphore_mem>>
        %dma_start3A_264 = tpu.memref_squeeze %dma_start3A_263 : memref<1x!tpu.dma_semaphore, #tpu.memory_space<semaphore_mem>> -> memref<!tpu.dma_semaphore, #tpu.memory_space<semaphore_mem>>
        tpu.enqueue_indirect_dma source(%dma_start3A_262 : memref<10000x128xf32, #tpu.memory_space<hbm>>) target(%dma_start3A_256 : memref<32x128xf32, #tpu.memory_space<vmem>>) offsets(%dma_start3A_259 : memref<32xi32, #tpu.memory_space<vmem>>) semaphore(%dma_start3A_264 : memref<!tpu.dma_semaphore, #tpu.memory_space<semaphore_mem>>)
      } else {
      }
      %gt3A = arith.constant 0 : i32
      %gt3A_229 = arith.cmpi sgt, %while3A_224, %gt3A : i32
      %convert_element_type3A_230 = arith.extui %gt3A_229 : i1 to i32
      %cond3A_231 = arith.constant 0 : i32
      %cond3A_232 = arith.cmpi ne, %convert_element_type3A_230, %cond3A_231 : i32
      scf.if %cond3A_232 {
        %sub3A_233 = arith.constant 1 : i32
        %sub3A_234 = arith.subi %while3A_224, %sub3A_233 : i32
        %and3A_235 = arith.constant 1 : i32
        %and3A_236 = arith.andi %sub3A_234, %and3A_235 : i32
        %sub3A_237 = arith.constant 1 : i32
        %sub3A_238 = arith.subi %while3A_224, %sub3A_237 : i32
        %mul3A_239 = arith.constant 32 : i32
        %mul3A_240 = arith.muli %sub3A_238, %mul3A_239 : i32
        %dma_wait3A = arith.constant 0 : i32
        %dma_wait3A_241 = arith.constant 0 : i32
        %dma_wait3A_242 = tpu.memref_slice %arg18[%and3A_236, %dma_wait3A, %dma_wait3A_241] : memref<2x32x128xf32, #tpu.memory_space<vmem>> -> memref<1x32x128xf32, #tpu.memory_space<vmem>>
        %dma_wait3A_243 = tpu.memref_squeeze %dma_wait3A_242 : memref<1x32x128xf32, #tpu.memory_space<vmem>> -> memref<32x128xf32, #tpu.memory_space<vmem>>
        %dma_wait3A_244 = arith.constant 0 : i32
        %dma_wait3A_245 = tpu.memref_slice %arg16[%and3A_236, %dma_wait3A_244] : memref<2x32xi32, #tpu.memory_space<vmem>> -> memref<1x32xi32, #tpu.memory_space<vmem>>
        %dma_wait3A_246 = tpu.memref_squeeze %dma_wait3A_245 : memref<1x32xi32, #tpu.memory_space<vmem>> -> memref<32xi32, #tpu.memory_space<vmem>>
        %dma_wait3A_247 = arith.constant 0 : i32
        %dma_wait3A_248 = arith.constant 0 : i32
        %dma_wait3A_249 = tpu.memref_slice %arg5[%dma_wait3A_247, %dma_wait3A_248] : memref<10000x128xf32, #tpu.memory_space<hbm>> -> memref<10000x128xf32, #tpu.memory_space<hbm>>
        %dma_wait3A_250 = tpu.memref_slice %arg22[%and3A_236] : memref<2x!tpu.dma_semaphore, #tpu.memory_space<semaphore_mem>> -> memref<1x!tpu.dma_semaphore, #tpu.memory_space<semaphore_mem>>
        %dma_wait3A_251 = tpu.memref_squeeze %dma_wait3A_250 : memref<1x!tpu.dma_semaphore, #tpu.memory_space<semaphore_mem>> -> memref<!tpu.dma_semaphore, #tpu.memory_space<semaphore_mem>>
        tpu.wait_indirect_dma semaphore(%dma_wait3A_251 : memref<!tpu.dma_semaphore, #tpu.memory_space<semaphore_mem>>) src(%dma_wait3A_249 : memref<10000x128xf32, #tpu.memory_space<hbm>>) dst(%dma_wait3A_243 : memref<32x128xf32, #tpu.memory_space<vmem>>)
        %parallel_loop3A = arith.constant 0 : i32
        %parallel_loop3A_252 = arith.constant 32 : i32
        %parallel_loop3A_253 = arith.constant 1 : i32
        scf.for %parallel_loop3A_254 = %parallel_loop3A to %parallel_loop3A_252 step %parallel_loop3A_253  : i32 {
          %parallel_loop3A_255 = arith.addi %mul3A_240, %parallel_loop3A_254 : i32
          %parallel_loop3A_256 = vector.broadcast %parallel_loop3A_255 : i32 to vector<16xi32>
          %parallel_loop3A_257 = tpu.vector_load_idx %arg13[%parallel_loop3A_256] : memref<576xi32, #tpu.memory_space<vmem>>[vector<16xi32>], vector<16xi32>,
          %parallel_loop3A_258 = arith.constant 255 : i32
          %parallel_loop3A_259 = vector.broadcast %parallel_loop3A_258 : i32 to vector<16xi32>
          %parallel_loop3A_260 = arith.andi %parallel_loop3A_257, %parallel_loop3A_259 : vector<16xi32>
          %parallel_loop3A_261 = arith.addi %mul3A_240, %parallel_loop3A_254 : i32
          %parallel_loop3A_262 = vector.broadcast %parallel_loop3A_261 : i32 to vector<16xi32>
          %parallel_loop3A_263 = tpu.vector_load_idx %arg14[%parallel_loop3A_262] : memref<576xf32, #tpu.memory_space<vmem>>[vector<16xi32>], vector<16xf32>,
          %parallel_loop3A_264 = arith.index_cast %and3A_236 : i32 to index
          %parallel_loop3A_265 = arith.index_cast %parallel_loop3A_254 : i32 to index
          %parallel_loop3A_266 = arith.constant 0 : index
          %parallel_loop3A_267 = tpu.vector_load %arg18[%parallel_loop3A_264, %parallel_loop3A_265, %parallel_loop3A_266] {strides = array<i32>} : memref<2x32x128xf32, #tpu.memory_space<vmem>>, vector<16xf32>,
          %parallel_loop3A_268 = arith.mulf %parallel_loop3A_267, %parallel_loop3A_263 : vector<16xf32>
          %parallel_loop3A_269 = arith.constant 0 : i32
          %parallel_loop3A_270 = vector.broadcast %parallel_loop3A_269 : i32 to vector<16xi32>
          %parallel_loop3A_271 = arith.addi %iota3A, %parallel_loop3A_270 : vector<16xi32>
          tpu.vector_store_idx %arg20[%parallel_loop3A_260, %parallel_loop3A_271], %parallel_loop3A_268 {add = true} : memref<256x64xf32, #tpu.memory_space<vmem>>[vector<16xi32>, vector<16xi32>], vector<16xf32>,
          %parallel_loop3A_272 = arith.index_cast %and3A_236 : i32 to index
          %parallel_loop3A_273 = arith.index_cast %parallel_loop3A_254 : i32 to index
          %parallel_loop3A_274 = arith.constant 16 : index
          %parallel_loop3A_275 = tpu.vector_load %arg18[%parallel_loop3A_272, %parallel_loop3A_273, %parallel_loop3A_274] {strides = array<i32>} : memref<2x32x128xf32, #tpu.memory_space<vmem>>, vector<16xf32>,
          %parallel_loop3A_276 = arith.mulf %parallel_loop3A_275, %parallel_loop3A_263 : vector<16xf32>
          %parallel_loop3A_277 = arith.constant 16 : i32
          %parallel_loop3A_278 = vector.broadcast %parallel_loop3A_277 : i32 to vector<16xi32>
          %parallel_loop3A_279 = arith.addi %iota3A, %parallel_loop3A_278 : vector<16xi32>
          tpu.vector_store_idx %arg20[%parallel_loop3A_260, %parallel_loop3A_279], %parallel_loop3A_276 {add = true} : memref<256x64xf32, #tpu.memory_space<vmem>>[vector<16xi32>, vector<16xi32>], vector<16xf32>,
          %parallel_loop3A_280 = arith.index_cast %and3A_236 : i32 to index
          %parallel_loop3A_281 = arith.index_cast %parallel_loop3A_254 : i32 to index
          %parallel_loop3A_282 = arith.constant 32 : index
          %parallel_loop3A_283 = tpu.vector_load %arg18[%parallel_loop3A_280, %parallel_loop3A_281, %parallel_loop3A_282] {strides = array<i32>} : memref<2x32x128xf32, #tpu.memory_space<vmem>>, vector<16xf32>,
          %parallel_loop3A_284 = arith.mulf %parallel_loop3A_283, %parallel_loop3A_263 : vector<16xf32>
          %parallel_loop3A_285 = arith.constant 32 : i32
          %parallel_loop3A_286 = vector.broadcast %parallel_loop3A_285 : i32 to vector<16xi32>
          %parallel_loop3A_287 = arith.addi %iota3A, %parallel_loop3A_286 : vector<16xi32>
          tpu.vector_store_idx %arg20[%parallel_loop3A_260, %parallel_loop3A_287], %parallel_loop3A_284 {add = true} : memref<256x64xf32, #tpu.memory_space<vmem>>[vector<16xi32>, vector<16xi32>], vector<16xf32>,
          %parallel_loop3A_288 = arith.index_cast %and3A_236 : i32 to index
          %parallel_loop3A_289 = arith.index_cast %parallel_loop3A_254 : i32 to index
          %parallel_loop3A_290 = arith.constant 48 : index
          %parallel_loop3A_291 = tpu.vector_load %arg18[%parallel_loop3A_288, %parallel_loop3A_289, %parallel_loop3A_290] {strides = array<i32>} : memref<2x32x128xf32, #tpu.memory_space<vmem>>, vector<16xf32>,
          %parallel_loop3A_292 = arith.mulf %parallel_loop3A_291, %parallel_loop3A_263 : vector<16xf32>
          %parallel_loop3A_293 = arith.constant 48 : i32
          %parallel_loop3A_294 = vector.broadcast %parallel_loop3A_293 : i32 to vector<16xi32>
          %parallel_loop3A_295 = arith.addi %iota3A, %parallel_loop3A_294 : vector<16xi32>
          tpu.vector_store_idx %arg20[%parallel_loop3A_260, %parallel_loop3A_295], %parallel_loop3A_292 {add = true} : memref<256x64xf32, #tpu.memory_space<vmem>>[vector<16xi32>, vector<16xi32>], vector<16xf32>,
        } {sc.loop_unroll_factor = 4 : i64, sc.parallel_access}
      } else {
      }
    }
    %mul3A_217 = arith.constant 32 : i32
    %mul3A_218 = arith.muli %select_n3A_205, %mul3A_217 : i32
    %mul3A_219 = arith.constant 8 : i32
    %mul3A_220 = arith.muli %select_n3A_30, %mul3A_219 : i32
    %add3A_221 = arith.addi %mul3A_220, %select_n3A : i32
    %mul3A_222 = arith.constant 256 : i32
    %mul3A_223 = arith.muli %add3A_221, %mul3A_222 : i32
    "tpu.region"() ({
      %run_scoped3A = tpu.sem_alloc : memref<!tpu.dma_semaphore, #tpu.memory_space<semaphore_mem>>
      %dma_start3A_224 = arith.constant 0 : i32
      %dma_start3A_225 = tpu.memref_slice %arg6[%mul3A_223, %dma_start3A_224] : memref<8192x256xf32, #tpu.memory_space<hbm>> -> memref<256x256xf32, #tpu.memory_space<hbm>>
      %dma_start3A_226 = arith.constant 0 : i32
      %dma_start3A_227 = tpu.memref_slice %arg6[%mul3A_223, %dma_start3A_226] : memref<8192x256xf32, #tpu.memory_space<hbm>> -> memref<256x256xf32, #tpu.memory_space<hbm>>
      tpu.enqueue_dma source(%arg19 : memref<256x256xf32, #tpu.memory_space<vmem>>) target(%dma_start3A_227 : memref<256x256xf32, #tpu.memory_space<hbm>>) target_semaphore(%run_scoped3A : memref<!tpu.dma_semaphore, #tpu.memory_space<semaphore_mem>>)
      %dma_wait3A = arith.constant 0 : i32
      %dma_wait3A_228 = tpu.memref_slice %arg6[%mul3A_223, %dma_wait3A] : memref<8192x256xf32, #tpu.memory_space<hbm>> -> memref<256x256xf32, #tpu.memory_space<hbm>>
      %dma_wait3A_229 = arith.constant 0 : i32
      %dma_wait3A_230 = tpu.memref_slice %arg6[%mul3A_223, %dma_wait3A_229] : memref<8192x256xf32, #tpu.memory_space<hbm>> -> memref<256x256xf32, #tpu.memory_space<hbm>>
      tpu.wait_dma2 semaphore(%run_scoped3A : memref<!tpu.dma_semaphore, #tpu.memory_space<semaphore_mem>>) src(%arg19 : memref<256x256xf32, #tpu.memory_space<vmem>>) dst(%dma_wait3A_230 : memref<256x256xf32, #tpu.memory_space<hbm>>)
      tpu.yield
    }) : () -> ()
    "tpu.region"() ({
      %run_scoped3A = tpu.sem_alloc : memref<!tpu.dma_semaphore, #tpu.memory_space<semaphore_mem>>
      %dma_start3A_224 = arith.constant 0 : i32
      %dma_start3A_225 = tpu.memref_slice %arg7[%mul3A_223, %dma_start3A_224] : memref<8192x64xf32, #tpu.memory_space<hbm>> -> memref<256x64xf32, #tpu.memory_space<hbm>>
      %dma_start3A_226 = arith.constant 0 : i32
      %dma_start3A_227 = tpu.memref_slice %arg7[%mul3A_223, %dma_start3A_226] : memref<8192x64xf32, #tpu.memory_space<hbm>> -> memref<256x64xf32, #tpu.memory_space<hbm>>
      tpu.enqueue_dma source(%arg20 : memref<256x64xf32, #tpu.memory_space<vmem>>) target(%dma_start3A_227 : memref<256x64xf32, #tpu.memory_space<hbm>>) target_semaphore(%run_scoped3A : memref<!tpu.dma_semaphore, #tpu.memory_space<semaphore_mem>>)
      %dma_wait3A = arith.constant 0 : i32
      %dma_wait3A_228 = tpu.memref_slice %arg7[%mul3A_223, %dma_wait3A] : memref<8192x64xf32, #tpu.memory_space<hbm>> -> memref<256x64xf32, #tpu.memory_space<hbm>>
      %dma_wait3A_229 = arith.constant 0 : i32
      %dma_wait3A_230 = tpu.memref_slice %arg7[%mul3A_223, %dma_wait3A_229] : memref<8192x64xf32, #tpu.memory_space<hbm>> -> memref<256x64xf32, #tpu.memory_space<hbm>>
      tpu.wait_dma2 semaphore(%run_scoped3A : memref<!tpu.dma_semaphore, #tpu.memory_space<semaphore_mem>>) src(%arg20 : memref<256x64xf32, #tpu.memory_space<vmem>>) dst(%dma_wait3A_230 : memref<256x64xf32, #tpu.memory_space<hbm>>)
      tpu.yield
    }) : () -> ()
    return
  }
}

module attributes {stable_mosaic.version = 14 : i64} {
  func.func @_dense_body(%arg0: memref<8192x256xf32, #tpu.memory_space<vmem>>, %arg1: memref<8192x64xf32, #tpu.memory_space<vmem>>, %arg2: memref<1x256xf32, #tpu.memory_space<vmem>>, %arg3: memref<1x64xf32, #tpu.memory_space<vmem>>, %arg4: memref<64x256xf32, #tpu.memory_space<vmem>>, %arg5: memref<256x128xf32, #tpu.memory_space<vmem>>, %arg6: memref<1x128xf32, #tpu.memory_space<vmem>>, %arg7: memref<128x1000xf32, #tpu.memory_space<vmem>>, %arg8: memref<1x1000xf32, #tpu.memory_space<vmem>>, %arg9: memref<1024x1000xf32, #tpu.memory_space<vmem>>) attributes {dimension_semantics = [], scalar_prefetch = 0 : i64, scratch_operands = 0 : i64, tpu.core_type = #tpu.core_type<tc>} {
    %get3A = arith.constant 0 : index
    %get3A_0 = arith.constant 0 : index
    %get3A_1 = vector.load %arg0[%get3A, %get3A_0] : memref<8192x256xf32, #tpu.memory_space<vmem>>, vector<256x256xf32>
    %get3A_2 = arith.constant 0 : index
    %get3A_3 = arith.constant 0 : index
    %get3A_4 = vector.load %arg1[%get3A_2, %get3A_3] : memref<8192x64xf32, #tpu.memory_space<vmem>>, vector<256x64xf32>
    %get3A_5 = arith.constant 256 : index
    %get3A_6 = arith.constant 0 : index
    %get3A_7 = vector.load %arg0[%get3A_5, %get3A_6] : memref<8192x256xf32, #tpu.memory_space<vmem>>, vector<256x256xf32>
    %add3A = arith.addf %get3A_1, %get3A_7 : vector<256x256xf32>
    %get3A_8 = arith.constant 256 : index
    %get3A_9 = arith.constant 0 : index
    %get3A_10 = vector.load %arg1[%get3A_8, %get3A_9] : memref<8192x64xf32, #tpu.memory_space<vmem>>, vector<256x64xf32>
    %add3A_11 = arith.addf %get3A_4, %get3A_10 : vector<256x64xf32>
    %get3A_12 = arith.constant 512 : index
    %get3A_13 = arith.constant 0 : index
    %get3A_14 = vector.load %arg0[%get3A_12, %get3A_13] : memref<8192x256xf32, #tpu.memory_space<vmem>>, vector<256x256xf32>
    %add3A_15 = arith.addf %add3A, %get3A_14 : vector<256x256xf32>
    %get3A_16 = arith.constant 512 : index
    %get3A_17 = arith.constant 0 : index
    %get3A_18 = vector.load %arg1[%get3A_16, %get3A_17] : memref<8192x64xf32, #tpu.memory_space<vmem>>, vector<256x64xf32>
    %add3A_19 = arith.addf %add3A_11, %get3A_18 : vector<256x64xf32>
    %get3A_20 = arith.constant 768 : index
    %get3A_21 = arith.constant 0 : index
    %get3A_22 = vector.load %arg0[%get3A_20, %get3A_21] : memref<8192x256xf32, #tpu.memory_space<vmem>>, vector<256x256xf32>
    %add3A_23 = arith.addf %add3A_15, %get3A_22 : vector<256x256xf32>
    %get3A_24 = arith.constant 768 : index
    %get3A_25 = arith.constant 0 : index
    %get3A_26 = vector.load %arg1[%get3A_24, %get3A_25] : memref<8192x64xf32, #tpu.memory_space<vmem>>, vector<256x64xf32>
    %add3A_27 = arith.addf %add3A_19, %get3A_26 : vector<256x64xf32>
    %get3A_28 = arith.constant 1024 : index
    %get3A_29 = arith.constant 0 : index
    %get3A_30 = vector.load %arg0[%get3A_28, %get3A_29] : memref<8192x256xf32, #tpu.memory_space<vmem>>, vector<256x256xf32>
    %add3A_31 = arith.addf %add3A_23, %get3A_30 : vector<256x256xf32>
    %get3A_32 = arith.constant 1024 : index
    %get3A_33 = arith.constant 0 : index
    %get3A_34 = vector.load %arg1[%get3A_32, %get3A_33] : memref<8192x64xf32, #tpu.memory_space<vmem>>, vector<256x64xf32>
    %add3A_35 = arith.addf %add3A_27, %get3A_34 : vector<256x64xf32>
    %get3A_36 = arith.constant 1280 : index
    %get3A_37 = arith.constant 0 : index
    %get3A_38 = vector.load %arg0[%get3A_36, %get3A_37] : memref<8192x256xf32, #tpu.memory_space<vmem>>, vector<256x256xf32>
    %add3A_39 = arith.addf %add3A_31, %get3A_38 : vector<256x256xf32>
    %get3A_40 = arith.constant 1280 : index
    %get3A_41 = arith.constant 0 : index
    %get3A_42 = vector.load %arg1[%get3A_40, %get3A_41] : memref<8192x64xf32, #tpu.memory_space<vmem>>, vector<256x64xf32>
    %add3A_43 = arith.addf %add3A_35, %get3A_42 : vector<256x64xf32>
    %get3A_44 = arith.constant 1536 : index
    %get3A_45 = arith.constant 0 : index
    %get3A_46 = vector.load %arg0[%get3A_44, %get3A_45] : memref<8192x256xf32, #tpu.memory_space<vmem>>, vector<256x256xf32>
    %add3A_47 = arith.addf %add3A_39, %get3A_46 : vector<256x256xf32>
    %get3A_48 = arith.constant 1536 : index
    %get3A_49 = arith.constant 0 : index
    %get3A_50 = vector.load %arg1[%get3A_48, %get3A_49] : memref<8192x64xf32, #tpu.memory_space<vmem>>, vector<256x64xf32>
    %add3A_51 = arith.addf %add3A_43, %get3A_50 : vector<256x64xf32>
    %get3A_52 = arith.constant 1792 : index
    %get3A_53 = arith.constant 0 : index
    %get3A_54 = vector.load %arg0[%get3A_52, %get3A_53] : memref<8192x256xf32, #tpu.memory_space<vmem>>, vector<256x256xf32>
    %add3A_55 = arith.addf %add3A_47, %get3A_54 : vector<256x256xf32>
    %get3A_56 = arith.constant 1792 : index
    %get3A_57 = arith.constant 0 : index
    %get3A_58 = vector.load %arg1[%get3A_56, %get3A_57] : memref<8192x64xf32, #tpu.memory_space<vmem>>, vector<256x64xf32>
    %add3A_59 = arith.addf %add3A_51, %get3A_58 : vector<256x64xf32>
    %get3A_60 = arith.constant 2048 : index
    %get3A_61 = arith.constant 0 : index
    %get3A_62 = vector.load %arg0[%get3A_60, %get3A_61] : memref<8192x256xf32, #tpu.memory_space<vmem>>, vector<256x256xf32>
    %get3A_63 = arith.constant 2048 : index
    %get3A_64 = arith.constant 0 : index
    %get3A_65 = vector.load %arg1[%get3A_63, %get3A_64] : memref<8192x64xf32, #tpu.memory_space<vmem>>, vector<256x64xf32>
    %get3A_66 = arith.constant 2304 : index
    %get3A_67 = arith.constant 0 : index
    %get3A_68 = vector.load %arg0[%get3A_66, %get3A_67] : memref<8192x256xf32, #tpu.memory_space<vmem>>, vector<256x256xf32>
    %add3A_69 = arith.addf %get3A_62, %get3A_68 : vector<256x256xf32>
    %get3A_70 = arith.constant 2304 : index
    %get3A_71 = arith.constant 0 : index
    %get3A_72 = vector.load %arg1[%get3A_70, %get3A_71] : memref<8192x64xf32, #tpu.memory_space<vmem>>, vector<256x64xf32>
    %add3A_73 = arith.addf %get3A_65, %get3A_72 : vector<256x64xf32>
    %get3A_74 = arith.constant 2560 : index
    %get3A_75 = arith.constant 0 : index
    %get3A_76 = vector.load %arg0[%get3A_74, %get3A_75] : memref<8192x256xf32, #tpu.memory_space<vmem>>, vector<256x256xf32>
    %add3A_77 = arith.addf %add3A_69, %get3A_76 : vector<256x256xf32>
    %get3A_78 = arith.constant 2560 : index
    %get3A_79 = arith.constant 0 : index
    %get3A_80 = vector.load %arg1[%get3A_78, %get3A_79] : memref<8192x64xf32, #tpu.memory_space<vmem>>, vector<256x64xf32>
    %add3A_81 = arith.addf %add3A_73, %get3A_80 : vector<256x64xf32>
    %get3A_82 = arith.constant 2816 : index
    %get3A_83 = arith.constant 0 : index
    %get3A_84 = vector.load %arg0[%get3A_82, %get3A_83] : memref<8192x256xf32, #tpu.memory_space<vmem>>, vector<256x256xf32>
    %add3A_85 = arith.addf %add3A_77, %get3A_84 : vector<256x256xf32>
    %get3A_86 = arith.constant 2816 : index
    %get3A_87 = arith.constant 0 : index
    %get3A_88 = vector.load %arg1[%get3A_86, %get3A_87] : memref<8192x64xf32, #tpu.memory_space<vmem>>, vector<256x64xf32>
    %add3A_89 = arith.addf %add3A_81, %get3A_88 : vector<256x64xf32>
    %get3A_90 = arith.constant 3072 : index
    %get3A_91 = arith.constant 0 : index
    %get3A_92 = vector.load %arg0[%get3A_90, %get3A_91] : memref<8192x256xf32, #tpu.memory_space<vmem>>, vector<256x256xf32>
    %add3A_93 = arith.addf %add3A_85, %get3A_92 : vector<256x256xf32>
    %get3A_94 = arith.constant 3072 : index
    %get3A_95 = arith.constant 0 : index
    %get3A_96 = vector.load %arg1[%get3A_94, %get3A_95] : memref<8192x64xf32, #tpu.memory_space<vmem>>, vector<256x64xf32>
    %add3A_97 = arith.addf %add3A_89, %get3A_96 : vector<256x64xf32>
    %get3A_98 = arith.constant 3328 : index
    %get3A_99 = arith.constant 0 : index
    %get3A_100 = vector.load %arg0[%get3A_98, %get3A_99] : memref<8192x256xf32, #tpu.memory_space<vmem>>, vector<256x256xf32>
    %add3A_101 = arith.addf %add3A_93, %get3A_100 : vector<256x256xf32>
    %get3A_102 = arith.constant 3328 : index
    %get3A_103 = arith.constant 0 : index
    %get3A_104 = vector.load %arg1[%get3A_102, %get3A_103] : memref<8192x64xf32, #tpu.memory_space<vmem>>, vector<256x64xf32>
    %add3A_105 = arith.addf %add3A_97, %get3A_104 : vector<256x64xf32>
    %get3A_106 = arith.constant 3584 : index
    %get3A_107 = arith.constant 0 : index
    %get3A_108 = vector.load %arg0[%get3A_106, %get3A_107] : memref<8192x256xf32, #tpu.memory_space<vmem>>, vector<256x256xf32>
    %add3A_109 = arith.addf %add3A_101, %get3A_108 : vector<256x256xf32>
    %get3A_110 = arith.constant 3584 : index
    %get3A_111 = arith.constant 0 : index
    %get3A_112 = vector.load %arg1[%get3A_110, %get3A_111] : memref<8192x64xf32, #tpu.memory_space<vmem>>, vector<256x64xf32>
    %add3A_113 = arith.addf %add3A_105, %get3A_112 : vector<256x64xf32>
    %get3A_114 = arith.constant 3840 : index
    %get3A_115 = arith.constant 0 : index
    %get3A_116 = vector.load %arg0[%get3A_114, %get3A_115] : memref<8192x256xf32, #tpu.memory_space<vmem>>, vector<256x256xf32>
    %add3A_117 = arith.addf %add3A_109, %get3A_116 : vector<256x256xf32>
    %get3A_118 = arith.constant 3840 : index
    %get3A_119 = arith.constant 0 : index
    %get3A_120 = vector.load %arg1[%get3A_118, %get3A_119] : memref<8192x64xf32, #tpu.memory_space<vmem>>, vector<256x64xf32>
    %add3A_121 = arith.addf %add3A_113, %get3A_120 : vector<256x64xf32>
    %get3A_122 = arith.constant 4096 : index
    %get3A_123 = arith.constant 0 : index
    %get3A_124 = vector.load %arg0[%get3A_122, %get3A_123] : memref<8192x256xf32, #tpu.memory_space<vmem>>, vector<256x256xf32>
    %get3A_125 = arith.constant 4096 : index
    %get3A_126 = arith.constant 0 : index
    %get3A_127 = vector.load %arg1[%get3A_125, %get3A_126] : memref<8192x64xf32, #tpu.memory_space<vmem>>, vector<256x64xf32>
    %get3A_128 = arith.constant 4352 : index
    %get3A_129 = arith.constant 0 : index
    %get3A_130 = vector.load %arg0[%get3A_128, %get3A_129] : memref<8192x256xf32, #tpu.memory_space<vmem>>, vector<256x256xf32>
    %add3A_131 = arith.addf %get3A_124, %get3A_130 : vector<256x256xf32>
    %get3A_132 = arith.constant 4352 : index
    %get3A_133 = arith.constant 0 : index
    %get3A_134 = vector.load %arg1[%get3A_132, %get3A_133] : memref<8192x64xf32, #tpu.memory_space<vmem>>, vector<256x64xf32>
    %add3A_135 = arith.addf %get3A_127, %get3A_134 : vector<256x64xf32>
    %get3A_136 = arith.constant 4608 : index
    %get3A_137 = arith.constant 0 : index
    %get3A_138 = vector.load %arg0[%get3A_136, %get3A_137] : memref<8192x256xf32, #tpu.memory_space<vmem>>, vector<256x256xf32>
    %add3A_139 = arith.addf %add3A_131, %get3A_138 : vector<256x256xf32>
    %get3A_140 = arith.constant 4608 : index
    %get3A_141 = arith.constant 0 : index
    %get3A_142 = vector.load %arg1[%get3A_140, %get3A_141] : memref<8192x64xf32, #tpu.memory_space<vmem>>, vector<256x64xf32>
    %add3A_143 = arith.addf %add3A_135, %get3A_142 : vector<256x64xf32>
    %get3A_144 = arith.constant 4864 : index
    %get3A_145 = arith.constant 0 : index
    %get3A_146 = vector.load %arg0[%get3A_144, %get3A_145] : memref<8192x256xf32, #tpu.memory_space<vmem>>, vector<256x256xf32>
    %add3A_147 = arith.addf %add3A_139, %get3A_146 : vector<256x256xf32>
    %get3A_148 = arith.constant 4864 : index
    %get3A_149 = arith.constant 0 : index
    %get3A_150 = vector.load %arg1[%get3A_148, %get3A_149] : memref<8192x64xf32, #tpu.memory_space<vmem>>, vector<256x64xf32>
    %add3A_151 = arith.addf %add3A_143, %get3A_150 : vector<256x64xf32>
    %get3A_152 = arith.constant 5120 : index
    %get3A_153 = arith.constant 0 : index
    %get3A_154 = vector.load %arg0[%get3A_152, %get3A_153] : memref<8192x256xf32, #tpu.memory_space<vmem>>, vector<256x256xf32>
    %add3A_155 = arith.addf %add3A_147, %get3A_154 : vector<256x256xf32>
    %get3A_156 = arith.constant 5120 : index
    %get3A_157 = arith.constant 0 : index
    %get3A_158 = vector.load %arg1[%get3A_156, %get3A_157] : memref<8192x64xf32, #tpu.memory_space<vmem>>, vector<256x64xf32>
    %add3A_159 = arith.addf %add3A_151, %get3A_158 : vector<256x64xf32>
    %get3A_160 = arith.constant 5376 : index
    %get3A_161 = arith.constant 0 : index
    %get3A_162 = vector.load %arg0[%get3A_160, %get3A_161] : memref<8192x256xf32, #tpu.memory_space<vmem>>, vector<256x256xf32>
    %add3A_163 = arith.addf %add3A_155, %get3A_162 : vector<256x256xf32>
    %get3A_164 = arith.constant 5376 : index
    %get3A_165 = arith.constant 0 : index
    %get3A_166 = vector.load %arg1[%get3A_164, %get3A_165] : memref<8192x64xf32, #tpu.memory_space<vmem>>, vector<256x64xf32>
    %add3A_167 = arith.addf %add3A_159, %get3A_166 : vector<256x64xf32>
    %get3A_168 = arith.constant 5632 : index
    %get3A_169 = arith.constant 0 : index
    %get3A_170 = vector.load %arg0[%get3A_168, %get3A_169] : memref<8192x256xf32, #tpu.memory_space<vmem>>, vector<256x256xf32>
    %add3A_171 = arith.addf %add3A_163, %get3A_170 : vector<256x256xf32>
    %get3A_172 = arith.constant 5632 : index
    %get3A_173 = arith.constant 0 : index
    %get3A_174 = vector.load %arg1[%get3A_172, %get3A_173] : memref<8192x64xf32, #tpu.memory_space<vmem>>, vector<256x64xf32>
    %add3A_175 = arith.addf %add3A_167, %get3A_174 : vector<256x64xf32>
    %get3A_176 = arith.constant 5888 : index
    %get3A_177 = arith.constant 0 : index
    %get3A_178 = vector.load %arg0[%get3A_176, %get3A_177] : memref<8192x256xf32, #tpu.memory_space<vmem>>, vector<256x256xf32>
    %add3A_179 = arith.addf %add3A_171, %get3A_178 : vector<256x256xf32>
    %get3A_180 = arith.constant 5888 : index
    %get3A_181 = arith.constant 0 : index
    %get3A_182 = vector.load %arg1[%get3A_180, %get3A_181] : memref<8192x64xf32, #tpu.memory_space<vmem>>, vector<256x64xf32>
    %add3A_183 = arith.addf %add3A_175, %get3A_182 : vector<256x64xf32>
    %get3A_184 = arith.constant 6144 : index
    %get3A_185 = arith.constant 0 : index
    %get3A_186 = vector.load %arg0[%get3A_184, %get3A_185] : memref<8192x256xf32, #tpu.memory_space<vmem>>, vector<256x256xf32>
    %get3A_187 = arith.constant 6144 : index
    %get3A_188 = arith.constant 0 : index
    %get3A_189 = vector.load %arg1[%get3A_187, %get3A_188] : memref<8192x64xf32, #tpu.memory_space<vmem>>, vector<256x64xf32>
    %get3A_190 = arith.constant 6400 : index
    %get3A_191 = arith.constant 0 : index
    %get3A_192 = vector.load %arg0[%get3A_190, %get3A_191] : memref<8192x256xf32, #tpu.memory_space<vmem>>, vector<256x256xf32>
    %add3A_193 = arith.addf %get3A_186, %get3A_192 : vector<256x256xf32>
    %get3A_194 = arith.constant 6400 : index
    %get3A_195 = arith.constant 0 : index
    %get3A_196 = vector.load %arg1[%get3A_194, %get3A_195] : memref<8192x64xf32, #tpu.memory_space<vmem>>, vector<256x64xf32>
    %add3A_197 = arith.addf %get3A_189, %get3A_196 : vector<256x64xf32>
    %get3A_198 = arith.constant 6656 : index
    %get3A_199 = arith.constant 0 : index
    %get3A_200 = vector.load %arg0[%get3A_198, %get3A_199] : memref<8192x256xf32, #tpu.memory_space<vmem>>, vector<256x256xf32>
    %add3A_201 = arith.addf %add3A_193, %get3A_200 : vector<256x256xf32>
    %get3A_202 = arith.constant 6656 : index
    %get3A_203 = arith.constant 0 : index
    %get3A_204 = vector.load %arg1[%get3A_202, %get3A_203] : memref<8192x64xf32, #tpu.memory_space<vmem>>, vector<256x64xf32>
    %add3A_205 = arith.addf %add3A_197, %get3A_204 : vector<256x64xf32>
    %get3A_206 = arith.constant 6912 : index
    %get3A_207 = arith.constant 0 : index
    %get3A_208 = vector.load %arg0[%get3A_206, %get3A_207] : memref<8192x256xf32, #tpu.memory_space<vmem>>, vector<256x256xf32>
    %add3A_209 = arith.addf %add3A_201, %get3A_208 : vector<256x256xf32>
    %get3A_210 = arith.constant 6912 : index
    %get3A_211 = arith.constant 0 : index
    %get3A_212 = vector.load %arg1[%get3A_210, %get3A_211] : memref<8192x64xf32, #tpu.memory_space<vmem>>, vector<256x64xf32>
    %add3A_213 = arith.addf %add3A_205, %get3A_212 : vector<256x64xf32>
    %get3A_214 = arith.constant 7168 : index
    %get3A_215 = arith.constant 0 : index
    %get3A_216 = vector.load %arg0[%get3A_214, %get3A_215] : memref<8192x256xf32, #tpu.memory_space<vmem>>, vector<256x256xf32>
    %add3A_217 = arith.addf %add3A_209, %get3A_216 : vector<256x256xf32>
    %get3A_218 = arith.constant 7168 : index
    %get3A_219 = arith.constant 0 : index
    %get3A_220 = vector.load %arg1[%get3A_218, %get3A_219] : memref<8192x64xf32, #tpu.memory_space<vmem>>, vector<256x64xf32>
    %add3A_221 = arith.addf %add3A_213, %get3A_220 : vector<256x64xf32>
    %get3A_222 = arith.constant 7424 : index
    %get3A_223 = arith.constant 0 : index
    %get3A_224 = vector.load %arg0[%get3A_222, %get3A_223] : memref<8192x256xf32, #tpu.memory_space<vmem>>, vector<256x256xf32>
    %add3A_225 = arith.addf %add3A_217, %get3A_224 : vector<256x256xf32>
    %get3A_226 = arith.constant 7424 : index
    %get3A_227 = arith.constant 0 : index
    %get3A_228 = vector.load %arg1[%get3A_226, %get3A_227] : memref<8192x64xf32, #tpu.memory_space<vmem>>, vector<256x64xf32>
    %add3A_229 = arith.addf %add3A_221, %get3A_228 : vector<256x64xf32>
    %get3A_230 = arith.constant 7680 : index
    %get3A_231 = arith.constant 0 : index
    %get3A_232 = vector.load %arg0[%get3A_230, %get3A_231] : memref<8192x256xf32, #tpu.memory_space<vmem>>, vector<256x256xf32>
    %add3A_233 = arith.addf %add3A_225, %get3A_232 : vector<256x256xf32>
    %get3A_234 = arith.constant 7680 : index
    %get3A_235 = arith.constant 0 : index
    %get3A_236 = vector.load %arg1[%get3A_234, %get3A_235] : memref<8192x64xf32, #tpu.memory_space<vmem>>, vector<256x64xf32>
    %add3A_237 = arith.addf %add3A_229, %get3A_236 : vector<256x64xf32>
    %get3A_238 = arith.constant 7936 : index
    %get3A_239 = arith.constant 0 : index
    %get3A_240 = vector.load %arg0[%get3A_238, %get3A_239] : memref<8192x256xf32, #tpu.memory_space<vmem>>, vector<256x256xf32>
    %add3A_241 = arith.addf %add3A_233, %get3A_240 : vector<256x256xf32>
    %get3A_242 = arith.constant 7936 : index
    %get3A_243 = arith.constant 0 : index
    %get3A_244 = vector.load %arg1[%get3A_242, %get3A_243] : memref<8192x64xf32, #tpu.memory_space<vmem>>, vector<256x64xf32>
    %add3A_245 = arith.addf %add3A_237, %get3A_244 : vector<256x64xf32>
    %concatenate3A = tpu.concatenate %add3A_55, %add3A_117, %add3A_179, %add3A_241 in 0 : vector<256x256xf32>, vector<256x256xf32>, vector<256x256xf32>, vector<256x256xf32> -> vector<1024x256xf32>
    %concatenate3A_246 = tpu.concatenate %add3A_59, %add3A_121, %add3A_183, %add3A_245 in 0 : vector<256x64xf32>, vector<256x64xf32>, vector<256x64xf32>, vector<256x64xf32> -> vector<1024x64xf32>
    %get3A_247 = arith.constant 0 : index
    %get3A_248 = arith.constant 0 : index
    %get3A_249 = vector.load %arg3[%get3A_247, %get3A_248] : memref<1x64xf32, #tpu.memory_space<vmem>>, vector<1x64xf32>
    %add3A_250 = vector.broadcast %get3A_249 : vector<1x64xf32> to vector<1024x64xf32>
    %add3A_251 = arith.addf %concatenate3A_246, %add3A_250 : vector<1024x64xf32>
    %get3A_252 = arith.constant 0 : index
    %get3A_253 = arith.constant 0 : index
    %get3A_254 = vector.load %arg2[%get3A_252, %get3A_253] : memref<1x256xf32, #tpu.memory_space<vmem>>, vector<1x256xf32>
    %add3A_255 = vector.broadcast %get3A_254 : vector<1x256xf32> to vector<1024x256xf32>
    %add3A_256 = arith.addf %concatenate3A, %add3A_255 : vector<1024x256xf32>
    %get3A_257 = arith.constant 0 : index
    %get3A_258 = arith.constant 0 : index
    %get3A_259 = vector.load %arg4[%get3A_257, %get3A_258] : memref<64x256xf32, #tpu.memory_space<vmem>>, vector<64x256xf32>
    %dot_general3A = arith.constant dense<0.000000e+00> : vector<1024x256xf32>
    %dot_general3A_260 = tpu.matmul %add3A_251, %get3A_259, %dot_general3A {dimension_numbers = #tpu.dot_dimension_numbers<[1], [0], [0], [1], [0, 0, 1, 1], [], []>, precision = #tpu.contract_precision<fp32>, transpose_lhs_hint = false} : vector<1024x64xf32>, vector<64x256xf32>, vector<1024x256xf32> -> vector<1024x256xf32>
    %add3A_261 = arith.addf %add3A_256, %dot_general3A_260 : vector<1024x256xf32>
    %max3A = arith.constant 0.000000e+00 : f32
    %max3A_262 = vector.broadcast %max3A : f32 to vector<1024x256xf32>
    %max3A_263 = arith.maximumf %add3A_261, %max3A_262 : vector<1024x256xf32>
    %get3A_264 = arith.constant 0 : index
    %get3A_265 = arith.constant 0 : index
    %get3A_266 = vector.load %arg5[%get3A_264, %get3A_265] : memref<256x128xf32, #tpu.memory_space<vmem>>, vector<256x128xf32>
    %dot_general3A_267 = arith.constant dense<0.000000e+00> : vector<1024x128xf32>
    %dot_general3A_268 = tpu.matmul %max3A_263, %get3A_266, %dot_general3A_267 {dimension_numbers = #tpu.dot_dimension_numbers<[1], [0], [0], [1], [0, 0, 1, 1], [], []>, precision = #tpu.contract_precision<fp32>, transpose_lhs_hint = false} : vector<1024x256xf32>, vector<256x128xf32>, vector<1024x128xf32> -> vector<1024x128xf32>
    %get3A_269 = arith.constant 0 : index
    %get3A_270 = arith.constant 0 : index
    %get3A_271 = vector.load %arg6[%get3A_269, %get3A_270] : memref<1x128xf32, #tpu.memory_space<vmem>>, vector<1x128xf32>
    %add3A_272 = vector.broadcast %get3A_271 : vector<1x128xf32> to vector<1024x128xf32>
    %add3A_273 = arith.addf %dot_general3A_268, %add3A_272 : vector<1024x128xf32>
    %max3A_274 = arith.constant 0.000000e+00 : f32
    %max3A_275 = vector.broadcast %max3A_274 : f32 to vector<1024x128xf32>
    %max3A_276 = arith.maximumf %add3A_273, %max3A_275 : vector<1024x128xf32>
    %get3A_277 = arith.constant 0 : index
    %get3A_278 = arith.constant 0 : index
    %get3A_279 = vector.load %arg7[%get3A_277, %get3A_278] : memref<128x1000xf32, #tpu.memory_space<vmem>>, vector<128x1000xf32>
    %dot_general3A_280 = arith.constant dense<0.000000e+00> : vector<1024x1000xf32>
    %dot_general3A_281 = tpu.matmul %max3A_276, %get3A_279, %dot_general3A_280 {dimension_numbers = #tpu.dot_dimension_numbers<[1], [0], [0], [1], [0, 0, 1, 1], [], []>, precision = #tpu.contract_precision<fp32>, transpose_lhs_hint = false} : vector<1024x128xf32>, vector<128x1000xf32>, vector<1024x1000xf32> -> vector<1024x1000xf32>
    %get3A_282 = arith.constant 0 : index
    %get3A_283 = arith.constant 0 : index
    %get3A_284 = vector.load %arg8[%get3A_282, %get3A_283] : memref<1x1000xf32, #tpu.memory_space<vmem>>, vector<1x1000xf32>
    %add3A_285 = vector.broadcast %get3A_284 : vector<1x1000xf32> to vector<1024x1000xf32>
    %add3A_286 = arith.addf %dot_general3A_281, %add3A_285 : vector<1024x1000xf32>
    %swap3A = arith.constant 0 : index
    %swap3A_287 = arith.constant 0 : index
    %swap3A_288 = vector.load %arg9[%swap3A, %swap3A_287] : memref<1024x1000xf32, #tpu.memory_space<vmem>>, vector<1024x1000xf32>
    tpu.vector_store %arg9[%swap3A, %swap3A_287], %add3A_286 {strides = array<i32>} : memref<1024x1000xf32, #tpu.memory_space<vmem>>, vector<1024x1000xf32>,
    return
  }
}

</mosaic_0001>

<sc_bundles>
// kernel: kernel.4.cloned.1.call-start
scs
__scs_entry_jumppad:
0x0: {  	(pc) =	sbr.rel $0x88, $3  }
0x1: {  	(tag) =	ssettag $0x0;
	lr =	simm.s32 $0x1  }
0x2: {  	[smem:$0x3F96] =	sst lr;
	_ =	strace $0xD0000000  }
0x3: {  	_ = 	snop  }
0x4: {  	_ = 	snop  }
0x5: {  	_ = 	snop  }
0x6: {  	_ = 	snop  }
0x7: {  	_ = 	snop  }
__scs_overlays_trampoline_lowered:
0x8: {  	[smem:$0x3FA5] =	sst s0  }
0x9: {  	[smem:$0x3FA6] =	sst s1  }
0xa: {  	[smem:$0x3FA7] =	sst s2  }
0xb: {  	[smem:$0x3FA8] =	sst s3  }
0xc: {  	[smem:$0x3FA9] =	sst s4  }
0xd: {  	[smem:$0x3FAA] =	sst s5  }
0xe: {  	[smem:$0x3FAB] =	sst s6  }
0xf: {  	[smem:$0x3FAC] =	sst s7  }
0x10: {  	[smem:$0x3FAD] =	sst s8  }
0x11: {  	[smem:$0x3FAE] =	sst s9;
	s0 =	simm.s32 @!p0 $0x0  }
0x12: {  	s1 =	sld [smem:$0x3F94];
	s0 =	simm.s32 @p0 $0x1  }
0x13: {  	[smem:$0x3FAF] =	sst s0;
	s0 =	simm.s32 @!p1 $0x0  }
0x14: {  	s2 =	sld [smem:$0x3F93];
	s0 =	simm.s32 @p1 $0x1  }
0x15: {  	[smem:$0x3FB0] =	sst s0;
	s0 =	simm.s32 @!p2 $0x0  }
0x16: {  	s3 =	sld [smem:$0x3FDB];
	s0 =	simm.s32 @p2 $0x1  }
0x17: {  	s4 =	simm.s32 $0x1BF5;
	[smem:$0x3FB2] =	sst s0  }
0x18: {  	s0 =	sld [smem:$0x3F95];
	_ =	swait.ge [sflag:s4], $0x0  }
0x19: {  	s7 =	sld [smem:$0x3F96]  }
0x1a: {  	s8 =	sadd.s32 $0xFFFFE003, lr  }
0x1b: {  	s9 =	sadd.s32 $0xFFFFFEF7, lr;
	s5 =	simm.s32 $0xFFFFFFFF;
	p2 =	slt.u32 s8, $0xFFFFF086  }
0x1c: {  	p1 =	slt.u32 s9, $0xF7A;
	s5 =	simm.s32 @!p2 $0x0  }
0x1d: {  	s5 =	simm.s32 @p1 $0x1;
	p0 =	seq.s32 s7, s2  }
0x1e: {  	s7 =	smul.u32 @!p0 $0xF7A, s2;
	p2 =	seq.s32 @!p0 s5, $0x0  }
0x1f: {  	s9 =	smul.u32 $0xF7A, s1;
	s8 =	simm.s32 @!p0 $0x1BF5;
	p2 =	por !p2, p0  }
0x20: {  	[sflag:s8] =	ssyncset.s32 @!p0 $0xFFFFF086;
	s6 =	sadd.s32 @!p0 s3, s7;
	s7 =	simm.s32 @!p0 $0x108  }
0x21: {  	s3 =	sadd.s32 s3, s9;
	s6 =	sadd.s32 @!p0 $0x88, s6;
	s7 =	simm.s32 @p2 $0x1082  }
0x22: {  	[simem:s7], [sflag:s8] =	dma.local @!p0 [hbm:s6], $0xF7A  }
0x23: {  	s9 =	sor.u32 $0xD0000000, s2;
	s6 =	simm.s32 $0x108;
	_ =	swait.ge @!p0 [sflag:s8], $0x0  }
0x24: {  	s3 =	sadd.s32 $0x88, s3;
	s6 =	simm.s32 @!p1 $0x1082;
	[sflag:s4] =	ssyncset.s32 $0xFFFFF086  }
0x25: {  	[simem:s6], [sflag:s4] =	dma.local [hbm:s3], $0xF7A  }
0x26: {  	[smem:$0x3F96] =	sst s1;
	(tag) =	ssettag s2;
	_ =	strace s9  }
0x27: {  	s1 =	sld [smem:$0x3FA6]  }
0x28: {  	s2 =	sld [smem:$0x3FA7]  }
0x29: {  	s4 =	sld [smem:$0x3FA9]  }
0x2a: {  	p0 =	seq.s32 s5, $0x0;
	s5 =	sld [smem:$0x3FAA]  }
0x2b: {  	s6 =	sld [smem:$0x3FAB]  }
0x2c: {  	s7 =	sld [smem:$0x3FAC]  }
0x2d: {  	s3 =	simm.s32 $0x108;
	s8 =	sld [smem:$0x3FAD]  }
0x2e: {  	s3 =	simm.s32 @!p0 $0x1082;
	s9 =	sld [smem:$0x3FAE]  }
0x2f: {  	lr =	sadd.s32 s0, s3;
	s0 =	sld [smem:$0x3FA5]  }
0x30: {  	s3 =	sld [smem:$0x3FA8]  }
0x31: {  	[smem:$0x3FB1] =	sst s10  }
0x32: {  	s10 =	sld [smem:$0x3FAF];
	_ =	sdelay $0x3  }
0x33: {  	p0 =	seq.s32 s10, $0x1;
	s10 =	sld [smem:$0x3FB1];
	_ =	sdelay $0x3  }
0x34: {  	[smem:$0x3FB1] =	sst s10  }
0x35: {  	s10 =	sld [smem:$0x3FB0];
	_ =	sdelay $0x3  }
0x36: {  	p1 =	seq.s32 s10, $0x1;
	s10 =	sld [smem:$0x3FB1];
	_ =	sdelay $0x3  }
0x37: {  	[smem:$0x3FB1] =	sst s10  }
0x38: {  	s10 =	sld [smem:$0x3FB2]  }
0x39: {  	_ = 	snop;
	(pc) =	sbr.ind lr, $3  }
0x3a: {  	_ = 	snop  }
0x3b: {  	_ = 	snop  }
0x3c: {  	p2 =	seq.s32 s10, $0x1;
	s10 =	sld [smem:$0x3FB1]  }
0x3d: {  	_ =	shalt  }
0x3e: {  	_ =	shalt  }
0x3f: {  	_ =	shalt  }
0x40: {  	_ =	shalt  }
0x41: {  	_ =	shalt  }
0x42: {  	_ =	shalt  }
0x43: {  	_ =	shalt  }
0x44: {  	_ =	shalt  }
0x45: {  	_ =	shalt  }
0x46: {  	_ =	shalt  }
0x47: {  	_ =	shalt  }
0x48: {  	_ =	shalt  }
0x49: {  	_ =	shalt  }
0x4a: {  	_ =	shalt  }
0x4b: {  	_ =	shalt  }
0x4c: {  	_ =	shalt  }
0x4d: {  	_ =	shalt  }
0x4e: {  	_ =	shalt  }
0x4f: {  	_ =	shalt  }
0x50: {  	_ =	shalt  }
0x51: {  	_ =	shalt  }
0x52: {  	_ =	shalt  }
0x53: {  	_ =	shalt  }
0x54: {  	_ =	shalt  }
0x55: {  	_ =	shalt  }
0x56: {  	_ =	shalt  }
0x57: {  	_ =	shalt  }
0x58: {  	_ =	shalt  }
0x59: {  	_ =	shalt  }
0x5a: {  	_ =	shalt  }
0x5b: {  	_ =	shalt  }
0x5c: {  	_ =	shalt  }
0x5d: {  	_ =	shalt  }
0x5e: {  	_ =	shalt  }
0x5f: {  	_ =	shalt  }
0x60: {  	_ =	shalt  }
0x61: {  	_ =	shalt  }
0x62: {  	_ =	shalt  }
0x63: {  	_ =	shalt  }
0x64: {  	_ =	shalt  }
0x65: {  	_ =	shalt  }
0x66: {  	_ =	shalt  }
0x67: {  	_ =	shalt  }
0x68: {  	_ =	shalt  }
0x69: {  	_ =	shalt  }
0x6a: {  	_ =	shalt  }
0x6b: {  	_ =	shalt  }
0x6c: {  	_ =	shalt  }
0x6d: {  	_ =	shalt  }
0x6e: {  	_ =	shalt  }
0x6f: {  	_ =	shalt  }
0x70: {  	_ =	shalt  }
0x71: {  	_ =	shalt  }
0x72: {  	_ =	shalt  }
0x73: {  	_ =	shalt  }
0x74: {  	_ =	shalt  }
0x75: {  	_ =	shalt  }
0x76: {  	_ =	shalt  }
0x77: {  	_ =	shalt  }
0x78: {  	_ =	shalt  }
0x79: {  	_ =	shalt  }
0x7a: {  	_ =	shalt  }
0x7b: {  	_ =	shalt  }
0x7c: {  	_ =	shalt  }
0x7d: {  	_ =	shalt  }
0x7e: {  	_ =	shalt  }
0x7f: {  	_ =	shalt  }
0x80: {  	_ =	shalt  }
0x81: {  	_ =	shalt  }
0x82: {  	_ =	shalt  }
0x83: {  	_ =	shalt  }
0x84: {  	_ =	shalt  }
0x85: {  	_ =	shalt  }
0x86: {  	_ =	shalt  }
0x87: {  	_ =	shalt  }
.Lfunc_end0:
.L_simem_size_0:
called_computation_lowered:
.L_overlay_start_0:
0x88: {  	s2 =	sld [smem:$0x3FD9]  }
0x89: {  	s3 =	sld [smem:$0x3FFE];
	_ =	sdelay $0x1  }
0x8a: {  	s1 =	srdreg.scid  }
0x8b: {  	s0 =	sand.u32 $0x1, s1  }
0x8c: {  	s17 =	sshll.u32 s0, $0xA;
	s2 =	sadd.s32 s3, s2  }
0x8d: {  	s2 =	sadd.s32 s2, s17  }
0x8e: {  	[smem:$0x3FBD] =	sst s2  }
0x8f: {  	_ = 	snop  }
0x90: {  	s2 =	sld [smem:$0x3FC9]  }
0x91: {  	s18 =	sld [smem:$0x3FC8]  }
0x92: {  	s4 =	sld [smem:$0x3FC7];
	(tm) =	ssettm $0x1  }
0x93: {  	s5 =	sld [smem:$0x3FFB];
	_ =	sdelay $0x3  }
0x94: {  	_ =	strace s5  }
0x95: {  	s5 =	sld [smem:$0x3FFC];
	_ =	sdelay $0x3  }
0x96: {  	_ =	strace s5  }
0x97: {  	s5 =	sld [smem:$0x3FFD];
	_ =	sdelay $0x3  }
0x98: {  	_ =	strace s5  }
0x99: {  	_ =	strace $0x8FFFFFFF  }
0x9a: {  	s19 =	sld [smem:$0x3FDB];
	_ =	sdelay $0x1  }
0x9b: {  	s6 =	simm.s32 $_scs_section_size  }
0x9c: {  	s7 =	simm.s32 $_size__tile_overlayer_lowered;
	s8 =	simm.s32 $_tile_overlayer_lowered  }
0x9d: {  	s22 =	simm.s32 $0x1BFF;
	s21 =	sshll.u32 s8, $0x1;
	s5 =	sadd.s32 s6, s19  }
0x9e: {  	s9 =	simm.s32 $0x0;
	s20 =	sshll.u32 s7, $0x1;
	s7 =	sadd.s32 s21, s5  }
0x9f: {  	[timem:s9], [sflag:s22] =	dma.local [hbm:s7], s20  }
0xa0: {  	_ =	swait.ge [sflag:s22], s20  }
0xa1: {  	s6 =	ssub.s32 $0x0, s20;
	[sflag:s22] =	ssyncset.done $0x0  }
0xa2: {  	[sflag:s22] =	ssyncadd.s32 s6;
	_ =	sdelay $0x1  }
0xa3: {  	s23 =	simm.s32 $0x1B8B  }
0xa4: {  	_ =	swait.ge [sflag:s23], $0x1  }
0xa5: {  	[sflag:s23] =	ssyncset.done $0x0  }
0xa6: {  	s25 =	simm.s32 $0x1B8E;
	s24 =	sld [smem:$0x3FFE];
	[sflag:s23] =	ssyncadd.s32 $0xFFFFFFFF  }
0xa7: {  	s26 =	simm.s32 $execute0_lowered;
	[smem:$0x3FD2] =	sst s25  }
0xa8: {  	s7 =	sshll.u32 s26, $0x1;
	_ =	strace $0x80000046;
	[dreg:$0x1] =	wrdreg $0xFFFFFFFF  }
0xa9: {  	s28 =	simm.s32 $_size_execute0_lowered;
	s5 =	sadd.s32 s5, s7;
	[dreg:$0x0] =	wrdreg $0x0  }
0xaa: {  	s7 =	sshll.u32 s28, $0x1;
	[dreg:$0x2] =	wrdreg s5  }
0xab: {  	[dreg:$0x3] =	wrdreg s7  }
0xac: {  	[dreg:$0x4] =	wrdreg $0xC0  }
0xad: {  	_ =	task [dreg:s9], $0x5FFFF  }
0xae: {  	[dreg:$0x1] =	wrdreg $0xFFFFFFFF  }
0xaf: {  	[dreg:$0x0] =	wrdreg $0x60  }
0xb0: {  	[dreg:$0x2] =	wrdreg s2  }
0xb1: {  	[dreg:$0x3] =	wrdreg s18  }
0xb2: {  	[dreg:$0x4] =	wrdreg s4  }
0xb3: {  	[dreg:$0x5] =	wrdreg s24  }
0xb4: {  	[dreg:$0x6] =	wrdreg $0x9  }
0xb5: {  	_ =	task.clear_ibuf [dreg:s9], $0x7FFFF;
	_ =	strace $0x90000046  }
0xb6: {  	s29 =	simm.s32 $0x9;
	_ =	strace $0x80000048  }
0xb7: {  	_ =	swait.ge [sflag:s29], $0x1  }
0xb8: {  	[sflag:s29] =	ssyncadd.s32 $0xFFFFFFFF  }
0xb9: {  	_ =	strace $0x90000048  }
0xba: {  	_ =	sfence  }
0xbb: {  	s30 =	sld [smem:$0x0];
	_ =	sdelay $0x2  }
0xbc: {  	s31 =	sshll.u32 s1, $0xD;
	s1 =	sshrl.u32 s1, $0x2  }
0xbd: {  	s3 =	sand.u32 $0x4000, s31;
	s1 =	sadd.s32 s1, s30  }
0xbe: {  	s0 =	sor.u32 s3, s0;
	s1 =	sshll.u32 s1, $0x11  }
0xbf: {  	s0 =	sor.u32 s1, s0  }
0xc0: {  	s0 =	sadd.s32 $0x8F2B, s0  }
0xc1: {  	[sflag:s0] =	ssyncadd.remote.s32 $0x1  }
0xc2: {  	_ =	sfence.sel $0xFFFF  }
0xc3: {  	[dreg:$0x0] =	wrdreg $0xFFFFFFFF;
	(pc) =	sbr.abs _section_cstart, $3  }
0xc4: {  	[dreg:$0x1] =	wrdreg $0xFFFFFFFF  }
0xc5: {  	_ =	task.clear_ibuf [dreg:s9], $0x2FFFF;
	_ =	strace $0x9FFFFFFF  }
0xc6: {  	(tm) =	ssettm $0x7FFFFFFF  }
0xc7: {  	_ =	shalt  }
tec
execute0_lowered:
.L_overlay_start_1:
0x0: {  	(tag) =	ssettag $0x1  }
0x1: {  	s0 =	srdreg.scid  }
0x2: {  	s0 =	sand.u32 $0x1, s0  }
0x3: {  	s2 =	stileid.u32;
	s1 =	sshll.u32 s0, $0x4  }
0x4: {  	s10 =	rddreg [dreg:$0x0];
	s1 =	sor.u32 s2, s1;
	s2 =	sand.u32 $0x3, s2  }
0x5: {  	s11 =	rddreg [dreg:$0x1];
	p0 =	seq.s32 s1, $0x0;
	p1 =	sne.s32 s2, $0x0  }
0x6: {  	s4 =	rddreg [dreg:$0x2];
	s3 =	simm.s32 $0x1;
	p0 =	por !p1, !p0  }
0x7: {  	s5 =	rddreg [dreg:$0x3];
	s14 =	simm.s32 $0x0;
	p0 =	por !p0, !p0  }
0x8: {  	s28 =	simm.s32 $0x1280;
	s1 =	sshrl.u32 s1, $0x2;
	s3 =	simm.s32 @!p0 $0x0  }
0x9: {  	[smem:$0x7FF] =	sst s14;
	s6 =	sadd.s32 $0x1A00, s5;
	s1 =	ssub.s32 s1, s3  }
0xa: {  	s15 =	sadd.s32 $0x10, s10;
	s26 =	sshll.u32 s2, $0xB;
	s7 =	sshll.u32 s1, $0x8  }
0xb: {  	_ =	strace $0x80000047;
	s8 =	sshll.u32 s1, $0xC;
	s3 =	sadd.s32 s26, s7  }
0xc: {  	[dreg:$0x5] =	wrdreg s15;
	s13 =	sand.u32 $0x1FFFF000, s8;
	s7 =	sshll.u32 s3, $0x5  }
0xd: {  	s3 =	sshll.u32 s3, $0x4;
	s10 =	sadd.s32 s10, s13;
	s9 =	sadd.s32 s7, s5  }
0xe: {  	s3 =	sadd.s32 s3, s5;
	s5 =	sadd.s32 s13, s15;
	[dreg:$0x7] =	wrdreg s10  }
0xf: {  	s29 =	simm.s32 $0x8000;
	s21 =	sadd.s32 $0x20, s10;
	[dreg:$0x6] =	wrdreg s5  }
0x10: {  	s30 =	simm.s32 $0x1900;
	s22 =	sadd.s32 $0x40, s10;
	[dreg:$0xf] =	wrdreg s21  }
0x11: {  	s31 =	simm.s32 $0x1B80;
	s23 =	sadd.s32 $0x60, s10;
	[dreg:$0x10] =	wrdreg s22  }
0x12: {  	s0 =	ssub.s32 $0x2, s0;
	s9 =	sadd.s32 $0x28C00, s9;
	[dreg:$0x11] =	wrdreg s23  }
0x13: {  	s2 =	sshll.u32 s2, $0x8;
	s3 =	sadd.s32 $0x68C00, s3;
	[dreg:$0x9] =	wrdreg s9  }
0x14: {  	s12 =	sshll.u32 s1, $0xE;
	s18 =	sadd.s32 $0x20, s5;
	[dreg:$0xa] =	wrdreg s3  }
0x15: {  	v2 =	vlaneseq.u32;
	s16 =	sshrl.u32 s12, $0x3;
	s19 =	sadd.s32 $0x40, s5;
	[dreg:$0xc] =	wrdreg s18  }
0x16: {  	v3 =	vimm.f32 $0.0e+00;
	v4 =	vor.u32 $0x10, v2;
	s7 =	sshrl.u32 s0, $0x1;
	s20 =	sadd.s32 $0x60, s5;
	[dreg:$0xd] =	wrdreg s19  }
0x17: {  	v5 =	vor.u32 $0x20, v2;
	v6 =	vor.u32 $0x30, v2;
	v7 =	vor.u32 $0x40, v2;
	s0 =	ssub.s32 s0, s7;
	s7 =	sadd.s32 s11, s16;
	[dreg:$0xe] =	wrdreg s20  }
.Ltmp0:
0x18: {  	v8 =	vor.u32 $0x50, v2;
	v9 =	vor.u32 $0x60, v2;
	v10 =	vor.u32 $0x70, v2;
	s0 =	smax.u32 s0, $0x1;
	[dreg:$0x8] =	wrdreg s7;
	(pc) =	sbr.rel .LBB2_1-.Ltmp0, $4  }
0x19: {  	v11 =	vor.u32 $0x400, v2;
	v12 =	vor.u32 $0x410, v2;
	v13 =	vor.u32 $0x420, v2;
	s17 =	sadd.s32 $0x100, s2;
	s24 =	sadd.s32 $0x10, s7;
	[dreg:$0xb] =	wrdreg s0  }
0x1a: {  	v14 =	vmul.u32 $0x100, v2;
	v15 =	vor.u32 $0x430, v2;
	v0 =	vmov s2;
	s2 =	simm.s32 $0x0;
	s25 =	sadd.s32 $0x20, s7;
	[dreg:$0x12] =	wrdreg s24  }
0x1b: {  	v16 =	vor.u32 $0x440, v2;
	v17 =	vor.u32 $0x450, v2;
	v18 =	vor.u32 $0x460, v2;
	s8 =	smov.u32 s12;
	s26 =	sadd.s32 $0x30, s7;
	[dreg:$0x13] =	wrdreg s25  }
0x1c: {  	v19 =	vor.u32 $0x470, v2;
	v20 =	vor.u32 $0x1000, v14;
	v1 =	vmov s17;
	s3 =	simm.s32 $0x18000;
	[dreg:$0x14] =	wrdreg s26;
	s26 =	simm.s32 $0xC00  }
.LBB2_37:
0x1d: {  	s0 =	rddreg [dreg:$0x9];
	s1 =	simm.s32 $0x7  }
0x1e: {  	[hbm4b:s0+s14] =	stream.linear.scatter [tilespmem:s29], [sflag:$0x7], $0x10000, $0x38;
	v63 =	vld [tilespmem:$0x0]  }
0x1f: {  	_ =	swait.ge [sflag:s1], $0x10000  }
0x20: {  	[sflag:s1] =	ssyncset.done $0x0  }
0x21: {  	s24 =	rddreg [dreg:$0xa];
	[sflag:s1] =	ssyncadd.s32 $0xFFFF0000  }
0x22: {  	[hbm4b:s24+s14] =	stream.linear.scatter [tilespmem:s3], [sflag:$0x7], $0x8000, $0x38;
	v63 =	vld [tilespmem:$0x0]  }
0x23: {  	_ =	swait.ge [sflag:s1], $0x8000  }
0x24: {  	s2 =	rddreg [dreg:$0x15]  }
0x25: {  	s25 =	rddreg [dreg:$0xb];
	s2 =	sadd.s32 $0x1, s2  }
0x26: {  	p0 =	sne.s32 s2, s25  }
.Ltmp1:
0x27: {  	_ = 	snop;
	(pc) =	sbr.rel @!p0 .LBB2_38-.Ltmp1, $3  }
0x28: {  	_ =	sdelay $0x1  }
0x29: {  	[sflag:s1] =	ssyncset.done $0x0  }
0x2a: {  	[sflag:s1] =	ssyncadd.s32 $0xFFFF8000  }
.LBB2_1:
0x2b: {  	s0 =	sand.u32 $0xF800, s14;
	s1 =	sand.u32 $0x380, s14  }
0x2c: {  	s1 =	sor.u32 s1, s0  }
0x2d: {  	[tilespmem:s1+$0x8030] =	vst v3  }
0x2e: {  	[tilespmem:s1+$0x8040] =	vst v3  }
0x2f: {  	[tilespmem:s1+$0x8050] =	vst v3  }
0x30: {  	[tilespmem:s1+$0x8060] =	vst v3  }
0x31: {  	[tilespmem:s1+$0x8070] =	vst v3  }
0x32: {  	[tilespmem:s1+$0x8400] =	vst v3  }
0x33: {  	[tilespmem:s1+$0x8410] =	vst v3  }
0x34: {  	[tilespmem:s1+$0x8420] =	vst v3  }
0x35: {  	[tilespmem:s1+$0x8430] =	vst v3  }
0x36: {  	[tilespmem:s1+$0x8440] =	vst v3  }
0x37: {  	[tilespmem:s1+$0x8450] =	vst v3  }
0x38: {  	[tilespmem:s1+$0x8460] =	vst v3  }
0x39: {  	[tilespmem:s1+$0x8000] =	vst v3  }
0x3a: {  	[tilespmem:s1+$0x8010] =	vst v3  }
0x3b: {  	[tilespmem:s1+$0x8020] =	vst v3  }
0x3c: {  	s0 =	simm.s32 $0x18020;
	[tilespmem:s1+$0x8470] =	vst v3  }
0x3d: {  	[tilespmem:s0+$0x10] =	vst v3  }
0x3e: {  	s25 =	simm.s32 $0x100;
	s1 =	simm.s32 $0x80;
	[tilespmem:s0+$0xFFFFFFE0] =	vst v3  }
0x3f: {  	[dreg:$0x15] =	wrdreg s2;
	s2 =	sand.u32 $0xF800, s25;
	s5 =	sand.u32 $0x380, s1;
	[tilespmem:s0+$0xFFFFFFF0] =	vst v3  }
0x40: {  	[tilespmem:s0+$0x0] =	vst v3;
	s2 =	sor.u32 s5, s2  }
0x41: {  	[tilespmem:s2+$0x8030] =	vst v3  }
0x42: {  	[tilespmem:s2+$0x8040] =	vst v3  }
0x43: {  	[tilespmem:s2+$0x8050] =	vst v3  }
0x44: {  	[tilespmem:s2+$0x8060] =	vst v3  }
0x45: {  	[tilespmem:s2+$0x8070] =	vst v3  }
0x46: {  	[tilespmem:s2+$0x8400] =	vst v3  }
0x47: {  	[tilespmem:s2+$0x8410] =	vst v3  }
0x48: {  	[tilespmem:s2+$0x8420] =	vst v3  }
0x49: {  	[tilespmem:s2+$0x8430] =	vst v3  }
0x4a: {  	[tilespmem:s2+$0x8440] =	vst v3  }
0x4b: {  	[tilespmem:s2+$0x8450] =	vst v3  }
0x4c: {  	[tilespmem:s2+$0x8460] =	vst v3  }
0x4d: {  	[tilespmem:s2+$0x8000] =	vst v3  }
0x4e: {  	[tilespmem:s2+$0x8010] =	vst v3  }
0x4f: {  	s5 =	simm.s32 $0x200;
	[tilespmem:s2+$0x8020] =	vst v3  }
.LBB2_2:
0x50: {  	p0 =	sne.s32 s5, $0xFF00;
	[tilespmem:s2+$0x8470] =	vst v3;
	s0 =	sadd.s32 $0x80, s0  }
0x51: {  	[tilespmem:s0+$0x10] =	vst v3  }
0x52: {  	s1 =	sadd.s32 $0x80, s1;
	[tilespmem:s0+$0xFFFFFFE0] =	vst v3  }
0x53: {  	s2 =	sand.u32 $0xF800, s5;
	s9 =	sand.u32 $0x380, s1;
	[tilespmem:s0+$0xFFFFFFF0] =	vst v3  }
0x54: {  	s2 =	sor.u32 s9, s2;
	[tilespmem:s0+$0x0] =	vst v3  }
0x55: {  	[tilespmem:s2+$0x8030] =	vst v3  }
0x56: {  	[tilespmem:s2+$0x8040] =	vst v3  }
0x57: {  	[tilespmem:s2+$0x8050] =	vst v3  }
0x58: {  	[tilespmem:s2+$0x8060] =	vst v3  }
0x59: {  	[tilespmem:s2+$0x8070] =	vst v3  }
0x5a: {  	[tilespmem:s2+$0x8400] =	vst v3  }
0x5b: {  	[tilespmem:s2+$0x8410] =	vst v3  }
0x5c: {  	[tilespmem:s2+$0x8420] =	vst v3  }
0x5d: {  	[tilespmem:s2+$0x8430] =	vst v3  }
0x5e: {  	[tilespmem:s2+$0x8440] =	vst v3  }
.Ltmp2:
0x5f: {  	[tilespmem:s2+$0x8450] =	vst v3;
	(pc) =	sbr.rel @p0 .LBB2_2-.Ltmp2, $4  }
0x60: {  	[tilespmem:s2+$0x8460] =	vst v3  }
0x61: {  	[tilespmem:s2+$0x8000] =	vst v3  }
0x62: {  	[tilespmem:s2+$0x8010] =	vst v3  }
0x63: {  	s5 =	sadd.s32 $0x100, s5;
	[tilespmem:s2+$0x8020] =	vst v3  }
0x64: {  	[tilespmem:s2+$0x8470] =	vst v3;
	s0 =	sadd.s32 $0x80, s0  }
0x65: {  	[tilespmem:s0+$0x10] =	vst v3  }
0x66: {  	[tilespmem:s0+$0xFFFFFFE0] =	vst v3  }
0x67: {  	[tilespmem:s0+$0xFFFFFFF0] =	vst v3  }
0x68: {  	s13 =	simm.s32 $0x0;
	s24 =	rddreg [dreg:$0x6];
	[tilespmem:s0+$0x0] =	vst v3  }
0x69: {  	[tilespmem:s13], [sflag:$0x5] =	stream.linear.gather [hbm4b:s24+s13], $0x80, $0x38;
	v63 =	vld [tilespmem:$0x0]  }
0x6a: {  	s25 =	rddreg [dreg:$0xc];
	s1 =	simm.s32 $0x100  }
0x6b: {  	[tilespmem:s1], [sflag:$0x5] =	stream.linear.gather [hbm4b:s25+s13], $0x80, $0x38;
	v63 =	vld [tilespmem:$0x0]  }
0x6c: {  	s2 =	simm.s32 $0x200;
	s1 =	rddreg [dreg:$0xd]  }
0x6d: {  	[tilespmem:s2], [sflag:$0x5] =	stream.linear.gather [hbm4b:s1+s13], $0x80, $0x38;
	v63 =	vld [tilespmem:$0x0]  }
0x6e: {  	s5 =	rddreg [dreg:$0xe];
	s7 =	simm.s32 $0x300  }
0x6f: {  	[tilespmem:s7], [sflag:$0x5] =	stream.linear.gather [hbm4b:s5+s13], $0x80, $0x38;
	v63 =	vld [tilespmem:$0x0]  }
0x70: {  	s9 =	rddreg [dreg:$0x7];
	s10 =	simm.s32 $0x400  }
0x71: {  	[tilespmem:s10], [sflag:$0x5] =	stream.linear.gather [hbm4b:s9+s13], $0x80, $0x38;
	v63 =	vld [tilespmem:$0x0]  }
0x72: {  	s11 =	rddreg [dreg:$0xf];
	s12 =	simm.s32 $0x500  }
0x73: {  	[tilespmem:s12], [sflag:$0x5] =	stream.linear.gather [hbm4b:s11+s13], $0x80, $0x38;
	v63 =	vld [tilespmem:$0x0]  }
0x74: {  	s14 =	rddreg [dreg:$0x10];
	s15 =	simm.s32 $0x600  }
0x75: {  	[tilespmem:s15], [sflag:$0x5] =	stream.linear.gather [hbm4b:s14+s13], $0x80, $0x38;
	v63 =	vld [tilespmem:$0x0]  }
0x76: {  	s16 =	rddreg [dreg:$0x11];
	s17 =	simm.s32 $0x700  }
0x77: {  	[tilespmem:s17], [sflag:$0x5] =	stream.linear.gather [hbm4b:s16+s13], $0x80, $0x38;
	v63 =	vld [tilespmem:$0x0]  }
0x78: {  	s18 =	rddreg [dreg:$0x8];
	s19 =	simm.s32 $0x800  }
0x79: {  	[tilespmem:s19], [sflag:$0x5] =	stream.linear.gather [hbm4b:s18+s13], $0x80, $0x38;
	v63 =	vld [tilespmem:$0x0]  }
0x7a: {  	s20 =	rddreg [dreg:$0x12];
	s21 =	simm.s32 $0x900  }
0x7b: {  	[tilespmem:s21], [sflag:$0x5] =	stream.linear.gather [hbm4b:s20+s13], $0x80, $0x38;
	v63 =	vld [tilespmem:$0x0]  }
.Ltmp3:
0x7c: {  	s22 =	rddreg [dreg:$0x13];
	s23 =	simm.s32 $0xA00;
	(pc) =	sbr.rel .LBB2_5-.Ltmp3, $4  }
0x7d: {  	[tilespmem:s23], [sflag:$0x5] =	stream.linear.gather [hbm4b:s22+s13], $0x80, $0x38;
	v63 =	vld [tilespmem:$0x0]  }
0x7e: {  	s24 =	rddreg [dreg:$0x14];
	s25 =	simm.s32 $0xB00  }
0x7f: {  	[tilespmem:s25], [sflag:$0x5] =	stream.linear.gather [hbm4b:s24+s13], $0x80, $0x38;
	v63 =	vld [tilespmem:$0x0]  }
0x80: {  	s12 =	simm.s32 $0x0;
	s25 =	simm.s32 $0x0  }
.LBB2_4:
0x81: {  	p0 =	seq.s32 s13, $0x20  }
.Ltmp4:
0x82: {  	_ = 	snop;
	(pc) =	sbr.rel @p0 .LBB2_23-.Ltmp4, $1  }
0x83: {  	_ =	sdelay $0x3  }
.LBB2_5:
0x84: {  	s1 =	sand.u32 $0x1, s13  }
0x85: {  	s2 =	sadd.s32 $0x5, s1  }
0x86: {  	_ =	swait.ge [sflag:s2], $0x200  }
0x87: {  	[sflag:s2] =	ssyncset.done $0x0  }
0x88: {  	[sflag:s2] =	ssyncadd.s32 $0xFFFFFE00  }
0x89: {  	s0 =	smov.u32 s13;
	_ =	swait.ge [sflag:s2], $0x200  }
0x8a: {  	s13 =	sadd.s32 $0x1, s13;
	p0 =	seq.s32 s0, $0x1F;
	[sflag:s2] =	ssyncset.done $0x0  }
0x8b: {  	s0 =	sshll.u32 @!p0 s13, $0x9;
	[sflag:s2] =	ssyncadd.s32 $0xFFFFFE00  }
0x8c: {  	s5 =	sand.u32 @!p0 $0x1, s13;
	s0 =	sadd.s32 @!p0 s8, s0;
	_ =	swait.ge [sflag:s2], $0x200  }
0x8d: {  	s11 =	simm.s32 @!p0 $0x0;
	s9 =	sshrl.u32 @!p0 s0, $0x2;
	[sflag:s2] =	ssyncset.done $0x0  }
0x8e: {  	s9 =	sand.u32 @!p0 $0x1FFFFF80, s9;
	s7 =	rddreg [dreg:$0x5];
	[sflag:s2] =	ssyncadd.s32 $0xFFFFFE00  }
0x8f: {  	s2 =	sadd.s32 @!p0 $0x5, s5;
	s5 =	sshll.u32 @!p0 s5, $0x7;
	s10 =	sadd.s32 @!p0 s9, s7  }
0x90: {  	[tilespmem:s5], [sflag:s2] =	stream.linear.gather @!p0 [hbm4b:s10+s11], $0x80, $0x38;
	v63 =	vld [tilespmem:$0x0]  }
0x91: {  	s14 =	sadd.s32 @!p0 $0x20, s10;
	s15 =	sor.u32 @!p0 $0x100, s5  }
0x92: {  	[tilespmem:s15], [sflag:s2] =	stream.linear.gather @!p0 [hbm4b:s14+s11], $0x80, $0x38;
	v63 =	vld [tilespmem:$0x0]  }
0x93: {  	s14 =	sadd.s32 @!p0 $0x40, s10;
	s15 =	sor.u32 @!p0 $0x200, s5  }
0x94: {  	[tilespmem:s15], [sflag:s2] =	stream.linear.gather @!p0 [hbm4b:s14+s11], $0x80, $0x38;
	v63 =	vld [tilespmem:$0x0]  }
0x95: {  	s7 =	rddreg [dreg:$0x0];
	s10 =	sadd.s32 @!p0 $0x60, s10;
	s14 =	sor.u32 @!p0 $0x300, s5  }
0x96: {  	[tilespmem:s14], [sflag:s2] =	stream.linear.gather @!p0 [hbm4b:s10+s11], $0x80, $0x38;
	v63 =	vld [tilespmem:$0x0]  }
0x97: {  	s9 =	sadd.s32 @!p0 s7, s9;
	s10 =	sor.u32 @!p0 $0x400, s5  }
0x98: {  	[tilespmem:s10], [sflag:s2] =	stream.linear.gather @!p0 [hbm4b:s9+s11], $0x80, $0x38;
	v63 =	vld [tilespmem:$0x0]  }
0x99: {  	s14 =	sor.u32 @!p0 $0x500, s5;
	s10 =	sadd.s32 @!p0 $0x20, s9  }
0x9a: {  	[tilespmem:s14], [sflag:s2] =	stream.linear.gather @!p0 [hbm4b:s10+s11], $0x80, $0x38;
	v63 =	vld [tilespmem:$0x0]  }
0x9b: {  	s0 =	sshrl.u32 @!p0 s0, $0x3;
	s10 =	sadd.s32 @!p0 $0x40, s9;
	s14 =	sor.u32 @!p0 $0x600, s5  }
0x9c: {  	[tilespmem:s14], [sflag:s2] =	stream.linear.gather @!p0 [hbm4b:s10+s11], $0x80, $0x38;
	v63 =	vld [tilespmem:$0x0]  }
0x9d: {  	s7 =	rddreg [dreg:$0x1];
	s9 =	sadd.s32 @!p0 $0x60, s9;
	s10 =	sor.u32 @!p0 $0x700, s5  }
0x9e: {  	[tilespmem:s10], [sflag:s2] =	stream.linear.gather @!p0 [hbm4b:s9+s11], $0x80, $0x38;
	v63 =	vld [tilespmem:$0x0]  }
0x9f: {  	s0 =	sadd.s32 @!p0 s7, s0;
	s9 =	sor.u32 @!p0 $0x800, s5  }
0xa0: {  	[tilespmem:s9], [sflag:s2] =	stream.linear.gather @!p0 [hbm4b:s0+s11], $0x80, $0x38;
	v63 =	vld [tilespmem:$0x0]  }
0xa1: {  	s10 =	sor.u32 @!p0 $0x900, s5;
	s9 =	sadd.s32 @!p0 $0x10, s0  }
0xa2: {  	[tilespmem:s10], [sflag:s2] =	stream.linear.gather @!p0 [hbm4b:s9+s11], $0x80, $0x38;
	v63 =	vld [tilespmem:$0x0]  }
.Ltmp5:
0xa3: {  	_ = 	snop;
	(pc) =	sbr.rel .LBB2_6-.Ltmp5, $4  }
0xa4: {  	s15 =	simm.s32 $0x0;
	s9 =	sadd.s32 @!p0 $0x20, s0;
	s10 =	sor.u32 @!p0 $0xA00, s5  }
0xa5: {  	[tilespmem:s10], [sflag:s2] =	stream.linear.gather @!p0 [hbm4b:s9+s11], $0x80, $0x38;
	v63 =	vld [tilespmem:$0x0]  }
0xa6: {  	s14 =	sshll.u32 s1, $0x7;
	s0 =	sadd.s32 @!p0 $0x30, s0;
	s5 =	sor.u32 @!p0 $0xB00, s5  }
0xa7: {  	[tilespmem:s5], [sflag:s2] =	stream.linear.gather @!p0 [hbm4b:s0+s11], $0x80, $0x38;
	v63 =	vld [tilespmem:$0x0]  }
.LBB2_21:
0xa8: {  	s0 =	sand.u32 $0x7FFFFFE0, s25  }
0xa9: {  	v21 =	vld [tilespmem:s0+$0x1900];
	_ =	sdelay $0x4  }
0xaa: {  	[tilespmem:$0x1900] =	vst v21  }
0xab: {  	v21 =	vld [tilespmem:s0+$0x1B80];
	_ =	sdelay $0x4  }
0xac: {  	[tilespmem:$0x1B80] =	vst v21  }
0xad: {  	v21 =	vld [tilespmem:s0+$0x1910];
	_ =	sdelay $0x4  }
0xae: {  	[tilespmem:$0x1910] =	vst v21  }
0xaf: {  	v21 =	vld [tilespmem:s0+$0x1B90];
	_ =	sdelay $0x4  }
0xb0: {  	[tilespmem:$0x1B90] =	vst v21  }
.LBB2_22:
0xb1: {  	s15 =	sadd.s32 $0x1, s15  }
0xb2: {  	p2 =	seq.s32 s15, $0x20  }
.Ltmp6:
0xb3: {  	_ = 	snop;
	(pc) =	sbr.rel @p2 .LBB2_4-.Ltmp6, $4  }
0xb4: {  	_ = 	snop  }
0xb5: {  	p0 =	sgt.s32 s12, $0x5F0  }
0xb6: {  	s0 =	sand.u32 $0x1F, s12;
	p1 =	sgt.s32 s25, $0x1F0;
	s1 =	sand.u32 $0x1F, s25  }
0xb7: {  	s12 =	smov.u32 @p0 s0;
	s25 =	smov.u32 @p1 s1  }
.LBB2_6:
0xb8: {  	s0 =	sshll.u32 s15, $0x5  }
0xb9: {  	s1 =	sshll.u32 s15, $0x4;
	s0 =	sand.u32 $0x300, s0  }
0xba: {  	s1 =	sand.u32 $0x70, s1;
	s0 =	sor.u32 s14, s0  }
0xbb: {  	s0 =	sor.u32 s1, s0  }
0xbc: {  	v21 =	vld [tilespmem:s0+$0x400]  }
0xbd: {  	v22 =	vld [tilespmem:s0+$0x0];
	_ =	sdelay $0x3  }
0xbe: {  	vm0 =	vge.s32 v21, v0;
	vm1 =	vlt.s32 v21, v1  }
0xbf: {  	vm15 =	vlt.s32 v22, $0x15F90;
	vm0 =	vmand vm0, vm1  }
0xc0: {  	vm1 =	vmand vm15, vm0  }
0xc1: {  	v23 =	vmpcnt.ones.xlane vm1;
	_ =	sdelay $0x1  }
0xc2: {  	(v2sf) =	vpush v23, $0x0;
	_ =	sdelay $0x2  }
0xc3: {  	vm2 =	vge.s32 v22, $0x15F90  }
0xc4: {  	vm0 =	vmand vm0, vm2  }
0xc5: {  	v23 =	vmpcnt.ones.xlane vm0;
	_ =	sdelay $0x1  }
0xc6: {  	(v2sf) =	vpush v23, $0x0;
	_ =	sdelay $0x3  }
0xc7: {  	v23 =	vld [tilespmem:s0+$0x800];
	_ =	sdelay $0x1  }
0xc8: {  	v21 =	vsub.s32 v21, v0;
	v22 =	vshll.u32 v22, $0x8  }
0xc9: {  	v21 =	vadd.s32 v22, v21  }
0xca: {  	[tilespmem:s12+$0xC00] =	vst.msk vm1, v21;
	s24 =	spop (v2sf)  }
0xcb: {  	[tilespmem:s12+$0x1280] =	vst.msk vm1, v23;
	s12 =	sadd.s32 s12, s24  }
0xcc: {  	p0 =	slt.s32 s12, $0x5F1  }
.Ltmp7:
0xcd: {  	_ = 	snop;
	(pc) =	sbr.rel @p0 .LBB2_14-.Ltmp7, $4  }
0xce: {  	_ = 	snop  }
0xcf: {  	v21 =	vadd.s32 $0xFEA07000, v21  }
0xd0: {  	[tilespmem:s25+$0x1900] =	vst.msk vm0, v21  }
0xd1: {  	[tilespmem:s25+$0x1B80] =	vst.msk vm0, v23;
	s16 =	spop (v2sf)  }
.Ltmp8:
0xd2: {  	(pc) =	sbr.rel .LBB2_8-.Ltmp8, $2  }
0xd3: {  	_ =	sdelay $0x2  }
0xd4: {  	s17 =	sshrl.u32 s12, $0x5;
	s19 =	simm.s32 $0x0;
	s18 =	simm.s32 $0x0  }
.LBB2_12:
0xd5: {  	p0 =	sne.s32 s19, s17  }
.Ltmp9:
0xd6: {  	_ = 	snop;
	(pc) =	sbr.rel @!p0 .LBB2_13-.Ltmp9, $3  }
0xd7: {  	_ =	sdelay $0x1  }
0xd8: {  	s0 =	sadd.s32 $0x1, s19  }
0xd9: {  	s18 =	sadd.s32 $0x20, s18;
	s19 =	smov.u32 s0  }
.LBB2_8:
0xda: {  	p0 =	sge.u32 s19, s17  }
0xdb: {  	s0 =	sshll.u32 @!p0 s19, $0x7  }
0xdc: {  	s0 =	sshra.s32 @!p0 s0, $0x2  }
0xdd: {  	v21 =	vld @!p0 [tilespmem:s0+$0xC00];
	_ =	sdelay $0x4  }
0xde: {  	v21 =	vshra.s32 @!p0 v21, $0x8  }
0xdf: {  	s1 =	sand.u32 @!p0 $0x1, s19;
	v22 =	vshll.u32 @!p0 v21, $0x1  }
0xe0: {  	v24 =	vlaneseq.u32 @!p0;
	s2 =	sshll.u32 @!p0 s1, $0x7;
	v23 =	vand.u32 @!p0 $0x7, v21;
	v22 =	vand.u32 @!p0 $0xFFFFFFF0, v22  }
0xe1: {  	[tilespmem:s2+$0x1E00] =	vst @!p0 v21;
	v21 =	vor.u32 @!p0 v23, v22;
	v22 =	vand.u32 @!p0 $0x7, v24;
	v23 =	vshrl.u32 @!p0 v24, $0x3  }
0xe2: {  	v25 =	vld @!p0 [tilespmem:s0+$0xC10];
	v26 =	vperm.xlane @!p0 v21, v22;
	v23 =	vmul.u32 @!p0 $0x8, v23  }
0xe3: {  	v24 =	vor.u32 @!p0 $0x8, v24  }
0xe4: {  	v21 =	vperm.xlane @!p0 v21, v24;
	v26 =	vadd.s32 @!p0 v23, v26;
	_ =	sdelay $0x1  }
0xe5: {  	v21 =	vadd.s32 @!p0 v23, v21  }
0xe6: {  	s0 =	sshll.u32 @!p0 s1, $0xD;
	v25 =	vshra.s32 @!p0 v25, $0x8  }
0xe7: {  	vm0 =	vmmov @!p0 $0xffff;
	s9 =	simm.s32 @!p0 $0x0;
	s1 =	sadd.s32 @!p0 $0x1, s1;
	s5 =	sadd.s32 @!p0 $0x2000, s0;
	[tilespmem:s2+$0x1E10] =	vst @!p0 v25  }
0xe8: {  	[tilespmem:s5], [sflag:s1] =	stream.indirect_vreg.gather @!p0 [hbm4b:s4+s9], $0x80, v26, vm0, $0xb8;
	v63 =	vld [tilespmem:$0x0]  }
0xe9: {  	s5 =	sadd.s32 @!p0 $0x2800, s0  }
0xea: {  	[tilespmem:s5], [sflag:s1] =	stream.indirect_vreg.gather @!p0 [hbm4b:s4+s9], $0x80, v21, vm0, $0xb8;
	v63 =	vld [tilespmem:$0x0]  }
0xeb: {  	v21 =	vld @!p0 [tilespmem:s2+$0x1E10];
	_ =	sdelay $0x4  }
0xec: {  	v25 =	vshll.u32 @!p0 v21, $0x1  }
0xed: {  	v21 =	vand.u32 @!p0 $0x7, v21;
	v25 =	vand.u32 @!p0 $0xFFFFFFF0, v25  }
0xee: {  	v21 =	vor.u32 @!p0 v21, v25  }
0xef: {  	v22 =	vperm.xlane @!p0 v21, v22;
	_ =	sdelay $0x1  }
0xf0: {  	v21 =	vperm.xlane @!p0 v21, v24;
	v22 =	vadd.s32 @!p0 v23, v22;
	_ =	sdelay $0x1  }
0xf1: {  	v21 =	vadd.s32 @!p0 v23, v21;
	_ =	sdelay $0x1  }
0xf2: {  	s2 =	sadd.s32 @!p0 $0x3000, s0  }
0xf3: {  	[tilespmem:s2], [sflag:s1] =	stream.indirect_vreg.gather @!p0 [hbm4b:s4+s9], $0x80, v22, vm0, $0xb8;
	v63 =	vld [tilespmem:$0x0]  }
0xf4: {  	s0 =	sadd.s32 @!p0 $0x3800, s0  }
0xf5: {  	[tilespmem:s0], [sflag:s1] =	stream.indirect_vreg.gather @!p0 [hbm4b:s4+s9], $0x80, v21, vm0, $0xb8;
	v63 =	vld [tilespmem:$0x0]  }
0xf6: {  	p0 =	seq.s32 s19, $0x0  }
.Ltmp10:
0xf7: {  	_ = 	snop;
	(pc) =	sbr.rel @p0 .LBB2_12-.Ltmp10, $1  }
0xf8: {  	_ =	sdelay $0x3  }
0xf9: {  	s0 =	sadd.s32 $0xFFFFFFFC, s18  }
0xfa: {  	s1 =	sadd.s32 $0xFFFFFFE4, s0  }
0xfb: {  	s2 =	sadd.s32 $0xFFFFFFE6, s0;
	v21 =	vmov s1  }
0xfc: {  	s22 =	sadd.s32 $0xFFFFFFFF, s19;
	s23 =	sadd.s32 $0xFFFFFFE7, s0;
	v22 =	vmov s2;
	v21 =	vand.u32 $0xFFFFFFFC, v21  }
0xfd: {  	s0 =	sadd.s32 $0xFFFFFFE5, s0;
	s1 =	sand.u32 $0x1, s22;
	v23 =	vbroadcast v21, $0x0;
	v21 =	vand.u32 $0xFFFFFFFE, v22;
	v22 =	vmov s23  }
0xfe: {  	s5 =	simm.s32 $0x0;
	v24 =	vmov s0;
	s24 =	sadd.s32 $0x1, s1;
	v25 =	vbroadcast v21, $0x0  }
0xff: {  	s7 =	simm.s32 $0x180;
	s10 =	simm.s32 $0x80;
	_ =	swait.ge [sflag:s24], $0x2000;
	v21 =	vand.u32 $0xFFFFFFFD, v24  }
0x100: {  	s9 =	simm.s32 $0x100;
	s11 =	sand.u32 $0x280, s10;
	[sflag:s24] =	ssyncset.done $0x0;
	v24 =	vbroadcast v21, $0x0  }
0x101: {  	s0 =	sand.u32 $0x380, s7;
	s2 =	sshll.u32 s1, $0xD;
	[sflag:s24] =	ssyncadd.s32 $0xFFFFE000  }
0x102: {  	s1 =	sand.u32 $0x1800, s5;
	s5 =	simm.s32 $0x0;
	s21 =	sadd.s32 $0x2000, s2;
	v21 =	vld.idx.msk [tilespmem:v22+s26+$0x0], $0xffff  }
0x103: {  	s22 =	sand.u32 $0x200, s5;
	s23 =	sadd.s32 $0x0, s18;
	s1 =	sadd.s32 s1, s21;
	v26 =	vld.idx.msk [tilespmem:v23+s26+$0x0], $0xffff  }
0x104: {  	s20 =	sadd.s32 s0, s1;
	s0 =	sand.u32 $0x300, s9;
	s2 =	sadd.s32 s11, s1;
	v27 =	vld.idx.msk [tilespmem:v25+s26+$0x0], $0xffff  }
0x105: {  	v29 =	vld [tilespmem:s20+$0x0];
	s24 =	sadd.s32 s0, s1;
	s0 =	sadd.s32 s22, s1;
	s1 =	sadd.s32 $0xFFFFFFE7, s23  }
0x106: {  	v38 =	vmov s1;
	v28 =	vld.idx.msk [tilespmem:v24+s26+$0x0], $0xffff  }
0x107: {  	v33 =	vld.idx.msk [tilespmem:v25+s28+$0x0], $0xffff;
	v30 =	vshll.u32 v21, $0x8;
	v31 =	vshll.u32 v21, $0x7  }
0x108: {  	v21 =	vld.idx.msk [tilespmem:v22+s28+$0x0], $0xffff;
	v32 =	vshll.u32 v26, $0x8;
	v22 =	vand.u32 $0xF800, v30;
	v30 =	vand.u32 $0x380, v31  }
0x109: {  	v34 =	vld.idx.msk [tilespmem:v24+s28+$0x0], $0xffff;
	v25 =	vshll.u32 v27, $0x7;
	v27 =	vshll.u32 v27, $0x8;
	v22 =	vor.u32 v30, v22  }
0x10a: {  	v30 =	vld [tilespmem:s24+$0x0];
	v25 =	vand.u32 $0x380, v25;
	v27 =	vand.u32 $0xF800, v27;
	v37 =	vor.u32 v2, v22  }
0x10b: {  	v40 =	vld.idx.msk [tilespmem:v38+s26+$0x0], $0xffff;
	v24 =	vshll.u32 v28, $0x8;
	v28 =	vshll.u32 v28, $0x7;
	v35 =	vor.u32 v25, v27  }
0x10c: {  	v25 =	vld [tilespmem:s2+$0x0];
	v24 =	vand.u32 $0xF800, v24;
	v27 =	vand.u32 $0x380, v28;
	v28 =	vor.u32 v2, v35  }
0x10d: {  	v31 =	vld.idx.msk [tilespmem:v23+s28+$0x0], $0xffff;
	v23 =	vshll.u32 v26, $0x7;
	v36 =	vor.u32 v27, v24;
	v24 =	vmul.f32 v29, v21  }
0x10e: {  	v26 =	vld [tilespmem:s0+$0x0];
	v23 =	vand.u32 $0x380, v23;
	v27 =	vand.u32 $0xF800, v32;
	v29 =	vor.u32 v2, v36  }
0x10f: {  	v32 =	vor.u32 v23, v27;
	v23 =	vmul.f32 v30, v33;
	[tilespmem:v37+s29+$0x0] =	vst.idx.add.f32.msk $0xffff, v24  }
0x110: {  	v24 =	vor.u32 v2, v32;
	v27 =	vld [tilespmem:s20+$0x10]  }
0x111: {  	v25 =	vmul.f32 v25, v34;
	[tilespmem:v28+s29+$0x0] =	vst.idx.add.f32.msk $0xffff, v23  }
0x112: {  	v28 =	vor.u32 v4, v22;
	v23 =	vld [tilespmem:s24+$0x10]  }
0x113: {  	v26 =	vmul.f32 v26, v31;
	[tilespmem:v29+s29+$0x0] =	vst.idx.add.f32.msk $0xffff, v25  }
0x114: {  	v25 =	vor.u32 v4, v35;
	v29 =	vld [tilespmem:s2+$0x10]  }
0x115: {  	[tilespmem:v24+s29+$0x0] =	vst.idx.add.f32.msk $0xffff, v26;
	v24 =	vmul.f32 v27, v21  }
0x116: {  	v26 =	vld [tilespmem:s0+$0x10];
	v27 =	vor.u32 v4, v36  }
0x117: {  	v23 =	vmul.f32 v23, v33;
	[tilespmem:v28+s29+$0x0] =	vst.idx.add.f32.msk $0xffff, v24  }
0x118: {  	v24 =	vor.u32 v4, v32;
	v28 =	vld [tilespmem:s20+$0x20]  }
0x119: {  	v29 =	vmul.f32 v29, v34;
	[tilespmem:v25+s29+$0x0] =	vst.idx.add.f32.msk $0xffff, v23  }
0x11a: {  	v23 =	vor.u32 v5, v22;
	v25 =	vld [tilespmem:s24+$0x20]  }
0x11b: {  	v26 =	vmul.f32 v26, v31;
	[tilespmem:v27+s29+$0x0] =	vst.idx.add.f32.msk $0xffff, v29  }
0x11c: {  	v27 =	vor.u32 v5, v35;
	v29 =	vld [tilespmem:s2+$0x20]  }
0x11d: {  	[tilespmem:v24+s29+$0x0] =	vst.idx.add.f32.msk $0xffff, v26;
	v24 =	vmul.f32 v28, v21  }
0x11e: {  	v26 =	vld [tilespmem:s0+$0x20];
	v28 =	vor.u32 v5, v36  }
0x11f: {  	[tilespmem:v23+s29+$0x0] =	vst.idx.add.f32.msk $0xffff, v24;
	v23 =	vmul.f32 v25, v33  }
0x120: {  	v24 =	vor.u32 v5, v32;
	v25 =	vld [tilespmem:s20+$0x30]  }
0x121: {  	v29 =	vmul.f32 v29, v34;
	[tilespmem:v27+s29+$0x0] =	vst.idx.add.f32.msk $0xffff, v23  }
0x122: {  	v23 =	vor.u32 v6, v22;
	v27 =	vld [tilespmem:s24+$0x30]  }
0x123: {  	v26 =	vmul.f32 v26, v31;
	[tilespmem:v28+s29+$0x0] =	vst.idx.add.f32.msk $0xffff, v29  }
0x124: {  	v28 =	vor.u32 v6, v35;
	v29 =	vld [tilespmem:s2+$0x30]  }
0x125: {  	[tilespmem:v24+s29+$0x0] =	vst.idx.add.f32.msk $0xffff, v26;
	v24 =	vmul.f32 v25, v21  }
0x126: {  	v26 =	vor.u32 v6, v36;
	v25 =	vld [tilespmem:s0+$0x30]  }
0x127: {  	[tilespmem:v23+s29+$0x0] =	vst.idx.add.f32.msk $0xffff, v24;
	v23 =	vmul.f32 v27, v33  }
0x128: {  	v24 =	vor.u32 v6, v32;
	v27 =	vld [tilespmem:s20+$0x40]  }
0x129: {  	v29 =	vmul.f32 v29, v34;
	[tilespmem:v28+s29+$0x0] =	vst.idx.add.f32.msk $0xffff, v23  }
0x12a: {  	v23 =	vor.u32 v7, v22;
	v28 =	vld [tilespmem:s24+$0x40]  }
0x12b: {  	v25 =	vmul.f32 v25, v31;
	[tilespmem:v26+s29+$0x0] =	vst.idx.add.f32.msk $0xffff, v29  }
0x12c: {  	v26 =	vor.u32 v7, v35;
	v29 =	vld [tilespmem:s2+$0x40]  }
0x12d: {  	[tilespmem:v24+s29+$0x0] =	vst.idx.add.f32.msk $0xffff, v25;
	v24 =	vmul.f32 v27, v21  }
0x12e: {  	v25 =	vld [tilespmem:s0+$0x40];
	v27 =	vor.u32 v7, v36  }
0x12f: {  	[tilespmem:v23+s29+$0x0] =	vst.idx.add.f32.msk $0xffff, v24;
	v23 =	vmul.f32 v28, v33  }
0x130: {  	v24 =	vor.u32 v7, v32;
	v28 =	vld [tilespmem:s20+$0x50]  }
0x131: {  	v29 =	vmul.f32 v29, v34;
	[tilespmem:v26+s29+$0x0] =	vst.idx.add.f32.msk $0xffff, v23  }
0x132: {  	v23 =	vor.u32 v8, v22;
	v26 =	vld [tilespmem:s24+$0x50]  }
0x133: {  	v25 =	vmul.f32 v25, v31;
	[tilespmem:v27+s29+$0x0] =	vst.idx.add.f32.msk $0xffff, v29  }
0x134: {  	v27 =	vor.u32 v8, v35;
	v29 =	vld [tilespmem:s2+$0x50]  }
0x135: {  	[tilespmem:v24+s29+$0x0] =	vst.idx.add.f32.msk $0xffff, v25;
	v24 =	vmul.f32 v28, v21  }
0x136: {  	v25 =	vld [tilespmem:s0+$0x50];
	v28 =	vor.u32 v8, v36  }
0x137: {  	[tilespmem:v23+s29+$0x0] =	vst.idx.add.f32.msk $0xffff, v24;
	v23 =	vmul.f32 v26, v33  }
0x138: {  	v24 =	vor.u32 v8, v32;
	v26 =	vld [tilespmem:s20+$0x60]  }
0x139: {  	v29 =	vmul.f32 v29, v34;
	[tilespmem:v27+s29+$0x0] =	vst.idx.add.f32.msk $0xffff, v23  }
0x13a: {  	v23 =	vor.u32 v9, v22;
	v27 =	vld [tilespmem:s24+$0x60]  }
0x13b: {  	v25 =	vmul.f32 v25, v31;
	[tilespmem:v28+s29+$0x0] =	vst.idx.add.f32.msk $0xffff, v29  }
0x13c: {  	v28 =	vor.u32 v9, v35;
	v29 =	vld [tilespmem:s2+$0x60]  }
0x13d: {  	[tilespmem:v24+s29+$0x0] =	vst.idx.add.f32.msk $0xffff, v25;
	v24 =	vmul.f32 v26, v21  }
0x13e: {  	v25 =	vld [tilespmem:s0+$0x60];
	v26 =	vor.u32 v9, v36  }
0x13f: {  	[tilespmem:v23+s29+$0x0] =	vst.idx.add.f32.msk $0xffff, v24;
	v23 =	vmul.f32 v27, v33  }
0x140: {  	v24 =	vor.u32 v9, v32;
	v27 =	vld [tilespmem:s20+$0x70]  }
0x141: {  	v29 =	vmul.f32 v29, v34;
	[tilespmem:v28+s29+$0x0] =	vst.idx.add.f32.msk $0xffff, v23  }
0x142: {  	v23 =	vor.u32 v10, v22;
	v28 =	vld [tilespmem:s24+$0x70]  }
0x143: {  	v25 =	vmul.f32 v25, v31;
	[tilespmem:v26+s29+$0x0] =	vst.idx.add.f32.msk $0xffff, v29  }
0x144: {  	v29 =	vor.u32 v10, v35;
	v26 =	vld [tilespmem:s2+$0x70]  }
0x145: {  	[tilespmem:v24+s29+$0x0] =	vst.idx.add.f32.msk $0xffff, v25;
	v24 =	vmul.f32 v27, v21  }
0x146: {  	v25 =	vld [tilespmem:s0+$0x70];
	v27 =	vor.u32 v10, v36  }
0x147: {  	[tilespmem:v23+s29+$0x0] =	vst.idx.add.f32.msk $0xffff, v24;
	v23 =	vmul.f32 v28, v33  }
0x148: {  	v24 =	vor.u32 v10, v32;
	v28 =	vld [tilespmem:s20+$0x400]  }
0x149: {  	v26 =	vmul.f32 v26, v34;
	[tilespmem:v29+s29+$0x0] =	vst.idx.add.f32.msk $0xffff, v23  }
0x14a: {  	v23 =	vor.u32 v11, v22;
	v29 =	vld [tilespmem:s24+$0x400]  }
0x14b: {  	v25 =	vmul.f32 v25, v31;
	[tilespmem:v27+s29+$0x0] =	vst.idx.add.f32.msk $0xffff, v26  }
0x14c: {  	v27 =	vor.u32 v11, v35;
	v26 =	vld [tilespmem:s2+$0x400]  }
0x14d: {  	[tilespmem:v24+s29+$0x0] =	vst.idx.add.f32.msk $0xffff, v25;
	v24 =	vmul.f32 v28, v21  }
0x14e: {  	v25 =	vld [tilespmem:s0+$0x400];
	v28 =	vor.u32 v11, v36  }
0x14f: {  	[tilespmem:v23+s29+$0x0] =	vst.idx.add.f32.msk $0xffff, v24;
	v23 =	vmul.f32 v29, v33  }
0x150: {  	v24 =	vor.u32 v11, v32;
	v29 =	vld [tilespmem:s20+$0x410]  }
0x151: {  	v26 =	vmul.f32 v26, v34;
	[tilespmem:v27+s29+$0x0] =	vst.idx.add.f32.msk $0xffff, v23  }
0x152: {  	v23 =	vor.u32 v12, v22;
	v27 =	vld [tilespmem:s24+$0x410]  }
0x153: {  	v25 =	vmul.f32 v25, v31;
	[tilespmem:v28+s29+$0x0] =	vst.idx.add.f32.msk $0xffff, v26  }
0x154: {  	v28 =	vor.u32 v12, v35;
	v26 =	vld [tilespmem:s2+$0x410]  }
0x155: {  	[tilespmem:v24+s29+$0x0] =	vst.idx.add.f32.msk $0xffff, v25;
	v24 =	vmul.f32 v29, v21  }
0x156: {  	v25 =	vld [tilespmem:s0+$0x410];
	v29 =	vor.u32 v12, v36  }
0x157: {  	[tilespmem:v23+s29+$0x0] =	vst.idx.add.f32.msk $0xffff, v24;
	v23 =	vmul.f32 v27, v33  }
0x158: {  	v24 =	vor.u32 v12, v32;
	v27 =	vld [tilespmem:s20+$0x420]  }
0x159: {  	v26 =	vmul.f32 v26, v34;
	[tilespmem:v28+s29+$0x0] =	vst.idx.add.f32.msk $0xffff, v23  }
0x15a: {  	v23 =	vor.u32 v13, v22;
	v28 =	vld [tilespmem:s24+$0x420]  }
0x15b: {  	v25 =	vmul.f32 v25, v31;
	[tilespmem:v29+s29+$0x0] =	vst.idx.add.f32.msk $0xffff, v26  }
0x15c: {  	v29 =	vor.u32 v13, v35;
	v26 =	vld [tilespmem:s2+$0x420]  }
0x15d: {  	[tilespmem:v24+s29+$0x0] =	vst.idx.add.f32.msk $0xffff, v25;
	v24 =	vmul.f32 v27, v21  }
0x15e: {  	v25 =	vld [tilespmem:s0+$0x420];
	v27 =	vor.u32 v13, v36  }
0x15f: {  	[tilespmem:v23+s29+$0x0] =	vst.idx.add.f32.msk $0xffff, v24;
	v23 =	vmul.f32 v28, v33  }
0x160: {  	v24 =	vor.u32 v13, v32;
	v28 =	vld [tilespmem:s20+$0x430]  }
0x161: {  	v26 =	vmul.f32 v26, v34;
	[tilespmem:v29+s29+$0x0] =	vst.idx.add.f32.msk $0xffff, v23  }
0x162: {  	v23 =	vor.u32 v15, v22;
	v29 =	vld [tilespmem:s24+$0x430]  }
0x163: {  	v25 =	vmul.f32 v25, v31;
	[tilespmem:v27+s29+$0x0] =	vst.idx.add.f32.msk $0xffff, v26  }
0x164: {  	v27 =	vor.u32 v15, v35;
	v26 =	vld [tilespmem:s2+$0x430]  }
0x165: {  	[tilespmem:v24+s29+$0x0] =	vst.idx.add.f32.msk $0xffff, v25;
	v24 =	vmul.f32 v28, v21  }
0x166: {  	v25 =	vld [tilespmem:s0+$0x430];
	v28 =	vor.u32 v15, v36  }
0x167: {  	[tilespmem:v23+s29+$0x0] =	vst.idx.add.f32.msk $0xffff, v24;
	v23 =	vmul.f32 v29, v33  }
0x168: {  	v24 =	vor.u32 v15, v32;
	v29 =	vld [tilespmem:s20+$0x440]  }
0x169: {  	v26 =	vmul.f32 v26, v34;
	[tilespmem:v27+s29+$0x0] =	vst.idx.add.f32.msk $0xffff, v23  }
0x16a: {  	v27 =	vor.u32 v16, v22;
	v23 =	vld [tilespmem:s24+$0x440]  }
0x16b: {  	v25 =	vmul.f32 v25, v31;
	[tilespmem:v28+s29+$0x0] =	vst.idx.add.f32.msk $0xffff, v26  }
0x16c: {  	v28 =	vor.u32 v16, v35;
	v26 =	vld [tilespmem:s2+$0x440]  }
0x16d: {  	[tilespmem:v24+s29+$0x0] =	vst.idx.add.f32.msk $0xffff, v25;
	v25 =	vmul.f32 v29, v21  }
0x16e: {  	v24 =	vor.u32 v16, v36;
	v29 =	vld [tilespmem:s0+$0x440]  }
0x16f: {  	s7 =	sadd.s32 $0xFFFFFFE4, s23;
	v23 =	vmul.f32 v23, v33;
	[tilespmem:v27+s29+$0x0] =	vst.idx.add.f32.msk $0xffff, v25  }
0x170: {  	v30 =	vmov s7;
	v25 =	vor.u32 v16, v32;
	v54 =	vld [tilespmem:s20+$0x450]  }
0x171: {  	v30 =	vand.u32 $0xFFFFFFFC, v30;
	v26 =	vmul.f32 v26, v34;
	[tilespmem:v28+s29+$0x0] =	vst.idx.add.f32.msk $0xffff, v23  }
0x172: {  	s10 =	sadd.s32 $0xFFFFFFE6, s23;
	s9 =	sadd.s32 $0xFFFFFFE5, s23;
	v28 =	vbroadcast v30, $0x0;
	v30 =	vld [tilespmem:s24+$0x450]  }
0x173: {  	s22 =	simm.s32 $0x200;
	s23 =	simm.s32 $0x280;
	v27 =	vmov s9;
	v23 =	vmov s10;
	s10 =	simm.s32 $0x400;
	v29 =	vmul.f32 v29, v31;
	[tilespmem:v24+s29+$0x0] =	vst.idx.add.f32.msk $0xffff, v26  }
0x174: {  	s5 =	sand.u32 $0x200, s22;
	s7 =	sand.u32 $0x280, s23;
	v27 =	vand.u32 $0xFFFFFFFD, v27;
	s11 =	sand.u32 $0x1800, s10;
	v24 =	vld [tilespmem:s2+$0x450]  }
0x175: {  	s9 =	simm.s32 $0x300;
	v27 =	vbroadcast v27, $0x0;
	s1 =	sadd.s32 s11, s21;
	s11 =	simm.s32 $0x380;
	[tilespmem:v25+s29+$0x0] =	vst.idx.add.f32.msk $0xffff, v29  }
0x176: {  	v23 =	vand.u32 $0xFFFFFFFE, v23;
	s22 =	sadd.s32 s5, s1;
	s23 =	sadd.s32 s7, s1;
	s5 =	sand.u32 $0x300, s9;
	v29 =	vld [tilespmem:s0+$0x450]  }
0x177: {  	v26 =	vbroadcast v23, $0x0;
	s7 =	sand.u32 $0x380, s11;
	v42 =	vld [tilespmem:s23+$0x0];
	s9 =	sadd.s32 s5, s1  }
0x178: {  	s5 =	sadd.s32 s7, s1;
	v59 =	vld [tilespmem:s9+$0x0]  }
0x179: {  	v60 =	vor.u32 v17, v35;
	v44 =	vld [tilespmem:s5+$0x0]  }
0x17a: {  	v25 =	vor.u32 v17, v36;
	v58 =	vld.idx.msk [tilespmem:v28+s26+$0x0], $0xffff  }
0x17b: {  	v23 =	vld.idx.msk [tilespmem:v27+s28+$0x0], $0xffff  }
0x17c: {  	v39 =	vld.idx.msk [tilespmem:v27+s26+$0x0], $0xffff;
	v48 =	vmul.f32 v30, v33  }
0x17d: {  	v24 =	vmul.f32 v24, v34;
	v27 =	vld.idx.msk [tilespmem:v26+s26+$0x0], $0xffff  }
0x17e: {  	[tilespmem:v60+s29+$0x0] =	vst.idx.add.f32.msk $0xffff, v48  }
0x17f: {  	v41 =	vor.u32 v17, v32;
	[tilespmem:v25+s29+$0x0] =	vst.idx.add.f32.msk $0xffff, v24  }
0x180: {  	v24 =	vld.idx.msk [tilespmem:v28+s28+$0x0], $0xffff  }
0x181: {  	v51 =	vld [tilespmem:s24+$0x460]  }
0x182: {  	v29 =	vmul.f32 v29, v31;
	v47 =	vld [tilespmem:s2+$0x460]  }
0x183: {  	v62 =	vshll.u32 v40, $0x8;
	v52 =	vor.u32 v18, v35;
	v28 =	vld [tilespmem:s22+$0x0]  }
0x184: {  	v50 =	vor.u32 v18, v36;
	v25 =	vshll.u32 v58, $0x8;
	v37 =	vshll.u32 v58, $0x7;
	[tilespmem:v41+s29+$0x0] =	vst.idx.add.f32.msk $0xffff, v29  }
0x185: {  	v40 =	vshll.u32 v40, $0x7;
	v37 =	vand.u32 $0x380, v37;
	v43 =	vand.u32 $0xF800, v25;
	v25 =	vld.idx.msk [tilespmem:v26+s28+$0x0], $0xffff  }
0x186: {  	v61 =	vld [tilespmem:s0+$0x460];
	v26 =	vor.u32 v37, v43;
	v45 =	vshll.u32 v27, $0x7;
	v56 =	vmul.f32 v51, v33  }
0x187: {  	v29 =	vld.idx.msk [tilespmem:v38+s28+$0x0], $0xffff;
	v27 =	vshll.u32 v27, $0x8;
	v43 =	vor.u32 v2, v26;
	v53 =	vmul.f32 v47, v34  }
0x188: {  	v55 =	vor.u32 v18, v32;
	v45 =	vand.u32 $0x380, v45;
	v27 =	vand.u32 $0xF800, v27;
	[tilespmem:v52+s29+$0x0] =	vst.idx.add.f32.msk $0xffff, v56  }
0x189: {  	v40 =	vand.u32 $0x380, v40;
	v27 =	vor.u32 v45, v27;
	[tilespmem:v50+s29+$0x0] =	vst.idx.add.f32.msk $0xffff, v53  }
0x18a: {  	v30 =	vand.u32 $0xF800, v62;
	v28 =	vmul.f32 v28, v24;
	v46 =	vor.u32 v2, v27;
	v60 =	vld [tilespmem:s24+$0x470]  }
0x18b: {  	v30 =	vor.u32 v40, v30;
	v38 =	vmul.f32 v61, v31;
	v57 =	vld [tilespmem:s2+$0x470]  }
0x18c: {  	v49 =	vor.u32 v2, v30;
	[tilespmem:v43+s29+$0x0] =	vst.idx.add.f32.msk $0xffff, v28  }
0x18d: {  	v58 =	vor.u32 v17, v22;
	v28 =	vmul.f32 v59, v25;
	[tilespmem:v55+s29+$0x0] =	vst.idx.add.f32.msk $0xffff, v38  }
0x18e: {  	v40 =	vld [tilespmem:s22+$0x10]  }
0x18f: {  	v35 =	vor.u32 v19, v35;
	[tilespmem:v46+s29+$0x0] =	vst.idx.add.f32.msk $0xffff, v28;
	v28 =	vmul.f32 v44, v29  }
0x190: {  	v61 =	vmul.f32 v54, v21;
	v59 =	vor.u32 v4, v26;
	v44 =	vld [tilespmem:s9+$0x10]  }
0x191: {  	v53 =	vor.u32 v4, v27;
	[tilespmem:v49+s29+$0x0] =	vst.idx.add.f32.msk $0xffff, v28;
	v28 =	vshll.u32 v39, $0x8;
	v39 =	vshll.u32 v39, $0x7  }
0x192: {  	[tilespmem:v58+s29+$0x0] =	vst.idx.add.f32.msk $0xffff, v61;
	v33 =	vmul.f32 v60, v33;
	v28 =	vand.u32 $0xF800, v28;
	v39 =	vand.u32 $0x380, v39  }
0x193: {  	v47 =	vld [tilespmem:s5+$0x10];
	v28 =	vor.u32 v39, v28;
	v45 =	vmul.f32 v40, v24  }
0x194: {  	[tilespmem:v35+s29+$0x0] =	vst.idx.add.f32.msk $0xffff, v33;
	v62 =	vor.u32 v2, v28  }
0x195: {  	v49 =	vor.u32 v4, v30;
	[tilespmem:v59+s29+$0x0] =	vst.idx.add.f32.msk $0xffff, v45;
	v58 =	vmul.f32 v44, v25  }
0x196: {  	v50 =	vld [tilespmem:s22+$0x20]  }
0x197: {  	v48 =	vmul.f32 v42, v23;
	[tilespmem:v53+s29+$0x0] =	vst.idx.add.f32.msk $0xffff, v58  }
0x198: {  	v36 =	vor.u32 v19, v36;
	v52 =	vmul.f32 v47, v29;
	v39 =	vld [tilespmem:s9+$0x20]  }
0x199: {  	v51 =	vor.u32 v5, v26;
	[tilespmem:v62+s29+$0x0] =	vst.idx.add.f32.msk $0xffff, v48  }
0x19a: {  	[tilespmem:v49+s29+$0x0] =	vst.idx.add.f32.msk $0xffff, v52  }
0x19b: {  	v34 =	vmul.f32 v57, v34;
	v62 =	vor.u32 v5, v27;
	v54 =	vld [tilespmem:s23+$0x10]  }
0x19c: {  	v57 =	vld [tilespmem:s5+$0x20];
	v55 =	vmul.f32 v50, v24  }
0x19d: {  	[tilespmem:v36+s29+$0x0] =	vst.idx.add.f32.msk $0xffff, v34;
	v56 =	vor.u32 v4, v28  }
0x19e: {  	v59 =	vor.u32 v5, v30;
	[tilespmem:v51+s29+$0x0] =	vst.idx.add.f32.msk $0xffff, v55;
	v44 =	vmul.f32 v39, v25  }
0x19f: {  	v37 =	vld [tilespmem:s22+$0x30]  }
0x1a0: {  	v35 =	vmul.f32 v54, v23;
	[tilespmem:v62+s29+$0x0] =	vst.idx.add.f32.msk $0xffff, v44  }
0x1a1: {  	v61 =	vmul.f32 v57, v29;
	v36 =	vld [tilespmem:s9+$0x30]  }
0x1a2: {  	v60 =	vor.u32 v6, v26;
	[tilespmem:v56+s29+$0x0] =	vst.idx.add.f32.msk $0xffff, v35  }
0x1a3: {  	[tilespmem:v59+s29+$0x0] =	vst.idx.add.f32.msk $0xffff, v61  }
0x1a4: {  	v49 =	vor.u32 v6, v27;
	v42 =	vld [tilespmem:s23+$0x20]  }
0x1a5: {  	v35 =	vld [tilespmem:s5+$0x30];
	v37 =	vmul.f32 v37, v24  }
0x1a6: {  	v43 =	vor.u32 v5, v28  }
0x1a7: {  	v45 =	vor.u32 v6, v30;
	[tilespmem:v60+s29+$0x0] =	vst.idx.add.f32.msk $0xffff, v37;
	v51 =	vmul.f32 v36, v25  }
0x1a8: {  	v46 =	vld [tilespmem:s22+$0x40]  }
0x1a9: {  	v38 =	vmul.f32 v42, v23;
	[tilespmem:v49+s29+$0x0] =	vst.idx.add.f32.msk $0xffff, v51  }
0x1aa: {  	v48 =	vmul.f32 v35, v29;
	v35 =	vld [tilespmem:s9+$0x40]  }
0x1ab: {  	v47 =	vor.u32 v7, v26;
	[tilespmem:v43+s29+$0x0] =	vst.idx.add.f32.msk $0xffff, v38  }
0x1ac: {  	[tilespmem:v45+s29+$0x0] =	vst.idx.add.f32.msk $0xffff, v48  }
0x1ad: {  	v55 =	vor.u32 v7, v27;
	v38 =	vld [tilespmem:s23+$0x30]  }
0x1ae: {  	v37 =	vld [tilespmem:s5+$0x40];
	v39 =	vmul.f32 v46, v24  }
0x1af: {  	v50 =	vor.u32 v6, v28  }
0x1b0: {  	v52 =	vor.u32 v7, v30;
	[tilespmem:v47+s29+$0x0] =	vst.idx.add.f32.msk $0xffff, v39;
	v57 =	vmul.f32 v35, v25  }
0x1b1: {  	v39 =	vld [tilespmem:s22+$0x50]  }
0x1b2: {  	v38 =	vmul.f32 v38, v23;
	[tilespmem:v55+s29+$0x0] =	vst.idx.add.f32.msk $0xffff, v57  }
0x1b3: {  	v54 =	vmul.f32 v37, v29;
	v37 =	vld [tilespmem:s9+$0x50]  }
0x1b4: {  	v53 =	vor.u32 v8, v26;
	[tilespmem:v50+s29+$0x0] =	vst.idx.add.f32.msk $0xffff, v38  }
0x1b5: {  	[tilespmem:v52+s29+$0x0] =	vst.idx.add.f32.msk $0xffff, v54  }
0x1b6: {  	v61 =	vor.u32 v8, v27;
	v38 =	vld [tilespmem:s23+$0x40]  }
0x1b7: {  	v36 =	vld [tilespmem:s5+$0x50];
	v39 =	vmul.f32 v39, v24  }
0x1b8: {  	v56 =	vor.u32 v7, v28  }
0x1b9: {  	[tilespmem:v53+s29+$0x0] =	vst.idx.add.f32.msk $0xffff, v39;
	v42 =	vmul.f32 v37, v25  }
0x1ba: {  	v39 =	vld [tilespmem:s22+$0x60]  }
0x1bb: {  	v58 =	vor.u32 v8, v30;
	v38 =	vmul.f32 v38, v23;
	[tilespmem:v61+s29+$0x0] =	vst.idx.add.f32.msk $0xffff, v42  }
0x1bc: {  	v60 =	vmul.f32 v36, v29;
	v36 =	vld [tilespmem:s9+$0x60]  }
0x1bd: {  	v59 =	vor.u32 v9, v26;
	[tilespmem:v56+s29+$0x0] =	vst.idx.add.f32.msk $0xffff, v38  }
0x1be: {  	v38 =	vld [tilespmem:s23+$0x50]  }
0x1bf: {  	v46 =	vor.u32 v9, v27  }
0x1c0: {  	v62 =	vor.u32 v8, v28;
	[tilespmem:v58+s29+$0x0] =	vst.idx.add.f32.msk $0xffff, v60;
	v39 =	vmul.f32 v39, v24  }
0x1c1: {  	v35 =	vld [tilespmem:s5+$0x60]  }
0x1c2: {  	[tilespmem:v59+s29+$0x0] =	vst.idx.add.f32.msk $0xffff, v39;
	v48 =	vmul.f32 v36, v25  }
0x1c3: {  	v43 =	vor.u32 v9, v30;
	v39 =	vld [tilespmem:s22+$0x70];
	v38 =	vmul.f32 v38, v23  }
0x1c4: {  	[tilespmem:v46+s29+$0x0] =	vst.idx.add.f32.msk $0xffff, v48  }
0x1c5: {  	[tilespmem:v62+s29+$0x0] =	vst.idx.add.f32.msk $0xffff, v38  }
0x1c6: {  	v44 =	vor.u32 v10, v26;
	v45 =	vmul.f32 v35, v29;
	v38 =	vld [tilespmem:s23+$0x60]  }
0x1c7: {  	v35 =	vld [tilespmem:s9+$0x70]  }
0x1c8: {  	v47 =	vor.u32 v9, v28;
	[tilespmem:v43+s29+$0x0] =	vst.idx.add.f32.msk $0xffff, v45  }
0x1c9: {  	v37 =	vld [tilespmem:s5+$0x70];
	v39 =	vmul.f32 v39, v24  }
0x1ca: {  	v53 =	vor.u32 v10, v27  }
0x1cb: {  	v49 =	vor.u32 v10, v30;
	[tilespmem:v44+s29+$0x0] =	vst.idx.add.f32.msk $0xffff, v39;
	v38 =	vmul.f32 v38, v23  }
0x1cc: {  	v39 =	vld [tilespmem:s22+$0x400]  }
0x1cd: {  	v55 =	vmul.f32 v35, v25;
	[tilespmem:v47+s29+$0x0] =	vst.idx.add.f32.msk $0xffff, v38  }
0x1ce: {  	v50 =	vor.u32 v11, v26;
	v51 =	vmul.f32 v37, v29;
	v52 =	vld [tilespmem:s23+$0x70]  }
0x1cf: {  	[tilespmem:v53+s29+$0x0] =	vst.idx.add.f32.msk $0xffff, v55  }
0x1d0: {  	v54 =	vor.u32 v10, v28;
	[tilespmem:v49+s29+$0x0] =	vst.idx.add.f32.msk $0xffff, v51  }
0x1d1: {  	v36 =	vld [tilespmem:s5+$0x400];
	v39 =	vmul.f32 v39, v24  }
0x1d2: {  	v38 =	vld [tilespmem:s9+$0x400]  }
0x1d3: {  	v57 =	vor.u32 v11, v30;
	[tilespmem:v50+s29+$0x0] =	vst.idx.add.f32.msk $0xffff, v39;
	v37 =	vmul.f32 v52, v23  }
0x1d4: {  	v56 =	vld [tilespmem:s22+$0x410]  }
0x1d5: {  	v61 =	vor.u32 v11, v27;
	[tilespmem:v54+s29+$0x0] =	vst.idx.add.f32.msk $0xffff, v37  }
0x1d6: {  	v59 =	vmul.f32 v36, v29;
	v60 =	vld [tilespmem:s23+$0x400]  }
0x1d7: {  	v58 =	vor.u32 v12, v26;
	v55 =	vld [tilespmem:s0+$0x470]  }
0x1d8: {  	v62 =	vor.u32 v11, v28;
	v42 =	vmul.f32 v38, v25;
	[tilespmem:v57+s29+$0x0] =	vst.idx.add.f32.msk $0xffff, v59  }
0x1d9: {  	v39 =	vld [tilespmem:s5+$0x410]  }
0x1da: {  	[tilespmem:v61+s29+$0x0] =	vst.idx.add.f32.msk $0xffff, v42;
	v35 =	vmul.f32 v56, v24  }
0x1db: {  	v43 =	vor.u32 v12, v30;
	v37 =	vld [tilespmem:s9+$0x410];
	v36 =	vmul.f32 v60, v23  }
0x1dc: {  	[tilespmem:v58+s29+$0x0] =	vst.idx.add.f32.msk $0xffff, v35  }
0x1dd: {  	v32 =	vor.u32 v19, v32;
	[tilespmem:v62+s29+$0x0] =	vst.idx.add.f32.msk $0xffff, v36  }
0x1de: {  	v46 =	vor.u32 v12, v27;
	v45 =	vmul.f32 v39, v29;
	v36 =	vld [tilespmem:s23+$0x410]  }
0x1df: {  	v35 =	vld [tilespmem:s22+$0x420]  }
0x1e0: {  	v47 =	vor.u32 v12, v28;
	v31 =	vmul.f32 v55, v31;
	[tilespmem:v43+s29+$0x0] =	vst.idx.add.f32.msk $0xffff, v45  }
0x1e1: {  	v48 =	vmul.f32 v37, v25;
	v38 =	vld [tilespmem:s5+$0x420]  }
0x1e2: {  	v44 =	vor.u32 v13, v26;
	[tilespmem:v32+s29+$0x0] =	vst.idx.add.f32.msk $0xffff, v31  }
0x1e3: {  	v49 =	vor.u32 v13, v30;
	[tilespmem:v46+s29+$0x0] =	vst.idx.add.f32.msk $0xffff, v48;
	v36 =	vmul.f32 v36, v23  }
0x1e4: {  	v33 =	vld [tilespmem:s9+$0x420]  }
0x1e5: {  	v35 =	vmul.f32 v35, v24;
	[tilespmem:v47+s29+$0x0] =	vst.idx.add.f32.msk $0xffff, v36  }
0x1e6: {  	v52 =	vor.u32 v13, v27;
	v51 =	vmul.f32 v38, v29;
	v36 =	vld [tilespmem:s23+$0x420]  }
0x1e7: {  	[tilespmem:v44+s29+$0x0] =	vst.idx.add.f32.msk $0xffff, v35  }
0x1e8: {  	v54 =	vor.u32 v13, v28;
	[tilespmem:v49+s29+$0x0] =	vst.idx.add.f32.msk $0xffff, v51  }
0x1e9: {  	v33 =	vmul.f32 v33, v25;
	v37 =	vld [tilespmem:s5+$0x430]  }
0x1ea: {  	v35 =	vld [tilespmem:s22+$0x430]  }
0x1eb: {  	v56 =	vor.u32 v15, v30;
	[tilespmem:v52+s29+$0x0] =	vst.idx.add.f32.msk $0xffff, v33;
	v36 =	vmul.f32 v36, v23  }
0x1ec: {  	v33 =	vld [tilespmem:s9+$0x430]  }
0x1ed: {  	v50 =	vor.u32 v15, v26;
	[tilespmem:v54+s29+$0x0] =	vst.idx.add.f32.msk $0xffff, v36  }
0x1ee: {  	v58 =	vor.u32 v15, v27;
	v57 =	vmul.f32 v37, v29;
	v36 =	vld [tilespmem:s23+$0x430]  }
0x1ef: {  	v61 =	vld [tilespmem:s20+$0x460]  }
0x1f0: {  	v59 =	vor.u32 v15, v28;
	v53 =	vmul.f32 v35, v24;
	[tilespmem:v56+s29+$0x0] =	vst.idx.add.f32.msk $0xffff, v57  }
0x1f1: {  	v31 =	vmul.f32 v33, v25;
	v60 =	vld [tilespmem:s5+$0x440]  }
0x1f2: {  	[tilespmem:v50+s29+$0x0] =	vst.idx.add.f32.msk $0xffff, v53  }
0x1f3: {  	v37 =	vor.u32 v16, v30;
	[tilespmem:v58+s29+$0x0] =	vst.idx.add.f32.msk $0xffff, v31;
	v62 =	vmul.f32 v36, v23  }
0x1f4: {  	v34 =	vld [tilespmem:s9+$0x440];
	v36 =	vor.u32 v18, v22  }
0x1f5: {  	[tilespmem:v59+s29+$0x0] =	vst.idx.add.f32.msk $0xffff, v62  }
0x1f6: {  	v33 =	vor.u32 v16, v27;
	v39 =	vmul.f32 v60, v29;
	v35 =	vld [tilespmem:s23+$0x440]  }
0x1f7: {  	s0 =	simm.s32 $0x4;
	v38 =	vmul.f32 v61, v21;
	v32 =	vld [tilespmem:s22+$0x440];
	v31 =	vor.u32 v16, v28  }
.LBB2_10:
0x1f8: {  	s1 =	sadd.s32 s0, s18;
	s0 =	sadd.s32 $0x4, s0;
	[tilespmem:v37+s29+$0x0] =	vst.idx.add.f32.msk $0xffff, v39  }
0x1f9: {  	v37 =	vor.u32 v16, v26;
	s2 =	sadd.s32 $0xFFFFFFE4, s1;
	s24 =	sadd.s32 $0xFFFFFFE5, s1;
	s7 =	sadd.s32 $0xFFFFFFE6, s1;
	v34 =	vmul.f32 v34, v25;
	[tilespmem:v36+s29+$0x0] =	vst.idx.add.f32.msk $0xffff, v38  }
0x1fa: {  	s1 =	sadd.s32 $0xFFFFFFE7, s1;
	p0 =	slt.u32 s0, $0x1C;
	v36 =	vmov s2;
	v38 =	vmov s24;
	v39 =	vmov s7;
	v40 =	vld [tilespmem:s20+$0x470];
	s20 =	smov.u32 s5  }
0x1fb: {  	v36 =	vand.u32 $0xFFFFFFFC, v36;
	v38 =	vand.u32 $0xFFFFFFFD, v38;
	v35 =	vmul.f32 v35, v23;
	[tilespmem:v33+s29+$0x0] =	vst.idx.add.f32.msk $0xffff, v34  }
0x1fc: {  	v33 =	vbroadcast v36, $0x0;
	v34 =	vld [tilespmem:s9+$0x450];
	v36 =	vor.u32 v19, v22;
	v22 =	vmov v30  }
0x1fd: {  	v30 =	vbroadcast v38, $0x0;
	v38 =	vand.u32 $0xFFFFFFFE, v39;
	v32 =	vmul.f32 v32, v24;
	[tilespmem:v31+s29+$0x0] =	vst.idx.add.f32.msk $0xffff, v35  }
0x1fe: {  	v31 =	vbroadcast v38, $0x0;
	v35 =	vld [tilespmem:s23+$0x450]  }
0x1ff: {  	[tilespmem:v37+s29+$0x0] =	vst.idx.add.f32.msk $0xffff, v32;
	v32 =	vmul.f32 v40, v21;
	v21 =	vmov v29  }
0x200: {  	v29 =	vld [tilespmem:s22+$0x450]  }
0x201: {  	v37 =	vor.u32 v17, v28;
	v38 =	vmul.f32 v34, v25;
	[tilespmem:v36+s29+$0x0] =	vst.idx.add.f32.msk $0xffff, v32  }
0x202: {  	v39 =	vmov s1;
	v36 =	vld.idx.msk [tilespmem:v33+s26+$0x0], $0xffff  }
0x203: {  	v34 =	vld.idx.msk [tilespmem:v30+s28+$0x0], $0xffff;
	v32 =	vmul.f32 v35, v23  }
0x204: {  	v30 =	vld.idx.msk [tilespmem:v30+s26+$0x0], $0xffff  }
0x205: {  	s11 =	sadd.s32 $0x200, s11;
	s10 =	sadd.s32 $0x400, s10;
	v35 =	vld.idx.msk [tilespmem:v31+s26+$0x0], $0xffff;
	v29 =	vmul.f32 v29, v24  }
0x206: {  	s2 =	sadd.s32 $0xFFFFFE80, s11;
	s1 =	sand.u32 $0x1800, s10;
	[tilespmem:v37+s29+$0x0] =	vst.idx.add.f32.msk $0xffff, v32  }
0x207: {  	s2 =	sand.u32 $0x200, s2;
	s5 =	sadd.s32 s1, s21;
	s1 =	sadd.s32 $0xFFFFFF00, s11;
	v37 =	vld.idx.msk [tilespmem:v39+s26+$0x0], $0xffff  }
0x208: {  	s24 =	sadd.s32 s2, s5;
	s1 =	sand.u32 $0x280, s1;
	v32 =	vld.idx.msk [tilespmem:v33+s28+$0x0], $0xffff;
	v33 =	vshll.u32 v36, $0x8;
	v36 =	vshll.u32 v36, $0x7  }
0x209: {  	v41 =	vor.u32 v17, v26;
	s2 =	sadd.s32 s1, s5;
	s1 =	sadd.s32 $0xFFFFFF80, s11;
	v40 =	vld [tilespmem:s24+$0x0];
	v36 =	vand.u32 $0x380, v36  }
0x20a: {  	v44 =	vor.u32 v17, v27;
	s1 =	sand.u32 $0x300, s1;
	v43 =	vshll.u32 v30, $0x8;
	v30 =	vshll.u32 v30, $0x7;
	v42 =	vld [tilespmem:s2+$0x0]  }
0x20b: {  	s7 =	sand.u32 $0x380, s11;
	s1 =	sadd.s32 s1, s5;
	v33 =	vand.u32 $0xF800, v33;
	v43 =	vand.u32 $0xF800, v43;
	v45 =	vld.idx.msk [tilespmem:v31+s28+$0x0], $0xffff;
	v31 =	vshll.u32 v35, $0x7  }
0x20c: {  	s5 =	sadd.s32 s7, s5;
	v33 =	vor.u32 v36, v33;
	v35 =	vshll.u32 v35, $0x8;
	v36 =	vld [tilespmem:s1+$0x0];
	v31 =	vand.u32 $0x380, v31  }
0x20d: {  	v46 =	vor.u32 v2, v33;
	v35 =	vand.u32 $0xF800, v35;
	v48 =	vshll.u32 v37, $0x8;
	v47 =	vld [tilespmem:s5+$0x0]  }
0x20e: {  	v30 =	vand.u32 $0x380, v30;
	v35 =	vor.u32 v31, v35;
	v40 =	vmul.f32 v40, v32;
	[tilespmem:v41+s29+$0x0] =	vst.idx.add.f32.msk $0xffff, v29  }
0x20f: {  	v41 =	vmul.f32 v42, v34;
	v42 =	vor.u32 v30, v43;
	v29 =	vld.idx.msk [tilespmem:v39+s28+$0x0], $0xffff;
	v30 =	vshll.u32 v37, $0x7  }
0x210: {  	v31 =	vand.u32 $0xF800, v48;
	v37 =	vor.u32 v2, v42;
	v30 =	vand.u32 $0x380, v30;
	v39 =	vld [tilespmem:s22+$0x460]  }
0x211: {  	v43 =	vor.u32 v2, v35;
	v36 =	vmul.f32 v36, v45;
	v30 =	vor.u32 v30, v31;
	v48 =	vld [tilespmem:s23+$0x460]  }
0x212: {  	v31 =	vor.u32 v16, v42;
	[tilespmem:v46+s29+$0x0] =	vst.idx.add.f32.msk $0xffff, v40;
	v40 =	vor.u32 v2, v30  }
0x213: {  	v46 =	vld [tilespmem:s24+$0x10]  }
0x214: {  	[tilespmem:v44+s29+$0x0] =	vst.idx.add.f32.msk $0xffff, v38  }
0x215: {  	v38 =	vmul.f32 v47, v29;
	v44 =	vor.u32 v18, v28;
	v47 =	vld [tilespmem:s9+$0x460]  }
0x216: {  	[tilespmem:v43+s29+$0x0] =	vst.idx.add.f32.msk $0xffff, v36  }
0x217: {  	v43 =	vor.u32 v18, v27;
	v36 =	vld [tilespmem:s1+$0x10]  }
0x218: {  	v39 =	vmul.f32 v39, v24;
	v48 =	vmul.f32 v48, v23;
	v49 =	vld [tilespmem:s20+$0x450]  }
0x219: {  	[tilespmem:v40+s29+$0x0] =	vst.idx.add.f32.msk $0xffff, v38;
	v38 =	vor.u32 v18, v26  }
0x21a: {  	v40 =	vor.u32 v4, v30;
	[tilespmem:v44+s29+$0x0] =	vst.idx.add.f32.msk $0xffff, v48;
	v44 =	vmul.f32 v47, v25  }
0x21b: {  	v48 =	vor.u32 v17, v22;
	v47 =	vld [tilespmem:s23+$0x470];
	s23 =	smov.u32 s2  }
0x21c: {  	v50 =	vor.u32 v4, v33;
	[tilespmem:v43+s29+$0x0] =	vst.idx.add.f32.msk $0xffff, v44  }
0x21d: {  	v43 =	vld [tilespmem:s9+$0x470];
	v44 =	vmul.f32 v49, v21;
	s9 =	smov.u32 s1  }
0x21e: {  	v49 =	vor.u32 v4, v35;
	[tilespmem:v38+s29+$0x0] =	vst.idx.add.f32.msk $0xffff, v39;
	v38 =	vor.u32 v19, v28;
	v28 =	vmov v42  }
0x21f: {  	v39 =	vmul.f32 v46, v32;
	v42 =	vld [tilespmem:s5+$0x10]  }
0x220: {  	v46 =	vor.u32 v19, v27;
	v27 =	vmov v35;
	[tilespmem:v48+s29+$0x0] =	vst.idx.add.f32.msk $0xffff, v44  }
0x221: {  	v35 =	vmul.f32 v47, v23;
	v23 =	vmov v34;
	[tilespmem:v50+s29+$0x0] =	vst.idx.add.f32.msk $0xffff, v39  }
0x222: {  	v39 =	vor.u32 v5, v30;
	v34 =	vld [tilespmem:s24+$0x20]  }
0x223: {  	[tilespmem:v38+s29+$0x0] =	vst.idx.add.f32.msk $0xffff, v35;
	v35 =	vmul.f32 v43, v25;
	v25 =	vmov v45  }
0x224: {  	v38 =	vor.u32 v5, v33;
	[tilespmem:v37+s29+$0x0] =	vst.idx.add.f32.msk $0xffff, v41;
	v37 =	vmul.f32 v42, v29  }
0x225: {  	v36 =	vmul.f32 v36, v25;
	[tilespmem:v46+s29+$0x0] =	vst.idx.add.f32.msk $0xffff, v35  }
0x226: {  	v41 =	vor.u32 v5, v27;
	v35 =	vld [tilespmem:s23+$0x10]  }
0x227: {  	v34 =	vmul.f32 v34, v32;
	[tilespmem:v40+s29+$0x0] =	vst.idx.add.f32.msk $0xffff, v37  }
0x228: {  	v37 =	vor.u32 v4, v28;
	v40 =	vld [tilespmem:s5+$0x20]  }
0x229: {  	[tilespmem:v38+s29+$0x0] =	vst.idx.add.f32.msk $0xffff, v34  }
0x22a: {  	v38 =	vor.u32 v6, v30;
	v34 =	vld [tilespmem:s24+$0x30]  }
0x22b: {  	v35 =	vmul.f32 v35, v23;
	[tilespmem:v49+s29+$0x0] =	vst.idx.add.f32.msk $0xffff, v36  }
0x22c: {  	v36 =	vor.u32 v6, v33;
	v42 =	vld [tilespmem:s9+$0x20]  }
0x22d: {  	[tilespmem:v37+s29+$0x0] =	vst.idx.add.f32.msk $0xffff, v35;
	v35 =	vmul.f32 v40, v29  }
0x22e: {  	v40 =	vor.u32 v6, v27;
	v37 =	vld [tilespmem:s23+$0x20]  }
0x22f: {  	v34 =	vmul.f32 v34, v32;
	[tilespmem:v39+s29+$0x0] =	vst.idx.add.f32.msk $0xffff, v35  }
0x230: {  	v35 =	vor.u32 v5, v28;
	v39 =	vld [tilespmem:s5+$0x30]  }
0x231: {  	[tilespmem:v36+s29+$0x0] =	vst.idx.add.f32.msk $0xffff, v34;
	v34 =	vmul.f32 v42, v25  }
0x232: {  	v42 =	vor.u32 v7, v30;
	v36 =	vld [tilespmem:s24+$0x40]  }
0x233: {  	v37 =	vmul.f32 v37, v23;
	[tilespmem:v41+s29+$0x0] =	vst.idx.add.f32.msk $0xffff, v34  }
0x234: {  	v34 =	vor.u32 v7, v33;
	v41 =	vld [tilespmem:s9+$0x30]  }
0x235: {  	[tilespmem:v35+s29+$0x0] =	vst.idx.add.f32.msk $0xffff, v37;
	v35 =	vmul.f32 v39, v29  }
0x236: {  	v39 =	vor.u32 v7, v27;
	v37 =	vld [tilespmem:s23+$0x30]  }
0x237: {  	v36 =	vmul.f32 v36, v32;
	[tilespmem:v38+s29+$0x0] =	vst.idx.add.f32.msk $0xffff, v35  }
0x238: {  	v35 =	vor.u32 v6, v28;
	v38 =	vld [tilespmem:s5+$0x40]  }
0x239: {  	[tilespmem:v34+s29+$0x0] =	vst.idx.add.f32.msk $0xffff, v36;
	v34 =	vmul.f32 v41, v25  }
0x23a: {  	v41 =	vor.u32 v8, v30;
	v36 =	vld [tilespmem:s24+$0x50]  }
0x23b: {  	v37 =	vmul.f32 v37, v23;
	[tilespmem:v40+s29+$0x0] =	vst.idx.add.f32.msk $0xffff, v34  }
0x23c: {  	v34 =	vor.u32 v8, v33;
	v40 =	vld [tilespmem:s9+$0x40]  }
0x23d: {  	[tilespmem:v35+s29+$0x0] =	vst.idx.add.f32.msk $0xffff, v37;
	v35 =	vmul.f32 v38, v29  }
0x23e: {  	v38 =	vor.u32 v8, v27;
	v37 =	vld [tilespmem:s23+$0x40]  }
0x23f: {  	v36 =	vmul.f32 v36, v32;
	[tilespmem:v42+s29+$0x0] =	vst.idx.add.f32.msk $0xffff, v35  }
0x240: {  	v35 =	vor.u32 v7, v28;
	v42 =	vld [tilespmem:s5+$0x50]  }
0x241: {  	[tilespmem:v34+s29+$0x0] =	vst.idx.add.f32.msk $0xffff, v36;
	v34 =	vmul.f32 v40, v25  }
0x242: {  	v40 =	vor.u32 v9, v30;
	v36 =	vld [tilespmem:s24+$0x60]  }
0x243: {  	v37 =	vmul.f32 v37, v23;
	[tilespmem:v39+s29+$0x0] =	vst.idx.add.f32.msk $0xffff, v34  }
0x244: {  	v34 =	vor.u32 v9, v33;
	v39 =	vld [tilespmem:s9+$0x50]  }
0x245: {  	[tilespmem:v35+s29+$0x0] =	vst.idx.add.f32.msk $0xffff, v37;
	v35 =	vmul.f32 v42, v29  }
0x246: {  	v42 =	vor.u32 v9, v27;
	v37 =	vld [tilespmem:s23+$0x50]  }
0x247: {  	v36 =	vmul.f32 v36, v32;
	[tilespmem:v41+s29+$0x0] =	vst.idx.add.f32.msk $0xffff, v35  }
0x248: {  	v35 =	vor.u32 v8, v28;
	v41 =	vld [tilespmem:s5+$0x60]  }
0x249: {  	[tilespmem:v34+s29+$0x0] =	vst.idx.add.f32.msk $0xffff, v36;
	v34 =	vmul.f32 v39, v25  }
0x24a: {  	v39 =	vor.u32 v10, v30;
	v36 =	vld [tilespmem:s24+$0x70]  }
0x24b: {  	v37 =	vmul.f32 v37, v23;
	[tilespmem:v38+s29+$0x0] =	vst.idx.add.f32.msk $0xffff, v34  }
0x24c: {  	v34 =	vor.u32 v10, v33;
	v38 =	vld [tilespmem:s9+$0x60]  }
0x24d: {  	[tilespmem:v35+s29+$0x0] =	vst.idx.add.f32.msk $0xffff, v37;
	v35 =	vmul.f32 v41, v29  }
0x24e: {  	v37 =	vld [tilespmem:s23+$0x60]  }
0x24f: {  	v36 =	vmul.f32 v36, v32;
	[tilespmem:v40+s29+$0x0] =	vst.idx.add.f32.msk $0xffff, v35  }
0x250: {  	v35 =	vor.u32 v9, v28;
	v40 =	vld [tilespmem:s5+$0x70]  }
0x251: {  	[tilespmem:v34+s29+$0x0] =	vst.idx.add.f32.msk $0xffff, v36;
	v34 =	vmul.f32 v38, v25  }
0x252: {  	v36 =	vld [tilespmem:s24+$0x400]  }
0x253: {  	v37 =	vmul.f32 v37, v23;
	[tilespmem:v42+s29+$0x0] =	vst.idx.add.f32.msk $0xffff, v34  }
0x254: {  	v34 =	vor.u32 v11, v33;
	v38 =	vld [tilespmem:s9+$0x70]  }
0x255: {  	[tilespmem:v35+s29+$0x0] =	vst.idx.add.f32.msk $0xffff, v37;
	v35 =	vmul.f32 v40, v29  }
0x256: {  	v40 =	vor.u32 v10, v27;
	v37 =	vld [tilespmem:s23+$0x70]  }
0x257: {  	v36 =	vmul.f32 v36, v32;
	[tilespmem:v39+s29+$0x0] =	vst.idx.add.f32.msk $0xffff, v35  }
0x258: {  	v35 =	vor.u32 v10, v28;
	v39 =	vld [tilespmem:s5+$0x400]  }
0x259: {  	[tilespmem:v34+s29+$0x0] =	vst.idx.add.f32.msk $0xffff, v36;
	v34 =	vmul.f32 v38, v25  }
0x25a: {  	v38 =	vor.u32 v11, v30;
	v36 =	vld [tilespmem:s24+$0x410]  }
0x25b: {  	v37 =	vmul.f32 v37, v23;
	[tilespmem:v40+s29+$0x0] =	vst.idx.add.f32.msk $0xffff, v34  }
0x25c: {  	v34 =	vor.u32 v12, v33;
	v40 =	vld [tilespmem:s9+$0x400]  }
0x25d: {  	[tilespmem:v35+s29+$0x0] =	vst.idx.add.f32.msk $0xffff, v37;
	v35 =	vmul.f32 v39, v29  }
0x25e: {  	v39 =	vor.u32 v11, v27;
	v37 =	vld [tilespmem:s23+$0x400]  }
0x25f: {  	v36 =	vmul.f32 v36, v32;
	[tilespmem:v38+s29+$0x0] =	vst.idx.add.f32.msk $0xffff, v35  }
0x260: {  	v35 =	vor.u32 v11, v28;
	v38 =	vld [tilespmem:s5+$0x410]  }
0x261: {  	[tilespmem:v34+s29+$0x0] =	vst.idx.add.f32.msk $0xffff, v36;
	v34 =	vmul.f32 v40, v25  }
0x262: {  	v40 =	vor.u32 v12, v30;
	v36 =	vld [tilespmem:s24+$0x420]  }
0x263: {  	v37 =	vmul.f32 v37, v23;
	[tilespmem:v39+s29+$0x0] =	vst.idx.add.f32.msk $0xffff, v34  }
0x264: {  	v34 =	vor.u32 v13, v33;
	v39 =	vld [tilespmem:s9+$0x410]  }
0x265: {  	[tilespmem:v35+s29+$0x0] =	vst.idx.add.f32.msk $0xffff, v37;
	v35 =	vmul.f32 v38, v29  }
0x266: {  	v38 =	vor.u32 v12, v27;
	v37 =	vld [tilespmem:s23+$0x410]  }
0x267: {  	v36 =	vmul.f32 v36, v32;
	[tilespmem:v40+s29+$0x0] =	vst.idx.add.f32.msk $0xffff, v35  }
0x268: {  	v35 =	vor.u32 v12, v28;
	v40 =	vld [tilespmem:s5+$0x420]  }
0x269: {  	[tilespmem:v34+s29+$0x0] =	vst.idx.add.f32.msk $0xffff, v36;
	v34 =	vmul.f32 v39, v25  }
0x26a: {  	v39 =	vor.u32 v13, v30;
	v36 =	vld [tilespmem:s24+$0x430]  }
0x26b: {  	v37 =	vmul.f32 v37, v23;
	[tilespmem:v38+s29+$0x0] =	vst.idx.add.f32.msk $0xffff, v34  }
0x26c: {  	v34 =	vld [tilespmem:s9+$0x420]  }
0x26d: {  	v38 =	vor.u32 v15, v33;
	[tilespmem:v35+s29+$0x0] =	vst.idx.add.f32.msk $0xffff, v37;
	v35 =	vmul.f32 v40, v29  }
0x26e: {  	v40 =	vor.u32 v13, v27;
	v37 =	vld [tilespmem:s23+$0x420]  }
0x26f: {  	[tilespmem:v39+s29+$0x0] =	vst.idx.add.f32.msk $0xffff, v35  }
0x270: {  	v35 =	vmul.f32 v36, v32;
	v36 =	vor.u32 v13, v28;
	v39 =	vld [tilespmem:s5+$0x430]  }
0x271: {  	v34 =	vmul.f32 v34, v25;
	v41 =	vld [tilespmem:s22+$0x470];
	s22 =	smov.u32 s24  }
0x272: {  	[tilespmem:v38+s29+$0x0] =	vst.idx.add.f32.msk $0xffff, v35;
	v35 =	vor.u32 v15, v30  }
0x273: {  	v37 =	vmul.f32 v37, v23;
	[tilespmem:v40+s29+$0x0] =	vst.idx.add.f32.msk $0xffff, v34;
	v34 =	vor.u32 v19, v26;
	v26 =	vmov v33  }
0x274: {  	v33 =	vld [tilespmem:s9+$0x430]  }
0x275: {  	[tilespmem:v36+s29+$0x0] =	vst.idx.add.f32.msk $0xffff, v37;
	v36 =	vmul.f32 v39, v29  }
0x276: {  	v38 =	vor.u32 v15, v27;
	v37 =	vld [tilespmem:s23+$0x430];
	v39 =	vmul.f32 v41, v24;
	v24 =	vmov v32  }
0x277: {  	[tilespmem:v35+s29+$0x0] =	vst.idx.add.f32.msk $0xffff, v36  }
0x278: {  	v32 =	vor.u32 v15, v28;
	[tilespmem:v34+s29+$0x0] =	vst.idx.add.f32.msk $0xffff, v39  }
0x279: {  	v33 =	vmul.f32 v33, v25;
	v39 =	vld [tilespmem:s5+$0x440]  }
0x27a: {  	v40 =	vld [tilespmem:s20+$0x460]  }
.Ltmp11:
0x27b: {  	v35 =	vmul.f32 v37, v23;
	[tilespmem:v38+s29+$0x0] =	vst.idx.add.f32.msk $0xffff, v33;
	v37 =	vor.u32 v16, v30;
	(pc) =	sbr.rel @p0 .LBB2_10-.Ltmp11, $4  }
0x27c: {  	v36 =	vor.u32 v18, v22;
	v34 =	vld [tilespmem:s9+$0x440]  }
0x27d: {  	[tilespmem:v32+s29+$0x0] =	vst.idx.add.f32.msk $0xffff, v35  }
0x27e: {  	v33 =	vor.u32 v16, v27;
	v35 =	vld [tilespmem:s23+$0x440];
	v39 =	vmul.f32 v39, v29  }
0x27f: {  	v32 =	vld [tilespmem:s22+$0x440];
	v38 =	vmul.f32 v40, v21  }
0x280: {  	_ =	sdelay $0x3  }
0x281: {  	[tilespmem:v37+s29+$0x0] =	vst.idx.add.f32.msk $0xffff, v39;
	v34 =	vmul.f32 v34, v25  }
0x282: {  	v45 =	vor.u32 v16, v26;
	v49 =	vld [tilespmem:s5+$0x450]  }
0x283: {  	v35 =	vmul.f32 v35, v23;
	[tilespmem:v33+s29+$0x0] =	vst.idx.add.f32.msk $0xffff, v34  }
0x284: {  	v50 =	vor.u32 v17, v30;
	v33 =	vld [tilespmem:s9+$0x450]  }
0x285: {  	v32 =	vmul.f32 v32, v24;
	[tilespmem:v31+s29+$0x0] =	vst.idx.add.f32.msk $0xffff, v35  }
0x286: {  	v47 =	vor.u32 v17, v27;
	v31 =	vld [tilespmem:s23+$0x450]  }
0x287: {  	[tilespmem:v45+s29+$0x0] =	vst.idx.add.f32.msk $0xffff, v32;
	v52 =	vmul.f32 v49, v29  }
0x288: {  	v46 =	vor.u32 v17, v28;
	v32 =	vld [tilespmem:s22+$0x450]  }
0x289: {  	[tilespmem:v50+s29+$0x0] =	vst.idx.add.f32.msk $0xffff, v52;
	v33 =	vmul.f32 v33, v25  }
0x28a: {  	v34 =	vld [tilespmem:s5+$0x460]  }
0x28b: {  	v48 =	vor.u32 v17, v26;
	v31 =	vmul.f32 v31, v23;
	[tilespmem:v47+s29+$0x0] =	vst.idx.add.f32.msk $0xffff, v33  }
0x28c: {  	v35 =	vld [tilespmem:s9+$0x460]  }
0x28d: {  	[tilespmem:v46+s29+$0x0] =	vst.idx.add.f32.msk $0xffff, v31  }
0x28e: {  	v56 =	vor.u32 v18, v30;
	v32 =	vmul.f32 v32, v24;
	v31 =	vld [tilespmem:s23+$0x460]  }
0x28f: {  	v53 =	vor.u32 v18, v27;
	[tilespmem:v36+s29+$0x0] =	vst.idx.add.f32.msk $0xffff, v38  }
0x290: {  	v51 =	vor.u32 v18, v28;
	[tilespmem:v48+s29+$0x0] =	vst.idx.add.f32.msk $0xffff, v32  }
0x291: {  	v57 =	vmul.f32 v34, v29;
	v37 =	vld [tilespmem:s22+$0x460]  }
0x292: {  	v36 =	vld [tilespmem:s20+$0x470];
	v55 =	vmul.f32 v35, v25  }
0x293: {  	v54 =	vor.u32 v18, v26;
	[tilespmem:v56+s29+$0x0] =	vst.idx.add.f32.msk $0xffff, v57;
	v31 =	vmul.f32 v31, v23  }
0x294: {  	[tilespmem:v53+s29+$0x0] =	vst.idx.add.f32.msk $0xffff, v55  }
0x295: {  	[tilespmem:v51+s29+$0x0] =	vst.idx.add.f32.msk $0xffff, v31  }
0x296: {  	v37 =	vmul.f32 v37, v24;
	v31 =	vld [tilespmem:s9+$0x470]  }
0x297: {  	v22 =	vor.u32 v19, v22;
	v33 =	vld [tilespmem:s23+$0x470]  }
0x298: {  	[tilespmem:v54+s29+$0x0] =	vst.idx.add.f32.msk $0xffff, v37  }
0x299: {  	v60 =	vor.u32 v19, v27;
	v58 =	vld [tilespmem:s22+$0x470]  }
0x29a: {  	v59 =	vor.u32 v19, v28;
	v21 =	vmul.f32 v36, v21;
	v32 =	vld [tilespmem:s5+$0x470]  }
0x29b: {  	v61 =	vor.u32 v19, v26  }
0x29c: {  	v62 =	vor.u32 v19, v30;
	[tilespmem:v22+s29+$0x0] =	vst.idx.add.f32.msk $0xffff, v21;
	v21 =	vmul.f32 v31, v25  }
.Ltmp12:
0x29d: {  	v23 =	vmul.f32 v33, v23;
	(pc) =	sbr.rel .LBB2_12-.Ltmp12, $4  }
0x29e: {  	v22 =	vmul.f32 v58, v24;
	[tilespmem:v60+s29+$0x0] =	vst.idx.add.f32.msk $0xffff, v21  }
0x29f: {  	v21 =	vmul.f32 v32, v29;
	[tilespmem:v59+s29+$0x0] =	vst.idx.add.f32.msk $0xffff, v23  }
0x2a0: {  	[tilespmem:v61+s29+$0x0] =	vst.idx.add.f32.msk $0xffff, v22  }
0x2a1: {  	[tilespmem:v62+s29+$0x0] =	vst.idx.add.f32.msk $0xffff, v21  }
.LBB2_13:
0x2a2: {  	s0 =	sand.u32 $0x7FFFFFE0, s12  }
0x2a3: {  	v21 =	vld [tilespmem:s0+$0xC00];
	_ =	sdelay $0x4  }
0x2a4: {  	[tilespmem:$0xC00] =	vst v21  }
0x2a5: {  	v21 =	vld [tilespmem:s0+$0x1280];
	_ =	sdelay $0x4  }
0x2a6: {  	[tilespmem:$0x1280] =	vst v21  }
0x2a7: {  	v21 =	vld [tilespmem:s0+$0xC10];
	_ =	sdelay $0x4  }
0x2a8: {  	[tilespmem:$0xC10] =	vst v21  }
0x2a9: {  	v21 =	vld [tilespmem:s0+$0x1290];
	_ =	sdelay $0x4  }
0x2aa: {  	[tilespmem:$0x1290] =	vst v21  }
.LBB2_14:
0x2ab: {  	s25 =	sadd.s32 s25, s16  }
0x2ac: {  	p0 =	slt.s32 s25, $0x1F1  }
.Ltmp13:
0x2ad: {  	_ = 	snop;
	(pc) =	sbr.rel @p0 .LBB2_22-.Ltmp13, $1  }
0x2ae: {  	_ =	sdelay $0x3  }
.Ltmp14:
0x2af: {  	(pc) =	sbr.rel .LBB2_16-.Ltmp14, $3  }
0x2b0: {  	_ =	sdelay $0x1  }
0x2b1: {  	s0 =	sshrl.u32 s25, $0x5  }
0x2b2: {  	s9 =	simm.s32 $0x0;
	p0 =	por $0x1, $0x1;
	s5 =	simm.s32 $0x0  }
.LBB2_20:
0x2b3: {  	p1 =	sne.s32 s9, s0  }
.Ltmp15:
0x2b4: {  	_ = 	snop;
	(pc) =	sbr.rel @!p1 .LBB2_21-.Ltmp15, $3  }
0x2b5: {  	_ =	sdelay $0x1  }
0x2b6: {  	s1 =	sadd.s32 $0x1, s9  }
0x2b7: {  	s5 =	sadd.s32 $0x20, s5;
	p0 =	por !p0, !p0;
	s9 =	smov.u32 s1  }
.LBB2_16:
0x2b8: {  	p1 =	sge.u32 s9, s0  }
0x2b9: {  	s1 =	sshll.u32 @!p1 s9, $0x7  }
0x2ba: {  	s1 =	sshra.s32 @!p1 s1, $0x2  }
0x2bb: {  	v21 =	vld @!p1 [tilespmem:s1+$0x1900];
	_ =	sdelay $0x3  }
0x2bc: {  	s2 =	sand.u32 @!p1 $0x1, s9  }
0x2bd: {  	s7 =	sshll.u32 @!p1 s2, $0x7;
	v21 =	vshra.s32 @!p1 v21, $0x8  }
0x2be: {  	[tilespmem:s7+$0x1F00] =	vst @!p1 v21  }
0x2bf: {  	v21 =	vld @!p1 [tilespmem:s1+$0x1910];
	_ =	sdelay $0x4  }
0x2c0: {  	s10 =	sshll.u32 @!p1 s2, $0xC;
	s2 =	sadd.s32 @!p1 $0x3, s2;
	v21 =	vshra.s32 @!p1 v21, $0x8  }
0x2c1: {  	s1 =	sor.u32 @!p1 $0x1F00, s7;
	[tilespmem:s7+$0x1F10] =	vst @!p1 v21;
	s7 =	sor.u32 @!p1 $0x6000, s10;
	s10 =	simm.s32 @!p1 $0x20  }
0x2c2: {  	[tilespmem:s7], [sflag:s2] =	stream.indirect.gather @!p1 [hbm4b:s6+s10], $0x80, s1, s10, $0xb8;
	v63 =	vld [tilespmem:$0x0]  }
0x2c3: {  	p1 =	seq.s32 s9, $0x0  }
.Ltmp16:
0x2c4: {  	_ = 	snop;
	(pc) =	sbr.rel @p1 .LBB2_20-.Ltmp16, $1  }
0x2c5: {  	_ =	sdelay $0x3  }
0x2c6: {  	s1 =	sadd.s32 $0xFFFFFFFC, s5  }
0x2c7: {  	s2 =	sadd.s32 $0xFFFFFFE6, s1  }
0x2c8: {  	v21 =	vmov s2  }
0x2c9: {  	s18 =	sadd.s32 $0xFFFFFFE4, s1;
	v21 =	vand.u32 $0xFFFFFFFE, v21  }
0x2ca: {  	s7 =	sadd.s32 $0xFFFFFFFF, s9;
	s19 =	sadd.s32 $0xFFFFFFE5, s1;
	v22 =	vmov s18;
	v21 =	vbroadcast v21, $0x0  }
0x2cb: {  	s7 =	sand.u32 $0x1, s7;
	v23 =	vmov s19;
	v22 =	vand.u32 $0xFFFFFFFC, v22  }
0x2cc: {  	s20 =	sadd.s32 $0x3, s7;
	v23 =	vand.u32 $0xFFFFFFFD, v23;
	v22 =	vbroadcast v22, $0x0  }
0x2cd: {  	_ =	swait.ge [sflag:s20], $0x1000;
	v23 =	vbroadcast v23, $0x0  }
0x2ce: {  	[sflag:s20] =	ssyncset.done $0x0  }
0x2cf: {  	[sflag:s20] =	ssyncadd.s32 $0xFFFFF000  }
0x2d0: {  	v24 =	vld.idx.msk [tilespmem:v21+s30+$0x0], $0xffff  }
0x2d1: {  	s2 =	simm.s32 $0x1  }
0x2d2: {  	s2 =	simm.s32 @!p0 $0x0;
	v25 =	vld.idx.msk [tilespmem:v22+s30+$0x0], $0xffff  }
0x2d3: {  	s2 =	sshll.u32 s2, $0xC;
	v26 =	vld.idx.msk [tilespmem:v23+s30+$0x0], $0xffff  }
0x2d4: {  	s10 =	sor.u32 $0x6100, s2;
	v27 =	vld.idx.msk [tilespmem:v21+s31+$0x0], $0xffff  }
0x2d5: {  	s1 =	sadd.s32 $0xFFFFFFE7, s1;
	v21 =	vld [tilespmem:s10+$0x0];
	v24 =	vshll.u32 v24, $0x7  }
0x2d6: {  	v28 =	vmov s1;
	v24 =	vand.u32 $0x7F80, v24  }
0x2d7: {  	v32 =	vld.idx.msk [tilespmem:v22+s31+$0x0], $0xffff;
	v22 =	vor.u32 v2, v24  }
0x2d8: {  	v31 =	vld.idx.msk [tilespmem:v23+s31+$0x0], $0xffff  }
0x2d9: {  	v23 =	vshll.u32 v25, $0x7;
	v25 =	vld [tilespmem:s10+$0xFFFFFF00]  }
0x2da: {  	v21 =	vmul.f32 v21, v27;
	v29 =	vand.u32 $0x7F80, v23;
	v23 =	vshll.u32 v26, $0x7;
	v26 =	vld [tilespmem:s10+$0xFFFFFF80]  }
0x2db: {  	v30 =	vld.idx.msk [tilespmem:v28+s30+$0x0], $0xffff;
	v33 =	vor.u32 v2, v29;
	v34 =	vand.u32 $0x7F80, v23  }
0x2dc: {  	v23 =	vor.u32 v2, v34;
	[tilespmem:v22+s3+$0x0] =	vst.idx.add.f32.msk $0xffff, v21  }
0x2dd: {  	v22 =	vld [tilespmem:s10+$0x10]  }
0x2de: {  	v25 =	vmul.f32 v25, v32;
	v21 =	vld.idx.msk [tilespmem:v28+s31+$0x0], $0xffff  }
0x2df: {  	v35 =	vor.u32 v4, v24;
	v26 =	vmul.f32 v26, v31;
	v28 =	vld [tilespmem:s10+$0x80]  }
0x2e0: {  	[tilespmem:v33+s3+$0x0] =	vst.idx.add.f32.msk $0xffff, v25;
	v25 =	vshll.u32 v30, $0x7  }
0x2e1: {  	[tilespmem:v23+s3+$0x0] =	vst.idx.add.f32.msk $0xffff, v26;
	v33 =	vand.u32 $0x7F80, v25  }
0x2e2: {  	v25 =	vor.u32 v2, v33;
	v26 =	vld [tilespmem:s10+$0xFFFFFF90];
	v22 =	vmul.f32 v22, v27  }
0x2e3: {  	v23 =	vld [tilespmem:s10+$0xFFFFFF10]  }
0x2e4: {  	v48 =	vor.u32 v4, v34;
	[tilespmem:v35+s3+$0x0] =	vst.idx.add.f32.msk $0xffff, v22  }
0x2e5: {  	s2 =	sadd.s32 $0x200, s10;
	v28 =	vmul.f32 v28, v21;
	v22 =	vor.u32 v4, v29;
	v30 =	vld [tilespmem:s10+$0x20]  }
0x2e6: {  	v54 =	vld [tilespmem:s2+$0x0]  }
0x2e7: {  	v36 =	vor.u32 v5, v24;
	[tilespmem:v25+s3+$0x0] =	vst.idx.add.f32.msk $0xffff, v28;
	v26 =	vmul.f32 v26, v31  }
0x2e8: {  	v23 =	vmul.f32 v23, v32;
	v25 =	vld [tilespmem:s10+$0x90]  }
0x2e9: {  	[tilespmem:v48+s3+$0x0] =	vst.idx.add.f32.msk $0xffff, v26  }
0x2ea: {  	[tilespmem:v22+s3+$0x0] =	vst.idx.add.f32.msk $0xffff, v23;
	v22 =	vmul.f32 v30, v27  }
0x2eb: {  	s21 =	sadd.s32 $0x0, s5;
	v50 =	vld [tilespmem:s10+$0xFFFFFFA0]  }
0x2ec: {  	s22 =	sadd.s32 $0xFFFFFFE6, s21;
	s1 =	sadd.s32 $0xFFFFFFE7, s21;
	[tilespmem:v36+s3+$0x0] =	vst.idx.add.f32.msk $0xffff, v22;
	v22 =	vor.u32 v4, v33  }
0x2ed: {  	s23 =	sadd.s32 $0xFFFFFFE4, s21;
	v49 =	vmov s22;
	v51 =	vmov s1;
	v23 =	vld [tilespmem:s10+$0x30]  }
0x2ee: {  	v37 =	vmov s23;
	v41 =	vld [tilespmem:s2+$0xFFFFFF80];
	v35 =	vand.u32 $0xFFFFFFFE, v49;
	v30 =	vor.u32 v5, v34  }
0x2ef: {  	v24 =	vor.u32 v6, v24;
	v35 =	vbroadcast v35, $0x0;
	v25 =	vmul.f32 v25, v21;
	v28 =	vld [tilespmem:s10+$0xFFFFFF20]  }
0x2f0: {  	v37 =	vand.u32 $0xFFFFFFFC, v37;
	v42 =	vld [tilespmem:s2+$0x80]  }
0x2f1: {  	s24 =	sadd.s32 $0xFFFFFFE5, s21;
	v26 =	vor.u32 v5, v29;
	v36 =	vmul.f32 v50, v31;
	[tilespmem:v22+s3+$0x0] =	vst.idx.add.f32.msk $0xffff, v25;
	v22 =	vbroadcast v37, $0x0  }
0x2f2: {  	v38 =	vmov s24;
	v53 =	vld.idx.msk [tilespmem:v51+s30+$0x0], $0xffff;
	v23 =	vmul.f32 v23, v27  }
0x2f3: {  	[tilespmem:v30+s3+$0x0] =	vst.idx.add.f32.msk $0xffff, v36;
	v25 =	vand.u32 $0xFFFFFFFD, v38  }
0x2f4: {  	v28 =	vmul.f32 v28, v32;
	v25 =	vbroadcast v25, $0x0;
	[tilespmem:v24+s3+$0x0] =	vst.idx.add.f32.msk $0xffff, v23  }
0x2f5: {  	v23 =	vld.idx.msk [tilespmem:v35+s30+$0x0], $0xffff  }
0x2f6: {  	[tilespmem:v26+s3+$0x0] =	vst.idx.add.f32.msk $0xffff, v28  }
0x2f7: {  	v26 =	vld.idx.msk [tilespmem:v22+s30+$0x0], $0xffff  }
0x2f8: {  	v27 =	vld [tilespmem:s10+$0xA0]  }
0x2f9: {  	v24 =	vld.idx.msk [tilespmem:v35+s31+$0x0], $0xffff  }
0x2fa: {  	v52 =	vld.idx.msk [tilespmem:v25+s30+$0x0], $0xffff;
	v28 =	vshll.u32 v23, $0x7  }
0x2fb: {  	v22 =	vld.idx.msk [tilespmem:v22+s31+$0x0], $0xffff;
	v28 =	vand.u32 $0x7F80, v28  }
0x2fc: {  	v23 =	vld.idx.msk [tilespmem:v25+s31+$0x0], $0xffff;
	v25 =	vshll.u32 v26, $0x7;
	v26 =	vor.u32 v2, v28  }
0x2fd: {  	v38 =	vshll.u32 v53, $0x7;
	v55 =	vand.u32 $0x7F80, v25;
	v25 =	vld [tilespmem:s2+$0xFFFFFF00]  }
0x2fe: {  	v39 =	vor.u32 v5, v33;
	v30 =	vld.idx.msk [tilespmem:v51+s31+$0x0], $0xffff;
	v44 =	vand.u32 $0x7F80, v38  }
0x2ff: {  	v47 =	vld [tilespmem:s10+$0xFFFFFFB0];
	v35 =	vmul.f32 v54, v24;
	v36 =	vshll.u32 v52, $0x7;
	v40 =	vor.u32 v2, v55  }
0x300: {  	v45 =	vld [tilespmem:s10+$0xFFFFFF30];
	v38 =	vor.u32 v2, v44;
	v36 =	vand.u32 $0x7F80, v36  }
0x301: {  	v27 =	vmul.f32 v27, v21;
	v43 =	vor.u32 v2, v36;
	[tilespmem:v26+s3+$0x0] =	vst.idx.add.f32.msk $0xffff, v35  }
0x302: {  	v25 =	vmul.f32 v25, v22;
	v26 =	vld [tilespmem:s2+$0x10]  }
0x303: {  	[tilespmem:v39+s3+$0x0] =	vst.idx.add.f32.msk $0xffff, v27;
	v27 =	vmul.f32 v42, v30  }
0x304: {  	v56 =	vmul.f32 v41, v23;
	[tilespmem:v40+s3+$0x0] =	vst.idx.add.f32.msk $0xffff, v25;
	v25 =	vor.u32 v4, v28  }
0x305: {  	[tilespmem:v38+s3+$0x0] =	vst.idx.add.f32.msk $0xffff, v27  }
0x306: {  	[tilespmem:v43+s3+$0x0] =	vst.idx.add.f32.msk $0xffff, v56  }
0x307: {  	v57 =	vld [tilespmem:s2+$0xFFFFFF10];
	v26 =	vmul.f32 v26, v24  }
0x308: {  	v58 =	vld [tilespmem:s2+$0xFFFFFF90]  }
0x309: {  	v59 =	vor.u32 v4, v55;
	[tilespmem:v25+s3+$0x0] =	vst.idx.add.f32.msk $0xffff, v26  }
0x30a: {  	v60 =	vor.u32 v4, v36;
	v61 =	vld [tilespmem:s2+$0x20]  }
0x30b: {  	v31 =	vmul.f32 v47, v31;
	v32 =	vmul.f32 v45, v32;
	v62 =	vld [tilespmem:s2+$0x90]  }
0x30c: {  	v46 =	vor.u32 v5, v28;
	v26 =	vor.u32 v6, v29;
	v29 =	vmul.f32 v57, v22  }
0x30d: {  	v27 =	vor.u32 v6, v33;
	v38 =	vor.u32 v4, v44;
	v40 =	vld [tilespmem:s10+$0xB0];
	v48 =	vmul.f32 v58, v23  }
0x30e: {  	v33 =	vor.u32 v5, v36;
	v37 =	vor.u32 v6, v36;
	[tilespmem:v59+s3+$0x0] =	vst.idx.add.f32.msk $0xffff, v29  }
0x30f: {  	v36 =	vor.u32 v6, v44;
	[tilespmem:v60+s3+$0x0] =	vst.idx.add.f32.msk $0xffff, v48;
	v42 =	vmul.f32 v61, v24  }
0x310: {  	v35 =	vor.u32 v6, v55;
	v41 =	vmul.f32 v62, v30;
	v25 =	vor.u32 v6, v34;
	v39 =	vld [tilespmem:s2+$0xFFFFFF20]  }
0x311: {  	s11 =	simm.s32 $0x4;
	s10 =	smov.u32 s2;
	v34 =	vor.u32 v5, v55;
	v29 =	vor.u32 v5, v44;
	[tilespmem:v46+s3+$0x0] =	vst.idx.add.f32.msk $0xffff, v42  }
.LBB2_18:
0x312: {  	s1 =	sadd.s32 s11, s5;
	s11 =	sadd.s32 $0x4, s11;
	v42 =	vld [tilespmem:s2+$0x30];
	v40 =	vmul.f32 v40, v21;
	v21 =	vmov v30  }
0x313: {  	s7 =	sadd.s32 $0xFFFFFFE4, s1;
	s16 =	sadd.s32 $0xFFFFFFE6, s1;
	p1 =	slt.u32 s11, $0x1C;
	[tilespmem:v38+s3+$0x0] =	vst.idx.add.f32.msk $0xffff, v41  }
0x314: {  	v28 =	vor.u32 v6, v28;
	v30 =	vmov s7;
	s7 =	sadd.s32 $0xFFFFFFE5, s1;
	v38 =	vmov s16;
	s1 =	sadd.s32 $0xFFFFFFE7, s1;
	v41 =	vld [tilespmem:s2+$0xFFFFFFA0]  }
0x315: {  	v30 =	vand.u32 $0xFFFFFFFC, v30;
	v43 =	vmov s7;
	v38 =	vand.u32 $0xFFFFFFFE, v38;
	v44 =	vld [tilespmem:s2+$0xA0]  }
0x316: {  	v30 =	vbroadcast v30, $0x0;
	v43 =	vand.u32 $0xFFFFFFFD, v43;
	v38 =	vbroadcast v38, $0x0;
	[tilespmem:v26+s3+$0x0] =	vst.idx.add.f32.msk $0xffff, v32;
	v26 =	vmovc v35  }
0x317: {  	v35 =	vmov s1;
	v32 =	vbroadcast v43, $0x0;
	v24 =	vmul.f32 v42, v24;
	[tilespmem:v25+s3+$0x0] =	vst.idx.add.f32.msk $0xffff, v31;
	v25 =	vmovc v37  }
0x318: {  	v31 =	vmul.f32 v39, v22;
	[tilespmem:v27+s3+$0x0] =	vst.idx.add.f32.msk $0xffff, v40;
	v27 =	vmov v36  }
0x319: {  	v36 =	vmul.f32 v41, v23;
	[tilespmem:v28+s3+$0x0] =	vst.idx.add.f32.msk $0xffff, v24  }
0x31a: {  	[tilespmem:v34+s3+$0x0] =	vst.idx.add.f32.msk $0xffff, v31;
	v31 =	vmul.f32 v44, v21  }
0x31b: {  	[tilespmem:v33+s3+$0x0] =	vst.idx.add.f32.msk $0xffff, v36  }
0x31c: {  	v28 =	vld.idx.msk [tilespmem:v38+s30+$0x0], $0xffff  }
0x31d: {  	v33 =	vld.idx.msk [tilespmem:v30+s30+$0x0], $0xffff  }
0x31e: {  	v34 =	vld.idx.msk [tilespmem:v32+s30+$0x0], $0xffff  }
0x31f: {  	v36 =	vld.idx.msk [tilespmem:v35+s30+$0x0], $0xffff  }
0x320: {  	v39 =	vld.idx.msk [tilespmem:v30+s31+$0x0], $0xffff  }
0x321: {  	s2 =	sadd.s32 $0x200, s2;
	v24 =	vld.idx.msk [tilespmem:v38+s31+$0x0], $0xffff  }
0x322: {  	v28 =	vshll.u32 v28, $0x7;
	v37 =	vld [tilespmem:s2+$0x0]  }
0x323: {  	v30 =	vshll.u32 v33, $0x7;
	v28 =	vand.u32 $0x7F80, v28;
	v42 =	vld.idx.msk [tilespmem:v32+s31+$0x0], $0xffff  }
0x324: {  	v32 =	vand.u32 $0x7F80, v30;
	v33 =	vshll.u32 v34, $0x7;
	v40 =	vor.u32 v2, v28;
	v30 =	vld.idx.msk [tilespmem:v35+s31+$0x0], $0xffff  }
0x325: {  	v43 =	vor.u32 v2, v32;
	v44 =	vand.u32 $0x7F80, v33;
	v33 =	vshll.u32 v36, $0x7;
	v41 =	vld [tilespmem:s2+$0xFFFFFF00]  }
0x326: {  	v45 =	vor.u32 v4, v32;
	v47 =	vor.u32 v2, v44;
	v36 =	vand.u32 $0x7F80, v33;
	v46 =	vld [tilespmem:s2+$0xFFFFFF80]  }
0x327: {  	v48 =	vor.u32 v4, v44;
	v50 =	vor.u32 v2, v36;
	v37 =	vmul.f32 v37, v24;
	v49 =	vld [tilespmem:s2+$0x80]  }
0x328: {  	v34 =	vor.u32 v5, v32;
	v33 =	vor.u32 v5, v44;
	v38 =	vor.u32 v4, v36;
	v51 =	vld [tilespmem:s10+$0xFFFFFF30]  }
0x329: {  	v35 =	vor.u32 v6, v32;
	v32 =	vor.u32 v5, v36;
	[tilespmem:v40+s3+$0x0] =	vst.idx.add.f32.msk $0xffff, v37  }
0x32a: {  	v36 =	vor.u32 v6, v36;
	v37 =	vor.u32 v6, v44;
	v40 =	vmul.f32 v41, v39;
	v41 =	vld [tilespmem:s2+$0x10]  }
0x32b: {  	v44 =	vmul.f32 v46, v42;
	[tilespmem:v29+s3+$0x0] =	vst.idx.add.f32.msk $0xffff, v31;
	v29 =	vmov v32  }
0x32c: {  	v31 =	vor.u32 v4, v28;
	[tilespmem:v43+s3+$0x0] =	vst.idx.add.f32.msk $0xffff, v40;
	v40 =	vmul.f32 v49, v30  }
0x32d: {  	[tilespmem:v47+s3+$0x0] =	vst.idx.add.f32.msk $0xffff, v44;
	v32 =	vmul.f32 v51, v22;
	v22 =	vmov v39  }
0x32e: {  	[tilespmem:v50+s3+$0x0] =	vst.idx.add.f32.msk $0xffff, v40  }
0x32f: {  	v39 =	vld [tilespmem:s2+$0xFFFFFF10];
	v40 =	vmul.f32 v41, v24  }
0x330: {  	v41 =	vld [tilespmem:s2+$0xFFFFFF90]  }
0x331: {  	[tilespmem:v31+s3+$0x0] =	vst.idx.add.f32.msk $0xffff, v40  }
0x332: {  	v31 =	vld [tilespmem:s2+$0x20]  }
0x333: {  	v43 =	vld [tilespmem:s2+$0x90]  }
0x334: {  	v44 =	vor.u32 v5, v28;
	v39 =	vmul.f32 v39, v22;
	v46 =	vld [tilespmem:s10+$0xFFFFFFB0]  }
.Ltmp17:
0x335: {  	v41 =	vmul.f32 v41, v42;
	v40 =	vld [tilespmem:s10+$0xB0];
	s10 =	smov.u32 s2;
	(pc) =	sbr.rel @p1 .LBB2_18-.Ltmp17, $4  }
0x336: {  	[tilespmem:v45+s3+$0x0] =	vst.idx.add.f32.msk $0xffff, v39  }
0x337: {  	[tilespmem:v48+s3+$0x0] =	vst.idx.add.f32.msk $0xffff, v41;
	v31 =	vmul.f32 v31, v24  }
0x338: {  	v39 =	vld [tilespmem:s2+$0xFFFFFF20];
	v41 =	vmul.f32 v43, v30  }
0x339: {  	[tilespmem:v44+s3+$0x0] =	vst.idx.add.f32.msk $0xffff, v31;
	v31 =	vmul.f32 v46, v23;
	v23 =	vmov v42  }
0x33a: {  	_ =	sdelay $0x2  }
0x33b: {  	v42 =	vld [tilespmem:s2+$0xFFFFFFA0]  }
0x33c: {  	[tilespmem:v38+s3+$0x0] =	vst.idx.add.f32.msk $0xffff, v41  }
0x33d: {  	v38 =	vld [tilespmem:s2+$0xA0];
	_ =	sdelay $0x1  }
0x33e: {  	v39 =	vmul.f32 v39, v22  }
0x33f: {  	v59 =	vld [tilespmem:s2+$0x30]  }
0x340: {  	v42 =	vmul.f32 v42, v23;
	[tilespmem:v34+s3+$0x0] =	vst.idx.add.f32.msk $0xffff, v39  }
0x341: {  	v60 =	vmul.f32 v38, v30;
	v61 =	vld [tilespmem:s10+$0xFFFFFF30]  }
0x342: {  	[tilespmem:v33+s3+$0x0] =	vst.idx.add.f32.msk $0xffff, v42  }
0x343: {  	[tilespmem:v29+s3+$0x0] =	vst.idx.add.f32.msk $0xffff, v60  }
0x344: {  	v28 =	vor.u32 v6, v28;
	v62 =	vld [tilespmem:s10+$0xFFFFFFB0]  }
0x345: {  	v34 =	vld [tilespmem:s10+$0xB0]  }
0x346: {  	v21 =	vmul.f32 v40, v21;
	[tilespmem:v26+s3+$0x0] =	vst.idx.add.f32.msk $0xffff, v32  }
0x347: {  	[tilespmem:v25+s3+$0x0] =	vst.idx.add.f32.msk $0xffff, v31;
	v24 =	vmul.f32 v59, v24  }
.Ltmp18:
0x348: {  	[tilespmem:v27+s3+$0x0] =	vst.idx.add.f32.msk $0xffff, v21;
	v21 =	vmul.f32 v61, v22;
	(pc) =	sbr.rel .LBB2_20-.Ltmp18, $4  }
0x349: {  	[tilespmem:v28+s3+$0x0] =	vst.idx.add.f32.msk $0xffff, v24;
	v22 =	vmul.f32 v62, v23  }
0x34a: {  	[tilespmem:v35+s3+$0x0] =	vst.idx.add.f32.msk $0xffff, v21;
	v23 =	vmul.f32 v34, v30  }
0x34b: {  	[tilespmem:v37+s3+$0x0] =	vst.idx.add.f32.msk $0xffff, v22  }
0x34c: {  	[tilespmem:v36+s3+$0x0] =	vst.idx.add.f32.msk $0xffff, v23  }
.LBB2_23:
0x34d: {  	s0 =	sadd.s32 $0x1F, s12  }
0x34e: {  	s1 =	sand.u32 $0x1F, s0  }
0x34f: {  	s24 =	sshra.s32 s0, $0x1F;
	p1 =	slt.s32 s0, $0x1;
	p0 =	sne.s32 s1, $0x0  }
0x350: {  	s1 =	sshrl.u32 s24, $0x1B;
	p0 =	por !p1, !p0  }
0x351: {  	s0 =	sadd.s32 s1, s0;
	s1 =	simm.s32 $0x1;
	p0 =	por !p0, !p0  }
0x352: {  	s0 =	sshra.s32 s0, $0x5;
	s1 =	simm.s32 @!p0 $0x0  }
0x353: {  	s13 =	ssub.s32 s0, s1  }
0x354: {  	p1 =	slt.s32 s13, $0x0  }
.Ltmp19:
0x355: {  	_ = 	snop;
	(pc) =	sbr.rel @p1 .LBB2_30-.Ltmp19, $4  }
0x356: {  	[tilespmem:s12+$0xC00] =	vst v14  }
0x357: {  	[tilespmem:s12+$0x1280] =	vst v3  }
0x358: {  	[tilespmem:s12+$0xC10] =	vst v20  }
0x359: {  	[tilespmem:s12+$0x1290] =	vst v3  }
.Ltmp20:
0x35a: {  	(pc) =	sbr.rel .LBB2_25-.Ltmp20, $4  }
0x35b: {  	s1 =	simm.s32 $0xFFFFFFFF  }
0x35c: {  	s1 =	simm.s32 @!p0 $0x0  }
0x35d: {  	s0 =	sadd.s32 s1, s0  }
0x35e: {  	s14 =	simm.s32 $0x0;
	s15 =	simm.s32 $0x0;
	s12 =	sadd.s32 $0x1, s0  }
.LBB2_29:
0x35f: {  	s15 =	sadd.s32 $0x1, s15  }
0x360: {  	p0 =	sne.s32 s15, s12  }
.Ltmp21:
0x361: {  	_ = 	snop;
	(pc) =	sbr.rel @!p0 .LBB2_30-.Ltmp21, $2  }
0x362: {  	_ =	sdelay $0x2  }
0x363: {  	s14 =	sadd.s32 $0x20, s14  }
.LBB2_25:
0x364: {  	p0 =	sge.s32 s15, s13  }
0x365: {  	s0 =	sshll.u32 @!p0 s15, $0x7  }
0x366: {  	s0 =	sshra.s32 @!p0 s0, $0x2  }
0x367: {  	v21 =	vld @!p0 [tilespmem:s0+$0xC00];
	_ =	sdelay $0x4  }
0x368: {  	v21 =	vshra.s32 @!p0 v21, $0x8  }
0x369: {  	s1 =	sand.u32 @!p0 $0x1, s15;
	v22 =	vshll.u32 @!p0 v21, $0x1  }
0x36a: {  	v24 =	vlaneseq.u32 @!p0;
	s2 =	sshll.u32 @!p0 s1, $0x7;
	v23 =	vand.u32 @!p0 $0x7, v21;
	v22 =	vand.u32 @!p0 $0xFFFFFFF0, v22  }
0x36b: {  	[tilespmem:s2+$0x1E00] =	vst @!p0 v21;
	v21 =	vor.u32 @!p0 v23, v22;
	v22 =	vand.u32 @!p0 $0x7, v24;
	v23 =	vshrl.u32 @!p0 v24, $0x3  }
0x36c: {  	v25 =	vld @!p0 [tilespmem:s0+$0xC10];
	v26 =	vperm.xlane @!p0 v21, v22;
	v23 =	vmul.u32 @!p0 $0x8, v23  }
0x36d: {  	v24 =	vor.u32 @!p0 $0x8, v24  }
0x36e: {  	v21 =	vperm.xlane @!p0 v21, v24;
	v26 =	vadd.s32 @!p0 v23, v26;
	_ =	sdelay $0x1  }
0x36f: {  	v21 =	vadd.s32 @!p0 v23, v21  }
0x370: {  	s0 =	sshll.u32 @!p0 s1, $0xD;
	v25 =	vshra.s32 @!p0 v25, $0x8  }
0x371: {  	vm0 =	vmmov @!p0 $0xffff;
	s7 =	simm.s32 @!p0 $0x0;
	s1 =	sadd.s32 @!p0 $0x1, s1;
	s5 =	sadd.s32 @!p0 $0x2000, s0;
	[tilespmem:s2+$0x1E10] =	vst @!p0 v25  }
0x372: {  	[tilespmem:s5], [sflag:s1] =	stream.indirect_vreg.gather @!p0 [hbm4b:s4+s7], $0x80, v26, vm0, $0xb8;
	v63 =	vld [tilespmem:$0x0]  }
0x373: {  	s5 =	sadd.s32 @!p0 $0x2800, s0  }
0x374: {  	[tilespmem:s5], [sflag:s1] =	stream.indirect_vreg.gather @!p0 [hbm4b:s4+s7], $0x80, v21, vm0, $0xb8;
	v63 =	vld [tilespmem:$0x0]  }
0x375: {  	v21 =	vld @!p0 [tilespmem:s2+$0x1E10];
	_ =	sdelay $0x4  }
0x376: {  	v25 =	vshll.u32 @!p0 v21, $0x1  }
0x377: {  	v21 =	vand.u32 @!p0 $0x7, v21;
	v25 =	vand.u32 @!p0 $0xFFFFFFF0, v25  }
0x378: {  	v21 =	vor.u32 @!p0 v21, v25  }
0x379: {  	v22 =	vperm.xlane @!p0 v21, v22;
	_ =	sdelay $0x1  }
0x37a: {  	v21 =	vperm.xlane @!p0 v21, v24;
	v22 =	vadd.s32 @!p0 v23, v22;
	_ =	sdelay $0x1  }
0x37b: {  	v21 =	vadd.s32 @!p0 v23, v21;
	_ =	sdelay $0x1  }
0x37c: {  	s2 =	sadd.s32 @!p0 $0x3000, s0  }
0x37d: {  	[tilespmem:s2], [sflag:s1] =	stream.indirect_vreg.gather @!p0 [hbm4b:s4+s7], $0x80, v22, vm0, $0xb8;
	v63 =	vld [tilespmem:$0x0]  }
0x37e: {  	s0 =	sadd.s32 @!p0 $0x3800, s0  }
0x37f: {  	[tilespmem:s0], [sflag:s1] =	stream.indirect_vreg.gather @!p0 [hbm4b:s4+s7], $0x80, v21, vm0, $0xb8;
	v63 =	vld [tilespmem:$0x0]  }
0x380: {  	p0 =	seq.s32 s15, $0x0  }
.Ltmp22:
0x381: {  	_ = 	snop;
	(pc) =	sbr.rel @p0 .LBB2_29-.Ltmp22, $1  }
0x382: {  	_ =	sdelay $0x3  }
0x383: {  	s0 =	sadd.s32 $0xFFFFFFFC, s14  }
0x384: {  	s1 =	sadd.s32 $0xFFFFFFE4, s0  }
0x385: {  	s2 =	sadd.s32 $0xFFFFFFE6, s0;
	v21 =	vmov s1  }
0x386: {  	s17 =	sadd.s32 $0xFFFFFFFF, s15;
	s18 =	sadd.s32 $0xFFFFFFE7, s0;
	v22 =	vmov s2;
	v21 =	vand.u32 $0xFFFFFFFC, v21  }
0x387: {  	s0 =	sadd.s32 $0xFFFFFFE5, s0;
	s1 =	sand.u32 $0x1, s17;
	v23 =	vbroadcast v21, $0x0;
	v21 =	vand.u32 $0xFFFFFFFE, v22;
	v22 =	vmov s18  }
0x388: {  	s21 =	simm.s32 $0x0;
	v24 =	vmov s0;
	s19 =	sadd.s32 $0x1, s1;
	v25 =	vbroadcast v21, $0x0  }
0x389: {  	s22 =	simm.s32 $0x180;
	s23 =	simm.s32 $0x100;
	_ =	swait.ge [sflag:s19], $0x2000;
	v21 =	vand.u32 $0xFFFFFFFD, v24  }
0x38a: {  	s24 =	simm.s32 $0x80;
	s5 =	simm.s32 $0x0;
	[sflag:s19] =	ssyncset.done $0x0;
	v24 =	vbroadcast v21, $0x0  }
0x38b: {  	s9 =	sadd.s32 $0x0, s14;
	s20 =	sshll.u32 s1, $0xD;
	[sflag:s19] =	ssyncadd.s32 $0xFFFFE000  }
0x38c: {  	s7 =	sand.u32 $0x200, s5;
	s1 =	sand.u32 $0x1800, s21;
	s17 =	sadd.s32 $0x2000, s20;
	v21 =	vld.idx.msk [tilespmem:v22+s26+$0x0], $0xffff  }
0x38d: {  	s0 =	sand.u32 $0x380, s22;
	s2 =	sand.u32 $0x280, s24;
	s1 =	sadd.s32 s1, s17;
	v26 =	vld.idx.msk [tilespmem:v23+s26+$0x0], $0xffff  }
0x38e: {  	s16 =	sadd.s32 s0, s1;
	s0 =	sand.u32 $0x300, s23;
	s2 =	sadd.s32 s2, s1;
	v27 =	vld.idx.msk [tilespmem:v25+s26+$0x0], $0xffff  }
0x38f: {  	v29 =	vld [tilespmem:s16+$0x0];
	s20 =	sadd.s32 s0, s1;
	s0 =	sadd.s32 s7, s1;
	s1 =	sadd.s32 $0xFFFFFFE7, s9  }
0x390: {  	v38 =	vmov s1;
	v28 =	vld.idx.msk [tilespmem:v24+s26+$0x0], $0xffff  }
0x391: {  	v33 =	vld.idx.msk [tilespmem:v25+s28+$0x0], $0xffff;
	v30 =	vshll.u32 v21, $0x8;
	v31 =	vshll.u32 v21, $0x7  }
0x392: {  	v21 =	vld.idx.msk [tilespmem:v22+s28+$0x0], $0xffff;
	v32 =	vshll.u32 v26, $0x8;
	v22 =	vand.u32 $0xF800, v30;
	v30 =	vand.u32 $0x380, v31  }
0x393: {  	v34 =	vld.idx.msk [tilespmem:v24+s28+$0x0], $0xffff;
	v25 =	vshll.u32 v27, $0x7;
	v27 =	vshll.u32 v27, $0x8;
	v22 =	vor.u32 v30, v22  }
0x394: {  	v30 =	vld [tilespmem:s20+$0x0];
	v25 =	vand.u32 $0x380, v25;
	v27 =	vand.u32 $0xF800, v27;
	v37 =	vor.u32 v2, v22  }
0x395: {  	v40 =	vld.idx.msk [tilespmem:v38+s26+$0x0], $0xffff;
	v24 =	vshll.u32 v28, $0x8;
	v28 =	vshll.u32 v28, $0x7;
	v35 =	vor.u32 v25, v27  }
0x396: {  	v25 =	vld [tilespmem:s2+$0x0];
	v24 =	vand.u32 $0xF800, v24;
	v27 =	vand.u32 $0x380, v28;
	v28 =	vor.u32 v2, v35  }
0x397: {  	v31 =	vld.idx.msk [tilespmem:v23+s28+$0x0], $0xffff;
	v23 =	vshll.u32 v26, $0x7;
	v36 =	vor.u32 v27, v24;
	v24 =	vmul.f32 v29, v21  }
0x398: {  	v26 =	vld [tilespmem:s0+$0x0];
	v23 =	vand.u32 $0x380, v23;
	v27 =	vand.u32 $0xF800, v32;
	v29 =	vor.u32 v2, v36  }
0x399: {  	s10 =	sadd.s32 $0xFFFFFFE4, s9;
	v32 =	vor.u32 v23, v27;
	v23 =	vmul.f32 v30, v33;
	[tilespmem:v37+s29+$0x0] =	vst.idx.add.f32.msk $0xffff, v24  }
0x39a: {  	v30 =	vmov s10;
	s10 =	simm.s32 $0x400;
	v27 =	vld [tilespmem:s16+$0x10]  }
0x39b: {  	s21 =	simm.s32 $0x280;
	s18 =	sand.u32 $0x1800, s10;
	v25 =	vmul.f32 v25, v34;
	[tilespmem:v28+s29+$0x0] =	vst.idx.add.f32.msk $0xffff, v23  }
0x39c: {  	s22 =	sand.u32 $0x280, s21;
	s19 =	simm.s32 $0x200;
	v24 =	vor.u32 v2, v32;
	s1 =	sadd.s32 s18, s17;
	v23 =	vld [tilespmem:s20+$0x10]  }
0x39d: {  	s23 =	simm.s32 $0x300;
	s5 =	sand.u32 $0x200, s19;
	s19 =	sadd.s32 s22, s1;
	[tilespmem:v29+s29+$0x0] =	vst.idx.add.f32.msk $0xffff, v25  }
0x39e: {  	v28 =	vor.u32 v4, v22;
	s18 =	sadd.s32 s5, s1;
	s5 =	sand.u32 $0x300, s23;
	v42 =	vld [tilespmem:s19+$0x0]  }
0x39f: {  	s11 =	sadd.s32 $0xFFFFFFE6, s9;
	s7 =	sadd.s32 $0xFFFFFFE5, s9;
	v26 =	vmul.f32 v26, v31;
	s9 =	sadd.s32 s5, s1;
	v29 =	vld [tilespmem:s2+$0x10]  }
0x3a0: {  	v25 =	vor.u32 v4, v35;
	v59 =	vld [tilespmem:s9+$0x0]  }
0x3a1: {  	[tilespmem:v24+s29+$0x0] =	vst.idx.add.f32.msk $0xffff, v26;
	v24 =	vmul.f32 v27, v21  }
0x3a2: {  	v26 =	vld [tilespmem:s0+$0x10];
	v27 =	vor.u32 v4, v36  }
0x3a3: {  	v23 =	vmul.f32 v23, v33;
	[tilespmem:v28+s29+$0x0] =	vst.idx.add.f32.msk $0xffff, v24  }
0x3a4: {  	v24 =	vor.u32 v4, v32;
	v28 =	vld [tilespmem:s16+$0x20]  }
0x3a5: {  	v29 =	vmul.f32 v29, v34;
	[tilespmem:v25+s29+$0x0] =	vst.idx.add.f32.msk $0xffff, v23  }
0x3a6: {  	v23 =	vor.u32 v5, v22;
	v25 =	vld [tilespmem:s20+$0x20]  }
0x3a7: {  	v26 =	vmul.f32 v26, v31;
	[tilespmem:v27+s29+$0x0] =	vst.idx.add.f32.msk $0xffff, v29  }
0x3a8: {  	v27 =	vor.u32 v5, v35;
	v29 =	vld [tilespmem:s2+$0x20]  }
0x3a9: {  	[tilespmem:v24+s29+$0x0] =	vst.idx.add.f32.msk $0xffff, v26;
	v24 =	vmul.f32 v28, v21  }
0x3aa: {  	v26 =	vld [tilespmem:s0+$0x20];
	v28 =	vor.u32 v5, v36  }
0x3ab: {  	[tilespmem:v23+s29+$0x0] =	vst.idx.add.f32.msk $0xffff, v24;
	v23 =	vmul.f32 v25, v33  }
0x3ac: {  	v24 =	vor.u32 v5, v32;
	v25 =	vld [tilespmem:s16+$0x30]  }
0x3ad: {  	v29 =	vmul.f32 v29, v34;
	[tilespmem:v27+s29+$0x0] =	vst.idx.add.f32.msk $0xffff, v23  }
0x3ae: {  	v23 =	vor.u32 v6, v22;
	v27 =	vld [tilespmem:s20+$0x30]  }
0x3af: {  	v26 =	vmul.f32 v26, v31;
	[tilespmem:v28+s29+$0x0] =	vst.idx.add.f32.msk $0xffff, v29  }
0x3b0: {  	v28 =	vor.u32 v6, v35;
	v29 =	vld [tilespmem:s2+$0x30]  }
0x3b1: {  	[tilespmem:v24+s29+$0x0] =	vst.idx.add.f32.msk $0xffff, v26;
	v24 =	vmul.f32 v25, v21  }
0x3b2: {  	v26 =	vor.u32 v6, v36;
	v25 =	vld [tilespmem:s0+$0x30]  }
0x3b3: {  	[tilespmem:v23+s29+$0x0] =	vst.idx.add.f32.msk $0xffff, v24;
	v23 =	vmul.f32 v27, v33  }
0x3b4: {  	v24 =	vor.u32 v6, v32;
	v27 =	vld [tilespmem:s16+$0x40]  }
0x3b5: {  	v29 =	vmul.f32 v29, v34;
	[tilespmem:v28+s29+$0x0] =	vst.idx.add.f32.msk $0xffff, v23  }
0x3b6: {  	v23 =	vor.u32 v7, v22;
	v28 =	vld [tilespmem:s20+$0x40]  }
0x3b7: {  	v25 =	vmul.f32 v25, v31;
	[tilespmem:v26+s29+$0x0] =	vst.idx.add.f32.msk $0xffff, v29  }
0x3b8: {  	v26 =	vor.u32 v7, v35;
	v29 =	vld [tilespmem:s2+$0x40]  }
0x3b9: {  	[tilespmem:v24+s29+$0x0] =	vst.idx.add.f32.msk $0xffff, v25;
	v24 =	vmul.f32 v27, v21  }
0x3ba: {  	v25 =	vld [tilespmem:s0+$0x40];
	v27 =	vor.u32 v7, v36  }
0x3bb: {  	[tilespmem:v23+s29+$0x0] =	vst.idx.add.f32.msk $0xffff, v24;
	v23 =	vmul.f32 v28, v33  }
0x3bc: {  	v24 =	vor.u32 v7, v32;
	v28 =	vld [tilespmem:s16+$0x50]  }
0x3bd: {  	v29 =	vmul.f32 v29, v34;
	[tilespmem:v26+s29+$0x0] =	vst.idx.add.f32.msk $0xffff, v23  }
0x3be: {  	v23 =	vor.u32 v8, v22;
	v26 =	vld [tilespmem:s20+$0x50]  }
0x3bf: {  	v25 =	vmul.f32 v25, v31;
	[tilespmem:v27+s29+$0x0] =	vst.idx.add.f32.msk $0xffff, v29  }
0x3c0: {  	v27 =	vor.u32 v8, v35;
	v29 =	vld [tilespmem:s2+$0x50]  }
0x3c1: {  	[tilespmem:v24+s29+$0x0] =	vst.idx.add.f32.msk $0xffff, v25;
	v24 =	vmul.f32 v28, v21  }
0x3c2: {  	v25 =	vld [tilespmem:s0+$0x50];
	v28 =	vor.u32 v8, v36  }
0x3c3: {  	[tilespmem:v23+s29+$0x0] =	vst.idx.add.f32.msk $0xffff, v24;
	v23 =	vmul.f32 v26, v33  }
0x3c4: {  	v24 =	vor.u32 v8, v32;
	v26 =	vld [tilespmem:s16+$0x60]  }
0x3c5: {  	v29 =	vmul.f32 v29, v34;
	[tilespmem:v27+s29+$0x0] =	vst.idx.add.f32.msk $0xffff, v23  }
0x3c6: {  	v23 =	vor.u32 v9, v22;
	v27 =	vld [tilespmem:s20+$0x60]  }
0x3c7: {  	v25 =	vmul.f32 v25, v31;
	[tilespmem:v28+s29+$0x0] =	vst.idx.add.f32.msk $0xffff, v29  }
0x3c8: {  	v28 =	vor.u32 v9, v35;
	v29 =	vld [tilespmem:s2+$0x60]  }
0x3c9: {  	[tilespmem:v24+s29+$0x0] =	vst.idx.add.f32.msk $0xffff, v25;
	v24 =	vmul.f32 v26, v21  }
0x3ca: {  	v25 =	vld [tilespmem:s0+$0x60];
	v26 =	vor.u32 v9, v36  }
0x3cb: {  	[tilespmem:v23+s29+$0x0] =	vst.idx.add.f32.msk $0xffff, v24;
	v23 =	vmul.f32 v27, v33  }
0x3cc: {  	v24 =	vor.u32 v9, v32;
	v27 =	vld [tilespmem:s16+$0x70]  }
0x3cd: {  	v29 =	vmul.f32 v29, v34;
	[tilespmem:v28+s29+$0x0] =	vst.idx.add.f32.msk $0xffff, v23  }
0x3ce: {  	v23 =	vor.u32 v10, v22;
	v28 =	vld [tilespmem:s20+$0x70]  }
0x3cf: {  	v25 =	vmul.f32 v25, v31;
	[tilespmem:v26+s29+$0x0] =	vst.idx.add.f32.msk $0xffff, v29  }
0x3d0: {  	v29 =	vor.u32 v10, v35;
	v26 =	vld [tilespmem:s2+$0x70]  }
0x3d1: {  	[tilespmem:v24+s29+$0x0] =	vst.idx.add.f32.msk $0xffff, v25;
	v24 =	vmul.f32 v27, v21  }
0x3d2: {  	v25 =	vld [tilespmem:s0+$0x70];
	v27 =	vor.u32 v10, v36  }
0x3d3: {  	[tilespmem:v23+s29+$0x0] =	vst.idx.add.f32.msk $0xffff, v24;
	v23 =	vmul.f32 v28, v33  }
0x3d4: {  	v24 =	vor.u32 v10, v32;
	v28 =	vld [tilespmem:s16+$0x400]  }
0x3d5: {  	v26 =	vmul.f32 v26, v34;
	[tilespmem:v29+s29+$0x0] =	vst.idx.add.f32.msk $0xffff, v23  }
0x3d6: {  	v23 =	vor.u32 v11, v22;
	v29 =	vld [tilespmem:s20+$0x400]  }
0x3d7: {  	v25 =	vmul.f32 v25, v31;
	[tilespmem:v27+s29+$0x0] =	vst.idx.add.f32.msk $0xffff, v26  }
0x3d8: {  	v27 =	vor.u32 v11, v35;
	v26 =	vld [tilespmem:s2+$0x400]  }
0x3d9: {  	[tilespmem:v24+s29+$0x0] =	vst.idx.add.f32.msk $0xffff, v25;
	v24 =	vmul.f32 v28, v21  }
0x3da: {  	v25 =	vld [tilespmem:s0+$0x400];
	v28 =	vor.u32 v11, v36  }
0x3db: {  	[tilespmem:v23+s29+$0x0] =	vst.idx.add.f32.msk $0xffff, v24;
	v23 =	vmul.f32 v29, v33  }
0x3dc: {  	v24 =	vor.u32 v11, v32;
	v29 =	vld [tilespmem:s16+$0x410]  }
0x3dd: {  	v26 =	vmul.f32 v26, v34;
	[tilespmem:v27+s29+$0x0] =	vst.idx.add.f32.msk $0xffff, v23  }
0x3de: {  	v23 =	vor.u32 v12, v22;
	v27 =	vld [tilespmem:s20+$0x410]  }
0x3df: {  	v25 =	vmul.f32 v25, v31;
	[tilespmem:v28+s29+$0x0] =	vst.idx.add.f32.msk $0xffff, v26  }
0x3e0: {  	v28 =	vor.u32 v12, v35;
	v26 =	vld [tilespmem:s2+$0x410]  }
0x3e1: {  	[tilespmem:v24+s29+$0x0] =	vst.idx.add.f32.msk $0xffff, v25;
	v24 =	vmul.f32 v29, v21  }
0x3e2: {  	v25 =	vld [tilespmem:s0+$0x410];
	v29 =	vor.u32 v12, v36  }
0x3e3: {  	[tilespmem:v23+s29+$0x0] =	vst.idx.add.f32.msk $0xffff, v24;
	v23 =	vmul.f32 v27, v33  }
0x3e4: {  	v24 =	vor.u32 v12, v32;
	v27 =	vld [tilespmem:s16+$0x420]  }
0x3e5: {  	v26 =	vmul.f32 v26, v34;
	[tilespmem:v28+s29+$0x0] =	vst.idx.add.f32.msk $0xffff, v23  }
0x3e6: {  	v23 =	vor.u32 v13, v22;
	v28 =	vld [tilespmem:s20+$0x420]  }
0x3e7: {  	v25 =	vmul.f32 v25, v31;
	[tilespmem:v29+s29+$0x0] =	vst.idx.add.f32.msk $0xffff, v26  }
0x3e8: {  	v29 =	vor.u32 v13, v35;
	v26 =	vld [tilespmem:s2+$0x420]  }
0x3e9: {  	[tilespmem:v24+s29+$0x0] =	vst.idx.add.f32.msk $0xffff, v25;
	v24 =	vmul.f32 v27, v21  }
0x3ea: {  	v25 =	vld [tilespmem:s0+$0x420];
	v27 =	vor.u32 v13, v36  }
0x3eb: {  	[tilespmem:v23+s29+$0x0] =	vst.idx.add.f32.msk $0xffff, v24;
	v23 =	vmul.f32 v28, v33  }
0x3ec: {  	v24 =	vor.u32 v13, v32;
	v28 =	vld [tilespmem:s16+$0x430]  }
0x3ed: {  	v26 =	vmul.f32 v26, v34;
	[tilespmem:v29+s29+$0x0] =	vst.idx.add.f32.msk $0xffff, v23  }
0x3ee: {  	v23 =	vor.u32 v15, v22;
	v29 =	vld [tilespmem:s20+$0x430]  }
0x3ef: {  	v25 =	vmul.f32 v25, v31;
	[tilespmem:v27+s29+$0x0] =	vst.idx.add.f32.msk $0xffff, v26  }
0x3f0: {  	v27 =	vor.u32 v15, v35;
	v26 =	vld [tilespmem:s2+$0x430]  }
0x3f1: {  	[tilespmem:v24+s29+$0x0] =	vst.idx.add.f32.msk $0xffff, v25;
	v24 =	vmul.f32 v28, v21  }
0x3f2: {  	v25 =	vld [tilespmem:s0+$0x430];
	v28 =	vor.u32 v15, v36  }
0x3f3: {  	[tilespmem:v23+s29+$0x0] =	vst.idx.add.f32.msk $0xffff, v24;
	v23 =	vmul.f32 v29, v33  }
0x3f4: {  	v24 =	vor.u32 v15, v32;
	v29 =	vld [tilespmem:s16+$0x440]  }
0x3f5: {  	v26 =	vmul.f32 v26, v34;
	[tilespmem:v27+s29+$0x0] =	vst.idx.add.f32.msk $0xffff, v23  }
0x3f6: {  	v27 =	vor.u32 v16, v22;
	v23 =	vld [tilespmem:s20+$0x440]  }
0x3f7: {  	v25 =	vmul.f32 v25, v31;
	[tilespmem:v28+s29+$0x0] =	vst.idx.add.f32.msk $0xffff, v26  }
0x3f8: {  	v28 =	vor.u32 v16, v35;
	v26 =	vld [tilespmem:s2+$0x440]  }
0x3f9: {  	[tilespmem:v24+s29+$0x0] =	vst.idx.add.f32.msk $0xffff, v25;
	v25 =	vmul.f32 v29, v21  }
0x3fa: {  	v24 =	vor.u32 v16, v36;
	v29 =	vld [tilespmem:s0+$0x440]  }
0x3fb: {  	v23 =	vmul.f32 v23, v33;
	[tilespmem:v27+s29+$0x0] =	vst.idx.add.f32.msk $0xffff, v25  }
0x3fc: {  	v25 =	vor.u32 v16, v32;
	v54 =	vld [tilespmem:s16+$0x450]  }
0x3fd: {  	v30 =	vand.u32 $0xFFFFFFFC, v30;
	v27 =	vmov s7;
	v26 =	vmul.f32 v26, v34;
	[tilespmem:v28+s29+$0x0] =	vst.idx.add.f32.msk $0xffff, v23  }
0x3fe: {  	v27 =	vand.u32 $0xFFFFFFFD, v27;
	v28 =	vbroadcast v30, $0x0;
	v30 =	vld [tilespmem:s20+$0x450]  }
0x3ff: {  	v23 =	vmov s11;
	v27 =	vbroadcast v27, $0x0;
	s11 =	simm.s32 $0x380;
	v29 =	vmul.f32 v29, v31;
	[tilespmem:v24+s29+$0x0] =	vst.idx.add.f32.msk $0xffff, v26  }
0x400: {  	v23 =	vand.u32 $0xFFFFFFFE, v23;
	s24 =	sand.u32 $0x380, s11;
	v24 =	vld [tilespmem:s2+$0x450]  }
0x401: {  	v26 =	vbroadcast v23, $0x0;
	s5 =	sadd.s32 s24, s1;
	[tilespmem:v25+s29+$0x0] =	vst.idx.add.f32.msk $0xffff, v29  }
0x402: {  	v44 =	vld [tilespmem:s5+$0x0]  }
0x403: {  	v60 =	vor.u32 v17, v35;
	v29 =	vld [tilespmem:s0+$0x450]  }
0x404: {  	v25 =	vor.u32 v17, v36;
	v58 =	vld.idx.msk [tilespmem:v28+s26+$0x0], $0xffff  }
0x405: {  	v23 =	vld.idx.msk [tilespmem:v27+s28+$0x0], $0xffff  }
0x406: {  	v39 =	vld.idx.msk [tilespmem:v27+s26+$0x0], $0xffff;
	v48 =	vmul.f32 v30, v33  }
0x407: {  	v24 =	vmul.f32 v24, v34;
	v27 =	vld.idx.msk [tilespmem:v26+s26+$0x0], $0xffff  }
0x408: {  	[tilespmem:v60+s29+$0x0] =	vst.idx.add.f32.msk $0xffff, v48  }
0x409: {  	v41 =	vor.u32 v17, v32;
	[tilespmem:v25+s29+$0x0] =	vst.idx.add.f32.msk $0xffff, v24  }
0x40a: {  	v24 =	vld.idx.msk [tilespmem:v28+s28+$0x0], $0xffff  }
0x40b: {  	v51 =	vld [tilespmem:s20+$0x460]  }
0x40c: {  	v29 =	vmul.f32 v29, v31;
	v47 =	vld [tilespmem:s2+$0x460]  }
0x40d: {  	v62 =	vshll.u32 v40, $0x8;
	v52 =	vor.u32 v18, v35;
	v28 =	vld [tilespmem:s18+$0x0]  }
0x40e: {  	v50 =	vor.u32 v18, v36;
	v25 =	vshll.u32 v58, $0x8;
	v37 =	vshll.u32 v58, $0x7;
	[tilespmem:v41+s29+$0x0] =	vst.idx.add.f32.msk $0xffff, v29  }
0x40f: {  	v40 =	vshll.u32 v40, $0x7;
	v37 =	vand.u32 $0x380, v37;
	v43 =	vand.u32 $0xF800, v25;
	v25 =	vld.idx.msk [tilespmem:v26+s28+$0x0], $0xffff  }
0x410: {  	v61 =	vld [tilespmem:s0+$0x460];
	v26 =	vor.u32 v37, v43;
	v45 =	vshll.u32 v27, $0x7;
	v56 =	vmul.f32 v51, v33  }
0x411: {  	v29 =	vld.idx.msk [tilespmem:v38+s28+$0x0], $0xffff;
	v27 =	vshll.u32 v27, $0x8;
	v43 =	vor.u32 v2, v26;
	v53 =	vmul.f32 v47, v34  }
0x412: {  	v55 =	vor.u32 v18, v32;
	v45 =	vand.u32 $0x380, v45;
	v27 =	vand.u32 $0xF800, v27;
	[tilespmem:v52+s29+$0x0] =	vst.idx.add.f32.msk $0xffff, v56  }
0x413: {  	v40 =	vand.u32 $0x380, v40;
	v27 =	vor.u32 v45, v27;
	[tilespmem:v50+s29+$0x0] =	vst.idx.add.f32.msk $0xffff, v53  }
0x414: {  	v30 =	vand.u32 $0xF800, v62;
	v28 =	vmul.f32 v28, v24;
	v46 =	vor.u32 v2, v27;
	v60 =	vld [tilespmem:s20+$0x470]  }
0x415: {  	v30 =	vor.u32 v40, v30;
	v38 =	vmul.f32 v61, v31;
	v57 =	vld [tilespmem:s2+$0x470]  }
0x416: {  	v49 =	vor.u32 v2, v30;
	[tilespmem:v43+s29+$0x0] =	vst.idx.add.f32.msk $0xffff, v28  }
0x417: {  	v58 =	vor.u32 v17, v22;
	v28 =	vmul.f32 v59, v25;
	[tilespmem:v55+s29+$0x0] =	vst.idx.add.f32.msk $0xffff, v38  }
0x418: {  	v40 =	vld [tilespmem:s18+$0x10]  }
0x419: {  	v35 =	vor.u32 v19, v35;
	[tilespmem:v46+s29+$0x0] =	vst.idx.add.f32.msk $0xffff, v28;
	v28 =	vmul.f32 v44, v29  }
0x41a: {  	v61 =	vmul.f32 v54, v21;
	v59 =	vor.u32 v4, v26;
	v44 =	vld [tilespmem:s9+$0x10]  }
0x41b: {  	v53 =	vor.u32 v4, v27;
	[tilespmem:v49+s29+$0x0] =	vst.idx.add.f32.msk $0xffff, v28;
	v28 =	vshll.u32 v39, $0x8;
	v39 =	vshll.u32 v39, $0x7  }
0x41c: {  	[tilespmem:v58+s29+$0x0] =	vst.idx.add.f32.msk $0xffff, v61;
	v33 =	vmul.f32 v60, v33;
	v28 =	vand.u32 $0xF800, v28;
	v39 =	vand.u32 $0x380, v39  }
0x41d: {  	v47 =	vld [tilespmem:s5+$0x10];
	v28 =	vor.u32 v39, v28;
	v45 =	vmul.f32 v40, v24  }
0x41e: {  	[tilespmem:v35+s29+$0x0] =	vst.idx.add.f32.msk $0xffff, v33;
	v62 =	vor.u32 v2, v28  }
0x41f: {  	v49 =	vor.u32 v4, v30;
	[tilespmem:v59+s29+$0x0] =	vst.idx.add.f32.msk $0xffff, v45;
	v58 =	vmul.f32 v44, v25  }
0x420: {  	v50 =	vld [tilespmem:s18+$0x20]  }
0x421: {  	v48 =	vmul.f32 v42, v23;
	[tilespmem:v53+s29+$0x0] =	vst.idx.add.f32.msk $0xffff, v58  }
0x422: {  	v36 =	vor.u32 v19, v36;
	v52 =	vmul.f32 v47, v29;
	v39 =	vld [tilespmem:s9+$0x20]  }
0x423: {  	v51 =	vor.u32 v5, v26;
	[tilespmem:v62+s29+$0x0] =	vst.idx.add.f32.msk $0xffff, v48  }
0x424: {  	[tilespmem:v49+s29+$0x0] =	vst.idx.add.f32.msk $0xffff, v52  }
0x425: {  	v34 =	vmul.f32 v57, v34;
	v62 =	vor.u32 v5, v27;
	v54 =	vld [tilespmem:s19+$0x10]  }
0x426: {  	v57 =	vld [tilespmem:s5+$0x20];
	v55 =	vmul.f32 v50, v24  }
0x427: {  	[tilespmem:v36+s29+$0x0] =	vst.idx.add.f32.msk $0xffff, v34;
	v56 =	vor.u32 v4, v28  }
0x428: {  	v59 =	vor.u32 v5, v30;
	[tilespmem:v51+s29+$0x0] =	vst.idx.add.f32.msk $0xffff, v55;
	v44 =	vmul.f32 v39, v25  }
0x429: {  	v37 =	vld [tilespmem:s18+$0x30]  }
0x42a: {  	v35 =	vmul.f32 v54, v23;
	[tilespmem:v62+s29+$0x0] =	vst.idx.add.f32.msk $0xffff, v44  }
0x42b: {  	v61 =	vmul.f32 v57, v29;
	v36 =	vld [tilespmem:s9+$0x30]  }
0x42c: {  	v60 =	vor.u32 v6, v26;
	[tilespmem:v56+s29+$0x0] =	vst.idx.add.f32.msk $0xffff, v35  }
0x42d: {  	[tilespmem:v59+s29+$0x0] =	vst.idx.add.f32.msk $0xffff, v61  }
0x42e: {  	v49 =	vor.u32 v6, v27;
	v42 =	vld [tilespmem:s19+$0x20]  }
0x42f: {  	v35 =	vld [tilespmem:s5+$0x30];
	v37 =	vmul.f32 v37, v24  }
0x430: {  	v43 =	vor.u32 v5, v28  }
0x431: {  	v45 =	vor.u32 v6, v30;
	[tilespmem:v60+s29+$0x0] =	vst.idx.add.f32.msk $0xffff, v37;
	v51 =	vmul.f32 v36, v25  }
0x432: {  	v46 =	vld [tilespmem:s18+$0x40]  }
0x433: {  	v38 =	vmul.f32 v42, v23;
	[tilespmem:v49+s29+$0x0] =	vst.idx.add.f32.msk $0xffff, v51  }
0x434: {  	v48 =	vmul.f32 v35, v29;
	v35 =	vld [tilespmem:s9+$0x40]  }
0x435: {  	v47 =	vor.u32 v7, v26;
	[tilespmem:v43+s29+$0x0] =	vst.idx.add.f32.msk $0xffff, v38  }
0x436: {  	[tilespmem:v45+s29+$0x0] =	vst.idx.add.f32.msk $0xffff, v48  }
0x437: {  	v55 =	vor.u32 v7, v27;
	v38 =	vld [tilespmem:s19+$0x30]  }
0x438: {  	v37 =	vld [tilespmem:s5+$0x40];
	v39 =	vmul.f32 v46, v24  }
0x439: {  	v50 =	vor.u32 v6, v28  }
0x43a: {  	v52 =	vor.u32 v7, v30;
	[tilespmem:v47+s29+$0x0] =	vst.idx.add.f32.msk $0xffff, v39;
	v57 =	vmul.f32 v35, v25  }
0x43b: {  	v39 =	vld [tilespmem:s18+$0x50]  }
0x43c: {  	v38 =	vmul.f32 v38, v23;
	[tilespmem:v55+s29+$0x0] =	vst.idx.add.f32.msk $0xffff, v57  }
0x43d: {  	v54 =	vmul.f32 v37, v29;
	v37 =	vld [tilespmem:s9+$0x50]  }
0x43e: {  	v53 =	vor.u32 v8, v26;
	[tilespmem:v50+s29+$0x0] =	vst.idx.add.f32.msk $0xffff, v38  }
0x43f: {  	[tilespmem:v52+s29+$0x0] =	vst.idx.add.f32.msk $0xffff, v54  }
0x440: {  	v61 =	vor.u32 v8, v27;
	v38 =	vld [tilespmem:s19+$0x40]  }
0x441: {  	v36 =	vld [tilespmem:s5+$0x50];
	v39 =	vmul.f32 v39, v24  }
0x442: {  	v56 =	vor.u32 v7, v28  }
0x443: {  	[tilespmem:v53+s29+$0x0] =	vst.idx.add.f32.msk $0xffff, v39;
	v42 =	vmul.f32 v37, v25  }
0x444: {  	v39 =	vld [tilespmem:s18+$0x60]  }
0x445: {  	v58 =	vor.u32 v8, v30;
	v38 =	vmul.f32 v38, v23;
	[tilespmem:v61+s29+$0x0] =	vst.idx.add.f32.msk $0xffff, v42  }
0x446: {  	v60 =	vmul.f32 v36, v29;
	v36 =	vld [tilespmem:s9+$0x60]  }
0x447: {  	v59 =	vor.u32 v9, v26;
	[tilespmem:v56+s29+$0x0] =	vst.idx.add.f32.msk $0xffff, v38  }
0x448: {  	v38 =	vld [tilespmem:s19+$0x50]  }
0x449: {  	v46 =	vor.u32 v9, v27  }
0x44a: {  	v62 =	vor.u32 v8, v28;
	[tilespmem:v58+s29+$0x0] =	vst.idx.add.f32.msk $0xffff, v60;
	v39 =	vmul.f32 v39, v24  }
0x44b: {  	v35 =	vld [tilespmem:s5+$0x60]  }
0x44c: {  	[tilespmem:v59+s29+$0x0] =	vst.idx.add.f32.msk $0xffff, v39;
	v48 =	vmul.f32 v36, v25  }
0x44d: {  	v43 =	vor.u32 v9, v30;
	v39 =	vld [tilespmem:s18+$0x70];
	v38 =	vmul.f32 v38, v23  }
0x44e: {  	[tilespmem:v46+s29+$0x0] =	vst.idx.add.f32.msk $0xffff, v48  }
0x44f: {  	[tilespmem:v62+s29+$0x0] =	vst.idx.add.f32.msk $0xffff, v38  }
0x450: {  	v44 =	vor.u32 v10, v26;
	v45 =	vmul.f32 v35, v29;
	v38 =	vld [tilespmem:s19+$0x60]  }
0x451: {  	v35 =	vld [tilespmem:s9+$0x70]  }
0x452: {  	v47 =	vor.u32 v9, v28;
	[tilespmem:v43+s29+$0x0] =	vst.idx.add.f32.msk $0xffff, v45  }
0x453: {  	v37 =	vld [tilespmem:s5+$0x70];
	v39 =	vmul.f32 v39, v24  }
0x454: {  	v53 =	vor.u32 v10, v27  }
0x455: {  	v49 =	vor.u32 v10, v30;
	[tilespmem:v44+s29+$0x0] =	vst.idx.add.f32.msk $0xffff, v39;
	v38 =	vmul.f32 v38, v23  }
0x456: {  	v39 =	vld [tilespmem:s18+$0x400]  }
0x457: {  	v55 =	vmul.f32 v35, v25;
	[tilespmem:v47+s29+$0x0] =	vst.idx.add.f32.msk $0xffff, v38  }
0x458: {  	v50 =	vor.u32 v11, v26;
	v51 =	vmul.f32 v37, v29;
	v52 =	vld [tilespmem:s19+$0x70]  }
0x459: {  	[tilespmem:v53+s29+$0x0] =	vst.idx.add.f32.msk $0xffff, v55  }
0x45a: {  	v54 =	vor.u32 v10, v28;
	[tilespmem:v49+s29+$0x0] =	vst.idx.add.f32.msk $0xffff, v51  }
0x45b: {  	v36 =	vld [tilespmem:s5+$0x400];
	v39 =	vmul.f32 v39, v24  }
0x45c: {  	v38 =	vld [tilespmem:s9+$0x400]  }
0x45d: {  	v57 =	vor.u32 v11, v30;
	[tilespmem:v50+s29+$0x0] =	vst.idx.add.f32.msk $0xffff, v39;
	v37 =	vmul.f32 v52, v23  }
0x45e: {  	v56 =	vld [tilespmem:s18+$0x410]  }
0x45f: {  	v61 =	vor.u32 v11, v27;
	[tilespmem:v54+s29+$0x0] =	vst.idx.add.f32.msk $0xffff, v37  }
0x460: {  	v59 =	vmul.f32 v36, v29;
	v60 =	vld [tilespmem:s19+$0x400]  }
0x461: {  	v58 =	vor.u32 v12, v26;
	v55 =	vld [tilespmem:s0+$0x470]  }
0x462: {  	v62 =	vor.u32 v11, v28;
	v42 =	vmul.f32 v38, v25;
	[tilespmem:v57+s29+$0x0] =	vst.idx.add.f32.msk $0xffff, v59  }
0x463: {  	v39 =	vld [tilespmem:s5+$0x410]  }
0x464: {  	[tilespmem:v61+s29+$0x0] =	vst.idx.add.f32.msk $0xffff, v42;
	v35 =	vmul.f32 v56, v24  }
0x465: {  	v43 =	vor.u32 v12, v30;
	v37 =	vld [tilespmem:s9+$0x410];
	v36 =	vmul.f32 v60, v23  }
0x466: {  	[tilespmem:v58+s29+$0x0] =	vst.idx.add.f32.msk $0xffff, v35  }
0x467: {  	v32 =	vor.u32 v19, v32;
	[tilespmem:v62+s29+$0x0] =	vst.idx.add.f32.msk $0xffff, v36  }
0x468: {  	v46 =	vor.u32 v12, v27;
	v45 =	vmul.f32 v39, v29;
	v36 =	vld [tilespmem:s19+$0x410]  }
0x469: {  	v35 =	vld [tilespmem:s18+$0x420]  }
0x46a: {  	v47 =	vor.u32 v12, v28;
	v31 =	vmul.f32 v55, v31;
	[tilespmem:v43+s29+$0x0] =	vst.idx.add.f32.msk $0xffff, v45  }
0x46b: {  	v48 =	vmul.f32 v37, v25;
	v38 =	vld [tilespmem:s5+$0x420]  }
0x46c: {  	v44 =	vor.u32 v13, v26;
	[tilespmem:v32+s29+$0x0] =	vst.idx.add.f32.msk $0xffff, v31  }
0x46d: {  	v49 =	vor.u32 v13, v30;
	[tilespmem:v46+s29+$0x0] =	vst.idx.add.f32.msk $0xffff, v48;
	v36 =	vmul.f32 v36, v23  }
0x46e: {  	v33 =	vld [tilespmem:s9+$0x420]  }
0x46f: {  	v35 =	vmul.f32 v35, v24;
	[tilespmem:v47+s29+$0x0] =	vst.idx.add.f32.msk $0xffff, v36  }
0x470: {  	v52 =	vor.u32 v13, v27;
	v51 =	vmul.f32 v38, v29;
	v36 =	vld [tilespmem:s19+$0x420]  }
0x471: {  	[tilespmem:v44+s29+$0x0] =	vst.idx.add.f32.msk $0xffff, v35  }
0x472: {  	v54 =	vor.u32 v13, v28;
	[tilespmem:v49+s29+$0x0] =	vst.idx.add.f32.msk $0xffff, v51  }
0x473: {  	v33 =	vmul.f32 v33, v25;
	v37 =	vld [tilespmem:s5+$0x430]  }
0x474: {  	v35 =	vld [tilespmem:s18+$0x430]  }
0x475: {  	v56 =	vor.u32 v15, v30;
	[tilespmem:v52+s29+$0x0] =	vst.idx.add.f32.msk $0xffff, v33;
	v36 =	vmul.f32 v36, v23  }
0x476: {  	v33 =	vld [tilespmem:s9+$0x430]  }
0x477: {  	v50 =	vor.u32 v15, v26;
	[tilespmem:v54+s29+$0x0] =	vst.idx.add.f32.msk $0xffff, v36  }
0x478: {  	v58 =	vor.u32 v15, v27;
	v57 =	vmul.f32 v37, v29;
	v36 =	vld [tilespmem:s19+$0x430]  }
0x479: {  	v61 =	vld [tilespmem:s16+$0x460]  }
0x47a: {  	v59 =	vor.u32 v15, v28;
	v53 =	vmul.f32 v35, v24;
	[tilespmem:v56+s29+$0x0] =	vst.idx.add.f32.msk $0xffff, v57  }
0x47b: {  	v31 =	vmul.f32 v33, v25;
	v60 =	vld [tilespmem:s5+$0x440]  }
0x47c: {  	[tilespmem:v50+s29+$0x0] =	vst.idx.add.f32.msk $0xffff, v53  }
0x47d: {  	v37 =	vor.u32 v16, v30;
	[tilespmem:v58+s29+$0x0] =	vst.idx.add.f32.msk $0xffff, v31;
	v62 =	vmul.f32 v36, v23  }
0x47e: {  	v34 =	vld [tilespmem:s9+$0x440];
	v36 =	vor.u32 v18, v22  }
0x47f: {  	[tilespmem:v59+s29+$0x0] =	vst.idx.add.f32.msk $0xffff, v62  }
0x480: {  	v33 =	vor.u32 v16, v27;
	v39 =	vmul.f32 v60, v29;
	v35 =	vld [tilespmem:s19+$0x440]  }
0x481: {  	s0 =	simm.s32 $0x4;
	v38 =	vmul.f32 v61, v21;
	v32 =	vld [tilespmem:s18+$0x440];
	v31 =	vor.u32 v16, v28  }
.LBB2_27:
0x482: {  	s1 =	sadd.s32 s0, s14;
	s0 =	sadd.s32 $0x4, s0;
	[tilespmem:v37+s29+$0x0] =	vst.idx.add.f32.msk $0xffff, v39  }
0x483: {  	v37 =	vor.u32 v16, v26;
	s2 =	sadd.s32 $0xFFFFFFE4, s1;
	s7 =	sadd.s32 $0xFFFFFFE5, s1;
	s20 =	sadd.s32 $0xFFFFFFE6, s1;
	v34 =	vmul.f32 v34, v25;
	[tilespmem:v36+s29+$0x0] =	vst.idx.add.f32.msk $0xffff, v38  }
0x484: {  	s1 =	sadd.s32 $0xFFFFFFE7, s1;
	p0 =	slt.u32 s0, $0x1C;
	v36 =	vmov s2;
	v38 =	vmov s7;
	v39 =	vmov s20;
	v40 =	vld [tilespmem:s16+$0x470];
	s16 =	smov.u32 s5  }
0x485: {  	v36 =	vand.u32 $0xFFFFFFFC, v36;
	v38 =	vand.u32 $0xFFFFFFFD, v38;
	v35 =	vmul.f32 v35, v23;
	[tilespmem:v33+s29+$0x0] =	vst.idx.add.f32.msk $0xffff, v34  }
0x486: {  	v33 =	vbroadcast v36, $0x0;
	v34 =	vld [tilespmem:s9+$0x450];
	v36 =	vor.u32 v19, v22;
	v22 =	vmov v30  }
0x487: {  	v30 =	vbroadcast v38, $0x0;
	v38 =	vand.u32 $0xFFFFFFFE, v39;
	v32 =	vmul.f32 v32, v24;
	[tilespmem:v31+s29+$0x0] =	vst.idx.add.f32.msk $0xffff, v35  }
0x488: {  	v31 =	vbroadcast v38, $0x0;
	v35 =	vld [tilespmem:s19+$0x450]  }
0x489: {  	[tilespmem:v37+s29+$0x0] =	vst.idx.add.f32.msk $0xffff, v32;
	v32 =	vmul.f32 v40, v21;
	v21 =	vmov v29  }
0x48a: {  	v29 =	vld [tilespmem:s18+$0x450]  }
0x48b: {  	v37 =	vor.u32 v17, v28;
	v38 =	vmul.f32 v34, v25;
	[tilespmem:v36+s29+$0x0] =	vst.idx.add.f32.msk $0xffff, v32  }
0x48c: {  	v39 =	vmov s1;
	v36 =	vld.idx.msk [tilespmem:v33+s26+$0x0], $0xffff  }
0x48d: {  	v34 =	vld.idx.msk [tilespmem:v30+s28+$0x0], $0xffff;
	v32 =	vmul.f32 v35, v23  }
0x48e: {  	v30 =	vld.idx.msk [tilespmem:v30+s26+$0x0], $0xffff  }
0x48f: {  	s11 =	sadd.s32 $0x200, s11;
	s10 =	sadd.s32 $0x400, s10;
	v35 =	vld.idx.msk [tilespmem:v31+s26+$0x0], $0xffff;
	v29 =	vmul.f32 v29, v24  }
0x490: {  	s2 =	sadd.s32 $0xFFFFFE80, s11;
	s1 =	sand.u32 $0x1800, s10;
	[tilespmem:v37+s29+$0x0] =	vst.idx.add.f32.msk $0xffff, v32  }
0x491: {  	s2 =	sand.u32 $0x200, s2;
	s5 =	sadd.s32 s1, s17;
	s1 =	sadd.s32 $0xFFFFFF00, s11;
	v37 =	vld.idx.msk [tilespmem:v39+s26+$0x0], $0xffff  }
0x492: {  	s20 =	sadd.s32 s2, s5;
	s1 =	sand.u32 $0x280, s1;
	v32 =	vld.idx.msk [tilespmem:v33+s28+$0x0], $0xffff;
	v33 =	vshll.u32 v36, $0x8;
	v36 =	vshll.u32 v36, $0x7  }
0x493: {  	v41 =	vor.u32 v17, v26;
	s2 =	sadd.s32 s1, s5;
	s1 =	sadd.s32 $0xFFFFFF80, s11;
	v40 =	vld [tilespmem:s20+$0x0];
	v36 =	vand.u32 $0x380, v36  }
0x494: {  	v44 =	vor.u32 v17, v27;
	s1 =	sand.u32 $0x300, s1;
	v43 =	vshll.u32 v30, $0x8;
	v30 =	vshll.u32 v30, $0x7;
	v42 =	vld [tilespmem:s2+$0x0]  }
0x495: {  	s7 =	sand.u32 $0x380, s11;
	s1 =	sadd.s32 s1, s5;
	v33 =	vand.u32 $0xF800, v33;
	v43 =	vand.u32 $0xF800, v43;
	v45 =	vld.idx.msk [tilespmem:v31+s28+$0x0], $0xffff;
	v31 =	vshll.u32 v35, $0x7  }
0x496: {  	s5 =	sadd.s32 s7, s5;
	v33 =	vor.u32 v36, v33;
	v35 =	vshll.u32 v35, $0x8;
	v36 =	vld [tilespmem:s1+$0x0];
	v31 =	vand.u32 $0x380, v31  }
0x497: {  	v46 =	vor.u32 v2, v33;
	v35 =	vand.u32 $0xF800, v35;
	v48 =	vshll.u32 v37, $0x8;
	v47 =	vld [tilespmem:s5+$0x0]  }
0x498: {  	v30 =	vand.u32 $0x380, v30;
	v35 =	vor.u32 v31, v35;
	v40 =	vmul.f32 v40, v32;
	[tilespmem:v41+s29+$0x0] =	vst.idx.add.f32.msk $0xffff, v29  }
0x499: {  	v41 =	vmul.f32 v42, v34;
	v42 =	vor.u32 v30, v43;
	v29 =	vld.idx.msk [tilespmem:v39+s28+$0x0], $0xffff;
	v30 =	vshll.u32 v37, $0x7  }
0x49a: {  	v31 =	vand.u32 $0xF800, v48;
	v37 =	vor.u32 v2, v42;
	v30 =	vand.u32 $0x380, v30;
	v39 =	vld [tilespmem:s18+$0x460]  }
0x49b: {  	v43 =	vor.u32 v2, v35;
	v36 =	vmul.f32 v36, v45;
	v30 =	vor.u32 v30, v31;
	v48 =	vld [tilespmem:s19+$0x460]  }
0x49c: {  	v31 =	vor.u32 v16, v42;
	[tilespmem:v46+s29+$0x0] =	vst.idx.add.f32.msk $0xffff, v40;
	v40 =	vor.u32 v2, v30  }
0x49d: {  	v46 =	vld [tilespmem:s20+$0x10]  }
0x49e: {  	[tilespmem:v44+s29+$0x0] =	vst.idx.add.f32.msk $0xffff, v38  }
0x49f: {  	v38 =	vmul.f32 v47, v29;
	v44 =	vor.u32 v18, v28;
	v47 =	vld [tilespmem:s9+$0x460]  }
0x4a0: {  	[tilespmem:v43+s29+$0x0] =	vst.idx.add.f32.msk $0xffff, v36  }
0x4a1: {  	v43 =	vor.u32 v18, v27;
	v36 =	vld [tilespmem:s1+$0x10]  }
0x4a2: {  	v39 =	vmul.f32 v39, v24;
	v48 =	vmul.f32 v48, v23;
	v49 =	vld [tilespmem:s16+$0x450]  }
0x4a3: {  	[tilespmem:v40+s29+$0x0] =	vst.idx.add.f32.msk $0xffff, v38;
	v38 =	vor.u32 v18, v26  }
0x4a4: {  	v40 =	vor.u32 v4, v30;
	[tilespmem:v44+s29+$0x0] =	vst.idx.add.f32.msk $0xffff, v48;
	v44 =	vmul.f32 v47, v25  }
0x4a5: {  	v48 =	vor.u32 v17, v22;
	v47 =	vld [tilespmem:s19+$0x470];
	s19 =	smov.u32 s2  }
0x4a6: {  	v50 =	vor.u32 v4, v33;
	[tilespmem:v43+s29+$0x0] =	vst.idx.add.f32.msk $0xffff, v44  }
0x4a7: {  	v43 =	vld [tilespmem:s9+$0x470];
	v44 =	vmul.f32 v49, v21;
	s9 =	smov.u32 s1  }
0x4a8: {  	v49 =	vor.u32 v4, v35;
	[tilespmem:v38+s29+$0x0] =	vst.idx.add.f32.msk $0xffff, v39;
	v38 =	vor.u32 v19, v28;
	v28 =	vmov v42  }
0x4a9: {  	v39 =	vmul.f32 v46, v32;
	v42 =	vld [tilespmem:s5+$0x10]  }
0x4aa: {  	v46 =	vor.u32 v19, v27;
	v27 =	vmov v35;
	[tilespmem:v48+s29+$0x0] =	vst.idx.add.f32.msk $0xffff, v44  }
0x4ab: {  	v35 =	vmul.f32 v47, v23;
	v23 =	vmov v34;
	[tilespmem:v50+s29+$0x0] =	vst.idx.add.f32.msk $0xffff, v39  }
0x4ac: {  	v39 =	vor.u32 v5, v30;
	v34 =	vld [tilespmem:s20+$0x20]  }
0x4ad: {  	[tilespmem:v38+s29+$0x0] =	vst.idx.add.f32.msk $0xffff, v35;
	v35 =	vmul.f32 v43, v25;
	v25 =	vmov v45  }
0x4ae: {  	v38 =	vor.u32 v5, v33;
	[tilespmem:v37+s29+$0x0] =	vst.idx.add.f32.msk $0xffff, v41;
	v37 =	vmul.f32 v42, v29  }
0x4af: {  	v36 =	vmul.f32 v36, v25;
	[tilespmem:v46+s29+$0x0] =	vst.idx.add.f32.msk $0xffff, v35  }
0x4b0: {  	v41 =	vor.u32 v5, v27;
	v35 =	vld [tilespmem:s19+$0x10]  }
0x4b1: {  	v34 =	vmul.f32 v34, v32;
	[tilespmem:v40+s29+$0x0] =	vst.idx.add.f32.msk $0xffff, v37  }
0x4b2: {  	v37 =	vor.u32 v4, v28;
	v40 =	vld [tilespmem:s5+$0x20]  }
0x4b3: {  	[tilespmem:v38+s29+$0x0] =	vst.idx.add.f32.msk $0xffff, v34  }
0x4b4: {  	v38 =	vor.u32 v6, v30;
	v34 =	vld [tilespmem:s20+$0x30]  }
0x4b5: {  	v35 =	vmul.f32 v35, v23;
	[tilespmem:v49+s29+$0x0] =	vst.idx.add.f32.msk $0xffff, v36  }
0x4b6: {  	v36 =	vor.u32 v6, v33;
	v42 =	vld [tilespmem:s9+$0x20]  }
0x4b7: {  	[tilespmem:v37+s29+$0x0] =	vst.idx.add.f32.msk $0xffff, v35;
	v35 =	vmul.f32 v40, v29  }
0x4b8: {  	v40 =	vor.u32 v6, v27;
	v37 =	vld [tilespmem:s19+$0x20]  }
0x4b9: {  	v34 =	vmul.f32 v34, v32;
	[tilespmem:v39+s29+$0x0] =	vst.idx.add.f32.msk $0xffff, v35  }
0x4ba: {  	v35 =	vor.u32 v5, v28;
	v39 =	vld [tilespmem:s5+$0x30]  }
0x4bb: {  	[tilespmem:v36+s29+$0x0] =	vst.idx.add.f32.msk $0xffff, v34;
	v34 =	vmul.f32 v42, v25  }
0x4bc: {  	v42 =	vor.u32 v7, v30;
	v36 =	vld [tilespmem:s20+$0x40]  }
0x4bd: {  	v37 =	vmul.f32 v37, v23;
	[tilespmem:v41+s29+$0x0] =	vst.idx.add.f32.msk $0xffff, v34  }
0x4be: {  	v34 =	vor.u32 v7, v33;
	v41 =	vld [tilespmem:s9+$0x30]  }
0x4bf: {  	[tilespmem:v35+s29+$0x0] =	vst.idx.add.f32.msk $0xffff, v37;
	v35 =	vmul.f32 v39, v29  }
0x4c0: {  	v39 =	vor.u32 v7, v27;
	v37 =	vld [tilespmem:s19+$0x30]  }
0x4c1: {  	v36 =	vmul.f32 v36, v32;
	[tilespmem:v38+s29+$0x0] =	vst.idx.add.f32.msk $0xffff, v35  }
0x4c2: {  	v35 =	vor.u32 v6, v28;
	v38 =	vld [tilespmem:s5+$0x40]  }
0x4c3: {  	[tilespmem:v34+s29+$0x0] =	vst.idx.add.f32.msk $0xffff, v36;
	v34 =	vmul.f32 v41, v25  }
0x4c4: {  	v41 =	vor.u32 v8, v30;
	v36 =	vld [tilespmem:s20+$0x50]  }
0x4c5: {  	v37 =	vmul.f32 v37, v23;
	[tilespmem:v40+s29+$0x0] =	vst.idx.add.f32.msk $0xffff, v34  }
0x4c6: {  	v34 =	vor.u32 v8, v33;
	v40 =	vld [tilespmem:s9+$0x40]  }
0x4c7: {  	[tilespmem:v35+s29+$0x0] =	vst.idx.add.f32.msk $0xffff, v37;
	v35 =	vmul.f32 v38, v29  }
0x4c8: {  	v38 =	vor.u32 v8, v27;
	v37 =	vld [tilespmem:s19+$0x40]  }
0x4c9: {  	v36 =	vmul.f32 v36, v32;
	[tilespmem:v42+s29+$0x0] =	vst.idx.add.f32.msk $0xffff, v35  }
0x4ca: {  	v35 =	vor.u32 v7, v28;
	v42 =	vld [tilespmem:s5+$0x50]  }
0x4cb: {  	[tilespmem:v34+s29+$0x0] =	vst.idx.add.f32.msk $0xffff, v36;
	v34 =	vmul.f32 v40, v25  }
0x4cc: {  	v40 =	vor.u32 v9, v30;
	v36 =	vld [tilespmem:s20+$0x60]  }
0x4cd: {  	v37 =	vmul.f32 v37, v23;
	[tilespmem:v39+s29+$0x0] =	vst.idx.add.f32.msk $0xffff, v34  }
0x4ce: {  	v34 =	vor.u32 v9, v33;
	v39 =	vld [tilespmem:s9+$0x50]  }
0x4cf: {  	[tilespmem:v35+s29+$0x0] =	vst.idx.add.f32.msk $0xffff, v37;
	v35 =	vmul.f32 v42, v29  }
0x4d0: {  	v42 =	vor.u32 v9, v27;
	v37 =	vld [tilespmem:s19+$0x50]  }
0x4d1: {  	v36 =	vmul.f32 v36, v32;
	[tilespmem:v41+s29+$0x0] =	vst.idx.add.f32.msk $0xffff, v35  }
0x4d2: {  	v35 =	vor.u32 v8, v28;
	v41 =	vld [tilespmem:s5+$0x60]  }
0x4d3: {  	[tilespmem:v34+s29+$0x0] =	vst.idx.add.f32.msk $0xffff, v36;
	v34 =	vmul.f32 v39, v25  }
0x4d4: {  	v39 =	vor.u32 v10, v30;
	v36 =	vld [tilespmem:s20+$0x70]  }
0x4d5: {  	v37 =	vmul.f32 v37, v23;
	[tilespmem:v38+s29+$0x0] =	vst.idx.add.f32.msk $0xffff, v34  }
0x4d6: {  	v34 =	vor.u32 v10, v33;
	v38 =	vld [tilespmem:s9+$0x60]  }
0x4d7: {  	[tilespmem:v35+s29+$0x0] =	vst.idx.add.f32.msk $0xffff, v37;
	v35 =	vmul.f32 v41, v29  }
0x4d8: {  	v37 =	vld [tilespmem:s19+$0x60]  }
0x4d9: {  	v36 =	vmul.f32 v36, v32;
	[tilespmem:v40+s29+$0x0] =	vst.idx.add.f32.msk $0xffff, v35  }
0x4da: {  	v35 =	vor.u32 v9, v28;
	v40 =	vld [tilespmem:s5+$0x70]  }
0x4db: {  	[tilespmem:v34+s29+$0x0] =	vst.idx.add.f32.msk $0xffff, v36;
	v34 =	vmul.f32 v38, v25  }
0x4dc: {  	v36 =	vld [tilespmem:s20+$0x400]  }
0x4dd: {  	v37 =	vmul.f32 v37, v23;
	[tilespmem:v42+s29+$0x0] =	vst.idx.add.f32.msk $0xffff, v34  }
0x4de: {  	v34 =	vor.u32 v11, v33;
	v38 =	vld [tilespmem:s9+$0x70]  }
0x4df: {  	[tilespmem:v35+s29+$0x0] =	vst.idx.add.f32.msk $0xffff, v37;
	v35 =	vmul.f32 v40, v29  }
0x4e0: {  	v40 =	vor.u32 v10, v27;
	v37 =	vld [tilespmem:s19+$0x70]  }
0x4e1: {  	v36 =	vmul.f32 v36, v32;
	[tilespmem:v39+s29+$0x0] =	vst.idx.add.f32.msk $0xffff, v35  }
0x4e2: {  	v35 =	vor.u32 v10, v28;
	v39 =	vld [tilespmem:s5+$0x400]  }
0x4e3: {  	[tilespmem:v34+s29+$0x0] =	vst.idx.add.f32.msk $0xffff, v36;
	v34 =	vmul.f32 v38, v25  }
0x4e4: {  	v38 =	vor.u32 v11, v30;
	v36 =	vld [tilespmem:s20+$0x410]  }
0x4e5: {  	v37 =	vmul.f32 v37, v23;
	[tilespmem:v40+s29+$0x0] =	vst.idx.add.f32.msk $0xffff, v34  }
0x4e6: {  	v34 =	vor.u32 v12, v33;
	v40 =	vld [tilespmem:s9+$0x400]  }
0x4e7: {  	[tilespmem:v35+s29+$0x0] =	vst.idx.add.f32.msk $0xffff, v37;
	v35 =	vmul.f32 v39, v29  }
0x4e8: {  	v39 =	vor.u32 v11, v27;
	v37 =	vld [tilespmem:s19+$0x400]  }
0x4e9: {  	v36 =	vmul.f32 v36, v32;
	[tilespmem:v38+s29+$0x0] =	vst.idx.add.f32.msk $0xffff, v35  }
0x4ea: {  	v35 =	vor.u32 v11, v28;
	v38 =	vld [tilespmem:s5+$0x410]  }
0x4eb: {  	[tilespmem:v34+s29+$0x0] =	vst.idx.add.f32.msk $0xffff, v36;
	v34 =	vmul.f32 v40, v25  }
0x4ec: {  	v40 =	vor.u32 v12, v30;
	v36 =	vld [tilespmem:s20+$0x420]  }
0x4ed: {  	v37 =	vmul.f32 v37, v23;
	[tilespmem:v39+s29+$0x0] =	vst.idx.add.f32.msk $0xffff, v34  }
0x4ee: {  	v34 =	vor.u32 v13, v33;
	v39 =	vld [tilespmem:s9+$0x410]  }
0x4ef: {  	[tilespmem:v35+s29+$0x0] =	vst.idx.add.f32.msk $0xffff, v37;
	v35 =	vmul.f32 v38, v29  }
0x4f0: {  	v38 =	vor.u32 v12, v27;
	v37 =	vld [tilespmem:s19+$0x410]  }
0x4f1: {  	v36 =	vmul.f32 v36, v32;
	[tilespmem:v40+s29+$0x0] =	vst.idx.add.f32.msk $0xffff, v35  }
0x4f2: {  	v35 =	vor.u32 v12, v28;
	v40 =	vld [tilespmem:s5+$0x420]  }
0x4f3: {  	[tilespmem:v34+s29+$0x0] =	vst.idx.add.f32.msk $0xffff, v36;
	v34 =	vmul.f32 v39, v25  }
0x4f4: {  	v39 =	vor.u32 v13, v30;
	v36 =	vld [tilespmem:s20+$0x430]  }
0x4f5: {  	v37 =	vmul.f32 v37, v23;
	[tilespmem:v38+s29+$0x0] =	vst.idx.add.f32.msk $0xffff, v34  }
0x4f6: {  	v34 =	vld [tilespmem:s9+$0x420]  }
0x4f7: {  	v38 =	vor.u32 v15, v33;
	[tilespmem:v35+s29+$0x0] =	vst.idx.add.f32.msk $0xffff, v37;
	v35 =	vmul.f32 v40, v29  }
0x4f8: {  	v40 =	vor.u32 v13, v27;
	v37 =	vld [tilespmem:s19+$0x420]  }
0x4f9: {  	[tilespmem:v39+s29+$0x0] =	vst.idx.add.f32.msk $0xffff, v35  }
0x4fa: {  	v35 =	vmul.f32 v36, v32;
	v36 =	vor.u32 v13, v28;
	v39 =	vld [tilespmem:s5+$0x430]  }
0x4fb: {  	v34 =	vmul.f32 v34, v25;
	v41 =	vld [tilespmem:s18+$0x470];
	s18 =	smov.u32 s20  }
0x4fc: {  	[tilespmem:v38+s29+$0x0] =	vst.idx.add.f32.msk $0xffff, v35;
	v35 =	vor.u32 v15, v30  }
0x4fd: {  	v37 =	vmul.f32 v37, v23;
	[tilespmem:v40+s29+$0x0] =	vst.idx.add.f32.msk $0xffff, v34;
	v34 =	vor.u32 v19, v26;
	v26 =	vmov v33  }
0x4fe: {  	v33 =	vld [tilespmem:s9+$0x430]  }
0x4ff: {  	[tilespmem:v36+s29+$0x0] =	vst.idx.add.f32.msk $0xffff, v37;
	v36 =	vmul.f32 v39, v29  }
0x500: {  	v38 =	vor.u32 v15, v27;
	v37 =	vld [tilespmem:s19+$0x430];
	v39 =	vmul.f32 v41, v24;
	v24 =	vmov v32  }
0x501: {  	[tilespmem:v35+s29+$0x0] =	vst.idx.add.f32.msk $0xffff, v36  }
0x502: {  	v32 =	vor.u32 v15, v28;
	[tilespmem:v34+s29+$0x0] =	vst.idx.add.f32.msk $0xffff, v39  }
0x503: {  	v33 =	vmul.f32 v33, v25;
	v39 =	vld [tilespmem:s5+$0x440]  }
0x504: {  	v40 =	vld [tilespmem:s16+$0x460]  }
.Ltmp23:
0x505: {  	v35 =	vmul.f32 v37, v23;
	[tilespmem:v38+s29+$0x0] =	vst.idx.add.f32.msk $0xffff, v33;
	v37 =	vor.u32 v16, v30;
	(pc) =	sbr.rel @p0 .LBB2_27-.Ltmp23, $4  }
0x506: {  	v36 =	vor.u32 v18, v22;
	v34 =	vld [tilespmem:s9+$0x440]  }
0x507: {  	[tilespmem:v32+s29+$0x0] =	vst.idx.add.f32.msk $0xffff, v35  }
0x508: {  	v33 =	vor.u32 v16, v27;
	v35 =	vld [tilespmem:s19+$0x440];
	v39 =	vmul.f32 v39, v29  }
0x509: {  	v32 =	vld [tilespmem:s18+$0x440];
	v38 =	vmul.f32 v40, v21  }
0x50a: {  	_ =	sdelay $0x3  }
0x50b: {  	[tilespmem:v37+s29+$0x0] =	vst.idx.add.f32.msk $0xffff, v39;
	v34 =	vmul.f32 v34, v25  }
0x50c: {  	v45 =	vor.u32 v16, v26;
	v49 =	vld [tilespmem:s5+$0x450]  }
0x50d: {  	v35 =	vmul.f32 v35, v23;
	[tilespmem:v33+s29+$0x0] =	vst.idx.add.f32.msk $0xffff, v34  }
0x50e: {  	v50 =	vor.u32 v17, v30;
	v33 =	vld [tilespmem:s9+$0x450]  }
0x50f: {  	v32 =	vmul.f32 v32, v24;
	[tilespmem:v31+s29+$0x0] =	vst.idx.add.f32.msk $0xffff, v35  }
0x510: {  	v47 =	vor.u32 v17, v27;
	v31 =	vld [tilespmem:s19+$0x450]  }
0x511: {  	[tilespmem:v45+s29+$0x0] =	vst.idx.add.f32.msk $0xffff, v32;
	v52 =	vmul.f32 v49, v29  }
0x512: {  	v46 =	vor.u32 v17, v28;
	v32 =	vld [tilespmem:s18+$0x450]  }
0x513: {  	[tilespmem:v50+s29+$0x0] =	vst.idx.add.f32.msk $0xffff, v52;
	v33 =	vmul.f32 v33, v25  }
0x514: {  	v34 =	vld [tilespmem:s5+$0x460]  }
0x515: {  	v48 =	vor.u32 v17, v26;
	v31 =	vmul.f32 v31, v23;
	[tilespmem:v47+s29+$0x0] =	vst.idx.add.f32.msk $0xffff, v33  }
0x516: {  	v35 =	vld [tilespmem:s9+$0x460]  }
0x517: {  	[tilespmem:v46+s29+$0x0] =	vst.idx.add.f32.msk $0xffff, v31  }
0x518: {  	v56 =	vor.u32 v18, v30;
	v32 =	vmul.f32 v32, v24;
	v31 =	vld [tilespmem:s19+$0x460]  }
0x519: {  	v53 =	vor.u32 v18, v27;
	[tilespmem:v36+s29+$0x0] =	vst.idx.add.f32.msk $0xffff, v38  }
0x51a: {  	v51 =	vor.u32 v18, v28;
	[tilespmem:v48+s29+$0x0] =	vst.idx.add.f32.msk $0xffff, v32  }
0x51b: {  	v57 =	vmul.f32 v34, v29;
	v37 =	vld [tilespmem:s18+$0x460]  }
0x51c: {  	v36 =	vld [tilespmem:s16+$0x470];
	v55 =	vmul.f32 v35, v25  }
0x51d: {  	v54 =	vor.u32 v18, v26;
	[tilespmem:v56+s29+$0x0] =	vst.idx.add.f32.msk $0xffff, v57;
	v31 =	vmul.f32 v31, v23  }
0x51e: {  	[tilespmem:v53+s29+$0x0] =	vst.idx.add.f32.msk $0xffff, v55  }
0x51f: {  	[tilespmem:v51+s29+$0x0] =	vst.idx.add.f32.msk $0xffff, v31  }
0x520: {  	v37 =	vmul.f32 v37, v24;
	v31 =	vld [tilespmem:s9+$0x470]  }
0x521: {  	v22 =	vor.u32 v19, v22;
	v33 =	vld [tilespmem:s19+$0x470]  }
0x522: {  	[tilespmem:v54+s29+$0x0] =	vst.idx.add.f32.msk $0xffff, v37  }
0x523: {  	v60 =	vor.u32 v19, v27;
	v58 =	vld [tilespmem:s18+$0x470]  }
0x524: {  	v59 =	vor.u32 v19, v28;
	v21 =	vmul.f32 v36, v21;
	v32 =	vld [tilespmem:s5+$0x470]  }
0x525: {  	v61 =	vor.u32 v19, v26  }
0x526: {  	v62 =	vor.u32 v19, v30;
	[tilespmem:v22+s29+$0x0] =	vst.idx.add.f32.msk $0xffff, v21;
	v21 =	vmul.f32 v31, v25  }
.Ltmp24:
0x527: {  	v23 =	vmul.f32 v33, v23;
	(pc) =	sbr.rel .LBB2_29-.Ltmp24, $4  }
0x528: {  	v22 =	vmul.f32 v58, v24;
	[tilespmem:v60+s29+$0x0] =	vst.idx.add.f32.msk $0xffff, v21  }
0x529: {  	v21 =	vmul.f32 v32, v29;
	[tilespmem:v59+s29+$0x0] =	vst.idx.add.f32.msk $0xffff, v23  }
0x52a: {  	[tilespmem:v61+s29+$0x0] =	vst.idx.add.f32.msk $0xffff, v22  }
0x52b: {  	[tilespmem:v62+s29+$0x0] =	vst.idx.add.f32.msk $0xffff, v21  }
.LBB2_30:
0x52c: {  	s0 =	sadd.s32 $0x1F, s25  }
0x52d: {  	s1 =	sand.u32 $0x1F, s0  }
0x52e: {  	s24 =	sshra.s32 s0, $0x1F;
	p1 =	slt.s32 s0, $0x1;
	p0 =	sne.s32 s1, $0x0  }
0x52f: {  	s1 =	sshrl.u32 s24, $0x1B;
	p0 =	por !p1, !p0  }
0x530: {  	s2 =	simm.s32 $0x1;
	s0 =	sadd.s32 s1, s0;
	p0 =	por !p0, !p0  }
0x531: {  	s1 =	sshra.s32 s0, $0x5;
	s2 =	simm.s32 @!p0 $0x0  }
0x532: {  	s0 =	ssub.s32 s1, s2  }
0x533: {  	p1 =	slt.s32 s0, $0x0  }
.Ltmp25:
0x534: {  	_ = 	snop;
	(pc) =	sbr.rel @p1 .LBB2_37-.Ltmp25, $4  }
0x535: {  	[tilespmem:s25+$0x1900] =	vst v14  }
0x536: {  	[tilespmem:s25+$0x1B80] =	vst v3  }
0x537: {  	[tilespmem:s25+$0x1910] =	vst v20  }
0x538: {  	[tilespmem:s25+$0x1B90] =	vst v3;
	s14 =	simm.s32 $0x0  }
.Ltmp26:
0x539: {  	(pc) =	sbr.rel .LBB2_32-.Ltmp26, $4  }
0x53a: {  	s2 =	simm.s32 $0xFFFFFFFF  }
0x53b: {  	s2 =	simm.s32 @!p0 $0x0  }
0x53c: {  	s9 =	simm.s32 $0x0;
	s1 =	sadd.s32 s2, s1  }
0x53d: {  	s10 =	simm.s32 $0x0;
	p0 =	por $0x1, $0x1;
	s5 =	sadd.s32 $0x1, s1  }
.LBB2_36:
0x53e: {  	s10 =	sadd.s32 $0x1, s10  }
0x53f: {  	p1 =	sne.s32 s10, s5  }
.Ltmp27:
0x540: {  	_ = 	snop;
	(pc) =	sbr.rel @!p1 .LBB2_37-.Ltmp27, $2  }
0x541: {  	_ =	sdelay $0x2  }
0x542: {  	s9 =	sadd.s32 $0x20, s9;
	p0 =	por !p0, !p0  }
.LBB2_32:
0x543: {  	p1 =	sge.s32 s10, s0  }
0x544: {  	s1 =	sshll.u32 @!p1 s10, $0x7  }
0x545: {  	s1 =	sshra.s32 @!p1 s1, $0x2  }
0x546: {  	v21 =	vld @!p1 [tilespmem:s1+$0x1900];
	_ =	sdelay $0x3  }
0x547: {  	s2 =	sand.u32 @!p1 $0x1, s10  }
0x548: {  	s7 =	sshll.u32 @!p1 s2, $0x7;
	v21 =	vshra.s32 @!p1 v21, $0x8  }
0x549: {  	[tilespmem:s7+$0x1F00] =	vst @!p1 v21  }
0x54a: {  	v21 =	vld @!p1 [tilespmem:s1+$0x1910];
	_ =	sdelay $0x4  }
0x54b: {  	s11 =	sshll.u32 @!p1 s2, $0xC;
	s2 =	sadd.s32 @!p1 $0x3, s2;
	v21 =	vshra.s32 @!p1 v21, $0x8  }
0x54c: {  	s1 =	sor.u32 @!p1 $0x1F00, s7;
	[tilespmem:s7+$0x1F10] =	vst @!p1 v21;
	s7 =	sor.u32 @!p1 $0x6000, s11;
	s11 =	simm.s32 @!p1 $0x20  }
0x54d: {  	[tilespmem:s7], [sflag:s2] =	stream.indirect.gather @!p1 [hbm4b:s6+s11], $0x80, s1, s11, $0xb8;
	v63 =	vld [tilespmem:$0x0]  }
0x54e: {  	p1 =	seq.s32 s10, $0x0  }
.Ltmp28:
0x54f: {  	_ = 	snop;
	(pc) =	sbr.rel @p1 .LBB2_36-.Ltmp28, $1  }
0x550: {  	_ =	sdelay $0x3  }
0x551: {  	s1 =	sadd.s32 $0xFFFFFFFC, s9  }
0x552: {  	s2 =	sadd.s32 $0xFFFFFFE6, s1  }
0x553: {  	v21 =	vmov s2  }
0x554: {  	s19 =	sadd.s32 $0xFFFFFFE4, s1;
	v21 =	vand.u32 $0xFFFFFFFE, v21  }
0x555: {  	s7 =	sadd.s32 $0xFFFFFFFF, s10;
	s20 =	sadd.s32 $0xFFFFFFE5, s1;
	v22 =	vmov s19;
	v21 =	vbroadcast v21, $0x0  }
0x556: {  	s7 =	sand.u32 $0x1, s7;
	v23 =	vmov s20;
	v22 =	vand.u32 $0xFFFFFFFC, v22  }
0x557: {  	s21 =	sadd.s32 $0x3, s7;
	v23 =	vand.u32 $0xFFFFFFFD, v23;
	v22 =	vbroadcast v22, $0x0  }
0x558: {  	_ =	swait.ge [sflag:s21], $0x1000;
	v23 =	vbroadcast v23, $0x0  }
0x559: {  	[sflag:s21] =	ssyncset.done $0x0  }
0x55a: {  	[sflag:s21] =	ssyncadd.s32 $0xFFFFF000  }
0x55b: {  	v24 =	vld.idx.msk [tilespmem:v21+s30+$0x0], $0xffff  }
0x55c: {  	s2 =	simm.s32 $0x1  }
0x55d: {  	s2 =	simm.s32 @!p0 $0x0;
	v25 =	vld.idx.msk [tilespmem:v22+s30+$0x0], $0xffff  }
0x55e: {  	s2 =	sshll.u32 s2, $0xC;
	v26 =	vld.idx.msk [tilespmem:v23+s30+$0x0], $0xffff  }
0x55f: {  	s11 =	sor.u32 $0x6100, s2;
	v27 =	vld.idx.msk [tilespmem:v21+s31+$0x0], $0xffff  }
0x560: {  	s1 =	sadd.s32 $0xFFFFFFE7, s1;
	v21 =	vld [tilespmem:s11+$0x0];
	v24 =	vshll.u32 v24, $0x7  }
0x561: {  	v28 =	vmov s1;
	v24 =	vand.u32 $0x7F80, v24  }
0x562: {  	v32 =	vld.idx.msk [tilespmem:v22+s31+$0x0], $0xffff;
	v22 =	vor.u32 v2, v24  }
0x563: {  	v31 =	vld.idx.msk [tilespmem:v23+s31+$0x0], $0xffff  }
0x564: {  	v23 =	vshll.u32 v25, $0x7;
	v25 =	vld [tilespmem:s11+$0xFFFFFF00]  }
0x565: {  	v21 =	vmul.f32 v21, v27;
	v29 =	vand.u32 $0x7F80, v23;
	v23 =	vshll.u32 v26, $0x7;
	v26 =	vld [tilespmem:s11+$0xFFFFFF80]  }
0x566: {  	v30 =	vld.idx.msk [tilespmem:v28+s30+$0x0], $0xffff;
	v33 =	vor.u32 v2, v29;
	v34 =	vand.u32 $0x7F80, v23  }
0x567: {  	v23 =	vor.u32 v2, v34;
	[tilespmem:v22+s3+$0x0] =	vst.idx.add.f32.msk $0xffff, v21  }
0x568: {  	v22 =	vld [tilespmem:s11+$0x10]  }
0x569: {  	v25 =	vmul.f32 v25, v32;
	v21 =	vld.idx.msk [tilespmem:v28+s31+$0x0], $0xffff  }
0x56a: {  	v35 =	vor.u32 v4, v24;
	v26 =	vmul.f32 v26, v31;
	v28 =	vld [tilespmem:s11+$0x80]  }
0x56b: {  	[tilespmem:v33+s3+$0x0] =	vst.idx.add.f32.msk $0xffff, v25;
	v25 =	vshll.u32 v30, $0x7  }
0x56c: {  	[tilespmem:v23+s3+$0x0] =	vst.idx.add.f32.msk $0xffff, v26;
	v33 =	vand.u32 $0x7F80, v25  }
0x56d: {  	v25 =	vor.u32 v2, v33;
	v26 =	vld [tilespmem:s11+$0xFFFFFF90];
	v22 =	vmul.f32 v22, v27  }
0x56e: {  	v23 =	vld [tilespmem:s11+$0xFFFFFF10]  }
0x56f: {  	v48 =	vor.u32 v4, v34;
	[tilespmem:v35+s3+$0x0] =	vst.idx.add.f32.msk $0xffff, v22  }
0x570: {  	s2 =	sadd.s32 $0x200, s11;
	v28 =	vmul.f32 v28, v21;
	v22 =	vor.u32 v4, v29;
	v30 =	vld [tilespmem:s11+$0x20]  }
0x571: {  	v54 =	vld [tilespmem:s2+$0x0]  }
0x572: {  	v36 =	vor.u32 v5, v24;
	[tilespmem:v25+s3+$0x0] =	vst.idx.add.f32.msk $0xffff, v28;
	v26 =	vmul.f32 v26, v31  }
0x573: {  	v23 =	vmul.f32 v23, v32;
	v25 =	vld [tilespmem:s11+$0x90]  }
0x574: {  	[tilespmem:v48+s3+$0x0] =	vst.idx.add.f32.msk $0xffff, v26  }
0x575: {  	[tilespmem:v22+s3+$0x0] =	vst.idx.add.f32.msk $0xffff, v23;
	v22 =	vmul.f32 v30, v27  }
0x576: {  	s22 =	sadd.s32 $0x0, s9;
	v50 =	vld [tilespmem:s11+$0xFFFFFFA0]  }
0x577: {  	s23 =	sadd.s32 $0xFFFFFFE6, s22;
	s1 =	sadd.s32 $0xFFFFFFE7, s22;
	[tilespmem:v36+s3+$0x0] =	vst.idx.add.f32.msk $0xffff, v22;
	v22 =	vor.u32 v4, v33  }
0x578: {  	s24 =	sadd.s32 $0xFFFFFFE4, s22;
	v49 =	vmov s23;
	v51 =	vmov s1;
	v23 =	vld [tilespmem:s11+$0x30]  }
0x579: {  	v37 =	vmov s24;
	v41 =	vld [tilespmem:s2+$0xFFFFFF80];
	v35 =	vand.u32 $0xFFFFFFFE, v49;
	v30 =	vor.u32 v5, v34  }
0x57a: {  	v24 =	vor.u32 v6, v24;
	v35 =	vbroadcast v35, $0x0;
	v25 =	vmul.f32 v25, v21;
	v28 =	vld [tilespmem:s11+$0xFFFFFF20]  }
0x57b: {  	v37 =	vand.u32 $0xFFFFFFFC, v37;
	v42 =	vld [tilespmem:s2+$0x80]  }
0x57c: {  	s25 =	sadd.s32 $0xFFFFFFE5, s22;
	v26 =	vor.u32 v5, v29;
	v36 =	vmul.f32 v50, v31;
	[tilespmem:v22+s3+$0x0] =	vst.idx.add.f32.msk $0xffff, v25;
	v22 =	vbroadcast v37, $0x0  }
0x57d: {  	v38 =	vmov s25;
	v53 =	vld.idx.msk [tilespmem:v51+s30+$0x0], $0xffff;
	v23 =	vmul.f32 v23, v27  }
0x57e: {  	[tilespmem:v30+s3+$0x0] =	vst.idx.add.f32.msk $0xffff, v36;
	v25 =	vand.u32 $0xFFFFFFFD, v38  }
0x57f: {  	v28 =	vmul.f32 v28, v32;
	v25 =	vbroadcast v25, $0x0;
	[tilespmem:v24+s3+$0x0] =	vst.idx.add.f32.msk $0xffff, v23  }
0x580: {  	v23 =	vld.idx.msk [tilespmem:v35+s30+$0x0], $0xffff  }
0x581: {  	[tilespmem:v26+s3+$0x0] =	vst.idx.add.f32.msk $0xffff, v28  }
0x582: {  	v26 =	vld.idx.msk [tilespmem:v22+s30+$0x0], $0xffff  }
0x583: {  	v27 =	vld [tilespmem:s11+$0xA0]  }
0x584: {  	v24 =	vld.idx.msk [tilespmem:v35+s31+$0x0], $0xffff  }
0x585: {  	v52 =	vld.idx.msk [tilespmem:v25+s30+$0x0], $0xffff;
	v28 =	vshll.u32 v23, $0x7  }
0x586: {  	v22 =	vld.idx.msk [tilespmem:v22+s31+$0x0], $0xffff;
	v28 =	vand.u32 $0x7F80, v28  }
0x587: {  	v23 =	vld.idx.msk [tilespmem:v25+s31+$0x0], $0xffff;
	v25 =	vshll.u32 v26, $0x7;
	v26 =	vor.u32 v2, v28  }
0x588: {  	v38 =	vshll.u32 v53, $0x7;
	v55 =	vand.u32 $0x7F80, v25;
	v25 =	vld [tilespmem:s2+$0xFFFFFF00]  }
0x589: {  	v39 =	vor.u32 v5, v33;
	v30 =	vld.idx.msk [tilespmem:v51+s31+$0x0], $0xffff;
	v44 =	vand.u32 $0x7F80, v38  }
0x58a: {  	v47 =	vld [tilespmem:s11+$0xFFFFFFB0];
	v35 =	vmul.f32 v54, v24;
	v36 =	vshll.u32 v52, $0x7;
	v40 =	vor.u32 v2, v55  }
0x58b: {  	v45 =	vld [tilespmem:s11+$0xFFFFFF30];
	v38 =	vor.u32 v2, v44;
	v36 =	vand.u32 $0x7F80, v36  }
0x58c: {  	v27 =	vmul.f32 v27, v21;
	v43 =	vor.u32 v2, v36;
	[tilespmem:v26+s3+$0x0] =	vst.idx.add.f32.msk $0xffff, v35  }
0x58d: {  	v25 =	vmul.f32 v25, v22;
	v26 =	vld [tilespmem:s2+$0x10]  }
0x58e: {  	[tilespmem:v39+s3+$0x0] =	vst.idx.add.f32.msk $0xffff, v27;
	v27 =	vmul.f32 v42, v30  }
0x58f: {  	v56 =	vmul.f32 v41, v23;
	[tilespmem:v40+s3+$0x0] =	vst.idx.add.f32.msk $0xffff, v25;
	v25 =	vor.u32 v4, v28  }
0x590: {  	[tilespmem:v38+s3+$0x0] =	vst.idx.add.f32.msk $0xffff, v27  }
0x591: {  	[tilespmem:v43+s3+$0x0] =	vst.idx.add.f32.msk $0xffff, v56  }
0x592: {  	v57 =	vld [tilespmem:s2+$0xFFFFFF10];
	v26 =	vmul.f32 v26, v24  }
0x593: {  	v58 =	vld [tilespmem:s2+$0xFFFFFF90]  }
0x594: {  	v59 =	vor.u32 v4, v55;
	[tilespmem:v25+s3+$0x0] =	vst.idx.add.f32.msk $0xffff, v26  }
0x595: {  	v60 =	vor.u32 v4, v36;
	v61 =	vld [tilespmem:s2+$0x20]  }
0x596: {  	v31 =	vmul.f32 v47, v31;
	v32 =	vmul.f32 v45, v32;
	v62 =	vld [tilespmem:s2+$0x90]  }
0x597: {  	v46 =	vor.u32 v5, v28;
	v26 =	vor.u32 v6, v29;
	v29 =	vmul.f32 v57, v22  }
0x598: {  	v27 =	vor.u32 v6, v33;
	v38 =	vor.u32 v4, v44;
	v40 =	vld [tilespmem:s11+$0xB0];
	v48 =	vmul.f32 v58, v23  }
0x599: {  	v33 =	vor.u32 v5, v36;
	v37 =	vor.u32 v6, v36;
	[tilespmem:v59+s3+$0x0] =	vst.idx.add.f32.msk $0xffff, v29  }
0x59a: {  	v36 =	vor.u32 v6, v44;
	[tilespmem:v60+s3+$0x0] =	vst.idx.add.f32.msk $0xffff, v48;
	v42 =	vmul.f32 v61, v24  }
0x59b: {  	v35 =	vor.u32 v6, v55;
	v41 =	vmul.f32 v62, v30;
	v25 =	vor.u32 v6, v34;
	v39 =	vld [tilespmem:s2+$0xFFFFFF20]  }
0x59c: {  	s12 =	simm.s32 $0x4;
	s11 =	smov.u32 s2;
	v34 =	vor.u32 v5, v55;
	v29 =	vor.u32 v5, v44;
	[tilespmem:v46+s3+$0x0] =	vst.idx.add.f32.msk $0xffff, v42  }
.LBB2_34:
0x59d: {  	s1 =	sadd.s32 s12, s9;
	s12 =	sadd.s32 $0x4, s12;
	v42 =	vld [tilespmem:s2+$0x30];
	v40 =	vmul.f32 v40, v21;
	v21 =	vmov v30  }
0x59e: {  	s7 =	sadd.s32 $0xFFFFFFE4, s1;
	s13 =	sadd.s32 $0xFFFFFFE6, s1;
	p1 =	slt.u32 s12, $0x1C;
	[tilespmem:v38+s3+$0x0] =	vst.idx.add.f32.msk $0xffff, v41  }
0x59f: {  	v28 =	vor.u32 v6, v28;
	v30 =	vmov s7;
	s7 =	sadd.s32 $0xFFFFFFE5, s1;
	v38 =	vmov s13;
	s1 =	sadd.s32 $0xFFFFFFE7, s1;
	v41 =	vld [tilespmem:s2+$0xFFFFFFA0]  }
0x5a0: {  	v30 =	vand.u32 $0xFFFFFFFC, v30;
	v43 =	vmov s7;
	v38 =	vand.u32 $0xFFFFFFFE, v38;
	v44 =	vld [tilespmem:s2+$0xA0]  }
0x5a1: {  	v30 =	vbroadcast v30, $0x0;
	v43 =	vand.u32 $0xFFFFFFFD, v43;
	v38 =	vbroadcast v38, $0x0;
	[tilespmem:v26+s3+$0x0] =	vst.idx.add.f32.msk $0xffff, v32;
	v26 =	vmovc v35  }
0x5a2: {  	v35 =	vmov s1;
	v32 =	vbroadcast v43, $0x0;
	v24 =	vmul.f32 v42, v24;
	[tilespmem:v25+s3+$0x0] =	vst.idx.add.f32.msk $0xffff, v31;
	v25 =	vmovc v37  }
0x5a3: {  	v31 =	vmul.f32 v39, v22;
	[tilespmem:v27+s3+$0x0] =	vst.idx.add.f32.msk $0xffff, v40;
	v27 =	vmov v36  }
0x5a4: {  	v36 =	vmul.f32 v41, v23;
	[tilespmem:v28+s3+$0x0] =	vst.idx.add.f32.msk $0xffff, v24  }
0x5a5: {  	[tilespmem:v34+s3+$0x0] =	vst.idx.add.f32.msk $0xffff, v31;
	v31 =	vmul.f32 v44, v21  }
0x5a6: {  	[tilespmem:v33+s3+$0x0] =	vst.idx.add.f32.msk $0xffff, v36  }
0x5a7: {  	v28 =	vld.idx.msk [tilespmem:v38+s30+$0x0], $0xffff  }
0x5a8: {  	v33 =	vld.idx.msk [tilespmem:v30+s30+$0x0], $0xffff  }
0x5a9: {  	v34 =	vld.idx.msk [tilespmem:v32+s30+$0x0], $0xffff  }
0x5aa: {  	v36 =	vld.idx.msk [tilespmem:v35+s30+$0x0], $0xffff  }
0x5ab: {  	v39 =	vld.idx.msk [tilespmem:v30+s31+$0x0], $0xffff  }
0x5ac: {  	s2 =	sadd.s32 $0x200, s2;
	v24 =	vld.idx.msk [tilespmem:v38+s31+$0x0], $0xffff  }
0x5ad: {  	v28 =	vshll.u32 v28, $0x7;
	v37 =	vld [tilespmem:s2+$0x0]  }
0x5ae: {  	v30 =	vshll.u32 v33, $0x7;
	v28 =	vand.u32 $0x7F80, v28;
	v42 =	vld.idx.msk [tilespmem:v32+s31+$0x0], $0xffff  }
0x5af: {  	v32 =	vand.u32 $0x7F80, v30;
	v33 =	vshll.u32 v34, $0x7;
	v40 =	vor.u32 v2, v28;
	v30 =	vld.idx.msk [tilespmem:v35+s31+$0x0], $0xffff  }
0x5b0: {  	v43 =	vor.u32 v2, v32;
	v44 =	vand.u32 $0x7F80, v33;
	v33 =	vshll.u32 v36, $0x7;
	v41 =	vld [tilespmem:s2+$0xFFFFFF00]  }
0x5b1: {  	v45 =	vor.u32 v4, v32;
	v47 =	vor.u32 v2, v44;
	v36 =	vand.u32 $0x7F80, v33;
	v46 =	vld [tilespmem:s2+$0xFFFFFF80]  }
0x5b2: {  	v48 =	vor.u32 v4, v44;
	v50 =	vor.u32 v2, v36;
	v37 =	vmul.f32 v37, v24;
	v49 =	vld [tilespmem:s2+$0x80]  }
0x5b3: {  	v34 =	vor.u32 v5, v32;
	v33 =	vor.u32 v5, v44;
	v38 =	vor.u32 v4, v36;
	v51 =	vld [tilespmem:s11+$0xFFFFFF30]  }
0x5b4: {  	v35 =	vor.u32 v6, v32;
	v32 =	vor.u32 v5, v36;
	[tilespmem:v40+s3+$0x0] =	vst.idx.add.f32.msk $0xffff, v37  }
0x5b5: {  	v36 =	vor.u32 v6, v36;
	v37 =	vor.u32 v6, v44;
	v40 =	vmul.f32 v41, v39;
	v41 =	vld [tilespmem:s2+$0x10]  }
0x5b6: {  	v44 =	vmul.f32 v46, v42;
	[tilespmem:v29+s3+$0x0] =	vst.idx.add.f32.msk $0xffff, v31;
	v29 =	vmov v32  }
0x5b7: {  	v31 =	vor.u32 v4, v28;
	[tilespmem:v43+s3+$0x0] =	vst.idx.add.f32.msk $0xffff, v40;
	v40 =	vmul.f32 v49, v30  }
0x5b8: {  	[tilespmem:v47+s3+$0x0] =	vst.idx.add.f32.msk $0xffff, v44;
	v32 =	vmul.f32 v51, v22;
	v22 =	vmov v39  }
0x5b9: {  	[tilespmem:v50+s3+$0x0] =	vst.idx.add.f32.msk $0xffff, v40  }
0x5ba: {  	v39 =	vld [tilespmem:s2+$0xFFFFFF10];
	v40 =	vmul.f32 v41, v24  }
0x5bb: {  	v41 =	vld [tilespmem:s2+$0xFFFFFF90]  }
0x5bc: {  	[tilespmem:v31+s3+$0x0] =	vst.idx.add.f32.msk $0xffff, v40  }
0x5bd: {  	v31 =	vld [tilespmem:s2+$0x20]  }
0x5be: {  	v43 =	vld [tilespmem:s2+$0x90]  }
0x5bf: {  	v44 =	vor.u32 v5, v28;
	v39 =	vmul.f32 v39, v22;
	v46 =	vld [tilespmem:s11+$0xFFFFFFB0]  }
.Ltmp29:
0x5c0: {  	v41 =	vmul.f32 v41, v42;
	v40 =	vld [tilespmem:s11+$0xB0];
	s11 =	smov.u32 s2;
	(pc) =	sbr.rel @p1 .LBB2_34-.Ltmp29, $4  }
0x5c1: {  	[tilespmem:v45+s3+$0x0] =	vst.idx.add.f32.msk $0xffff, v39  }
0x5c2: {  	[tilespmem:v48+s3+$0x0] =	vst.idx.add.f32.msk $0xffff, v41;
	v31 =	vmul.f32 v31, v24  }
0x5c3: {  	v39 =	vld [tilespmem:s2+$0xFFFFFF20];
	v41 =	vmul.f32 v43, v30  }
0x5c4: {  	[tilespmem:v44+s3+$0x0] =	vst.idx.add.f32.msk $0xffff, v31;
	v31 =	vmul.f32 v46, v23;
	v23 =	vmov v42  }
0x5c5: {  	_ =	sdelay $0x2  }
0x5c6: {  	v42 =	vld [tilespmem:s2+$0xFFFFFFA0]  }
0x5c7: {  	[tilespmem:v38+s3+$0x0] =	vst.idx.add.f32.msk $0xffff, v41  }
0x5c8: {  	v38 =	vld [tilespmem:s2+$0xA0];
	_ =	sdelay $0x1  }
0x5c9: {  	v39 =	vmul.f32 v39, v22  }
0x5ca: {  	v59 =	vld [tilespmem:s2+$0x30]  }
0x5cb: {  	v42 =	vmul.f32 v42, v23;
	[tilespmem:v34+s3+$0x0] =	vst.idx.add.f32.msk $0xffff, v39  }
0x5cc: {  	v60 =	vmul.f32 v38, v30;
	v61 =	vld [tilespmem:s11+$0xFFFFFF30]  }
0x5cd: {  	[tilespmem:v33+s3+$0x0] =	vst.idx.add.f32.msk $0xffff, v42  }
0x5ce: {  	[tilespmem:v29+s3+$0x0] =	vst.idx.add.f32.msk $0xffff, v60  }
0x5cf: {  	v28 =	vor.u32 v6, v28;
	v62 =	vld [tilespmem:s11+$0xFFFFFFB0]  }
0x5d0: {  	v34 =	vld [tilespmem:s11+$0xB0]  }
0x5d1: {  	v21 =	vmul.f32 v40, v21;
	[tilespmem:v26+s3+$0x0] =	vst.idx.add.f32.msk $0xffff, v32  }
0x5d2: {  	[tilespmem:v25+s3+$0x0] =	vst.idx.add.f32.msk $0xffff, v31;
	v24 =	vmul.f32 v59, v24  }
.Ltmp30:
0x5d3: {  	[tilespmem:v27+s3+$0x0] =	vst.idx.add.f32.msk $0xffff, v21;
	v21 =	vmul.f32 v61, v22;
	(pc) =	sbr.rel .LBB2_36-.Ltmp30, $4  }
0x5d4: {  	[tilespmem:v28+s3+$0x0] =	vst.idx.add.f32.msk $0xffff, v24;
	v22 =	vmul.f32 v62, v23  }
0x5d5: {  	[tilespmem:v35+s3+$0x0] =	vst.idx.add.f32.msk $0xffff, v21;
	v23 =	vmul.f32 v34, v30  }
0x5d6: {  	[tilespmem:v37+s3+$0x0] =	vst.idx.add.f32.msk $0xffff, v22  }
0x5d7: {  	[tilespmem:v36+s3+$0x0] =	vst.idx.add.f32.msk $0xffff, v23  }
.LBB2_38:
0x5d8: {  	_ =	sfence.sel $0x180000  }
0x5d9: {  	[bflag:$0x0] =	sbarrier.arrive $0xFFFF  }
0x5da: {  	_ =	strace $0x90000047  }
0x5db: {  	s0 =	stileid.u32;
	[bflag:$0x2] =	sbarrier.arrive $0xFFFF  }
0x5dc: {  	p0 =	sne.s32 s0, $0x0;
	s0 =	rddreg [dreg:$0x4]  }
0x5dd: {  	s0 =	sadd.s32 @!p0 $0x100000, s0  }
0x5de: {  	[sflag:s0] =	ssyncadd.tile.s32 @!p0 $0x1;
	_ =	shalt  }
.Lfunc_end2:
_tile_overlayer_lowered:
.L_overlay_start_2:
0x5df: {  	(tag) =	ssettag $0x2  }
0x5e0: {  	s0 =	rddreg [dreg:$0x0];
	s2 =	stileid.u32  }
0x5e1: {  	s1 =	rddreg [dreg:$0x1];
	p0 =	sne.s32 s2, $0x0  }
0x5e2: {  	s3 =	rddreg [dreg:$0x2];
	[bflag:$0x3] =	sbarrier.arrive $0xFFFF;
	s2 =	simm.s32 @!p0 $0x1C07  }
0x5e3: {  	[timem:s3], [sflag:s2] =	dma.local @!p0 [hbm:s0], s1  }
0x5e4: {  	s0 =	simm.s32 @!p0 $0x7  }
0x5e5: {  	_ =	swait.ge @!p0 [sflag:s0], s1  }
0x5e6: {  	s1 =	ssub.s32 @!p0 $0x0, s1;
	[sflag:s0] =	ssyncset.done @!p0 $0x0  }
0x5e7: {  	[sflag:s0] =	ssyncadd.s32 @!p0 s1  }
0x5e8: {  	[bflag:$0x3] =	sbarrier.arrive $0xFFFF  }
0x5e9: {  	_ =	shalt  }

</sc_bundles>
